<compile_context>
chip_gen: v7x
topology: tpu7x:2x2x1
jax: 0.10.2.dev20260603
libtpu: 0.0.44.dev20260713+nightly
codegen_flags: <defaults>
</compile_context>

<pallas_src>
import functools

import jax
import jax.numpy as jnp
from jax import lax
from jax.experimental import pallas as pl
from jax.experimental.pallas import tpu as pltpu
from jax.experimental.pallas import tpu_sc as plsc

N = 10000
NPAD = 10240
E = 160000
NSUB = 16
CHUNK = 128
NCHUNK = 79
ROWS_PER_SUB = NPAD // NSUB
BR = 1000
G = 100
NPG = 100
K = 30
GB = 10

_SC_MESH = plsc.VectorSubcoreMesh(core_axis_name="c", subcore_axis_name="s")

_f32 = jnp.float32


EPAD = NSUB * NCHUNK * CHUNK
EPS = EPAD // NSUB
SEGC = 64
NCHT = EPAD // SEGC
SENT = NPAD - 1


def _oh16(l):
    i = lax.iota(jnp.int32, 16)
    return 1 - jnp.minimum(jnp.abs(i - l), 1)


@functools.partial(
    pl.kernel,
    out_type=(
        jax.ShapeDtypeStruct((NPAD, 128), _f32),
        jax.ShapeDtypeStruct((NPAD, 128), _f32),
    ),
    mesh=_SC_MESH,
    scratch_types=[
        pltpu.VMEM((NCHUNK, CHUNK), jnp.int32),
        pltpu.VMEM((NCHUNK, CHUNK), jnp.int32),
        pltpu.VMEM((CHUNK, 128), _f32),
        pltpu.VMEM_SHARED((NPAD, 128), _f32),
        pltpu.SemaphoreType.DMA,
    ],
)
def _seg_sum(ha, hb, src_hbm, dst_hbm, oa, ob, src_v, dst_v, rows_v, acc, sem):
    cid = lax.axis_index("c")
    sid = lax.axis_index("s")
    pltpu.sync_copy(src_hbm.at[sid], src_v)
    pltpu.sync_copy(dst_hbm.at[sid], dst_v)

    def _z(i, carry):
        rows_v[i // 8, pl.ds((i % 8) * 16, 16)] = jnp.zeros((16,), _f32)
        return carry

    lax.fori_loop(0, CHUNK * 8, _z, 0)
    base = sid * ROWS_PER_SUB
    for k in range(ROWS_PER_SUB // CHUNK):
        pltpu.sync_copy(rows_v, acc.at[pl.ds(base + k * CHUNK, CHUNK)])
    plsc.subcore_barrier()

    def _edges(table):
        def _step(j, carry):
            pltpu.async_copy(table.at[src_v.at[j]], rows_v, sem).wait()
            pltpu.sync_copy(rows_v, acc.at[dst_v.at[j]], add=True)
            return carry

        lax.fori_loop(0, NCHUNK, _step, 0)

    @pl.when(cid == 0)
    def _():
        _edges(ha)

    @pl.when(cid == 1)
    def _():
        _edges(hb)

    plsc.subcore_barrier()

    @pl.when(cid == 0)
    def _():
        pltpu.sync_copy(acc.at[pl.ds(base, ROWS_PER_SUB)], oa.at[pl.ds(base, ROWS_PER_SUB)])

    @pl.when(cid == 1)
    def _():
        pltpu.sync_copy(acc.at[pl.ds(base, ROWS_PER_SUB)], ob.at[pl.ds(base, ROWS_PER_SUB)])


@functools.partial(
    pl.kernel,
    out_type=jax.ShapeDtypeStruct((NPAD, 128), _f32),
    mesh=_SC_MESH,
    scratch_types=[
        pltpu.VMEM((NCHUNK, CHUNK), jnp.int32),
        pltpu.VMEM((CHUNK, 128), _f32),
        pltpu.VMEM((CHUNK, 128), _f32),
        pltpu.VMEM_SHARED((NPAD, 128), _f32),
        pltpu.SemaphoreType.DMA,
    ],
)
def _deg_count(dst_hbm, out, dst_v, zero_v, ones_v, acc, sem):
    cid = lax.axis_index("c")
    sid = lax.axis_index("s")

    @pl.when(cid == 0)
    def _():
        pltpu.sync_copy(dst_hbm.at[sid], dst_v)

        def _z(i, carry):
            zero_v[i // 8, pl.ds((i % 8) * 16, 16)] = jnp.zeros((16,), _f32)
            ones_v[i // 8, pl.ds((i % 8) * 16, 16)] = jnp.ones((16,), _f32)
            return carry

        lax.fori_loop(0, CHUNK * 8, _z, 0)
        base = sid * ROWS_PER_SUB
        for k in range(ROWS_PER_SUB // CHUNK):
            pltpu.sync_copy(zero_v, acc.at[pl.ds(base + k * CHUNK, CHUNK)])
        plsc.subcore_barrier()

        def _step(j, carry):
            pltpu.sync_copy(ones_v, acc.at[dst_v.at[j]], add=True)
            return carry

        lax.fori_loop(0, NCHUNK, _step, 0)
        plsc.subcore_barrier()
        pltpu.sync_copy(acc.at[pl.ds(base, ROWS_PER_SUB)], out.at[pl.ds(base, ROWS_PER_SUB)])


_bf16 = jnp.bfloat16


def _bdot(x, w):
    return jnp.dot(x.astype(_bf16), w.astype(_bf16), preferred_element_type=_f32)


def _mm_body(aa, ab, ha, hb, w, b, dg, oa, ob):
    x = jnp.concatenate([aa[...] + ha[...], ab[...] + hb[...]], axis=1)
    lin = _bdot(x, w[...]) + b[...]
    h = jnp.tanh(lin / (dg[:, 0:1] + 1.0))
    oa[...] = h[:, :128]
    ob[...] = h[:, 128:]


def _mm_layer(aa, ab, ha, hb, w, b, dg):
    row = pl.BlockSpec((BR, 128), lambda i: (i, 0))
    return pl.pallas_call(
        _mm_body,
        grid=(N // BR,),
        in_specs=[
            row, row, row, row,
            pl.BlockSpec((256, 256), lambda i: (0, 0)),
            pl.BlockSpec((1, 256), lambda i: (0, 0)),
            pl.BlockSpec((BR, 128), lambda i: (i, 0)),
        ],
        out_specs=[row, row],
        out_shape=[
            jax.ShapeDtypeStruct((N, 128), _f32),
            jax.ShapeDtypeStruct((N, 128), _f32),
        ],
    )(aa, ab, ha, hb, w, b, dg)


def _mm3_body(aa, ab, ha, hb, w, b, dg, o):
    x = jnp.concatenate([aa[...] + ha[...], ab[...] + hb[...]], axis=1)
    lin = _bdot(x, w[...]) + b[...]
    o[...] = jnp.tanh(lin / (dg[:, 0:1] + 1.0))


def _mm_layer3(aa, ab, ha, hb, w, b, dg):
    row = pl.BlockSpec((BR, 128), lambda i: (i, 0))
    return pl.pallas_call(
        _mm3_body,
        grid=(N // BR,),
        in_specs=[
            row, row, row, row,
            pl.BlockSpec((256, 128), lambda i: (0, 0)),
            pl.BlockSpec((1, 128), lambda i: (0, 0)),
            pl.BlockSpec((BR, 128), lambda i: (i, 0)),
        ],
        out_specs=row,
        out_shape=jax.ShapeDtypeStruct((N, 128), _f32),
    )(aa, ab, ha, hb, w, b, dg)


def _y1_body(h1a, h1b, h2a, h2b, h3a, h3b, h4, w0, w1, w2, w3, w4, w5, wlast, b, o):
    acc = b[...]
    for h, w in ((h1a, w0), (h1b, w1), (h2a, w2), (h2b, w3), (h3a, w4), (h3b, w5)):
        acc = acc + _bdot(h[...], w[...])
    acc = acc + (h4[:, 0:1].astype(_bf16).astype(_f32)
                 * wlast[...].astype(_bf16).astype(_f32))
    o[...] = jnp.maximum(acc, 0.0)


def _y1_layer(hs, h4, c1parts, c1last, c1b):
    row = pl.BlockSpec((BR, 128), lambda i: (i, 0))
    wspec = pl.BlockSpec((128, 16), lambda i: (0, 0))
    return pl.pallas_call(
        _y1_body,
        grid=(N // BR,),
        in_specs=[row] * 7 + [wspec] * 6 + [
            pl.BlockSpec((1, 16), lambda i: (0, 0)),
            pl.BlockSpec((1, 16), lambda i: (0, 0)),
        ],
        out_specs=pl.BlockSpec((BR, 16), lambda i: (i, 0)),
        out_shape=jax.ShapeDtypeStruct((N, 16), _f32),
    )(*hs, h4, *c1parts, c1last, c1b)


def _sortpool_body(y1, h4, w2, b2, ow, outb, o):
    w2m = w2[...]
    b2m = b2[...]
    owm = ow[...]
    outbm = outb[...]
    for g in range(GB):
        r0 = g * NPG
        v = h4[r0:r0 + NPG, 0]
        vi = lax.broadcast_in_dim(v, (NPG, NPG), (0,))
        vj = lax.broadcast_in_dim(v, (NPG, NPG), (1,))
        ii = lax.broadcasted_iota(jnp.int32, (NPG, NPG), 0)
        jj = lax.broadcasted_iota(jnp.int32, (NPG, NPG), 1)
        cnt = jnp.where((vj > vi) | ((vj == vi) & (jj < ii)), 1.0, 0.0)
        rank = jnp.sum(cnt, axis=1)
        rr = lax.broadcasted_iota(jnp.int32, (K // 2, NPG), 0)
        rank_row = lax.broadcast_in_dim(rank, (K // 2, NPG), (1,))
        pe = jnp.where(rank_row == (2 * rr).astype(_f32), 1.0, 0.0)
        po = jnp.where(rank_row == (2 * rr + 1).astype(_f32), 1.0, 0.0)
        y1g = y1[r0:r0 + NPG, :]
        yp = jnp.maximum(
            jnp.dot(pe, y1g, preferred_element_type=_f32),
            jnp.dot(po, y1g, preferred_element_type=_f32),
        )
        z = jnp.concatenate([yp[d:d + 11, :] for d in range(5)], axis=1)
        y2 = jnp.maximum(_bdot(z, w2m) + b2m, 0.0)
        flat = jnp.concatenate([y2[p:p + 1, :] for p in range(11)], axis=1)
        o[0, g:g + 1, :] = jnp.maximum(_bdot(flat, owm) + outbm, 0.0)


def _sortpool(y1, h4, w2flat, b2, ow_r, outb):
    return pl.pallas_call(
        _sortpool_body,
        grid=(G // GB,),
        in_specs=[
            pl.BlockSpec((GB * NPG, 16), lambda i: (i, 0)),
            pl.BlockSpec((GB * NPG, 128), lambda i: (i, 0)),
            pl.BlockSpec((80, 32), lambda i: (0, 0)),
            pl.BlockSpec((1, 32), lambda i: (0, 0)),
            pl.BlockSpec((352, 128), lambda i: (0, 0)),
            pl.BlockSpec((1, 128), lambda i: (0, 0)),
        ],
        out_specs=pl.BlockSpec((1, GB, 128), lambda i: (i, 0, 0)),
        out_shape=jax.ShapeDtypeStruct((G // GB, GB, 128), _f32),
    )(y1, h4, w2flat, b2, ow_r, outb).reshape(G, 128)


def kernel(node_feat, edge_index, W0, b0, W1, b1, W2, b2, W3, b3,
           conv1_w, conv1_b, conv2_w, conv2_b, out_w, out_b):
    src = edge_index[0]
    dst = edge_index[1]
    pad = EPAD - E
    srcp = jnp.concatenate([src, jnp.zeros((pad,), jnp.int32)]).reshape(NSUB, NCHUNK, CHUNK)
    dstp = jnp.concatenate([dst, jnp.full((pad,), SENT, jnp.int32)]).reshape(NSUB, NCHUNK, CHUNK)
    deg = _deg_count(dstp)

    ha, hb = node_feat[:, :128], node_feat[:, 128:]
    halves = []
    for W, b in ((W0, b0), (W1, b1), (W2, b2)):
        aa, ab = _seg_sum(ha, hb, srcp, dstp)
        ha, hb = _mm_layer(aa, ab, ha, hb, W, b[None], deg)
        halves.append((ha, hb))

    aa, ab = _seg_sum(ha, hb, srcp, dstp)
    W3p = jnp.pad(W3, ((0, 0), (0, 127)))
    b3p = jnp.pad(b3, (0, 127))
    h4 = _mm_layer3(aa, ab, ha, hb, W3p, b3p[None], deg)

    c1T = conv1_w[:, 0, :].T
    c1parts = [c1T[i * 128:(i + 1) * 128] for i in range(6)]
    hs = [h for pair in halves for h in pair]
    y1 = _y1_layer(hs, h4, c1parts, c1T[768:769], conv1_b[None])

    w2flat = jnp.transpose(conv2_w, (2, 1, 0)).reshape(80, 32)
    ow_r = out_w.reshape(32, 11, 128).transpose(1, 0, 2).reshape(352, 128)
    return _sortpool(y1, h4, w2flat, conv2_b[None], ow_r, out_b[None])

# --- scband reference (transcript-rebuilt; emitter-appended) ---
"""Pipeline reference for scband-gxn-72602127172008 (READ-ONLY COPY).

The authoritative reference and input builder live on the scoring server;
editing this copy changes nothing except your own understanding.
"""

import jax, jax.numpy as jnp
import numpy as np

N = 10000
E = 160000
D_IN = 256
LATENT = [256, 256, 256, 1]
TOTAL = sum(LATENT)
K = 30
G = 100
NPG = 100
C1 = 16
C2 = 32
KW2 = 5
OUT_DIM = 128
DENSE = (((K - 2) // 2 + 1) - KW2 + 1) * C2


def setup_inputs(seed: int = 0) -> dict:
    key = jax.random.key(seed)
    ks = jax.random.split(key, 16)
    inp = {}
    inp['node_feat'] = jax.random.normal(ks[0], (N, D_IN), jnp.float32)
    inp['edge_index'] = jax.random.randint(ks[1], (2, E), 0, N, dtype=jnp.int32)
    dims = [D_IN] + LATENT
    for i in range(4):
        inp['W%d' % i] = jax.random.normal(ks[2 + i], (dims[i], dims[i + 1]), jnp.float32) / np.sqrt(dims[i])
        inp['b%d' % i] = jnp.zeros((dims[i + 1],), jnp.float32)
    inp['conv1_w'] = jax.random.normal(ks[6], (C1, 1, TOTAL), jnp.float32) / np.sqrt(TOTAL)
    inp['conv1_b'] = jnp.zeros((C1,), jnp.float32)
    inp['conv2_w'] = jax.random.normal(ks[7], (C2, C1, KW2), jnp.float32) / np.sqrt(C1 * KW2)
    inp['conv2_b'] = jnp.zeros((C2,), jnp.float32)
    inp['out_w'] = jax.random.normal(ks[8], (DENSE, OUT_DIM), jnp.float32) / np.sqrt(DENSE)
    inp['out_b'] = jnp.zeros((OUT_DIM,), jnp.float32)
    return inp


def reference(node_feat, edge_index, W0, b0, W1, b1, W2, b2, W3, b3, conv1_w, conv1_b, conv2_w, conv2_b, out_w, out_b):
    src = edge_index[0]
    dst = edge_index[1]
    # node_degs = degree + 1 (as in original graph_list degs + 1)
    deg = jnp.zeros((N,), jnp.float32).at[dst].add(1.0) + 1.0
    degs = deg[:, None]
    # DGCNN-style message passing layers (module's built-in conv path)
    h = node_feat
    cat = []
    for W, b in ((W0, b0), (W1, b1), (W2, b2), (W3, b3)):
        agg = jax.ops.segment_sum(h[src], dst, num_segments=N)  # spmm(n2n, h)
        n2npool = agg + h
        lin = n2npool @ W + b
        h = jnp.tanh(lin / degs)
        cat.append(h)
    cur = jnp.concatenate(cat, axis=1)  # [N, TOTAL]
    # SortPooling: per-graph top-k on last channel (equal-size graphs of NPG nodes)
    sort_ch = cur[:, -1].reshape(G, NPG)
    _, idx = jax.lax.top_k(sort_ch, K)  # [G, K]
    cur_g = cur.reshape(G, NPG, TOTAL)
    pooled = jnp.take_along_axis(cur_g, idx[:, :, None], axis=1)  # [G, K, TOTAL]
    # 1D conv stack on flattened sortpooled rows
    x = pooled.reshape(G, 1, K * TOTAL)
    dn = ('NCH', 'OIH', 'NCH')
    y = jax.lax.conv_general_dilated(x, conv1_w, (TOTAL,), 'VALID', dimension_numbers=dn) + conv1_b[None, :, None]
    y = jax.nn.relu(y)
    y = jax.lax.reduce_window(y, -jnp.inf, jax.lax.max, (1, 1, 2), (1, 1, 2), 'VALID')
    y = jax.lax.conv_general_dilated(y, conv2_w, (1,), 'VALID', dimension_numbers=dn) + conv2_b[None, :, None]
    y = jax.nn.relu(y)
    flat = y.reshape(G, -1)  # [G, DENSE]
    out = jax.nn.relu(flat @ out_w + out_b)
    return jax.nn.relu(out)

if __name__ == "__main__":
    import jax
    _d = setup_inputs()
    print(jax.jit(kernel)(*tuple(_d.values())))

</pallas_src>

<mosaic_0001>
#map = affine_map<(d0, d1) -> (0, 0)>
#map1 = affine_map<(d0, d1) -> (0, 0, 0)>
module attributes {stable_mosaic.version = 14 : i64} {
  func.func @_seg_sum(%arg0: i32, %arg1: i32, %arg2: memref<10000x128xf32, #tpu.memory_space<hbm>>, %arg3: memref<10000x128xf32, #tpu.memory_space<hbm>>, %arg4: memref<16x79x128xi32, #tpu.memory_space<hbm>>, %arg5: memref<16x79x128xi32, #tpu.memory_space<hbm>>, %arg6: memref<10240x128xf32, #tpu.memory_space<hbm>>, %arg7: memref<10240x128xf32, #tpu.memory_space<hbm>>, %arg8: memref<79x128xi32, #tpu.memory_space<vmem>>, %arg9: memref<79x128xi32, #tpu.memory_space<vmem>>, %arg10: memref<128x128xf32, #tpu.memory_space<vmem>>, %arg11: memref<10240x128xf32, #tpu.memory_space<vmem_shared>>, %arg12: memref<!tpu.dma_semaphore, #tpu.memory_space<semaphore_mem>>) attributes {dimension_semantics = [#tpu.dimension_semantics<core_parallel>, #tpu.dimension_semantics<subcore_parallel>], iteration_bounds = array<i64: 2, 16>, scalar_prefetch = 0 : i64, scratch_operands = 5 : i64, tpu.core_type = #tpu.core_type<sc_vector_subcore>, window_params = [{transform_indices = #map}, {transform_indices = #map}, {transform_indices = #map1}, {transform_indices = #map1}, {transform_indices = #map}, {transform_indices = #map}]} {
    "tpu.region"() ({
      %run_scoped3A = tpu.sem_alloc : memref<!tpu.dma_semaphore, #tpu.memory_space<semaphore_mem>>
      %dma_start3A = arith.constant 0 : i32
      %dma_start3A_33 = arith.constant 0 : i32
      %dma_start3A_34 = tpu.memref_slice %arg4[%arg1, %dma_start3A, %dma_start3A_33] : memref<16x79x128xi32, #tpu.memory_space<hbm>> -> memref<1x79x128xi32, #tpu.memory_space<hbm>>
      %dma_start3A_35 = tpu.memref_squeeze %dma_start3A_34 : memref<1x79x128xi32, #tpu.memory_space<hbm>> -> memref<79x128xi32, #tpu.memory_space<hbm>>
      %dma_start3A_36 = arith.constant 0 : i32
      %dma_start3A_37 = arith.constant 0 : i32
      %dma_start3A_38 = tpu.memref_slice %arg4[%arg1, %dma_start3A_36, %dma_start3A_37] : memref<16x79x128xi32, #tpu.memory_space<hbm>> -> memref<1x79x128xi32, #tpu.memory_space<hbm>>
      %dma_start3A_39 = tpu.memref_squeeze %dma_start3A_38 : memref<1x79x128xi32, #tpu.memory_space<hbm>> -> memref<79x128xi32, #tpu.memory_space<hbm>>
      tpu.enqueue_dma source(%dma_start3A_39 : memref<79x128xi32, #tpu.memory_space<hbm>>) target(%arg8 : memref<79x128xi32, #tpu.memory_space<vmem>>) target_semaphore(%run_scoped3A : memref<!tpu.dma_semaphore, #tpu.memory_space<semaphore_mem>>)
      %dma_wait3A = arith.constant 0 : i32
      %dma_wait3A_40 = arith.constant 0 : i32
      %dma_wait3A_41 = tpu.memref_slice %arg4[%arg1, %dma_wait3A, %dma_wait3A_40] : memref<16x79x128xi32, #tpu.memory_space<hbm>> -> memref<1x79x128xi32, #tpu.memory_space<hbm>>
      %dma_wait3A_42 = tpu.memref_squeeze %dma_wait3A_41 : memref<1x79x128xi32, #tpu.memory_space<hbm>> -> memref<79x128xi32, #tpu.memory_space<hbm>>
      %dma_wait3A_43 = arith.constant 0 : i32
      %dma_wait3A_44 = arith.constant 0 : i32
      %dma_wait3A_45 = tpu.memref_slice %arg4[%arg1, %dma_wait3A_43, %dma_wait3A_44] : memref<16x79x128xi32, #tpu.memory_space<hbm>> -> memref<1x79x128xi32, #tpu.memory_space<hbm>>
      %dma_wait3A_46 = tpu.memref_squeeze %dma_wait3A_45 : memref<1x79x128xi32, #tpu.memory_space<hbm>> -> memref<79x128xi32, #tpu.memory_space<hbm>>
      tpu.wait_dma2 semaphore(%run_scoped3A : memref<!tpu.dma_semaphore, #tpu.memory_space<semaphore_mem>>) src(%dma_wait3A_46 : memref<79x128xi32, #tpu.memory_space<hbm>>) dst(%arg8 : memref<79x128xi32, #tpu.memory_space<vmem>>)
      tpu.yield
    }) : () -> ()
    "tpu.region"() ({
      %run_scoped3A = tpu.sem_alloc : memref<!tpu.dma_semaphore, #tpu.memory_space<semaphore_mem>>
      %dma_start3A = arith.constant 0 : i32
      %dma_start3A_33 = arith.constant 0 : i32
      %dma_start3A_34 = tpu.memref_slice %arg5[%arg1, %dma_start3A, %dma_start3A_33] : memref<16x79x128xi32, #tpu.memory_space<hbm>> -> memref<1x79x128xi32, #tpu.memory_space<hbm>>
      %dma_start3A_35 = tpu.memref_squeeze %dma_start3A_34 : memref<1x79x128xi32, #tpu.memory_space<hbm>> -> memref<79x128xi32, #tpu.memory_space<hbm>>
      %dma_start3A_36 = arith.constant 0 : i32
      %dma_start3A_37 = arith.constant 0 : i32
      %dma_start3A_38 = tpu.memref_slice %arg5[%arg1, %dma_start3A_36, %dma_start3A_37] : memref<16x79x128xi32, #tpu.memory_space<hbm>> -> memref<1x79x128xi32, #tpu.memory_space<hbm>>
      %dma_start3A_39 = tpu.memref_squeeze %dma_start3A_38 : memref<1x79x128xi32, #tpu.memory_space<hbm>> -> memref<79x128xi32, #tpu.memory_space<hbm>>
      tpu.enqueue_dma source(%dma_start3A_39 : memref<79x128xi32, #tpu.memory_space<hbm>>) target(%arg9 : memref<79x128xi32, #tpu.memory_space<vmem>>) target_semaphore(%run_scoped3A : memref<!tpu.dma_semaphore, #tpu.memory_space<semaphore_mem>>)
      %dma_wait3A = arith.constant 0 : i32
      %dma_wait3A_40 = arith.constant 0 : i32
      %dma_wait3A_41 = tpu.memref_slice %arg5[%arg1, %dma_wait3A, %dma_wait3A_40] : memref<16x79x128xi32, #tpu.memory_space<hbm>> -> memref<1x79x128xi32, #tpu.memory_space<hbm>>
      %dma_wait3A_42 = tpu.memref_squeeze %dma_wait3A_41 : memref<1x79x128xi32, #tpu.memory_space<hbm>> -> memref<79x128xi32, #tpu.memory_space<hbm>>
      %dma_wait3A_43 = arith.constant 0 : i32
      %dma_wait3A_44 = arith.constant 0 : i32
      %dma_wait3A_45 = tpu.memref_slice %arg5[%arg1, %dma_wait3A_43, %dma_wait3A_44] : memref<16x79x128xi32, #tpu.memory_space<hbm>> -> memref<1x79x128xi32, #tpu.memory_space<hbm>>
      %dma_wait3A_46 = tpu.memref_squeeze %dma_wait3A_45 : memref<1x79x128xi32, #tpu.memory_space<hbm>> -> memref<79x128xi32, #tpu.memory_space<hbm>>
      tpu.wait_dma2 semaphore(%run_scoped3A : memref<!tpu.dma_semaphore, #tpu.memory_space<semaphore_mem>>) src(%dma_wait3A_46 : memref<79x128xi32, #tpu.memory_space<hbm>>) dst(%arg9 : memref<79x128xi32, #tpu.memory_space<vmem>>)
      tpu.yield
    }) : () -> ()
    %scan3A = arith.constant 0 : i32
    %scan3A_0 = arith.constant 0 : i32
    %scan3A_1 = arith.constant 1024 : i32
    %scan3A_2 = arith.addi %scan3A_0, %scan3A_1 : i32
    %scan3A_3 = arith.constant 1 : i32
    scf.for %scan3A_33 = %scan3A_0 to %scan3A_2 step %scan3A_3  : i32 {
      %broadcast_in_dim3A = arith.constant 0.000000e+00 : f32
      %broadcast_in_dim3A_34 = vector.broadcast %broadcast_in_dim3A : f32 to vector<16xf32>
      %jit3A = arith.constant 8 : i32
      %div3A = arith.divsi %scan3A_33, %jit3A : i32
      %sign3A = arith.constant 0 : i32
      %sign3A_35 = arith.cmpi sgt, %scan3A_33, %sign3A : i32
      %sign3A_36 = arith.extui %sign3A_35 : i1 to i32
      %sign3A_37 = arith.constant 0 : i32
      %sign3A_38 = arith.cmpi slt, %scan3A_33, %sign3A_37 : i32
      %sign3A_39 = arith.extui %sign3A_38 : i1 to i32
      %sign3A_40 = arith.subi %sign3A_36, %sign3A_39 : i32
      %sign3A_41 = arith.constant 0 : i32
      %sign3A_42 = arith.cmpi sgt, %jit3A, %sign3A_41 : i32
      %sign3A_43 = arith.extui %sign3A_42 : i1 to i32
      %sign3A_44 = arith.constant 0 : i32
      %sign3A_45 = arith.cmpi slt, %jit3A, %sign3A_44 : i32
      %sign3A_46 = arith.extui %sign3A_45 : i1 to i32
      %sign3A_47 = arith.subi %sign3A_43, %sign3A_46 : i32
      %ne3A = arith.cmpi ne, %sign3A_40, %sign3A_47 : i32
      %rem3A = arith.remsi %scan3A_33, %jit3A : i32
      %ne3A_48 = arith.constant 0 : i32
      %ne3A_49 = arith.cmpi ne, %rem3A, %ne3A_48 : i32
      %and3A = arith.andi %ne3A, %ne3A_49 : i1
      %sub3A = arith.constant 1 : i32
      %sub3A_50 = arith.subi %div3A, %sub3A : i32
      %select_n3A = arith.select %and3A, %sub3A_50, %div3A : i32
      %jit3A_51 = arith.constant 8 : i32
      %eq3A_52 = arith.constant 0 : i32
      %eq3A_53 = arith.cmpi eq, %jit3A_51, %eq3A_52 : i32
      %jit3A_54 = arith.constant 1 : i32
      %select_n3A_55 = arith.select %eq3A_53, %jit3A_54, %jit3A_51 : i32
      %rem3A_56 = arith.remsi %scan3A_33, %select_n3A_55 : i32
      %ne3A_57 = arith.constant 0 : i32
      %ne3A_58 = arith.cmpi ne, %rem3A_56, %ne3A_57 : i32
      %lt3A = arith.constant 0 : i32
      %lt3A_59 = arith.cmpi slt, %rem3A_56, %lt3A : i32
      %lt3A_60 = arith.constant 0 : i32
      %lt3A_61 = arith.cmpi slt, %select_n3A_55, %lt3A_60 : i32
      %ne3A_62 = arith.xori %lt3A_59, %lt3A_61 : i1
      %and3A_63 = arith.andi %ne3A_62, %ne3A_58 : i1
      %add3A_64 = arith.addi %rem3A_56, %select_n3A_55 : i32
      %select_n3A_65 = arith.select %and3A_63, %add3A_64, %rem3A_56 : i32
      %mul3A_66 = arith.constant 16 : i32
      %mul3A_67 = arith.muli %select_n3A_65, %mul3A_66 : i32
      %swap3A = arith.index_cast %select_n3A : i32 to index
      %swap3A_68 = arith.index_cast %mul3A_67 : i32 to index
      %swap3A_69 = tpu.vector_load %arg10[%swap3A, %swap3A_68] {strides = array<i32>} : memref<128x128xf32, #tpu.memory_space<vmem>>, vector<1x16xf32>,
      %swap3A_70 = vector.shape_cast %swap3A_69 : vector<1x16xf32> to vector<16xf32>
      %swap3A_71 = vector.shape_cast %broadcast_in_dim3A_34 : vector<16xf32> to vector<1x16xf32>
      tpu.vector_store %arg10[%swap3A, %swap3A_68], %swap3A_71 {strides = array<i32>} : memref<128x128xf32, #tpu.memory_space<vmem>>, vector<1x16xf32>,
    }
    %scan3A_4 = arith.constant 1024 : i32
    %mul3A = arith.constant 640 : i32
    %mul3A_5 = arith.muli %arg1, %mul3A : i32
    %add3A = arith.constant 0 : i32
    %add3A_6 = arith.addi %mul3A_5, %add3A : i32
    "tpu.region"() ({
      %run_scoped3A = tpu.sem_alloc : memref<!tpu.dma_semaphore, #tpu.memory_space<semaphore_mem>>
      %dma_start3A = arith.constant 0 : i32
      %dma_start3A_33 = tpu.memref_slice %arg11[%add3A_6, %dma_start3A] : memref<10240x128xf32, #tpu.memory_space<vmem_shared>> -> memref<128x128xf32, #tpu.memory_space<vmem_shared>>
      %dma_start3A_34 = arith.constant 0 : i32
      %dma_start3A_35 = tpu.memref_slice %arg11[%add3A_6, %dma_start3A_34] : memref<10240x128xf32, #tpu.memory_space<vmem_shared>> -> memref<128x128xf32, #tpu.memory_space<vmem_shared>>
      tpu.enqueue_dma source(%arg10 : memref<128x128xf32, #tpu.memory_space<vmem>>) target(%dma_start3A_35 : memref<128x128xf32, #tpu.memory_space<vmem_shared>>) target_semaphore(%run_scoped3A : memref<!tpu.dma_semaphore, #tpu.memory_space<semaphore_mem>>)
      %dma_wait3A = arith.constant 0 : i32
      %dma_wait3A_36 = tpu.memref_slice %arg11[%add3A_6, %dma_wait3A] : memref<10240x128xf32, #tpu.memory_space<vmem_shared>> -> memref<128x128xf32, #tpu.memory_space<vmem_shared>>
      %dma_wait3A_37 = arith.constant 0 : i32
      %dma_wait3A_38 = tpu.memref_slice %arg11[%add3A_6, %dma_wait3A_37] : memref<10240x128xf32, #tpu.memory_space<vmem_shared>> -> memref<128x128xf32, #tpu.memory_space<vmem_shared>>
      tpu.wait_dma2 semaphore(%run_scoped3A : memref<!tpu.dma_semaphore, #tpu.memory_space<semaphore_mem>>) src(%arg10 : memref<128x128xf32, #tpu.memory_space<vmem>>) dst(%dma_wait3A_38 : memref<128x128xf32, #tpu.memory_space<vmem_shared>>)
      tpu.yield
    }) : () -> ()
    %add3A_7 = arith.constant 128 : i32
    %add3A_8 = arith.addi %mul3A_5, %add3A_7 : i32
    "tpu.region"() ({
      %run_scoped3A = tpu.sem_alloc : memref<!tpu.dma_semaphore, #tpu.memory_space<semaphore_mem>>
      %dma_start3A = arith.constant 0 : i32
      %dma_start3A_33 = tpu.memref_slice %arg11[%add3A_8, %dma_start3A] : memref<10240x128xf32, #tpu.memory_space<vmem_shared>> -> memref<128x128xf32, #tpu.memory_space<vmem_shared>>
      %dma_start3A_34 = arith.constant 0 : i32
      %dma_start3A_35 = tpu.memref_slice %arg11[%add3A_8, %dma_start3A_34] : memref<10240x128xf32, #tpu.memory_space<vmem_shared>> -> memref<128x128xf32, #tpu.memory_space<vmem_shared>>
      tpu.enqueue_dma source(%arg10 : memref<128x128xf32, #tpu.memory_space<vmem>>) target(%dma_start3A_35 : memref<128x128xf32, #tpu.memory_space<vmem_shared>>) target_semaphore(%run_scoped3A : memref<!tpu.dma_semaphore, #tpu.memory_space<semaphore_mem>>)
      %dma_wait3A = arith.constant 0 : i32
      %dma_wait3A_36 = tpu.memref_slice %arg11[%add3A_8, %dma_wait3A] : memref<10240x128xf32, #tpu.memory_space<vmem_shared>> -> memref<128x128xf32, #tpu.memory_space<vmem_shared>>
      %dma_wait3A_37 = arith.constant 0 : i32
      %dma_wait3A_38 = tpu.memref_slice %arg11[%add3A_8, %dma_wait3A_37] : memref<10240x128xf32, #tpu.memory_space<vmem_shared>> -> memref<128x128xf32, #tpu.memory_space<vmem_shared>>
      tpu.wait_dma2 semaphore(%run_scoped3A : memref<!tpu.dma_semaphore, #tpu.memory_space<semaphore_mem>>) src(%arg10 : memref<128x128xf32, #tpu.memory_space<vmem>>) dst(%dma_wait3A_38 : memref<128x128xf32, #tpu.memory_space<vmem_shared>>)
      tpu.yield
    }) : () -> ()
    %add3A_9 = arith.constant 256 : i32
    %add3A_10 = arith.addi %mul3A_5, %add3A_9 : i32
    "tpu.region"() ({
      %run_scoped3A = tpu.sem_alloc : memref<!tpu.dma_semaphore, #tpu.memory_space<semaphore_mem>>
      %dma_start3A = arith.constant 0 : i32
      %dma_start3A_33 = tpu.memref_slice %arg11[%add3A_10, %dma_start3A] : memref<10240x128xf32, #tpu.memory_space<vmem_shared>> -> memref<128x128xf32, #tpu.memory_space<vmem_shared>>
      %dma_start3A_34 = arith.constant 0 : i32
      %dma_start3A_35 = tpu.memref_slice %arg11[%add3A_10, %dma_start3A_34] : memref<10240x128xf32, #tpu.memory_space<vmem_shared>> -> memref<128x128xf32, #tpu.memory_space<vmem_shared>>
      tpu.enqueue_dma source(%arg10 : memref<128x128xf32, #tpu.memory_space<vmem>>) target(%dma_start3A_35 : memref<128x128xf32, #tpu.memory_space<vmem_shared>>) target_semaphore(%run_scoped3A : memref<!tpu.dma_semaphore, #tpu.memory_space<semaphore_mem>>)
      %dma_wait3A = arith.constant 0 : i32
      %dma_wait3A_36 = tpu.memref_slice %arg11[%add3A_10, %dma_wait3A] : memref<10240x128xf32, #tpu.memory_space<vmem_shared>> -> memref<128x128xf32, #tpu.memory_space<vmem_shared>>
      %dma_wait3A_37 = arith.constant 0 : i32
      %dma_wait3A_38 = tpu.memref_slice %arg11[%add3A_10, %dma_wait3A_37] : memref<10240x128xf32, #tpu.memory_space<vmem_shared>> -> memref<128x128xf32, #tpu.memory_space<vmem_shared>>
      tpu.wait_dma2 semaphore(%run_scoped3A : memref<!tpu.dma_semaphore, #tpu.memory_space<semaphore_mem>>) src(%arg10 : memref<128x128xf32, #tpu.memory_space<vmem>>) dst(%dma_wait3A_38 : memref<128x128xf32, #tpu.memory_space<vmem_shared>>)
      tpu.yield
    }) : () -> ()
    %add3A_11 = arith.constant 384 : i32
    %add3A_12 = arith.addi %mul3A_5, %add3A_11 : i32
    "tpu.region"() ({
      %run_scoped3A = tpu.sem_alloc : memref<!tpu.dma_semaphore, #tpu.memory_space<semaphore_mem>>
      %dma_start3A = arith.constant 0 : i32
      %dma_start3A_33 = tpu.memref_slice %arg11[%add3A_12, %dma_start3A] : memref<10240x128xf32, #tpu.memory_space<vmem_shared>> -> memref<128x128xf32, #tpu.memory_space<vmem_shared>>
      %dma_start3A_34 = arith.constant 0 : i32
      %dma_start3A_35 = tpu.memref_slice %arg11[%add3A_12, %dma_start3A_34] : memref<10240x128xf32, #tpu.memory_space<vmem_shared>> -> memref<128x128xf32, #tpu.memory_space<vmem_shared>>
      tpu.enqueue_dma source(%arg10 : memref<128x128xf32, #tpu.memory_space<vmem>>) target(%dma_start3A_35 : memref<128x128xf32, #tpu.memory_space<vmem_shared>>) target_semaphore(%run_scoped3A : memref<!tpu.dma_semaphore, #tpu.memory_space<semaphore_mem>>)
      %dma_wait3A = arith.constant 0 : i32
      %dma_wait3A_36 = tpu.memref_slice %arg11[%add3A_12, %dma_wait3A] : memref<10240x128xf32, #tpu.memory_space<vmem_shared>> -> memref<128x128xf32, #tpu.memory_space<vmem_shared>>
      %dma_wait3A_37 = arith.constant 0 : i32
      %dma_wait3A_38 = tpu.memref_slice %arg11[%add3A_12, %dma_wait3A_37] : memref<10240x128xf32, #tpu.memory_space<vmem_shared>> -> memref<128x128xf32, #tpu.memory_space<vmem_shared>>
      tpu.wait_dma2 semaphore(%run_scoped3A : memref<!tpu.dma_semaphore, #tpu.memory_space<semaphore_mem>>) src(%arg10 : memref<128x128xf32, #tpu.memory_space<vmem>>) dst(%dma_wait3A_38 : memref<128x128xf32, #tpu.memory_space<vmem_shared>>)
      tpu.yield
    }) : () -> ()
    %add3A_13 = arith.constant 512 : i32
    %add3A_14 = arith.addi %mul3A_5, %add3A_13 : i32
    "tpu.region"() ({
      %run_scoped3A = tpu.sem_alloc : memref<!tpu.dma_semaphore, #tpu.memory_space<semaphore_mem>>
      %dma_start3A = arith.constant 0 : i32
      %dma_start3A_33 = tpu.memref_slice %arg11[%add3A_14, %dma_start3A] : memref<10240x128xf32, #tpu.memory_space<vmem_shared>> -> memref<128x128xf32, #tpu.memory_space<vmem_shared>>
      %dma_start3A_34 = arith.constant 0 : i32
      %dma_start3A_35 = tpu.memref_slice %arg11[%add3A_14, %dma_start3A_34] : memref<10240x128xf32, #tpu.memory_space<vmem_shared>> -> memref<128x128xf32, #tpu.memory_space<vmem_shared>>
      tpu.enqueue_dma source(%arg10 : memref<128x128xf32, #tpu.memory_space<vmem>>) target(%dma_start3A_35 : memref<128x128xf32, #tpu.memory_space<vmem_shared>>) target_semaphore(%run_scoped3A : memref<!tpu.dma_semaphore, #tpu.memory_space<semaphore_mem>>)
      %dma_wait3A = arith.constant 0 : i32
      %dma_wait3A_36 = tpu.memref_slice %arg11[%add3A_14, %dma_wait3A] : memref<10240x128xf32, #tpu.memory_space<vmem_shared>> -> memref<128x128xf32, #tpu.memory_space<vmem_shared>>
      %dma_wait3A_37 = arith.constant 0 : i32
      %dma_wait3A_38 = tpu.memref_slice %arg11[%add3A_14, %dma_wait3A_37] : memref<10240x128xf32, #tpu.memory_space<vmem_shared>> -> memref<128x128xf32, #tpu.memory_space<vmem_shared>>
      tpu.wait_dma2 semaphore(%run_scoped3A : memref<!tpu.dma_semaphore, #tpu.memory_space<semaphore_mem>>) src(%arg10 : memref<128x128xf32, #tpu.memory_space<vmem>>) dst(%dma_wait3A_38 : memref<128x128xf32, #tpu.memory_space<vmem_shared>>)
      tpu.yield
    }) : () -> ()
    %barrier3A = arith.constant 0 : index
    tpu.barrier barrier_id(%barrier3A)
    %eq3A = arith.constant 0 : i32
    %eq3A_15 = arith.cmpi eq, %arg0, %eq3A : i32
    %convert_element_type3A = arith.extui %eq3A_15 : i1 to i32
    %cond3A = arith.constant 0 : i32
    %cond3A_16 = arith.cmpi ne, %convert_element_type3A, %cond3A : i32
    scf.if %cond3A_16 {
      %scan3A_33 = arith.constant 0 : i32
      %scan3A_34 = arith.constant 0 : i32
      %scan3A_35 = arith.constant 79 : i32
      %scan3A_36 = arith.addi %scan3A_34, %scan3A_35 : i32
      %scan3A_37 = arith.constant 1 : i32
      scf.for %scan3A_39 = %scan3A_34 to %scan3A_36 step %scan3A_37  : i32 {
        %dma_start3A = arith.constant 0 : i32
        %dma_start3A_40 = tpu.memref_slice %arg8[%scan3A_39, %dma_start3A] : memref<79x128xi32, #tpu.memory_space<vmem>> -> memref<1x128xi32, #tpu.memory_space<vmem>>
        %dma_start3A_41 = tpu.memref_squeeze %dma_start3A_40 : memref<1x128xi32, #tpu.memory_space<vmem>> -> memref<128xi32, #tpu.memory_space<vmem>>
        %dma_start3A_42 = arith.constant 0 : i32
        %dma_start3A_43 = arith.constant 0 : i32
        %dma_start3A_44 = tpu.memref_slice %arg2[%dma_start3A_42, %dma_start3A_43] : memref<10000x128xf32, #tpu.memory_space<hbm>> -> memref<10000x128xf32, #tpu.memory_space<hbm>>
        tpu.enqueue_indirect_dma source(%dma_start3A_44 : memref<10000x128xf32, #tpu.memory_space<hbm>>) target(%arg10 : memref<128x128xf32, #tpu.memory_space<vmem>>) offsets(%dma_start3A_41 : memref<128xi32, #tpu.memory_space<vmem>>) semaphore(%arg12 : memref<!tpu.dma_semaphore, #tpu.memory_space<semaphore_mem>>)
        %dma_wait3A = arith.constant 0 : i32
        %dma_wait3A_45 = tpu.memref_slice %arg8[%scan3A_39, %dma_wait3A] : memref<79x128xi32, #tpu.memory_space<vmem>> -> memref<1x128xi32, #tpu.memory_space<vmem>>
        %dma_wait3A_46 = tpu.memref_squeeze %dma_wait3A_45 : memref<1x128xi32, #tpu.memory_space<vmem>> -> memref<128xi32, #tpu.memory_space<vmem>>
        %dma_wait3A_47 = arith.constant 0 : i32
        %dma_wait3A_48 = arith.constant 0 : i32
        %dma_wait3A_49 = tpu.memref_slice %arg2[%dma_wait3A_47, %dma_wait3A_48] : memref<10000x128xf32, #tpu.memory_space<hbm>> -> memref<10000x128xf32, #tpu.memory_space<hbm>>
        tpu.wait_indirect_dma semaphore(%arg12 : memref<!tpu.dma_semaphore, #tpu.memory_space<semaphore_mem>>) src(%dma_wait3A_49 : memref<10000x128xf32, #tpu.memory_space<hbm>>) dst(%arg10 : memref<128x128xf32, #tpu.memory_space<vmem>>)
        "tpu.region"() ({
          %run_scoped3A = tpu.sem_alloc : memref<!tpu.dma_semaphore, #tpu.memory_space<semaphore_mem>>
          %dma_start3A_50 = arith.constant 0 : i32
          %dma_start3A_51 = tpu.memref_slice %arg9[%scan3A_39, %dma_start3A_50] : memref<79x128xi32, #tpu.memory_space<vmem>> -> memref<1x128xi32, #tpu.memory_space<vmem>>
          %dma_start3A_52 = tpu.memref_squeeze %dma_start3A_51 : memref<1x128xi32, #tpu.memory_space<vmem>> -> memref<128xi32, #tpu.memory_space<vmem>>
          %dma_start3A_53 = arith.constant 0 : i32
          %dma_start3A_54 = arith.constant 0 : i32
          %dma_start3A_55 = tpu.memref_slice %arg11[%dma_start3A_53, %dma_start3A_54] : memref<10240x128xf32, #tpu.memory_space<vmem_shared>> -> memref<10240x128xf32, #tpu.memory_space<vmem_shared>>
          tpu.enqueue_indirect_dma source(%arg10 : memref<128x128xf32, #tpu.memory_space<vmem>>) target(%dma_start3A_55 : memref<10240x128xf32, #tpu.memory_space<vmem_shared>>) offsets(%dma_start3A_52 : memref<128xi32, #tpu.memory_space<vmem>>) semaphore(%run_scoped3A : memref<!tpu.dma_semaphore, #tpu.memory_space<semaphore_mem>>) {add = true}
          %dma_wait3A_56 = arith.constant 0 : i32
          %dma_wait3A_57 = tpu.memref_slice %arg9[%scan3A_39, %dma_wait3A_56] : memref<79x128xi32, #tpu.memory_space<vmem>> -> memref<1x128xi32, #tpu.memory_space<vmem>>
          %dma_wait3A_58 = tpu.memref_squeeze %dma_wait3A_57 : memref<1x128xi32, #tpu.memory_space<vmem>> -> memref<128xi32, #tpu.memory_space<vmem>>
          %dma_wait3A_59 = arith.constant 0 : i32
          %dma_wait3A_60 = arith.constant 0 : i32
          %dma_wait3A_61 = tpu.memref_slice %arg11[%dma_wait3A_59, %dma_wait3A_60] : memref<10240x128xf32, #tpu.memory_space<vmem_shared>> -> memref<10240x128xf32, #tpu.memory_space<vmem_shared>>
          tpu.wait_indirect_dma semaphore(%run_scoped3A : memref<!tpu.dma_semaphore, #tpu.memory_space<semaphore_mem>>) src(%arg10 : memref<128x128xf32, #tpu.memory_space<vmem>>) dst(%dma_wait3A_61 : memref<10240x128xf32, #tpu.memory_space<vmem_shared>>)
          tpu.yield
        }) : () -> ()
      }
      %scan3A_38 = arith.constant 79 : i32
    } else {
    }
    %eq3A_17 = arith.constant 1 : i32
    %eq3A_18 = arith.cmpi eq, %arg0, %eq3A_17 : i32
    %convert_element_type3A_19 = arith.extui %eq3A_18 : i1 to i32
    %cond3A_20 = arith.constant 0 : i32
    %cond3A_21 = arith.cmpi ne, %convert_element_type3A_19, %cond3A_20 : i32
    scf.if %cond3A_21 {
      %scan3A_33 = arith.constant 0 : i32
      %scan3A_34 = arith.constant 0 : i32
      %scan3A_35 = arith.constant 79 : i32
      %scan3A_36 = arith.addi %scan3A_34, %scan3A_35 : i32
      %scan3A_37 = arith.constant 1 : i32
      scf.for %scan3A_39 = %scan3A_34 to %scan3A_36 step %scan3A_37  : i32 {
        %dma_start3A = arith.constant 0 : i32
        %dma_start3A_40 = tpu.memref_slice %arg8[%scan3A_39, %dma_start3A] : memref<79x128xi32, #tpu.memory_space<vmem>> -> memref<1x128xi32, #tpu.memory_space<vmem>>
        %dma_start3A_41 = tpu.memref_squeeze %dma_start3A_40 : memref<1x128xi32, #tpu.memory_space<vmem>> -> memref<128xi32, #tpu.memory_space<vmem>>
        %dma_start3A_42 = arith.constant 0 : i32
        %dma_start3A_43 = arith.constant 0 : i32
        %dma_start3A_44 = tpu.memref_slice %arg3[%dma_start3A_42, %dma_start3A_43] : memref<10000x128xf32, #tpu.memory_space<hbm>> -> memref<10000x128xf32, #tpu.memory_space<hbm>>
        tpu.enqueue_indirect_dma source(%dma_start3A_44 : memref<10000x128xf32, #tpu.memory_space<hbm>>) target(%arg10 : memref<128x128xf32, #tpu.memory_space<vmem>>) offsets(%dma_start3A_41 : memref<128xi32, #tpu.memory_space<vmem>>) semaphore(%arg12 : memref<!tpu.dma_semaphore, #tpu.memory_space<semaphore_mem>>)
        %dma_wait3A = arith.constant 0 : i32
        %dma_wait3A_45 = tpu.memref_slice %arg8[%scan3A_39, %dma_wait3A] : memref<79x128xi32, #tpu.memory_space<vmem>> -> memref<1x128xi32, #tpu.memory_space<vmem>>
        %dma_wait3A_46 = tpu.memref_squeeze %dma_wait3A_45 : memref<1x128xi32, #tpu.memory_space<vmem>> -> memref<128xi32, #tpu.memory_space<vmem>>
        %dma_wait3A_47 = arith.constant 0 : i32
        %dma_wait3A_48 = arith.constant 0 : i32
        %dma_wait3A_49 = tpu.memref_slice %arg3[%dma_wait3A_47, %dma_wait3A_48] : memref<10000x128xf32, #tpu.memory_space<hbm>> -> memref<10000x128xf32, #tpu.memory_space<hbm>>
        tpu.wait_indirect_dma semaphore(%arg12 : memref<!tpu.dma_semaphore, #tpu.memory_space<semaphore_mem>>) src(%dma_wait3A_49 : memref<10000x128xf32, #tpu.memory_space<hbm>>) dst(%arg10 : memref<128x128xf32, #tpu.memory_space<vmem>>)
        "tpu.region"() ({
          %run_scoped3A = tpu.sem_alloc : memref<!tpu.dma_semaphore, #tpu.memory_space<semaphore_mem>>
          %dma_start3A_50 = arith.constant 0 : i32
          %dma_start3A_51 = tpu.memref_slice %arg9[%scan3A_39, %dma_start3A_50] : memref<79x128xi32, #tpu.memory_space<vmem>> -> memref<1x128xi32, #tpu.memory_space<vmem>>
          %dma_start3A_52 = tpu.memref_squeeze %dma_start3A_51 : memref<1x128xi32, #tpu.memory_space<vmem>> -> memref<128xi32, #tpu.memory_space<vmem>>
          %dma_start3A_53 = arith.constant 0 : i32
          %dma_start3A_54 = arith.constant 0 : i32
          %dma_start3A_55 = tpu.memref_slice %arg11[%dma_start3A_53, %dma_start3A_54] : memref<10240x128xf32, #tpu.memory_space<vmem_shared>> -> memref<10240x128xf32, #tpu.memory_space<vmem_shared>>
          tpu.enqueue_indirect_dma source(%arg10 : memref<128x128xf32, #tpu.memory_space<vmem>>) target(%dma_start3A_55 : memref<10240x128xf32, #tpu.memory_space<vmem_shared>>) offsets(%dma_start3A_52 : memref<128xi32, #tpu.memory_space<vmem>>) semaphore(%run_scoped3A : memref<!tpu.dma_semaphore, #tpu.memory_space<semaphore_mem>>) {add = true}
          %dma_wait3A_56 = arith.constant 0 : i32
          %dma_wait3A_57 = tpu.memref_slice %arg9[%scan3A_39, %dma_wait3A_56] : memref<79x128xi32, #tpu.memory_space<vmem>> -> memref<1x128xi32, #tpu.memory_space<vmem>>
          %dma_wait3A_58 = tpu.memref_squeeze %dma_wait3A_57 : memref<1x128xi32, #tpu.memory_space<vmem>> -> memref<128xi32, #tpu.memory_space<vmem>>
          %dma_wait3A_59 = arith.constant 0 : i32
          %dma_wait3A_60 = arith.constant 0 : i32
          %dma_wait3A_61 = tpu.memref_slice %arg11[%dma_wait3A_59, %dma_wait3A_60] : memref<10240x128xf32, #tpu.memory_space<vmem_shared>> -> memref<10240x128xf32, #tpu.memory_space<vmem_shared>>
          tpu.wait_indirect_dma semaphore(%run_scoped3A : memref<!tpu.dma_semaphore, #tpu.memory_space<semaphore_mem>>) src(%arg10 : memref<128x128xf32, #tpu.memory_space<vmem>>) dst(%dma_wait3A_61 : memref<10240x128xf32, #tpu.memory_space<vmem_shared>>)
          tpu.yield
        }) : () -> ()
      }
      %scan3A_38 = arith.constant 79 : i32
    } else {
    }
    %barrier3A_22 = arith.constant 0 : index
    tpu.barrier barrier_id(%barrier3A_22)
    %eq3A_23 = arith.constant 0 : i32
    %eq3A_24 = arith.cmpi eq, %arg0, %eq3A_23 : i32
    %convert_element_type3A_25 = arith.extui %eq3A_24 : i1 to i32
    %cond3A_26 = arith.constant 0 : i32
    %cond3A_27 = arith.cmpi ne, %convert_element_type3A_25, %cond3A_26 : i32
    scf.if %cond3A_27 {
      "tpu.region"() ({
        %run_scoped3A = tpu.sem_alloc : memref<!tpu.dma_semaphore, #tpu.memory_space<semaphore_mem>>
        %dma_start3A = arith.constant 0 : i32
        %dma_start3A_33 = tpu.memref_slice %arg6[%mul3A_5, %dma_start3A] : memref<10240x128xf32, #tpu.memory_space<hbm>> -> memref<640x128xf32, #tpu.memory_space<hbm>>
        %dma_start3A_34 = arith.constant 0 : i32
        %dma_start3A_35 = tpu.memref_slice %arg11[%mul3A_5, %dma_start3A_34] : memref<10240x128xf32, #tpu.memory_space<vmem_shared>> -> memref<640x128xf32, #tpu.memory_space<vmem_shared>>
        tpu.enqueue_dma source(%dma_start3A_35 : memref<640x128xf32, #tpu.memory_space<vmem_shared>>) target(%dma_start3A_33 : memref<640x128xf32, #tpu.memory_space<hbm>>) target_semaphore(%run_scoped3A : memref<!tpu.dma_semaphore, #tpu.memory_space<semaphore_mem>>)
        %dma_wait3A = arith.constant 0 : i32
        %dma_wait3A_36 = tpu.memref_slice %arg6[%mul3A_5, %dma_wait3A] : memref<10240x128xf32, #tpu.memory_space<hbm>> -> memref<640x128xf32, #tpu.memory_space<hbm>>
        %dma_wait3A_37 = arith.constant 0 : i32
        %dma_wait3A_38 = tpu.memref_slice %arg11[%mul3A_5, %dma_wait3A_37] : memref<10240x128xf32, #tpu.memory_space<vmem_shared>> -> memref<640x128xf32, #tpu.memory_space<vmem_shared>>
        tpu.wait_dma2 semaphore(%run_scoped3A : memref<!tpu.dma_semaphore, #tpu.memory_space<semaphore_mem>>) src(%dma_wait3A_38 : memref<640x128xf32, #tpu.memory_space<vmem_shared>>) dst(%dma_wait3A_36 : memref<640x128xf32, #tpu.memory_space<hbm>>)
        tpu.yield
      }) : () -> ()
    } else {
    }
    %eq3A_28 = arith.constant 1 : i32
    %eq3A_29 = arith.cmpi eq, %arg0, %eq3A_28 : i32
    %convert_element_type3A_30 = arith.extui %eq3A_29 : i1 to i32
    %cond3A_31 = arith.constant 0 : i32
    %cond3A_32 = arith.cmpi ne, %convert_element_type3A_30, %cond3A_31 : i32
    scf.if %cond3A_32 {
      "tpu.region"() ({
        %run_scoped3A = tpu.sem_alloc : memref<!tpu.dma_semaphore, #tpu.memory_space<semaphore_mem>>
        %dma_start3A = arith.constant 0 : i32
        %dma_start3A_33 = tpu.memref_slice %arg7[%mul3A_5, %dma_start3A] : memref<10240x128xf32, #tpu.memory_space<hbm>> -> memref<640x128xf32, #tpu.memory_space<hbm>>
        %dma_start3A_34 = arith.constant 0 : i32
        %dma_start3A_35 = tpu.memref_slice %arg11[%mul3A_5, %dma_start3A_34] : memref<10240x128xf32, #tpu.memory_space<vmem_shared>> -> memref<640x128xf32, #tpu.memory_space<vmem_shared>>
        tpu.enqueue_dma source(%dma_start3A_35 : memref<640x128xf32, #tpu.memory_space<vmem_shared>>) target(%dma_start3A_33 : memref<640x128xf32, #tpu.memory_space<hbm>>) target_semaphore(%run_scoped3A : memref<!tpu.dma_semaphore, #tpu.memory_space<semaphore_mem>>)
        %dma_wait3A = arith.constant 0 : i32
        %dma_wait3A_36 = tpu.memref_slice %arg7[%mul3A_5, %dma_wait3A] : memref<10240x128xf32, #tpu.memory_space<hbm>> -> memref<640x128xf32, #tpu.memory_space<hbm>>
        %dma_wait3A_37 = arith.constant 0 : i32
        %dma_wait3A_38 = tpu.memref_slice %arg11[%mul3A_5, %dma_wait3A_37] : memref<10240x128xf32, #tpu.memory_space<vmem_shared>> -> memref<640x128xf32, #tpu.memory_space<vmem_shared>>
        tpu.wait_dma2 semaphore(%run_scoped3A : memref<!tpu.dma_semaphore, #tpu.memory_space<semaphore_mem>>) src(%dma_wait3A_38 : memref<640x128xf32, #tpu.memory_space<vmem_shared>>) dst(%dma_wait3A_36 : memref<640x128xf32, #tpu.memory_space<hbm>>)
        tpu.yield
      }) : () -> ()
    } else {
    }
    return
  }
}

#map = affine_map<(d0, d1) -> (0, 0)>
#map1 = affine_map<(d0, d1) -> (0, 0, 0)>
module attributes {stable_mosaic.version = 14 : i64} {
  func.func @_seg_sum(%arg0: i32, %arg1: i32, %arg2: memref<10000x128xf32, #tpu.memory_space<hbm>>, %arg3: memref<10000x128xf32, #tpu.memory_space<hbm>>, %arg4: memref<16x79x128xi32, #tpu.memory_space<hbm>>, %arg5: memref<16x79x128xi32, #tpu.memory_space<hbm>>, %arg6: memref<10240x128xf32, #tpu.memory_space<hbm>>, %arg7: memref<10240x128xf32, #tpu.memory_space<hbm>>, %arg8: memref<79x128xi32, #tpu.memory_space<vmem>>, %arg9: memref<79x128xi32, #tpu.memory_space<vmem>>, %arg10: memref<128x128xf32, #tpu.memory_space<vmem>>, %arg11: memref<10240x128xf32, #tpu.memory_space<vmem_shared>>, %arg12: memref<!tpu.dma_semaphore, #tpu.memory_space<semaphore_mem>>) attributes {dimension_semantics = [#tpu.dimension_semantics<core_parallel>, #tpu.dimension_semantics<subcore_parallel>], iteration_bounds = array<i64: 2, 16>, scalar_prefetch = 0 : i64, scratch_operands = 5 : i64, tpu.core_type = #tpu.core_type<sc_vector_subcore>, window_params = [{transform_indices = #map}, {transform_indices = #map}, {transform_indices = #map1}, {transform_indices = #map1}, {transform_indices = #map}, {transform_indices = #map}]} {
    "tpu.region"() ({
      %run_scoped3A = tpu.sem_alloc : memref<!tpu.dma_semaphore, #tpu.memory_space<semaphore_mem>>
      %dma_start3A = arith.constant 0 : i32
      %dma_start3A_33 = arith.constant 0 : i32
      %dma_start3A_34 = tpu.memref_slice %arg4[%arg1, %dma_start3A, %dma_start3A_33] : memref<16x79x128xi32, #tpu.memory_space<hbm>> -> memref<1x79x128xi32, #tpu.memory_space<hbm>>
      %dma_start3A_35 = tpu.memref_squeeze %dma_start3A_34 : memref<1x79x128xi32, #tpu.memory_space<hbm>> -> memref<79x128xi32, #tpu.memory_space<hbm>>
      %dma_start3A_36 = arith.constant 0 : i32
      %dma_start3A_37 = arith.constant 0 : i32
      %dma_start3A_38 = tpu.memref_slice %arg4[%arg1, %dma_start3A_36, %dma_start3A_37] : memref<16x79x128xi32, #tpu.memory_space<hbm>> -> memref<1x79x128xi32, #tpu.memory_space<hbm>>
      %dma_start3A_39 = tpu.memref_squeeze %dma_start3A_38 : memref<1x79x128xi32, #tpu.memory_space<hbm>> -> memref<79x128xi32, #tpu.memory_space<hbm>>
      tpu.enqueue_dma source(%dma_start3A_39 : memref<79x128xi32, #tpu.memory_space<hbm>>) target(%arg8 : memref<79x128xi32, #tpu.memory_space<vmem>>) target_semaphore(%run_scoped3A : memref<!tpu.dma_semaphore, #tpu.memory_space<semaphore_mem>>)
      %dma_wait3A = arith.constant 0 : i32
      %dma_wait3A_40 = arith.constant 0 : i32
      %dma_wait3A_41 = tpu.memref_slice %arg4[%arg1, %dma_wait3A, %dma_wait3A_40] : memref<16x79x128xi32, #tpu.memory_space<hbm>> -> memref<1x79x128xi32, #tpu.memory_space<hbm>>
      %dma_wait3A_42 = tpu.memref_squeeze %dma_wait3A_41 : memref<1x79x128xi32, #tpu.memory_space<hbm>> -> memref<79x128xi32, #tpu.memory_space<hbm>>
      %dma_wait3A_43 = arith.constant 0 : i32
      %dma_wait3A_44 = arith.constant 0 : i32
      %dma_wait3A_45 = tpu.memref_slice %arg4[%arg1, %dma_wait3A_43, %dma_wait3A_44] : memref<16x79x128xi32, #tpu.memory_space<hbm>> -> memref<1x79x128xi32, #tpu.memory_space<hbm>>
      %dma_wait3A_46 = tpu.memref_squeeze %dma_wait3A_45 : memref<1x79x128xi32, #tpu.memory_space<hbm>> -> memref<79x128xi32, #tpu.memory_space<hbm>>
      tpu.wait_dma2 semaphore(%run_scoped3A : memref<!tpu.dma_semaphore, #tpu.memory_space<semaphore_mem>>) src(%dma_wait3A_46 : memref<79x128xi32, #tpu.memory_space<hbm>>) dst(%arg8 : memref<79x128xi32, #tpu.memory_space<vmem>>)
      tpu.yield
    }) : () -> ()
    "tpu.region"() ({
      %run_scoped3A = tpu.sem_alloc : memref<!tpu.dma_semaphore, #tpu.memory_space<semaphore_mem>>
      %dma_start3A = arith.constant 0 : i32
      %dma_start3A_33 = arith.constant 0 : i32
      %dma_start3A_34 = tpu.memref_slice %arg5[%arg1, %dma_start3A, %dma_start3A_33] : memref<16x79x128xi32, #tpu.memory_space<hbm>> -> memref<1x79x128xi32, #tpu.memory_space<hbm>>
      %dma_start3A_35 = tpu.memref_squeeze %dma_start3A_34 : memref<1x79x128xi32, #tpu.memory_space<hbm>> -> memref<79x128xi32, #tpu.memory_space<hbm>>
      %dma_start3A_36 = arith.constant 0 : i32
      %dma_start3A_37 = arith.constant 0 : i32
      %dma_start3A_38 = tpu.memref_slice %arg5[%arg1, %dma_start3A_36, %dma_start3A_37] : memref<16x79x128xi32, #tpu.memory_space<hbm>> -> memref<1x79x128xi32, #tpu.memory_space<hbm>>
      %dma_start3A_39 = tpu.memref_squeeze %dma_start3A_38 : memref<1x79x128xi32, #tpu.memory_space<hbm>> -> memref<79x128xi32, #tpu.memory_space<hbm>>
      tpu.enqueue_dma source(%dma_start3A_39 : memref<79x128xi32, #tpu.memory_space<hbm>>) target(%arg9 : memref<79x128xi32, #tpu.memory_space<vmem>>) target_semaphore(%run_scoped3A : memref<!tpu.dma_semaphore, #tpu.memory_space<semaphore_mem>>)
      %dma_wait3A = arith.constant 0 : i32
      %dma_wait3A_40 = arith.constant 0 : i32
      %dma_wait3A_41 = tpu.memref_slice %arg5[%arg1, %dma_wait3A, %dma_wait3A_40] : memref<16x79x128xi32, #tpu.memory_space<hbm>> -> memref<1x79x128xi32, #tpu.memory_space<hbm>>
      %dma_wait3A_42 = tpu.memref_squeeze %dma_wait3A_41 : memref<1x79x128xi32, #tpu.memory_space<hbm>> -> memref<79x128xi32, #tpu.memory_space<hbm>>
      %dma_wait3A_43 = arith.constant 0 : i32
      %dma_wait3A_44 = arith.constant 0 : i32
      %dma_wait3A_45 = tpu.memref_slice %arg5[%arg1, %dma_wait3A_43, %dma_wait3A_44] : memref<16x79x128xi32, #tpu.memory_space<hbm>> -> memref<1x79x128xi32, #tpu.memory_space<hbm>>
      %dma_wait3A_46 = tpu.memref_squeeze %dma_wait3A_45 : memref<1x79x128xi32, #tpu.memory_space<hbm>> -> memref<79x128xi32, #tpu.memory_space<hbm>>
      tpu.wait_dma2 semaphore(%run_scoped3A : memref<!tpu.dma_semaphore, #tpu.memory_space<semaphore_mem>>) src(%dma_wait3A_46 : memref<79x128xi32, #tpu.memory_space<hbm>>) dst(%arg9 : memref<79x128xi32, #tpu.memory_space<vmem>>)
      tpu.yield
    }) : () -> ()
    %scan3A = arith.constant 0 : i32
    %scan3A_0 = arith.constant 0 : i32
    %scan3A_1 = arith.constant 1024 : i32
    %scan3A_2 = arith.addi %scan3A_0, %scan3A_1 : i32
    %scan3A_3 = arith.constant 1 : i32
    scf.for %scan3A_33 = %scan3A_0 to %scan3A_2 step %scan3A_3  : i32 {
      %broadcast_in_dim3A = arith.constant 0.000000e+00 : f32
      %broadcast_in_dim3A_34 = vector.broadcast %broadcast_in_dim3A : f32 to vector<16xf32>
      %jit3A = arith.constant 8 : i32
      %div3A = arith.divsi %scan3A_33, %jit3A : i32
      %sign3A = arith.constant 0 : i32
      %sign3A_35 = arith.cmpi sgt, %scan3A_33, %sign3A : i32
      %sign3A_36 = arith.extui %sign3A_35 : i1 to i32
      %sign3A_37 = arith.constant 0 : i32
      %sign3A_38 = arith.cmpi slt, %scan3A_33, %sign3A_37 : i32
      %sign3A_39 = arith.extui %sign3A_38 : i1 to i32
      %sign3A_40 = arith.subi %sign3A_36, %sign3A_39 : i32
      %sign3A_41 = arith.constant 0 : i32
      %sign3A_42 = arith.cmpi sgt, %jit3A, %sign3A_41 : i32
      %sign3A_43 = arith.extui %sign3A_42 : i1 to i32
      %sign3A_44 = arith.constant 0 : i32
      %sign3A_45 = arith.cmpi slt, %jit3A, %sign3A_44 : i32
      %sign3A_46 = arith.extui %sign3A_45 : i1 to i32
      %sign3A_47 = arith.subi %sign3A_43, %sign3A_46 : i32
      %ne3A = arith.cmpi ne, %sign3A_40, %sign3A_47 : i32
      %rem3A = arith.remsi %scan3A_33, %jit3A : i32
      %ne3A_48 = arith.constant 0 : i32
      %ne3A_49 = arith.cmpi ne, %rem3A, %ne3A_48 : i32
      %and3A = arith.andi %ne3A, %ne3A_49 : i1
      %sub3A = arith.constant 1 : i32
      %sub3A_50 = arith.subi %div3A, %sub3A : i32
      %select_n3A = arith.select %and3A, %sub3A_50, %div3A : i32
      %jit3A_51 = arith.constant 8 : i32
      %eq3A_52 = arith.constant 0 : i32
      %eq3A_53 = arith.cmpi eq, %jit3A_51, %eq3A_52 : i32
      %jit3A_54 = arith.constant 1 : i32
      %select_n3A_55 = arith.select %eq3A_53, %jit3A_54, %jit3A_51 : i32
      %rem3A_56 = arith.remsi %scan3A_33, %select_n3A_55 : i32
      %ne3A_57 = arith.constant 0 : i32
      %ne3A_58 = arith.cmpi ne, %rem3A_56, %ne3A_57 : i32
      %lt3A = arith.constant 0 : i32
      %lt3A_59 = arith.cmpi slt, %rem3A_56, %lt3A : i32
      %lt3A_60 = arith.constant 0 : i32
      %lt3A_61 = arith.cmpi slt, %select_n3A_55, %lt3A_60 : i32
      %ne3A_62 = arith.xori %lt3A_59, %lt3A_61 : i1
      %and3A_63 = arith.andi %ne3A_62, %ne3A_58 : i1
      %add3A_64 = arith.addi %rem3A_56, %select_n3A_55 : i32
      %select_n3A_65 = arith.select %and3A_63, %add3A_64, %rem3A_56 : i32
      %mul3A_66 = arith.constant 16 : i32
      %mul3A_67 = arith.muli %select_n3A_65, %mul3A_66 : i32
      %swap3A = arith.index_cast %select_n3A : i32 to index
      %swap3A_68 = arith.index_cast %mul3A_67 : i32 to index
      %swap3A_69 = tpu.vector_load %arg10[%swap3A, %swap3A_68] {strides = array<i32>} : memref<128x128xf32, #tpu.memory_space<vmem>>, vector<1x16xf32>,
      %swap3A_70 = vector.shape_cast %swap3A_69 : vector<1x16xf32> to vector<16xf32>
      %swap3A_71 = vector.shape_cast %broadcast_in_dim3A_34 : vector<16xf32> to vector<1x16xf32>
      tpu.vector_store %arg10[%swap3A, %swap3A_68], %swap3A_71 {strides = array<i32>} : memref<128x128xf32, #tpu.memory_space<vmem>>, vector<1x16xf32>,
    }
    %scan3A_4 = arith.constant 1024 : i32
    %mul3A = arith.constant 640 : i32
    %mul3A_5 = arith.muli %arg1, %mul3A : i32
    %add3A = arith.constant 0 : i32
    %add3A_6 = arith.addi %mul3A_5, %add3A : i32
    "tpu.region"() ({
      %run_scoped3A = tpu.sem_alloc : memref<!tpu.dma_semaphore, #tpu.memory_space<semaphore_mem>>
      %dma_start3A = arith.constant 0 : i32
      %dma_start3A_33 = tpu.memref_slice %arg11[%add3A_6, %dma_start3A] : memref<10240x128xf32, #tpu.memory_space<vmem_shared>> -> memref<128x128xf32, #tpu.memory_space<vmem_shared>>
      %dma_start3A_34 = arith.constant 0 : i32
      %dma_start3A_35 = tpu.memref_slice %arg11[%add3A_6, %dma_start3A_34] : memref<10240x128xf32, #tpu.memory_space<vmem_shared>> -> memref<128x128xf32, #tpu.memory_space<vmem_shared>>
      tpu.enqueue_dma source(%arg10 : memref<128x128xf32, #tpu.memory_space<vmem>>) target(%dma_start3A_35 : memref<128x128xf32, #tpu.memory_space<vmem_shared>>) target_semaphore(%run_scoped3A : memref<!tpu.dma_semaphore, #tpu.memory_space<semaphore_mem>>)
      %dma_wait3A = arith.constant 0 : i32
      %dma_wait3A_36 = tpu.memref_slice %arg11[%add3A_6, %dma_wait3A] : memref<10240x128xf32, #tpu.memory_space<vmem_shared>> -> memref<128x128xf32, #tpu.memory_space<vmem_shared>>
      %dma_wait3A_37 = arith.constant 0 : i32
      %dma_wait3A_38 = tpu.memref_slice %arg11[%add3A_6, %dma_wait3A_37] : memref<10240x128xf32, #tpu.memory_space<vmem_shared>> -> memref<128x128xf32, #tpu.memory_space<vmem_shared>>
      tpu.wait_dma2 semaphore(%run_scoped3A : memref<!tpu.dma_semaphore, #tpu.memory_space<semaphore_mem>>) src(%arg10 : memref<128x128xf32, #tpu.memory_space<vmem>>) dst(%dma_wait3A_38 : memref<128x128xf32, #tpu.memory_space<vmem_shared>>)
      tpu.yield
    }) : () -> ()
    %add3A_7 = arith.constant 128 : i32
    %add3A_8 = arith.addi %mul3A_5, %add3A_7 : i32
    "tpu.region"() ({
      %run_scoped3A = tpu.sem_alloc : memref<!tpu.dma_semaphore, #tpu.memory_space<semaphore_mem>>
      %dma_start3A = arith.constant 0 : i32
      %dma_start3A_33 = tpu.memref_slice %arg11[%add3A_8, %dma_start3A] : memref<10240x128xf32, #tpu.memory_space<vmem_shared>> -> memref<128x128xf32, #tpu.memory_space<vmem_shared>>
      %dma_start3A_34 = arith.constant 0 : i32
      %dma_start3A_35 = tpu.memref_slice %arg11[%add3A_8, %dma_start3A_34] : memref<10240x128xf32, #tpu.memory_space<vmem_shared>> -> memref<128x128xf32, #tpu.memory_space<vmem_shared>>
      tpu.enqueue_dma source(%arg10 : memref<128x128xf32, #tpu.memory_space<vmem>>) target(%dma_start3A_35 : memref<128x128xf32, #tpu.memory_space<vmem_shared>>) target_semaphore(%run_scoped3A : memref<!tpu.dma_semaphore, #tpu.memory_space<semaphore_mem>>)
      %dma_wait3A = arith.constant 0 : i32
      %dma_wait3A_36 = tpu.memref_slice %arg11[%add3A_8, %dma_wait3A] : memref<10240x128xf32, #tpu.memory_space<vmem_shared>> -> memref<128x128xf32, #tpu.memory_space<vmem_shared>>
      %dma_wait3A_37 = arith.constant 0 : i32
      %dma_wait3A_38 = tpu.memref_slice %arg11[%add3A_8, %dma_wait3A_37] : memref<10240x128xf32, #tpu.memory_space<vmem_shared>> -> memref<128x128xf32, #tpu.memory_space<vmem_shared>>
      tpu.wait_dma2 semaphore(%run_scoped3A : memref<!tpu.dma_semaphore, #tpu.memory_space<semaphore_mem>>) src(%arg10 : memref<128x128xf32, #tpu.memory_space<vmem>>) dst(%dma_wait3A_38 : memref<128x128xf32, #tpu.memory_space<vmem_shared>>)
      tpu.yield
    }) : () -> ()
    %add3A_9 = arith.constant 256 : i32
    %add3A_10 = arith.addi %mul3A_5, %add3A_9 : i32
    "tpu.region"() ({
      %run_scoped3A = tpu.sem_alloc : memref<!tpu.dma_semaphore, #tpu.memory_space<semaphore_mem>>
      %dma_start3A = arith.constant 0 : i32
      %dma_start3A_33 = tpu.memref_slice %arg11[%add3A_10, %dma_start3A] : memref<10240x128xf32, #tpu.memory_space<vmem_shared>> -> memref<128x128xf32, #tpu.memory_space<vmem_shared>>
      %dma_start3A_34 = arith.constant 0 : i32
      %dma_start3A_35 = tpu.memref_slice %arg11[%add3A_10, %dma_start3A_34] : memref<10240x128xf32, #tpu.memory_space<vmem_shared>> -> memref<128x128xf32, #tpu.memory_space<vmem_shared>>
      tpu.enqueue_dma source(%arg10 : memref<128x128xf32, #tpu.memory_space<vmem>>) target(%dma_start3A_35 : memref<128x128xf32, #tpu.memory_space<vmem_shared>>) target_semaphore(%run_scoped3A : memref<!tpu.dma_semaphore, #tpu.memory_space<semaphore_mem>>)
      %dma_wait3A = arith.constant 0 : i32
      %dma_wait3A_36 = tpu.memref_slice %arg11[%add3A_10, %dma_wait3A] : memref<10240x128xf32, #tpu.memory_space<vmem_shared>> -> memref<128x128xf32, #tpu.memory_space<vmem_shared>>
      %dma_wait3A_37 = arith.constant 0 : i32
      %dma_wait3A_38 = tpu.memref_slice %arg11[%add3A_10, %dma_wait3A_37] : memref<10240x128xf32, #tpu.memory_space<vmem_shared>> -> memref<128x128xf32, #tpu.memory_space<vmem_shared>>
      tpu.wait_dma2 semaphore(%run_scoped3A : memref<!tpu.dma_semaphore, #tpu.memory_space<semaphore_mem>>) src(%arg10 : memref<128x128xf32, #tpu.memory_space<vmem>>) dst(%dma_wait3A_38 : memref<128x128xf32, #tpu.memory_space<vmem_shared>>)
      tpu.yield
    }) : () -> ()
    %add3A_11 = arith.constant 384 : i32
    %add3A_12 = arith.addi %mul3A_5, %add3A_11 : i32
    "tpu.region"() ({
      %run_scoped3A = tpu.sem_alloc : memref<!tpu.dma_semaphore, #tpu.memory_space<semaphore_mem>>
      %dma_start3A = arith.constant 0 : i32
      %dma_start3A_33 = tpu.memref_slice %arg11[%add3A_12, %dma_start3A] : memref<10240x128xf32, #tpu.memory_space<vmem_shared>> -> memref<128x128xf32, #tpu.memory_space<vmem_shared>>
      %dma_start3A_34 = arith.constant 0 : i32
      %dma_start3A_35 = tpu.memref_slice %arg11[%add3A_12, %dma_start3A_34] : memref<10240x128xf32, #tpu.memory_space<vmem_shared>> -> memref<128x128xf32, #tpu.memory_space<vmem_shared>>
      tpu.enqueue_dma source(%arg10 : memref<128x128xf32, #tpu.memory_space<vmem>>) target(%dma_start3A_35 : memref<128x128xf32, #tpu.memory_space<vmem_shared>>) target_semaphore(%run_scoped3A : memref<!tpu.dma_semaphore, #tpu.memory_space<semaphore_mem>>)
      %dma_wait3A = arith.constant 0 : i32
      %dma_wait3A_36 = tpu.memref_slice %arg11[%add3A_12, %dma_wait3A] : memref<10240x128xf32, #tpu.memory_space<vmem_shared>> -> memref<128x128xf32, #tpu.memory_space<vmem_shared>>
      %dma_wait3A_37 = arith.constant 0 : i32
      %dma_wait3A_38 = tpu.memref_slice %arg11[%add3A_12, %dma_wait3A_37] : memref<10240x128xf32, #tpu.memory_space<vmem_shared>> -> memref<128x128xf32, #tpu.memory_space<vmem_shared>>
      tpu.wait_dma2 semaphore(%run_scoped3A : memref<!tpu.dma_semaphore, #tpu.memory_space<semaphore_mem>>) src(%arg10 : memref<128x128xf32, #tpu.memory_space<vmem>>) dst(%dma_wait3A_38 : memref<128x128xf32, #tpu.memory_space<vmem_shared>>)
      tpu.yield
    }) : () -> ()
    %add3A_13 = arith.constant 512 : i32
    %add3A_14 = arith.addi %mul3A_5, %add3A_13 : i32
    "tpu.region"() ({
      %run_scoped3A = tpu.sem_alloc : memref<!tpu.dma_semaphore, #tpu.memory_space<semaphore_mem>>
      %dma_start3A = arith.constant 0 : i32
      %dma_start3A_33 = tpu.memref_slice %arg11[%add3A_14, %dma_start3A] : memref<10240x128xf32, #tpu.memory_space<vmem_shared>> -> memref<128x128xf32, #tpu.memory_space<vmem_shared>>
      %dma_start3A_34 = arith.constant 0 : i32
      %dma_start3A_35 = tpu.memref_slice %arg11[%add3A_14, %dma_start3A_34] : memref<10240x128xf32, #tpu.memory_space<vmem_shared>> -> memref<128x128xf32, #tpu.memory_space<vmem_shared>>
      tpu.enqueue_dma source(%arg10 : memref<128x128xf32, #tpu.memory_space<vmem>>) target(%dma_start3A_35 : memref<128x128xf32, #tpu.memory_space<vmem_shared>>) target_semaphore(%run_scoped3A : memref<!tpu.dma_semaphore, #tpu.memory_space<semaphore_mem>>)
      %dma_wait3A = arith.constant 0 : i32
      %dma_wait3A_36 = tpu.memref_slice %arg11[%add3A_14, %dma_wait3A] : memref<10240x128xf32, #tpu.memory_space<vmem_shared>> -> memref<128x128xf32, #tpu.memory_space<vmem_shared>>
      %dma_wait3A_37 = arith.constant 0 : i32
      %dma_wait3A_38 = tpu.memref_slice %arg11[%add3A_14, %dma_wait3A_37] : memref<10240x128xf32, #tpu.memory_space<vmem_shared>> -> memref<128x128xf32, #tpu.memory_space<vmem_shared>>
      tpu.wait_dma2 semaphore(%run_scoped3A : memref<!tpu.dma_semaphore, #tpu.memory_space<semaphore_mem>>) src(%arg10 : memref<128x128xf32, #tpu.memory_space<vmem>>) dst(%dma_wait3A_38 : memref<128x128xf32, #tpu.memory_space<vmem_shared>>)
      tpu.yield
    }) : () -> ()
    %barrier3A = arith.constant 0 : index
    tpu.barrier barrier_id(%barrier3A)
    %eq3A = arith.constant 0 : i32
    %eq3A_15 = arith.cmpi eq, %arg0, %eq3A : i32
    %convert_element_type3A = arith.extui %eq3A_15 : i1 to i32
    %cond3A = arith.constant 0 : i32
    %cond3A_16 = arith.cmpi ne, %convert_element_type3A, %cond3A : i32
    scf.if %cond3A_16 {
      %scan3A_33 = arith.constant 0 : i32
      %scan3A_34 = arith.constant 0 : i32
      %scan3A_35 = arith.constant 79 : i32
      %scan3A_36 = arith.addi %scan3A_34, %scan3A_35 : i32
      %scan3A_37 = arith.constant 1 : i32
      scf.for %scan3A_39 = %scan3A_34 to %scan3A_36 step %scan3A_37  : i32 {
        %dma_start3A = arith.constant 0 : i32
        %dma_start3A_40 = tpu.memref_slice %arg8[%scan3A_39, %dma_start3A] : memref<79x128xi32, #tpu.memory_space<vmem>> -> memref<1x128xi32, #tpu.memory_space<vmem>>
        %dma_start3A_41 = tpu.memref_squeeze %dma_start3A_40 : memref<1x128xi32, #tpu.memory_space<vmem>> -> memref<128xi32, #tpu.memory_space<vmem>>
        %dma_start3A_42 = arith.constant 0 : i32
        %dma_start3A_43 = arith.constant 0 : i32
        %dma_start3A_44 = tpu.memref_slice %arg2[%dma_start3A_42, %dma_start3A_43] : memref<10000x128xf32, #tpu.memory_space<hbm>> -> memref<10000x128xf32, #tpu.memory_space<hbm>>
        tpu.enqueue_indirect_dma source(%dma_start3A_44 : memref<10000x128xf32, #tpu.memory_space<hbm>>) target(%arg10 : memref<128x128xf32, #tpu.memory_space<vmem>>) offsets(%dma_start3A_41 : memref<128xi32, #tpu.memory_space<vmem>>) semaphore(%arg12 : memref<!tpu.dma_semaphore, #tpu.memory_space<semaphore_mem>>)
        %dma_wait3A = arith.constant 0 : i32
        %dma_wait3A_45 = tpu.memref_slice %arg8[%scan3A_39, %dma_wait3A] : memref<79x128xi32, #tpu.memory_space<vmem>> -> memref<1x128xi32, #tpu.memory_space<vmem>>
        %dma_wait3A_46 = tpu.memref_squeeze %dma_wait3A_45 : memref<1x128xi32, #tpu.memory_space<vmem>> -> memref<128xi32, #tpu.memory_space<vmem>>
        %dma_wait3A_47 = arith.constant 0 : i32
        %dma_wait3A_48 = arith.constant 0 : i32
        %dma_wait3A_49 = tpu.memref_slice %arg2[%dma_wait3A_47, %dma_wait3A_48] : memref<10000x128xf32, #tpu.memory_space<hbm>> -> memref<10000x128xf32, #tpu.memory_space<hbm>>
        tpu.wait_indirect_dma semaphore(%arg12 : memref<!tpu.dma_semaphore, #tpu.memory_space<semaphore_mem>>) src(%dma_wait3A_49 : memref<10000x128xf32, #tpu.memory_space<hbm>>) dst(%arg10 : memref<128x128xf32, #tpu.memory_space<vmem>>)
        "tpu.region"() ({
          %run_scoped3A = tpu.sem_alloc : memref<!tpu.dma_semaphore, #tpu.memory_space<semaphore_mem>>
          %dma_start3A_50 = arith.constant 0 : i32
          %dma_start3A_51 = tpu.memref_slice %arg9[%scan3A_39, %dma_start3A_50] : memref<79x128xi32, #tpu.memory_space<vmem>> -> memref<1x128xi32, #tpu.memory_space<vmem>>
          %dma_start3A_52 = tpu.memref_squeeze %dma_start3A_51 : memref<1x128xi32, #tpu.memory_space<vmem>> -> memref<128xi32, #tpu.memory_space<vmem>>
          %dma_start3A_53 = arith.constant 0 : i32
          %dma_start3A_54 = arith.constant 0 : i32
          %dma_start3A_55 = tpu.memref_slice %arg11[%dma_start3A_53, %dma_start3A_54] : memref<10240x128xf32, #tpu.memory_space<vmem_shared>> -> memref<10240x128xf32, #tpu.memory_space<vmem_shared>>
          tpu.enqueue_indirect_dma source(%arg10 : memref<128x128xf32, #tpu.memory_space<vmem>>) target(%dma_start3A_55 : memref<10240x128xf32, #tpu.memory_space<vmem_shared>>) offsets(%dma_start3A_52 : memref<128xi32, #tpu.memory_space<vmem>>) semaphore(%run_scoped3A : memref<!tpu.dma_semaphore, #tpu.memory_space<semaphore_mem>>) {add = true}
          %dma_wait3A_56 = arith.constant 0 : i32
          %dma_wait3A_57 = tpu.memref_slice %arg9[%scan3A_39, %dma_wait3A_56] : memref<79x128xi32, #tpu.memory_space<vmem>> -> memref<1x128xi32, #tpu.memory_space<vmem>>
          %dma_wait3A_58 = tpu.memref_squeeze %dma_wait3A_57 : memref<1x128xi32, #tpu.memory_space<vmem>> -> memref<128xi32, #tpu.memory_space<vmem>>
          %dma_wait3A_59 = arith.constant 0 : i32
          %dma_wait3A_60 = arith.constant 0 : i32
          %dma_wait3A_61 = tpu.memref_slice %arg11[%dma_wait3A_59, %dma_wait3A_60] : memref<10240x128xf32, #tpu.memory_space<vmem_shared>> -> memref<10240x128xf32, #tpu.memory_space<vmem_shared>>
          tpu.wait_indirect_dma semaphore(%run_scoped3A : memref<!tpu.dma_semaphore, #tpu.memory_space<semaphore_mem>>) src(%arg10 : memref<128x128xf32, #tpu.memory_space<vmem>>) dst(%dma_wait3A_61 : memref<10240x128xf32, #tpu.memory_space<vmem_shared>>)
          tpu.yield
        }) : () -> ()
      }
      %scan3A_38 = arith.constant 79 : i32
    } else {
    }
    %eq3A_17 = arith.constant 1 : i32
    %eq3A_18 = arith.cmpi eq, %arg0, %eq3A_17 : i32
    %convert_element_type3A_19 = arith.extui %eq3A_18 : i1 to i32
    %cond3A_20 = arith.constant 0 : i32
    %cond3A_21 = arith.cmpi ne, %convert_element_type3A_19, %cond3A_20 : i32
    scf.if %cond3A_21 {
      %scan3A_33 = arith.constant 0 : i32
      %scan3A_34 = arith.constant 0 : i32
      %scan3A_35 = arith.constant 79 : i32
      %scan3A_36 = arith.addi %scan3A_34, %scan3A_35 : i32
      %scan3A_37 = arith.constant 1 : i32
      scf.for %scan3A_39 = %scan3A_34 to %scan3A_36 step %scan3A_37  : i32 {
        %dma_start3A = arith.constant 0 : i32
        %dma_start3A_40 = tpu.memref_slice %arg8[%scan3A_39, %dma_start3A] : memref<79x128xi32, #tpu.memory_space<vmem>> -> memref<1x128xi32, #tpu.memory_space<vmem>>
        %dma_start3A_41 = tpu.memref_squeeze %dma_start3A_40 : memref<1x128xi32, #tpu.memory_space<vmem>> -> memref<128xi32, #tpu.memory_space<vmem>>
        %dma_start3A_42 = arith.constant 0 : i32
        %dma_start3A_43 = arith.constant 0 : i32
        %dma_start3A_44 = tpu.memref_slice %arg3[%dma_start3A_42, %dma_start3A_43] : memref<10000x128xf32, #tpu.memory_space<hbm>> -> memref<10000x128xf32, #tpu.memory_space<hbm>>
        tpu.enqueue_indirect_dma source(%dma_start3A_44 : memref<10000x128xf32, #tpu.memory_space<hbm>>) target(%arg10 : memref<128x128xf32, #tpu.memory_space<vmem>>) offsets(%dma_start3A_41 : memref<128xi32, #tpu.memory_space<vmem>>) semaphore(%arg12 : memref<!tpu.dma_semaphore, #tpu.memory_space<semaphore_mem>>)
        %dma_wait3A = arith.constant 0 : i32
        %dma_wait3A_45 = tpu.memref_slice %arg8[%scan3A_39, %dma_wait3A] : memref<79x128xi32, #tpu.memory_space<vmem>> -> memref<1x128xi32, #tpu.memory_space<vmem>>
        %dma_wait3A_46 = tpu.memref_squeeze %dma_wait3A_45 : memref<1x128xi32, #tpu.memory_space<vmem>> -> memref<128xi32, #tpu.memory_space<vmem>>
        %dma_wait3A_47 = arith.constant 0 : i32
        %dma_wait3A_48 = arith.constant 0 : i32
        %dma_wait3A_49 = tpu.memref_slice %arg3[%dma_wait3A_47, %dma_wait3A_48] : memref<10000x128xf32, #tpu.memory_space<hbm>> -> memref<10000x128xf32, #tpu.memory_space<hbm>>
        tpu.wait_indirect_dma semaphore(%arg12 : memref<!tpu.dma_semaphore, #tpu.memory_space<semaphore_mem>>) src(%dma_wait3A_49 : memref<10000x128xf32, #tpu.memory_space<hbm>>) dst(%arg10 : memref<128x128xf32, #tpu.memory_space<vmem>>)
        "tpu.region"() ({
          %run_scoped3A = tpu.sem_alloc : memref<!tpu.dma_semaphore, #tpu.memory_space<semaphore_mem>>
          %dma_start3A_50 = arith.constant 0 : i32
          %dma_start3A_51 = tpu.memref_slice %arg9[%scan3A_39, %dma_start3A_50] : memref<79x128xi32, #tpu.memory_space<vmem>> -> memref<1x128xi32, #tpu.memory_space<vmem>>
          %dma_start3A_52 = tpu.memref_squeeze %dma_start3A_51 : memref<1x128xi32, #tpu.memory_space<vmem>> -> memref<128xi32, #tpu.memory_space<vmem>>
          %dma_start3A_53 = arith.constant 0 : i32
          %dma_start3A_54 = arith.constant 0 : i32
          %dma_start3A_55 = tpu.memref_slice %arg11[%dma_start3A_53, %dma_start3A_54] : memref<10240x128xf32, #tpu.memory_space<vmem_shared>> -> memref<10240x128xf32, #tpu.memory_space<vmem_shared>>
          tpu.enqueue_indirect_dma source(%arg10 : memref<128x128xf32, #tpu.memory_space<vmem>>) target(%dma_start3A_55 : memref<10240x128xf32, #tpu.memory_space<vmem_shared>>) offsets(%dma_start3A_52 : memref<128xi32, #tpu.memory_space<vmem>>) semaphore(%run_scoped3A : memref<!tpu.dma_semaphore, #tpu.memory_space<semaphore_mem>>) {add = true}
          %dma_wait3A_56 = arith.constant 0 : i32
          %dma_wait3A_57 = tpu.memref_slice %arg9[%scan3A_39, %dma_wait3A_56] : memref<79x128xi32, #tpu.memory_space<vmem>> -> memref<1x128xi32, #tpu.memory_space<vmem>>
          %dma_wait3A_58 = tpu.memref_squeeze %dma_wait3A_57 : memref<1x128xi32, #tpu.memory_space<vmem>> -> memref<128xi32, #tpu.memory_space<vmem>>
          %dma_wait3A_59 = arith.constant 0 : i32
          %dma_wait3A_60 = arith.constant 0 : i32
          %dma_wait3A_61 = tpu.memref_slice %arg11[%dma_wait3A_59, %dma_wait3A_60] : memref<10240x128xf32, #tpu.memory_space<vmem_shared>> -> memref<10240x128xf32, #tpu.memory_space<vmem_shared>>
          tpu.wait_indirect_dma semaphore(%run_scoped3A : memref<!tpu.dma_semaphore, #tpu.memory_space<semaphore_mem>>) src(%arg10 : memref<128x128xf32, #tpu.memory_space<vmem>>) dst(%dma_wait3A_61 : memref<10240x128xf32, #tpu.memory_space<vmem_shared>>)
          tpu.yield
        }) : () -> ()
      }
      %scan3A_38 = arith.constant 79 : i32
    } else {
    }
    %barrier3A_22 = arith.constant 0 : index
    tpu.barrier barrier_id(%barrier3A_22)
    %eq3A_23 = arith.constant 0 : i32
    %eq3A_24 = arith.cmpi eq, %arg0, %eq3A_23 : i32
    %convert_element_type3A_25 = arith.extui %eq3A_24 : i1 to i32
    %cond3A_26 = arith.constant 0 : i32
    %cond3A_27 = arith.cmpi ne, %convert_element_type3A_25, %cond3A_26 : i32
    scf.if %cond3A_27 {
      "tpu.region"() ({
        %run_scoped3A = tpu.sem_alloc : memref<!tpu.dma_semaphore, #tpu.memory_space<semaphore_mem>>
        %dma_start3A = arith.constant 0 : i32
        %dma_start3A_33 = tpu.memref_slice %arg6[%mul3A_5, %dma_start3A] : memref<10240x128xf32, #tpu.memory_space<hbm>> -> memref<640x128xf32, #tpu.memory_space<hbm>>
        %dma_start3A_34 = arith.constant 0 : i32
        %dma_start3A_35 = tpu.memref_slice %arg11[%mul3A_5, %dma_start3A_34] : memref<10240x128xf32, #tpu.memory_space<vmem_shared>> -> memref<640x128xf32, #tpu.memory_space<vmem_shared>>
        tpu.enqueue_dma source(%dma_start3A_35 : memref<640x128xf32, #tpu.memory_space<vmem_shared>>) target(%dma_start3A_33 : memref<640x128xf32, #tpu.memory_space<hbm>>) target_semaphore(%run_scoped3A : memref<!tpu.dma_semaphore, #tpu.memory_space<semaphore_mem>>)
        %dma_wait3A = arith.constant 0 : i32
        %dma_wait3A_36 = tpu.memref_slice %arg6[%mul3A_5, %dma_wait3A] : memref<10240x128xf32, #tpu.memory_space<hbm>> -> memref<640x128xf32, #tpu.memory_space<hbm>>
        %dma_wait3A_37 = arith.constant 0 : i32
        %dma_wait3A_38 = tpu.memref_slice %arg11[%mul3A_5, %dma_wait3A_37] : memref<10240x128xf32, #tpu.memory_space<vmem_shared>> -> memref<640x128xf32, #tpu.memory_space<vmem_shared>>
        tpu.wait_dma2 semaphore(%run_scoped3A : memref<!tpu.dma_semaphore, #tpu.memory_space<semaphore_mem>>) src(%dma_wait3A_38 : memref<640x128xf32, #tpu.memory_space<vmem_shared>>) dst(%dma_wait3A_36 : memref<640x128xf32, #tpu.memory_space<hbm>>)
        tpu.yield
      }) : () -> ()
    } else {
    }
    %eq3A_28 = arith.constant 1 : i32
    %eq3A_29 = arith.cmpi eq, %arg0, %eq3A_28 : i32
    %convert_element_type3A_30 = arith.extui %eq3A_29 : i1 to i32
    %cond3A_31 = arith.constant 0 : i32
    %cond3A_32 = arith.cmpi ne, %convert_element_type3A_30, %cond3A_31 : i32
    scf.if %cond3A_32 {
      "tpu.region"() ({
        %run_scoped3A = tpu.sem_alloc : memref<!tpu.dma_semaphore, #tpu.memory_space<semaphore_mem>>
        %dma_start3A = arith.constant 0 : i32
        %dma_start3A_33 = tpu.memref_slice %arg7[%mul3A_5, %dma_start3A] : memref<10240x128xf32, #tpu.memory_space<hbm>> -> memref<640x128xf32, #tpu.memory_space<hbm>>
        %dma_start3A_34 = arith.constant 0 : i32
        %dma_start3A_35 = tpu.memref_slice %arg11[%mul3A_5, %dma_start3A_34] : memref<10240x128xf32, #tpu.memory_space<vmem_shared>> -> memref<640x128xf32, #tpu.memory_space<vmem_shared>>
        tpu.enqueue_dma source(%dma_start3A_35 : memref<640x128xf32, #tpu.memory_space<vmem_shared>>) target(%dma_start3A_33 : memref<640x128xf32, #tpu.memory_space<hbm>>) target_semaphore(%run_scoped3A : memref<!tpu.dma_semaphore, #tpu.memory_space<semaphore_mem>>)
        %dma_wait3A = arith.constant 0 : i32
        %dma_wait3A_36 = tpu.memref_slice %arg7[%mul3A_5, %dma_wait3A] : memref<10240x128xf32, #tpu.memory_space<hbm>> -> memref<640x128xf32, #tpu.memory_space<hbm>>
        %dma_wait3A_37 = arith.constant 0 : i32
        %dma_wait3A_38 = tpu.memref_slice %arg11[%mul3A_5, %dma_wait3A_37] : memref<10240x128xf32, #tpu.memory_space<vmem_shared>> -> memref<640x128xf32, #tpu.memory_space<vmem_shared>>
        tpu.wait_dma2 semaphore(%run_scoped3A : memref<!tpu.dma_semaphore, #tpu.memory_space<semaphore_mem>>) src(%dma_wait3A_38 : memref<640x128xf32, #tpu.memory_space<vmem_shared>>) dst(%dma_wait3A_36 : memref<640x128xf32, #tpu.memory_space<hbm>>)
        tpu.yield
      }) : () -> ()
    } else {
    }
    return
  }
}

#map = affine_map<(d0, d1) -> (0, 0)>
#map1 = affine_map<(d0, d1) -> (0, 0, 0)>
module attributes {stable_mosaic.version = 14 : i64} {
  func.func @_seg_sum(%arg0: i32, %arg1: i32, %arg2: memref<10000x128xf32, #tpu.memory_space<hbm>>, %arg3: memref<10000x128xf32, #tpu.memory_space<hbm>>, %arg4: memref<16x79x128xi32, #tpu.memory_space<hbm>>, %arg5: memref<16x79x128xi32, #tpu.memory_space<hbm>>, %arg6: memref<10240x128xf32, #tpu.memory_space<hbm>>, %arg7: memref<10240x128xf32, #tpu.memory_space<hbm>>, %arg8: memref<79x128xi32, #tpu.memory_space<vmem>>, %arg9: memref<79x128xi32, #tpu.memory_space<vmem>>, %arg10: memref<128x128xf32, #tpu.memory_space<vmem>>, %arg11: memref<10240x128xf32, #tpu.memory_space<vmem_shared>>, %arg12: memref<!tpu.dma_semaphore, #tpu.memory_space<semaphore_mem>>) attributes {dimension_semantics = [#tpu.dimension_semantics<core_parallel>, #tpu.dimension_semantics<subcore_parallel>], iteration_bounds = array<i64: 2, 16>, scalar_prefetch = 0 : i64, scratch_operands = 5 : i64, tpu.core_type = #tpu.core_type<sc_vector_subcore>, window_params = [{transform_indices = #map}, {transform_indices = #map}, {transform_indices = #map1}, {transform_indices = #map1}, {transform_indices = #map}, {transform_indices = #map}]} {
    "tpu.region"() ({
      %run_scoped3A = tpu.sem_alloc : memref<!tpu.dma_semaphore, #tpu.memory_space<semaphore_mem>>
      %dma_start3A = arith.constant 0 : i32
      %dma_start3A_33 = arith.constant 0 : i32
      %dma_start3A_34 = tpu.memref_slice %arg4[%arg1, %dma_start3A, %dma_start3A_33] : memref<16x79x128xi32, #tpu.memory_space<hbm>> -> memref<1x79x128xi32, #tpu.memory_space<hbm>>
      %dma_start3A_35 = tpu.memref_squeeze %dma_start3A_34 : memref<1x79x128xi32, #tpu.memory_space<hbm>> -> memref<79x128xi32, #tpu.memory_space<hbm>>
      %dma_start3A_36 = arith.constant 0 : i32
      %dma_start3A_37 = arith.constant 0 : i32
      %dma_start3A_38 = tpu.memref_slice %arg4[%arg1, %dma_start3A_36, %dma_start3A_37] : memref<16x79x128xi32, #tpu.memory_space<hbm>> -> memref<1x79x128xi32, #tpu.memory_space<hbm>>
      %dma_start3A_39 = tpu.memref_squeeze %dma_start3A_38 : memref<1x79x128xi32, #tpu.memory_space<hbm>> -> memref<79x128xi32, #tpu.memory_space<hbm>>
      tpu.enqueue_dma source(%dma_start3A_39 : memref<79x128xi32, #tpu.memory_space<hbm>>) target(%arg8 : memref<79x128xi32, #tpu.memory_space<vmem>>) target_semaphore(%run_scoped3A : memref<!tpu.dma_semaphore, #tpu.memory_space<semaphore_mem>>)
      %dma_wait3A = arith.constant 0 : i32
      %dma_wait3A_40 = arith.constant 0 : i32
      %dma_wait3A_41 = tpu.memref_slice %arg4[%arg1, %dma_wait3A, %dma_wait3A_40] : memref<16x79x128xi32, #tpu.memory_space<hbm>> -> memref<1x79x128xi32, #tpu.memory_space<hbm>>
      %dma_wait3A_42 = tpu.memref_squeeze %dma_wait3A_41 : memref<1x79x128xi32, #tpu.memory_space<hbm>> -> memref<79x128xi32, #tpu.memory_space<hbm>>
      %dma_wait3A_43 = arith.constant 0 : i32
      %dma_wait3A_44 = arith.constant 0 : i32
      %dma_wait3A_45 = tpu.memref_slice %arg4[%arg1, %dma_wait3A_43, %dma_wait3A_44] : memref<16x79x128xi32, #tpu.memory_space<hbm>> -> memref<1x79x128xi32, #tpu.memory_space<hbm>>
      %dma_wait3A_46 = tpu.memref_squeeze %dma_wait3A_45 : memref<1x79x128xi32, #tpu.memory_space<hbm>> -> memref<79x128xi32, #tpu.memory_space<hbm>>
      tpu.wait_dma2 semaphore(%run_scoped3A : memref<!tpu.dma_semaphore, #tpu.memory_space<semaphore_mem>>) src(%dma_wait3A_46 : memref<79x128xi32, #tpu.memory_space<hbm>>) dst(%arg8 : memref<79x128xi32, #tpu.memory_space<vmem>>)
      tpu.yield
    }) : () -> ()
    "tpu.region"() ({
      %run_scoped3A = tpu.sem_alloc : memref<!tpu.dma_semaphore, #tpu.memory_space<semaphore_mem>>
      %dma_start3A = arith.constant 0 : i32
      %dma_start3A_33 = arith.constant 0 : i32
      %dma_start3A_34 = tpu.memref_slice %arg5[%arg1, %dma_start3A, %dma_start3A_33] : memref<16x79x128xi32, #tpu.memory_space<hbm>> -> memref<1x79x128xi32, #tpu.memory_space<hbm>>
      %dma_start3A_35 = tpu.memref_squeeze %dma_start3A_34 : memref<1x79x128xi32, #tpu.memory_space<hbm>> -> memref<79x128xi32, #tpu.memory_space<hbm>>
      %dma_start3A_36 = arith.constant 0 : i32
      %dma_start3A_37 = arith.constant 0 : i32
      %dma_start3A_38 = tpu.memref_slice %arg5[%arg1, %dma_start3A_36, %dma_start3A_37] : memref<16x79x128xi32, #tpu.memory_space<hbm>> -> memref<1x79x128xi32, #tpu.memory_space<hbm>>
      %dma_start3A_39 = tpu.memref_squeeze %dma_start3A_38 : memref<1x79x128xi32, #tpu.memory_space<hbm>> -> memref<79x128xi32, #tpu.memory_space<hbm>>
      tpu.enqueue_dma source(%dma_start3A_39 : memref<79x128xi32, #tpu.memory_space<hbm>>) target(%arg9 : memref<79x128xi32, #tpu.memory_space<vmem>>) target_semaphore(%run_scoped3A : memref<!tpu.dma_semaphore, #tpu.memory_space<semaphore_mem>>)
      %dma_wait3A = arith.constant 0 : i32
      %dma_wait3A_40 = arith.constant 0 : i32
      %dma_wait3A_41 = tpu.memref_slice %arg5[%arg1, %dma_wait3A, %dma_wait3A_40] : memref<16x79x128xi32, #tpu.memory_space<hbm>> -> memref<1x79x128xi32, #tpu.memory_space<hbm>>
      %dma_wait3A_42 = tpu.memref_squeeze %dma_wait3A_41 : memref<1x79x128xi32, #tpu.memory_space<hbm>> -> memref<79x128xi32, #tpu.memory_space<hbm>>
      %dma_wait3A_43 = arith.constant 0 : i32
      %dma_wait3A_44 = arith.constant 0 : i32
      %dma_wait3A_45 = tpu.memref_slice %arg5[%arg1, %dma_wait3A_43, %dma_wait3A_44] : memref<16x79x128xi32, #tpu.memory_space<hbm>> -> memref<1x79x128xi32, #tpu.memory_space<hbm>>
      %dma_wait3A_46 = tpu.memref_squeeze %dma_wait3A_45 : memref<1x79x128xi32, #tpu.memory_space<hbm>> -> memref<79x128xi32, #tpu.memory_space<hbm>>
      tpu.wait_dma2 semaphore(%run_scoped3A : memref<!tpu.dma_semaphore, #tpu.memory_space<semaphore_mem>>) src(%dma_wait3A_46 : memref<79x128xi32, #tpu.memory_space<hbm>>) dst(%arg9 : memref<79x128xi32, #tpu.memory_space<vmem>>)
      tpu.yield
    }) : () -> ()
    %scan3A = arith.constant 0 : i32
    %scan3A_0 = arith.constant 0 : i32
    %scan3A_1 = arith.constant 1024 : i32
    %scan3A_2 = arith.addi %scan3A_0, %scan3A_1 : i32
    %scan3A_3 = arith.constant 1 : i32
    scf.for %scan3A_33 = %scan3A_0 to %scan3A_2 step %scan3A_3  : i32 {
      %broadcast_in_dim3A = arith.constant 0.000000e+00 : f32
      %broadcast_in_dim3A_34 = vector.broadcast %broadcast_in_dim3A : f32 to vector<16xf32>
      %jit3A = arith.constant 8 : i32
      %div3A = arith.divsi %scan3A_33, %jit3A : i32
      %sign3A = arith.constant 0 : i32
      %sign3A_35 = arith.cmpi sgt, %scan3A_33, %sign3A : i32
      %sign3A_36 = arith.extui %sign3A_35 : i1 to i32
      %sign3A_37 = arith.constant 0 : i32
      %sign3A_38 = arith.cmpi slt, %scan3A_33, %sign3A_37 : i32
      %sign3A_39 = arith.extui %sign3A_38 : i1 to i32
      %sign3A_40 = arith.subi %sign3A_36, %sign3A_39 : i32
      %sign3A_41 = arith.constant 0 : i32
      %sign3A_42 = arith.cmpi sgt, %jit3A, %sign3A_41 : i32
      %sign3A_43 = arith.extui %sign3A_42 : i1 to i32
      %sign3A_44 = arith.constant 0 : i32
      %sign3A_45 = arith.cmpi slt, %jit3A, %sign3A_44 : i32
      %sign3A_46 = arith.extui %sign3A_45 : i1 to i32
      %sign3A_47 = arith.subi %sign3A_43, %sign3A_46 : i32
      %ne3A = arith.cmpi ne, %sign3A_40, %sign3A_47 : i32
      %rem3A = arith.remsi %scan3A_33, %jit3A : i32
      %ne3A_48 = arith.constant 0 : i32
      %ne3A_49 = arith.cmpi ne, %rem3A, %ne3A_48 : i32
      %and3A = arith.andi %ne3A, %ne3A_49 : i1
      %sub3A = arith.constant 1 : i32
      %sub3A_50 = arith.subi %div3A, %sub3A : i32
      %select_n3A = arith.select %and3A, %sub3A_50, %div3A : i32
      %jit3A_51 = arith.constant 8 : i32
      %eq3A_52 = arith.constant 0 : i32
      %eq3A_53 = arith.cmpi eq, %jit3A_51, %eq3A_52 : i32
      %jit3A_54 = arith.constant 1 : i32
      %select_n3A_55 = arith.select %eq3A_53, %jit3A_54, %jit3A_51 : i32
      %rem3A_56 = arith.remsi %scan3A_33, %select_n3A_55 : i32
      %ne3A_57 = arith.constant 0 : i32
      %ne3A_58 = arith.cmpi ne, %rem3A_56, %ne3A_57 : i32
      %lt3A = arith.constant 0 : i32
      %lt3A_59 = arith.cmpi slt, %rem3A_56, %lt3A : i32
      %lt3A_60 = arith.constant 0 : i32
      %lt3A_61 = arith.cmpi slt, %select_n3A_55, %lt3A_60 : i32
      %ne3A_62 = arith.xori %lt3A_59, %lt3A_61 : i1
      %and3A_63 = arith.andi %ne3A_62, %ne3A_58 : i1
      %add3A_64 = arith.addi %rem3A_56, %select_n3A_55 : i32
      %select_n3A_65 = arith.select %and3A_63, %add3A_64, %rem3A_56 : i32
      %mul3A_66 = arith.constant 16 : i32
      %mul3A_67 = arith.muli %select_n3A_65, %mul3A_66 : i32
      %swap3A = arith.index_cast %select_n3A : i32 to index
      %swap3A_68 = arith.index_cast %mul3A_67 : i32 to index
      %swap3A_69 = tpu.vector_load %arg10[%swap3A, %swap3A_68] {strides = array<i32>} : memref<128x128xf32, #tpu.memory_space<vmem>>, vector<1x16xf32>,
      %swap3A_70 = vector.shape_cast %swap3A_69 : vector<1x16xf32> to vector<16xf32>
      %swap3A_71 = vector.shape_cast %broadcast_in_dim3A_34 : vector<16xf32> to vector<1x16xf32>
      tpu.vector_store %arg10[%swap3A, %swap3A_68], %swap3A_71 {strides = array<i32>} : memref<128x128xf32, #tpu.memory_space<vmem>>, vector<1x16xf32>,
    }
    %scan3A_4 = arith.constant 1024 : i32
    %mul3A = arith.constant 640 : i32
    %mul3A_5 = arith.muli %arg1, %mul3A : i32
    %add3A = arith.constant 0 : i32
    %add3A_6 = arith.addi %mul3A_5, %add3A : i32
    "tpu.region"() ({
      %run_scoped3A = tpu.sem_alloc : memref<!tpu.dma_semaphore, #tpu.memory_space<semaphore_mem>>
      %dma_start3A = arith.constant 0 : i32
      %dma_start3A_33 = tpu.memref_slice %arg11[%add3A_6, %dma_start3A] : memref<10240x128xf32, #tpu.memory_space<vmem_shared>> -> memref<128x128xf32, #tpu.memory_space<vmem_shared>>
      %dma_start3A_34 = arith.constant 0 : i32
      %dma_start3A_35 = tpu.memref_slice %arg11[%add3A_6, %dma_start3A_34] : memref<10240x128xf32, #tpu.memory_space<vmem_shared>> -> memref<128x128xf32, #tpu.memory_space<vmem_shared>>
      tpu.enqueue_dma source(%arg10 : memref<128x128xf32, #tpu.memory_space<vmem>>) target(%dma_start3A_35 : memref<128x128xf32, #tpu.memory_space<vmem_shared>>) target_semaphore(%run_scoped3A : memref<!tpu.dma_semaphore, #tpu.memory_space<semaphore_mem>>)
      %dma_wait3A = arith.constant 0 : i32
      %dma_wait3A_36 = tpu.memref_slice %arg11[%add3A_6, %dma_wait3A] : memref<10240x128xf32, #tpu.memory_space<vmem_shared>> -> memref<128x128xf32, #tpu.memory_space<vmem_shared>>
      %dma_wait3A_37 = arith.constant 0 : i32
      %dma_wait3A_38 = tpu.memref_slice %arg11[%add3A_6, %dma_wait3A_37] : memref<10240x128xf32, #tpu.memory_space<vmem_shared>> -> memref<128x128xf32, #tpu.memory_space<vmem_shared>>
      tpu.wait_dma2 semaphore(%run_scoped3A : memref<!tpu.dma_semaphore, #tpu.memory_space<semaphore_mem>>) src(%arg10 : memref<128x128xf32, #tpu.memory_space<vmem>>) dst(%dma_wait3A_38 : memref<128x128xf32, #tpu.memory_space<vmem_shared>>)
      tpu.yield
    }) : () -> ()
    %add3A_7 = arith.constant 128 : i32
    %add3A_8 = arith.addi %mul3A_5, %add3A_7 : i32
    "tpu.region"() ({
      %run_scoped3A = tpu.sem_alloc : memref<!tpu.dma_semaphore, #tpu.memory_space<semaphore_mem>>
      %dma_start3A = arith.constant 0 : i32
      %dma_start3A_33 = tpu.memref_slice %arg11[%add3A_8, %dma_start3A] : memref<10240x128xf32, #tpu.memory_space<vmem_shared>> -> memref<128x128xf32, #tpu.memory_space<vmem_shared>>
      %dma_start3A_34 = arith.constant 0 : i32
      %dma_start3A_35 = tpu.memref_slice %arg11[%add3A_8, %dma_start3A_34] : memref<10240x128xf32, #tpu.memory_space<vmem_shared>> -> memref<128x128xf32, #tpu.memory_space<vmem_shared>>
      tpu.enqueue_dma source(%arg10 : memref<128x128xf32, #tpu.memory_space<vmem>>) target(%dma_start3A_35 : memref<128x128xf32, #tpu.memory_space<vmem_shared>>) target_semaphore(%run_scoped3A : memref<!tpu.dma_semaphore, #tpu.memory_space<semaphore_mem>>)
      %dma_wait3A = arith.constant 0 : i32
      %dma_wait3A_36 = tpu.memref_slice %arg11[%add3A_8, %dma_wait3A] : memref<10240x128xf32, #tpu.memory_space<vmem_shared>> -> memref<128x128xf32, #tpu.memory_space<vmem_shared>>
      %dma_wait3A_37 = arith.constant 0 : i32
      %dma_wait3A_38 = tpu.memref_slice %arg11[%add3A_8, %dma_wait3A_37] : memref<10240x128xf32, #tpu.memory_space<vmem_shared>> -> memref<128x128xf32, #tpu.memory_space<vmem_shared>>
      tpu.wait_dma2 semaphore(%run_scoped3A : memref<!tpu.dma_semaphore, #tpu.memory_space<semaphore_mem>>) src(%arg10 : memref<128x128xf32, #tpu.memory_space<vmem>>) dst(%dma_wait3A_38 : memref<128x128xf32, #tpu.memory_space<vmem_shared>>)
      tpu.yield
    }) : () -> ()
    %add3A_9 = arith.constant 256 : i32
    %add3A_10 = arith.addi %mul3A_5, %add3A_9 : i32
    "tpu.region"() ({
      %run_scoped3A = tpu.sem_alloc : memref<!tpu.dma_semaphore, #tpu.memory_space<semaphore_mem>>
      %dma_start3A = arith.constant 0 : i32
      %dma_start3A_33 = tpu.memref_slice %arg11[%add3A_10, %dma_start3A] : memref<10240x128xf32, #tpu.memory_space<vmem_shared>> -> memref<128x128xf32, #tpu.memory_space<vmem_shared>>
      %dma_start3A_34 = arith.constant 0 : i32
      %dma_start3A_35 = tpu.memref_slice %arg11[%add3A_10, %dma_start3A_34] : memref<10240x128xf32, #tpu.memory_space<vmem_shared>> -> memref<128x128xf32, #tpu.memory_space<vmem_shared>>
      tpu.enqueue_dma source(%arg10 : memref<128x128xf32, #tpu.memory_space<vmem>>) target(%dma_start3A_35 : memref<128x128xf32, #tpu.memory_space<vmem_shared>>) target_semaphore(%run_scoped3A : memref<!tpu.dma_semaphore, #tpu.memory_space<semaphore_mem>>)
      %dma_wait3A = arith.constant 0 : i32
      %dma_wait3A_36 = tpu.memref_slice %arg11[%add3A_10, %dma_wait3A] : memref<10240x128xf32, #tpu.memory_space<vmem_shared>> -> memref<128x128xf32, #tpu.memory_space<vmem_shared>>
      %dma_wait3A_37 = arith.constant 0 : i32
      %dma_wait3A_38 = tpu.memref_slice %arg11[%add3A_10, %dma_wait3A_37] : memref<10240x128xf32, #tpu.memory_space<vmem_shared>> -> memref<128x128xf32, #tpu.memory_space<vmem_shared>>
      tpu.wait_dma2 semaphore(%run_scoped3A : memref<!tpu.dma_semaphore, #tpu.memory_space<semaphore_mem>>) src(%arg10 : memref<128x128xf32, #tpu.memory_space<vmem>>) dst(%dma_wait3A_38 : memref<128x128xf32, #tpu.memory_space<vmem_shared>>)
      tpu.yield
    }) : () -> ()
    %add3A_11 = arith.constant 384 : i32
    %add3A_12 = arith.addi %mul3A_5, %add3A_11 : i32
    "tpu.region"() ({
      %run_scoped3A = tpu.sem_alloc : memref<!tpu.dma_semaphore, #tpu.memory_space<semaphore_mem>>
      %dma_start3A = arith.constant 0 : i32
      %dma_start3A_33 = tpu.memref_slice %arg11[%add3A_12, %dma_start3A] : memref<10240x128xf32, #tpu.memory_space<vmem_shared>> -> memref<128x128xf32, #tpu.memory_space<vmem_shared>>
      %dma_start3A_34 = arith.constant 0 : i32
      %dma_start3A_35 = tpu.memref_slice %arg11[%add3A_12, %dma_start3A_34] : memref<10240x128xf32, #tpu.memory_space<vmem_shared>> -> memref<128x128xf32, #tpu.memory_space<vmem_shared>>
      tpu.enqueue_dma source(%arg10 : memref<128x128xf32, #tpu.memory_space<vmem>>) target(%dma_start3A_35 : memref<128x128xf32, #tpu.memory_space<vmem_shared>>) target_semaphore(%run_scoped3A : memref<!tpu.dma_semaphore, #tpu.memory_space<semaphore_mem>>)
      %dma_wait3A = arith.constant 0 : i32
      %dma_wait3A_36 = tpu.memref_slice %arg11[%add3A_12, %dma_wait3A] : memref<10240x128xf32, #tpu.memory_space<vmem_shared>> -> memref<128x128xf32, #tpu.memory_space<vmem_shared>>
      %dma_wait3A_37 = arith.constant 0 : i32
      %dma_wait3A_38 = tpu.memref_slice %arg11[%add3A_12, %dma_wait3A_37] : memref<10240x128xf32, #tpu.memory_space<vmem_shared>> -> memref<128x128xf32, #tpu.memory_space<vmem_shared>>
      tpu.wait_dma2 semaphore(%run_scoped3A : memref<!tpu.dma_semaphore, #tpu.memory_space<semaphore_mem>>) src(%arg10 : memref<128x128xf32, #tpu.memory_space<vmem>>) dst(%dma_wait3A_38 : memref<128x128xf32, #tpu.memory_space<vmem_shared>>)
      tpu.yield
    }) : () -> ()
    %add3A_13 = arith.constant 512 : i32
    %add3A_14 = arith.addi %mul3A_5, %add3A_13 : i32
    "tpu.region"() ({
      %run_scoped3A = tpu.sem_alloc : memref<!tpu.dma_semaphore, #tpu.memory_space<semaphore_mem>>
      %dma_start3A = arith.constant 0 : i32
      %dma_start3A_33 = tpu.memref_slice %arg11[%add3A_14, %dma_start3A] : memref<10240x128xf32, #tpu.memory_space<vmem_shared>> -> memref<128x128xf32, #tpu.memory_space<vmem_shared>>
      %dma_start3A_34 = arith.constant 0 : i32
      %dma_start3A_35 = tpu.memref_slice %arg11[%add3A_14, %dma_start3A_34] : memref<10240x128xf32, #tpu.memory_space<vmem_shared>> -> memref<128x128xf32, #tpu.memory_space<vmem_shared>>
      tpu.enqueue_dma source(%arg10 : memref<128x128xf32, #tpu.memory_space<vmem>>) target(%dma_start3A_35 : memref<128x128xf32, #tpu.memory_space<vmem_shared>>) target_semaphore(%run_scoped3A : memref<!tpu.dma_semaphore, #tpu.memory_space<semaphore_mem>>)
      %dma_wait3A = arith.constant 0 : i32
      %dma_wait3A_36 = tpu.memref_slice %arg11[%add3A_14, %dma_wait3A] : memref<10240x128xf32, #tpu.memory_space<vmem_shared>> -> memref<128x128xf32, #tpu.memory_space<vmem_shared>>
      %dma_wait3A_37 = arith.constant 0 : i32
      %dma_wait3A_38 = tpu.memref_slice %arg11[%add3A_14, %dma_wait3A_37] : memref<10240x128xf32, #tpu.memory_space<vmem_shared>> -> memref<128x128xf32, #tpu.memory_space<vmem_shared>>
      tpu.wait_dma2 semaphore(%run_scoped3A : memref<!tpu.dma_semaphore, #tpu.memory_space<semaphore_mem>>) src(%arg10 : memref<128x128xf32, #tpu.memory_space<vmem>>) dst(%dma_wait3A_38 : memref<128x128xf32, #tpu.memory_space<vmem_shared>>)
      tpu.yield
    }) : () -> ()
    %barrier3A = arith.constant 0 : index
    tpu.barrier barrier_id(%barrier3A)
    %eq3A = arith.constant 0 : i32
    %eq3A_15 = arith.cmpi eq, %arg0, %eq3A : i32
    %convert_element_type3A = arith.extui %eq3A_15 : i1 to i32
    %cond3A = arith.constant 0 : i32
    %cond3A_16 = arith.cmpi ne, %convert_element_type3A, %cond3A : i32
    scf.if %cond3A_16 {
      %scan3A_33 = arith.constant 0 : i32
      %scan3A_34 = arith.constant 0 : i32
      %scan3A_35 = arith.constant 79 : i32
      %scan3A_36 = arith.addi %scan3A_34, %scan3A_35 : i32
      %scan3A_37 = arith.constant 1 : i32
      scf.for %scan3A_39 = %scan3A_34 to %scan3A_36 step %scan3A_37  : i32 {
        %dma_start3A = arith.constant 0 : i32
        %dma_start3A_40 = tpu.memref_slice %arg8[%scan3A_39, %dma_start3A] : memref<79x128xi32, #tpu.memory_space<vmem>> -> memref<1x128xi32, #tpu.memory_space<vmem>>
        %dma_start3A_41 = tpu.memref_squeeze %dma_start3A_40 : memref<1x128xi32, #tpu.memory_space<vmem>> -> memref<128xi32, #tpu.memory_space<vmem>>
        %dma_start3A_42 = arith.constant 0 : i32
        %dma_start3A_43 = arith.constant 0 : i32
        %dma_start3A_44 = tpu.memref_slice %arg2[%dma_start3A_42, %dma_start3A_43] : memref<10000x128xf32, #tpu.memory_space<hbm>> -> memref<10000x128xf32, #tpu.memory_space<hbm>>
        tpu.enqueue_indirect_dma source(%dma_start3A_44 : memref<10000x128xf32, #tpu.memory_space<hbm>>) target(%arg10 : memref<128x128xf32, #tpu.memory_space<vmem>>) offsets(%dma_start3A_41 : memref<128xi32, #tpu.memory_space<vmem>>) semaphore(%arg12 : memref<!tpu.dma_semaphore, #tpu.memory_space<semaphore_mem>>)
        %dma_wait3A = arith.constant 0 : i32
        %dma_wait3A_45 = tpu.memref_slice %arg8[%scan3A_39, %dma_wait3A] : memref<79x128xi32, #tpu.memory_space<vmem>> -> memref<1x128xi32, #tpu.memory_space<vmem>>
        %dma_wait3A_46 = tpu.memref_squeeze %dma_wait3A_45 : memref<1x128xi32, #tpu.memory_space<vmem>> -> memref<128xi32, #tpu.memory_space<vmem>>
        %dma_wait3A_47 = arith.constant 0 : i32
        %dma_wait3A_48 = arith.constant 0 : i32
        %dma_wait3A_49 = tpu.memref_slice %arg2[%dma_wait3A_47, %dma_wait3A_48] : memref<10000x128xf32, #tpu.memory_space<hbm>> -> memref<10000x128xf32, #tpu.memory_space<hbm>>
        tpu.wait_indirect_dma semaphore(%arg12 : memref<!tpu.dma_semaphore, #tpu.memory_space<semaphore_mem>>) src(%dma_wait3A_49 : memref<10000x128xf32, #tpu.memory_space<hbm>>) dst(%arg10 : memref<128x128xf32, #tpu.memory_space<vmem>>)
        "tpu.region"() ({
          %run_scoped3A = tpu.sem_alloc : memref<!tpu.dma_semaphore, #tpu.memory_space<semaphore_mem>>
          %dma_start3A_50 = arith.constant 0 : i32
          %dma_start3A_51 = tpu.memref_slice %arg9[%scan3A_39, %dma_start3A_50] : memref<79x128xi32, #tpu.memory_space<vmem>> -> memref<1x128xi32, #tpu.memory_space<vmem>>
          %dma_start3A_52 = tpu.memref_squeeze %dma_start3A_51 : memref<1x128xi32, #tpu.memory_space<vmem>> -> memref<128xi32, #tpu.memory_space<vmem>>
          %dma_start3A_53 = arith.constant 0 : i32
          %dma_start3A_54 = arith.constant 0 : i32
          %dma_start3A_55 = tpu.memref_slice %arg11[%dma_start3A_53, %dma_start3A_54] : memref<10240x128xf32, #tpu.memory_space<vmem_shared>> -> memref<10240x128xf32, #tpu.memory_space<vmem_shared>>
          tpu.enqueue_indirect_dma source(%arg10 : memref<128x128xf32, #tpu.memory_space<vmem>>) target(%dma_start3A_55 : memref<10240x128xf32, #tpu.memory_space<vmem_shared>>) offsets(%dma_start3A_52 : memref<128xi32, #tpu.memory_space<vmem>>) semaphore(%run_scoped3A : memref<!tpu.dma_semaphore, #tpu.memory_space<semaphore_mem>>) {add = true}
          %dma_wait3A_56 = arith.constant 0 : i32
          %dma_wait3A_57 = tpu.memref_slice %arg9[%scan3A_39, %dma_wait3A_56] : memref<79x128xi32, #tpu.memory_space<vmem>> -> memref<1x128xi32, #tpu.memory_space<vmem>>
          %dma_wait3A_58 = tpu.memref_squeeze %dma_wait3A_57 : memref<1x128xi32, #tpu.memory_space<vmem>> -> memref<128xi32, #tpu.memory_space<vmem>>
          %dma_wait3A_59 = arith.constant 0 : i32
          %dma_wait3A_60 = arith.constant 0 : i32
          %dma_wait3A_61 = tpu.memref_slice %arg11[%dma_wait3A_59, %dma_wait3A_60] : memref<10240x128xf32, #tpu.memory_space<vmem_shared>> -> memref<10240x128xf32, #tpu.memory_space<vmem_shared>>
          tpu.wait_indirect_dma semaphore(%run_scoped3A : memref<!tpu.dma_semaphore, #tpu.memory_space<semaphore_mem>>) src(%arg10 : memref<128x128xf32, #tpu.memory_space<vmem>>) dst(%dma_wait3A_61 : memref<10240x128xf32, #tpu.memory_space<vmem_shared>>)
          tpu.yield
        }) : () -> ()
      }
      %scan3A_38 = arith.constant 79 : i32
    } else {
    }
    %eq3A_17 = arith.constant 1 : i32
    %eq3A_18 = arith.cmpi eq, %arg0, %eq3A_17 : i32
    %convert_element_type3A_19 = arith.extui %eq3A_18 : i1 to i32
    %cond3A_20 = arith.constant 0 : i32
    %cond3A_21 = arith.cmpi ne, %convert_element_type3A_19, %cond3A_20 : i32
    scf.if %cond3A_21 {
      %scan3A_33 = arith.constant 0 : i32
      %scan3A_34 = arith.constant 0 : i32
      %scan3A_35 = arith.constant 79 : i32
      %scan3A_36 = arith.addi %scan3A_34, %scan3A_35 : i32
      %scan3A_37 = arith.constant 1 : i32
      scf.for %scan3A_39 = %scan3A_34 to %scan3A_36 step %scan3A_37  : i32 {
        %dma_start3A = arith.constant 0 : i32
        %dma_start3A_40 = tpu.memref_slice %arg8[%scan3A_39, %dma_start3A] : memref<79x128xi32, #tpu.memory_space<vmem>> -> memref<1x128xi32, #tpu.memory_space<vmem>>
        %dma_start3A_41 = tpu.memref_squeeze %dma_start3A_40 : memref<1x128xi32, #tpu.memory_space<vmem>> -> memref<128xi32, #tpu.memory_space<vmem>>
        %dma_start3A_42 = arith.constant 0 : i32
        %dma_start3A_43 = arith.constant 0 : i32
        %dma_start3A_44 = tpu.memref_slice %arg3[%dma_start3A_42, %dma_start3A_43] : memref<10000x128xf32, #tpu.memory_space<hbm>> -> memref<10000x128xf32, #tpu.memory_space<hbm>>
        tpu.enqueue_indirect_dma source(%dma_start3A_44 : memref<10000x128xf32, #tpu.memory_space<hbm>>) target(%arg10 : memref<128x128xf32, #tpu.memory_space<vmem>>) offsets(%dma_start3A_41 : memref<128xi32, #tpu.memory_space<vmem>>) semaphore(%arg12 : memref<!tpu.dma_semaphore, #tpu.memory_space<semaphore_mem>>)
        %dma_wait3A = arith.constant 0 : i32
        %dma_wait3A_45 = tpu.memref_slice %arg8[%scan3A_39, %dma_wait3A] : memref<79x128xi32, #tpu.memory_space<vmem>> -> memref<1x128xi32, #tpu.memory_space<vmem>>
        %dma_wait3A_46 = tpu.memref_squeeze %dma_wait3A_45 : memref<1x128xi32, #tpu.memory_space<vmem>> -> memref<128xi32, #tpu.memory_space<vmem>>
        %dma_wait3A_47 = arith.constant 0 : i32
        %dma_wait3A_48 = arith.constant 0 : i32
        %dma_wait3A_49 = tpu.memref_slice %arg3[%dma_wait3A_47, %dma_wait3A_48] : memref<10000x128xf32, #tpu.memory_space<hbm>> -> memref<10000x128xf32, #tpu.memory_space<hbm>>
        tpu.wait_indirect_dma semaphore(%arg12 : memref<!tpu.dma_semaphore, #tpu.memory_space<semaphore_mem>>) src(%dma_wait3A_49 : memref<10000x128xf32, #tpu.memory_space<hbm>>) dst(%arg10 : memref<128x128xf32, #tpu.memory_space<vmem>>)
        "tpu.region"() ({
          %run_scoped3A = tpu.sem_alloc : memref<!tpu.dma_semaphore, #tpu.memory_space<semaphore_mem>>
          %dma_start3A_50 = arith.constant 0 : i32
          %dma_start3A_51 = tpu.memref_slice %arg9[%scan3A_39, %dma_start3A_50] : memref<79x128xi32, #tpu.memory_space<vmem>> -> memref<1x128xi32, #tpu.memory_space<vmem>>
          %dma_start3A_52 = tpu.memref_squeeze %dma_start3A_51 : memref<1x128xi32, #tpu.memory_space<vmem>> -> memref<128xi32, #tpu.memory_space<vmem>>
          %dma_start3A_53 = arith.constant 0 : i32
          %dma_start3A_54 = arith.constant 0 : i32
          %dma_start3A_55 = tpu.memref_slice %arg11[%dma_start3A_53, %dma_start3A_54] : memref<10240x128xf32, #tpu.memory_space<vmem_shared>> -> memref<10240x128xf32, #tpu.memory_space<vmem_shared>>
          tpu.enqueue_indirect_dma source(%arg10 : memref<128x128xf32, #tpu.memory_space<vmem>>) target(%dma_start3A_55 : memref<10240x128xf32, #tpu.memory_space<vmem_shared>>) offsets(%dma_start3A_52 : memref<128xi32, #tpu.memory_space<vmem>>) semaphore(%run_scoped3A : memref<!tpu.dma_semaphore, #tpu.memory_space<semaphore_mem>>) {add = true}
          %dma_wait3A_56 = arith.constant 0 : i32
          %dma_wait3A_57 = tpu.memref_slice %arg9[%scan3A_39, %dma_wait3A_56] : memref<79x128xi32, #tpu.memory_space<vmem>> -> memref<1x128xi32, #tpu.memory_space<vmem>>
          %dma_wait3A_58 = tpu.memref_squeeze %dma_wait3A_57 : memref<1x128xi32, #tpu.memory_space<vmem>> -> memref<128xi32, #tpu.memory_space<vmem>>
          %dma_wait3A_59 = arith.constant 0 : i32
          %dma_wait3A_60 = arith.constant 0 : i32
          %dma_wait3A_61 = tpu.memref_slice %arg11[%dma_wait3A_59, %dma_wait3A_60] : memref<10240x128xf32, #tpu.memory_space<vmem_shared>> -> memref<10240x128xf32, #tpu.memory_space<vmem_shared>>
          tpu.wait_indirect_dma semaphore(%run_scoped3A : memref<!tpu.dma_semaphore, #tpu.memory_space<semaphore_mem>>) src(%arg10 : memref<128x128xf32, #tpu.memory_space<vmem>>) dst(%dma_wait3A_61 : memref<10240x128xf32, #tpu.memory_space<vmem_shared>>)
          tpu.yield
        }) : () -> ()
      }
      %scan3A_38 = arith.constant 79 : i32
    } else {
    }
    %barrier3A_22 = arith.constant 0 : index
    tpu.barrier barrier_id(%barrier3A_22)
    %eq3A_23 = arith.constant 0 : i32
    %eq3A_24 = arith.cmpi eq, %arg0, %eq3A_23 : i32
    %convert_element_type3A_25 = arith.extui %eq3A_24 : i1 to i32
    %cond3A_26 = arith.constant 0 : i32
    %cond3A_27 = arith.cmpi ne, %convert_element_type3A_25, %cond3A_26 : i32
    scf.if %cond3A_27 {
      "tpu.region"() ({
        %run_scoped3A = tpu.sem_alloc : memref<!tpu.dma_semaphore, #tpu.memory_space<semaphore_mem>>
        %dma_start3A = arith.constant 0 : i32
        %dma_start3A_33 = tpu.memref_slice %arg6[%mul3A_5, %dma_start3A] : memref<10240x128xf32, #tpu.memory_space<hbm>> -> memref<640x128xf32, #tpu.memory_space<hbm>>
        %dma_start3A_34 = arith.constant 0 : i32
        %dma_start3A_35 = tpu.memref_slice %arg11[%mul3A_5, %dma_start3A_34] : memref<10240x128xf32, #tpu.memory_space<vmem_shared>> -> memref<640x128xf32, #tpu.memory_space<vmem_shared>>
        tpu.enqueue_dma source(%dma_start3A_35 : memref<640x128xf32, #tpu.memory_space<vmem_shared>>) target(%dma_start3A_33 : memref<640x128xf32, #tpu.memory_space<hbm>>) target_semaphore(%run_scoped3A : memref<!tpu.dma_semaphore, #tpu.memory_space<semaphore_mem>>)
        %dma_wait3A = arith.constant 0 : i32
        %dma_wait3A_36 = tpu.memref_slice %arg6[%mul3A_5, %dma_wait3A] : memref<10240x128xf32, #tpu.memory_space<hbm>> -> memref<640x128xf32, #tpu.memory_space<hbm>>
        %dma_wait3A_37 = arith.constant 0 : i32
        %dma_wait3A_38 = tpu.memref_slice %arg11[%mul3A_5, %dma_wait3A_37] : memref<10240x128xf32, #tpu.memory_space<vmem_shared>> -> memref<640x128xf32, #tpu.memory_space<vmem_shared>>
        tpu.wait_dma2 semaphore(%run_scoped3A : memref<!tpu.dma_semaphore, #tpu.memory_space<semaphore_mem>>) src(%dma_wait3A_38 : memref<640x128xf32, #tpu.memory_space<vmem_shared>>) dst(%dma_wait3A_36 : memref<640x128xf32, #tpu.memory_space<hbm>>)
        tpu.yield
      }) : () -> ()
    } else {
    }
    %eq3A_28 = arith.constant 1 : i32
    %eq3A_29 = arith.cmpi eq, %arg0, %eq3A_28 : i32
    %convert_element_type3A_30 = arith.extui %eq3A_29 : i1 to i32
    %cond3A_31 = arith.constant 0 : i32
    %cond3A_32 = arith.cmpi ne, %convert_element_type3A_30, %cond3A_31 : i32
    scf.if %cond3A_32 {
      "tpu.region"() ({
        %run_scoped3A = tpu.sem_alloc : memref<!tpu.dma_semaphore, #tpu.memory_space<semaphore_mem>>
        %dma_start3A = arith.constant 0 : i32
        %dma_start3A_33 = tpu.memref_slice %arg7[%mul3A_5, %dma_start3A] : memref<10240x128xf32, #tpu.memory_space<hbm>> -> memref<640x128xf32, #tpu.memory_space<hbm>>
        %dma_start3A_34 = arith.constant 0 : i32
        %dma_start3A_35 = tpu.memref_slice %arg11[%mul3A_5, %dma_start3A_34] : memref<10240x128xf32, #tpu.memory_space<vmem_shared>> -> memref<640x128xf32, #tpu.memory_space<vmem_shared>>
        tpu.enqueue_dma source(%dma_start3A_35 : memref<640x128xf32, #tpu.memory_space<vmem_shared>>) target(%dma_start3A_33 : memref<640x128xf32, #tpu.memory_space<hbm>>) target_semaphore(%run_scoped3A : memref<!tpu.dma_semaphore, #tpu.memory_space<semaphore_mem>>)
        %dma_wait3A = arith.constant 0 : i32
        %dma_wait3A_36 = tpu.memref_slice %arg7[%mul3A_5, %dma_wait3A] : memref<10240x128xf32, #tpu.memory_space<hbm>> -> memref<640x128xf32, #tpu.memory_space<hbm>>
        %dma_wait3A_37 = arith.constant 0 : i32
        %dma_wait3A_38 = tpu.memref_slice %arg11[%mul3A_5, %dma_wait3A_37] : memref<10240x128xf32, #tpu.memory_space<vmem_shared>> -> memref<640x128xf32, #tpu.memory_space<vmem_shared>>
        tpu.wait_dma2 semaphore(%run_scoped3A : memref<!tpu.dma_semaphore, #tpu.memory_space<semaphore_mem>>) src(%dma_wait3A_38 : memref<640x128xf32, #tpu.memory_space<vmem_shared>>) dst(%dma_wait3A_36 : memref<640x128xf32, #tpu.memory_space<hbm>>)
        tpu.yield
      }) : () -> ()
    } else {
    }
    return
  }
}

#map = affine_map<(d0, d1) -> (0, 0, 0)>
#map1 = affine_map<(d0, d1) -> (0, 0)>
module attributes {stable_mosaic.version = 14 : i64} {
  func.func @_deg_count(%arg0: i32, %arg1: i32, %arg2: memref<16x79x128xi32, #tpu.memory_space<hbm>>, %arg3: memref<10240x128xf32, #tpu.memory_space<hbm>>, %arg4: memref<79x128xi32, #tpu.memory_space<vmem>>, %arg5: memref<128x128xf32, #tpu.memory_space<vmem>>, %arg6: memref<128x128xf32, #tpu.memory_space<vmem>>, %arg7: memref<10240x128xf32, #tpu.memory_space<vmem_shared>>, %arg8: memref<!tpu.dma_semaphore, #tpu.memory_space<semaphore_mem>>) attributes {dimension_semantics = [#tpu.dimension_semantics<core_parallel>, #tpu.dimension_semantics<subcore_parallel>], iteration_bounds = array<i64: 2, 16>, scalar_prefetch = 0 : i64, scratch_operands = 5 : i64, tpu.core_type = #tpu.core_type<sc_vector_subcore>, window_params = [{transform_indices = #map}, {transform_indices = #map1}]} {
    %eq3A = arith.constant 0 : i32
    %eq3A_0 = arith.cmpi eq, %arg0, %eq3A : i32
    %convert_element_type3A = arith.extui %eq3A_0 : i1 to i32
    %cond3A = arith.constant 0 : i32
    %cond3A_1 = arith.cmpi ne, %convert_element_type3A, %cond3A : i32
    scf.if %cond3A_1 {
      "tpu.region"() ({
        %run_scoped3A = tpu.sem_alloc : memref<!tpu.dma_semaphore, #tpu.memory_space<semaphore_mem>>
        %dma_start3A = arith.constant 0 : i32
        %dma_start3A_24 = arith.constant 0 : i32
        %dma_start3A_25 = tpu.memref_slice %arg2[%arg1, %dma_start3A, %dma_start3A_24] : memref<16x79x128xi32, #tpu.memory_space<hbm>> -> memref<1x79x128xi32, #tpu.memory_space<hbm>>
        %dma_start3A_26 = tpu.memref_squeeze %dma_start3A_25 : memref<1x79x128xi32, #tpu.memory_space<hbm>> -> memref<79x128xi32, #tpu.memory_space<hbm>>
        %dma_start3A_27 = arith.constant 0 : i32
        %dma_start3A_28 = arith.constant 0 : i32
        %dma_start3A_29 = tpu.memref_slice %arg2[%arg1, %dma_start3A_27, %dma_start3A_28] : memref<16x79x128xi32, #tpu.memory_space<hbm>> -> memref<1x79x128xi32, #tpu.memory_space<hbm>>
        %dma_start3A_30 = tpu.memref_squeeze %dma_start3A_29 : memref<1x79x128xi32, #tpu.memory_space<hbm>> -> memref<79x128xi32, #tpu.memory_space<hbm>>
        tpu.enqueue_dma source(%dma_start3A_30 : memref<79x128xi32, #tpu.memory_space<hbm>>) target(%arg4 : memref<79x128xi32, #tpu.memory_space<vmem>>) target_semaphore(%run_scoped3A : memref<!tpu.dma_semaphore, #tpu.memory_space<semaphore_mem>>)
        %dma_wait3A = arith.constant 0 : i32
        %dma_wait3A_31 = arith.constant 0 : i32
        %dma_wait3A_32 = tpu.memref_slice %arg2[%arg1, %dma_wait3A, %dma_wait3A_31] : memref<16x79x128xi32, #tpu.memory_space<hbm>> -> memref<1x79x128xi32, #tpu.memory_space<hbm>>
        %dma_wait3A_33 = tpu.memref_squeeze %dma_wait3A_32 : memref<1x79x128xi32, #tpu.memory_space<hbm>> -> memref<79x128xi32, #tpu.memory_space<hbm>>
        %dma_wait3A_34 = arith.constant 0 : i32
        %dma_wait3A_35 = arith.constant 0 : i32
        %dma_wait3A_36 = tpu.memref_slice %arg2[%arg1, %dma_wait3A_34, %dma_wait3A_35] : memref<16x79x128xi32, #tpu.memory_space<hbm>> -> memref<1x79x128xi32, #tpu.memory_space<hbm>>
        %dma_wait3A_37 = tpu.memref_squeeze %dma_wait3A_36 : memref<1x79x128xi32, #tpu.memory_space<hbm>> -> memref<79x128xi32, #tpu.memory_space<hbm>>
        tpu.wait_dma2 semaphore(%run_scoped3A : memref<!tpu.dma_semaphore, #tpu.memory_space<semaphore_mem>>) src(%dma_wait3A_37 : memref<79x128xi32, #tpu.memory_space<hbm>>) dst(%arg4 : memref<79x128xi32, #tpu.memory_space<vmem>>)
        tpu.yield
      }) : () -> ()
      %scan3A = arith.constant 0 : i32
      %scan3A_2 = arith.constant 0 : i32
      %scan3A_3 = arith.constant 1024 : i32
      %scan3A_4 = arith.addi %scan3A_2, %scan3A_3 : i32
      %scan3A_5 = arith.constant 1 : i32
      scf.for %scan3A_24 = %scan3A_2 to %scan3A_4 step %scan3A_5  : i32 {
        %broadcast_in_dim3A = arith.constant 0.000000e+00 : f32
        %broadcast_in_dim3A_25 = vector.broadcast %broadcast_in_dim3A : f32 to vector<16xf32>
        %jit3A = arith.constant 8 : i32
        %div3A = arith.divsi %scan3A_24, %jit3A : i32
        %sign3A = arith.constant 0 : i32
        %sign3A_26 = arith.cmpi sgt, %scan3A_24, %sign3A : i32
        %sign3A_27 = arith.extui %sign3A_26 : i1 to i32
        %sign3A_28 = arith.constant 0 : i32
        %sign3A_29 = arith.cmpi slt, %scan3A_24, %sign3A_28 : i32
        %sign3A_30 = arith.extui %sign3A_29 : i1 to i32
        %sign3A_31 = arith.subi %sign3A_27, %sign3A_30 : i32
        %sign3A_32 = arith.constant 0 : i32
        %sign3A_33 = arith.cmpi sgt, %jit3A, %sign3A_32 : i32
        %sign3A_34 = arith.extui %sign3A_33 : i1 to i32
        %sign3A_35 = arith.constant 0 : i32
        %sign3A_36 = arith.cmpi slt, %jit3A, %sign3A_35 : i32
        %sign3A_37 = arith.extui %sign3A_36 : i1 to i32
        %sign3A_38 = arith.subi %sign3A_34, %sign3A_37 : i32
        %ne3A = arith.cmpi ne, %sign3A_31, %sign3A_38 : i32
        %rem3A = arith.remsi %scan3A_24, %jit3A : i32
        %ne3A_39 = arith.constant 0 : i32
        %ne3A_40 = arith.cmpi ne, %rem3A, %ne3A_39 : i32
        %and3A = arith.andi %ne3A, %ne3A_40 : i1
        %sub3A = arith.constant 1 : i32
        %sub3A_41 = arith.subi %div3A, %sub3A : i32
        %select_n3A = arith.select %and3A, %sub3A_41, %div3A : i32
        %jit3A_42 = arith.constant 8 : i32
        %eq3A_43 = arith.constant 0 : i32
        %eq3A_44 = arith.cmpi eq, %jit3A_42, %eq3A_43 : i32
        %jit3A_45 = arith.constant 1 : i32
        %select_n3A_46 = arith.select %eq3A_44, %jit3A_45, %jit3A_42 : i32
        %rem3A_47 = arith.remsi %scan3A_24, %select_n3A_46 : i32
        %ne3A_48 = arith.constant 0 : i32
        %ne3A_49 = arith.cmpi ne, %rem3A_47, %ne3A_48 : i32
        %lt3A = arith.constant 0 : i32
        %lt3A_50 = arith.cmpi slt, %rem3A_47, %lt3A : i32
        %lt3A_51 = arith.constant 0 : i32
        %lt3A_52 = arith.cmpi slt, %select_n3A_46, %lt3A_51 : i32
        %ne3A_53 = arith.xori %lt3A_50, %lt3A_52 : i1
        %and3A_54 = arith.andi %ne3A_53, %ne3A_49 : i1
        %add3A_55 = arith.addi %rem3A_47, %select_n3A_46 : i32
        %select_n3A_56 = arith.select %and3A_54, %add3A_55, %rem3A_47 : i32
        %mul3A_57 = arith.constant 16 : i32
        %mul3A_58 = arith.muli %select_n3A_56, %mul3A_57 : i32
        %swap3A = arith.index_cast %select_n3A : i32 to index
        %swap3A_59 = arith.index_cast %mul3A_58 : i32 to index
        %swap3A_60 = tpu.vector_load %arg5[%swap3A, %swap3A_59] {strides = array<i32>} : memref<128x128xf32, #tpu.memory_space<vmem>>, vector<1x16xf32>,
        %swap3A_61 = vector.shape_cast %swap3A_60 : vector<1x16xf32> to vector<16xf32>
        %swap3A_62 = vector.shape_cast %broadcast_in_dim3A_25 : vector<16xf32> to vector<1x16xf32>
        tpu.vector_store %arg5[%swap3A, %swap3A_59], %swap3A_62 {strides = array<i32>} : memref<128x128xf32, #tpu.memory_space<vmem>>, vector<1x16xf32>,
        %broadcast_in_dim3A_63 = arith.constant 1.000000e+00 : f32
        %broadcast_in_dim3A_64 = vector.broadcast %broadcast_in_dim3A_63 : f32 to vector<16xf32>
        %jit3A_65 = arith.constant 8 : i32
        %div3A_66 = arith.divsi %scan3A_24, %jit3A_65 : i32
        %sign3A_67 = arith.constant 0 : i32
        %sign3A_68 = arith.cmpi sgt, %scan3A_24, %sign3A_67 : i32
        %sign3A_69 = arith.extui %sign3A_68 : i1 to i32
        %sign3A_70 = arith.constant 0 : i32
        %sign3A_71 = arith.cmpi slt, %scan3A_24, %sign3A_70 : i32
        %sign3A_72 = arith.extui %sign3A_71 : i1 to i32
        %sign3A_73 = arith.subi %sign3A_69, %sign3A_72 : i32
        %sign3A_74 = arith.constant 0 : i32
        %sign3A_75 = arith.cmpi sgt, %jit3A_65, %sign3A_74 : i32
        %sign3A_76 = arith.extui %sign3A_75 : i1 to i32
        %sign3A_77 = arith.constant 0 : i32
        %sign3A_78 = arith.cmpi slt, %jit3A_65, %sign3A_77 : i32
        %sign3A_79 = arith.extui %sign3A_78 : i1 to i32
        %sign3A_80 = arith.subi %sign3A_76, %sign3A_79 : i32
        %ne3A_81 = arith.cmpi ne, %sign3A_73, %sign3A_80 : i32
        %rem3A_82 = arith.remsi %scan3A_24, %jit3A_65 : i32
        %ne3A_83 = arith.constant 0 : i32
        %ne3A_84 = arith.cmpi ne, %rem3A_82, %ne3A_83 : i32
        %and3A_85 = arith.andi %ne3A_81, %ne3A_84 : i1
        %sub3A_86 = arith.constant 1 : i32
        %sub3A_87 = arith.subi %div3A_66, %sub3A_86 : i32
        %select_n3A_88 = arith.select %and3A_85, %sub3A_87, %div3A_66 : i32
        %jit3A_89 = arith.constant 8 : i32
        %eq3A_90 = arith.constant 0 : i32
        %eq3A_91 = arith.cmpi eq, %jit3A_89, %eq3A_90 : i32
        %jit3A_92 = arith.constant 1 : i32
        %select_n3A_93 = arith.select %eq3A_91, %jit3A_92, %jit3A_89 : i32
        %rem3A_94 = arith.remsi %scan3A_24, %select_n3A_93 : i32
        %ne3A_95 = arith.constant 0 : i32
        %ne3A_96 = arith.cmpi ne, %rem3A_94, %ne3A_95 : i32
        %lt3A_97 = arith.constant 0 : i32
        %lt3A_98 = arith.cmpi slt, %rem3A_94, %lt3A_97 : i32
        %lt3A_99 = arith.constant 0 : i32
        %lt3A_100 = arith.cmpi slt, %select_n3A_93, %lt3A_99 : i32
        %ne3A_101 = arith.xori %lt3A_98, %lt3A_100 : i1
        %and3A_102 = arith.andi %ne3A_101, %ne3A_96 : i1
        %add3A_103 = arith.addi %rem3A_94, %select_n3A_93 : i32
        %select_n3A_104 = arith.select %and3A_102, %add3A_103, %rem3A_94 : i32
        %mul3A_105 = arith.constant 16 : i32
        %mul3A_106 = arith.muli %select_n3A_104, %mul3A_105 : i32
        %swap3A_107 = arith.index_cast %select_n3A_88 : i32 to index
        %swap3A_108 = arith.index_cast %mul3A_106 : i32 to index
        %swap3A_109 = tpu.vector_load %arg6[%swap3A_107, %swap3A_108] {strides = array<i32>} : memref<128x128xf32, #tpu.memory_space<vmem>>, vector<1x16xf32>,
        %swap3A_110 = vector.shape_cast %swap3A_109 : vector<1x16xf32> to vector<16xf32>
        %swap3A_111 = vector.shape_cast %broadcast_in_dim3A_64 : vector<16xf32> to vector<1x16xf32>
        tpu.vector_store %arg6[%swap3A_107, %swap3A_108], %swap3A_111 {strides = array<i32>} : memref<128x128xf32, #tpu.memory_space<vmem>>, vector<1x16xf32>,
      }
      %scan3A_6 = arith.constant 1024 : i32
      %mul3A = arith.constant 640 : i32
      %mul3A_7 = arith.muli %arg1, %mul3A : i32
      %add3A = arith.constant 0 : i32
      %add3A_8 = arith.addi %mul3A_7, %add3A : i32
      "tpu.region"() ({
        %run_scoped3A = tpu.sem_alloc : memref<!tpu.dma_semaphore, #tpu.memory_space<semaphore_mem>>
        %dma_start3A = arith.constant 0 : i32
        %dma_start3A_24 = tpu.memref_slice %arg7[%add3A_8, %dma_start3A] : memref<10240x128xf32, #tpu.memory_space<vmem_shared>> -> memref<128x128xf32, #tpu.memory_space<vmem_shared>>
        %dma_start3A_25 = arith.constant 0 : i32
        %dma_start3A_26 = tpu.memref_slice %arg7[%add3A_8, %dma_start3A_25] : memref<10240x128xf32, #tpu.memory_space<vmem_shared>> -> memref<128x128xf32, #tpu.memory_space<vmem_shared>>
        tpu.enqueue_dma source(%arg5 : memref<128x128xf32, #tpu.memory_space<vmem>>) target(%dma_start3A_26 : memref<128x128xf32, #tpu.memory_space<vmem_shared>>) target_semaphore(%run_scoped3A : memref<!tpu.dma_semaphore, #tpu.memory_space<semaphore_mem>>)
        %dma_wait3A = arith.constant 0 : i32
        %dma_wait3A_27 = tpu.memref_slice %arg7[%add3A_8, %dma_wait3A] : memref<10240x128xf32, #tpu.memory_space<vmem_shared>> -> memref<128x128xf32, #tpu.memory_space<vmem_shared>>
        %dma_wait3A_28 = arith.constant 0 : i32
        %dma_wait3A_29 = tpu.memref_slice %arg7[%add3A_8, %dma_wait3A_28] : memref<10240x128xf32, #tpu.memory_space<vmem_shared>> -> memref<128x128xf32, #tpu.memory_space<vmem_shared>>
        tpu.wait_dma2 semaphore(%run_scoped3A : memref<!tpu.dma_semaphore, #tpu.memory_space<semaphore_mem>>) src(%arg5 : memref<128x128xf32, #tpu.memory_space<vmem>>) dst(%dma_wait3A_29 : memref<128x128xf32, #tpu.memory_space<vmem_shared>>)
        tpu.yield
      }) : () -> ()
      %add3A_9 = arith.constant 128 : i32
      %add3A_10 = arith.addi %mul3A_7, %add3A_9 : i32
      "tpu.region"() ({
        %run_scoped3A = tpu.sem_alloc : memref<!tpu.dma_semaphore, #tpu.memory_space<semaphore_mem>>
        %dma_start3A = arith.constant 0 : i32
        %dma_start3A_24 = tpu.memref_slice %arg7[%add3A_10, %dma_start3A] : memref<10240x128xf32, #tpu.memory_space<vmem_shared>> -> memref<128x128xf32, #tpu.memory_space<vmem_shared>>
        %dma_start3A_25 = arith.constant 0 : i32
        %dma_start3A_26 = tpu.memref_slice %arg7[%add3A_10, %dma_start3A_25] : memref<10240x128xf32, #tpu.memory_space<vmem_shared>> -> memref<128x128xf32, #tpu.memory_space<vmem_shared>>
        tpu.enqueue_dma source(%arg5 : memref<128x128xf32, #tpu.memory_space<vmem>>) target(%dma_start3A_26 : memref<128x128xf32, #tpu.memory_space<vmem_shared>>) target_semaphore(%run_scoped3A : memref<!tpu.dma_semaphore, #tpu.memory_space<semaphore_mem>>)
        %dma_wait3A = arith.constant 0 : i32
        %dma_wait3A_27 = tpu.memref_slice %arg7[%add3A_10, %dma_wait3A] : memref<10240x128xf32, #tpu.memory_space<vmem_shared>> -> memref<128x128xf32, #tpu.memory_space<vmem_shared>>
        %dma_wait3A_28 = arith.constant 0 : i32
        %dma_wait3A_29 = tpu.memref_slice %arg7[%add3A_10, %dma_wait3A_28] : memref<10240x128xf32, #tpu.memory_space<vmem_shared>> -> memref<128x128xf32, #tpu.memory_space<vmem_shared>>
        tpu.wait_dma2 semaphore(%run_scoped3A : memref<!tpu.dma_semaphore, #tpu.memory_space<semaphore_mem>>) src(%arg5 : memref<128x128xf32, #tpu.memory_space<vmem>>) dst(%dma_wait3A_29 : memref<128x128xf32, #tpu.memory_space<vmem_shared>>)
        tpu.yield
      }) : () -> ()
      %add3A_11 = arith.constant 256 : i32
      %add3A_12 = arith.addi %mul3A_7, %add3A_11 : i32
      "tpu.region"() ({
        %run_scoped3A = tpu.sem_alloc : memref<!tpu.dma_semaphore, #tpu.memory_space<semaphore_mem>>
        %dma_start3A = arith.constant 0 : i32
        %dma_start3A_24 = tpu.memref_slice %arg7[%add3A_12, %dma_start3A] : memref<10240x128xf32, #tpu.memory_space<vmem_shared>> -> memref<128x128xf32, #tpu.memory_space<vmem_shared>>
        %dma_start3A_25 = arith.constant 0 : i32
        %dma_start3A_26 = tpu.memref_slice %arg7[%add3A_12, %dma_start3A_25] : memref<10240x128xf32, #tpu.memory_space<vmem_shared>> -> memref<128x128xf32, #tpu.memory_space<vmem_shared>>
        tpu.enqueue_dma source(%arg5 : memref<128x128xf32, #tpu.memory_space<vmem>>) target(%dma_start3A_26 : memref<128x128xf32, #tpu.memory_space<vmem_shared>>) target_semaphore(%run_scoped3A : memref<!tpu.dma_semaphore, #tpu.memory_space<semaphore_mem>>)
        %dma_wait3A = arith.constant 0 : i32
        %dma_wait3A_27 = tpu.memref_slice %arg7[%add3A_12, %dma_wait3A] : memref<10240x128xf32, #tpu.memory_space<vmem_shared>> -> memref<128x128xf32, #tpu.memory_space<vmem_shared>>
        %dma_wait3A_28 = arith.constant 0 : i32
        %dma_wait3A_29 = tpu.memref_slice %arg7[%add3A_12, %dma_wait3A_28] : memref<10240x128xf32, #tpu.memory_space<vmem_shared>> -> memref<128x128xf32, #tpu.memory_space<vmem_shared>>
        tpu.wait_dma2 semaphore(%run_scoped3A : memref<!tpu.dma_semaphore, #tpu.memory_space<semaphore_mem>>) src(%arg5 : memref<128x128xf32, #tpu.memory_space<vmem>>) dst(%dma_wait3A_29 : memref<128x128xf32, #tpu.memory_space<vmem_shared>>)
        tpu.yield
      }) : () -> ()
      %add3A_13 = arith.constant 384 : i32
      %add3A_14 = arith.addi %mul3A_7, %add3A_13 : i32
      "tpu.region"() ({
        %run_scoped3A = tpu.sem_alloc : memref<!tpu.dma_semaphore, #tpu.memory_space<semaphore_mem>>
        %dma_start3A = arith.constant 0 : i32
        %dma_start3A_24 = tpu.memref_slice %arg7[%add3A_14, %dma_start3A] : memref<10240x128xf32, #tpu.memory_space<vmem_shared>> -> memref<128x128xf32, #tpu.memory_space<vmem_shared>>
        %dma_start3A_25 = arith.constant 0 : i32
        %dma_start3A_26 = tpu.memref_slice %arg7[%add3A_14, %dma_start3A_25] : memref<10240x128xf32, #tpu.memory_space<vmem_shared>> -> memref<128x128xf32, #tpu.memory_space<vmem_shared>>
        tpu.enqueue_dma source(%arg5 : memref<128x128xf32, #tpu.memory_space<vmem>>) target(%dma_start3A_26 : memref<128x128xf32, #tpu.memory_space<vmem_shared>>) target_semaphore(%run_scoped3A : memref<!tpu.dma_semaphore, #tpu.memory_space<semaphore_mem>>)
        %dma_wait3A = arith.constant 0 : i32
        %dma_wait3A_27 = tpu.memref_slice %arg7[%add3A_14, %dma_wait3A] : memref<10240x128xf32, #tpu.memory_space<vmem_shared>> -> memref<128x128xf32, #tpu.memory_space<vmem_shared>>
        %dma_wait3A_28 = arith.constant 0 : i32
        %dma_wait3A_29 = tpu.memref_slice %arg7[%add3A_14, %dma_wait3A_28] : memref<10240x128xf32, #tpu.memory_space<vmem_shared>> -> memref<128x128xf32, #tpu.memory_space<vmem_shared>>
        tpu.wait_dma2 semaphore(%run_scoped3A : memref<!tpu.dma_semaphore, #tpu.memory_space<semaphore_mem>>) src(%arg5 : memref<128x128xf32, #tpu.memory_space<vmem>>) dst(%dma_wait3A_29 : memref<128x128xf32, #tpu.memory_space<vmem_shared>>)
        tpu.yield
      }) : () -> ()
      %add3A_15 = arith.constant 512 : i32
      %add3A_16 = arith.addi %mul3A_7, %add3A_15 : i32
      "tpu.region"() ({
        %run_scoped3A = tpu.sem_alloc : memref<!tpu.dma_semaphore, #tpu.memory_space<semaphore_mem>>
        %dma_start3A = arith.constant 0 : i32
        %dma_start3A_24 = tpu.memref_slice %arg7[%add3A_16, %dma_start3A] : memref<10240x128xf32, #tpu.memory_space<vmem_shared>> -> memref<128x128xf32, #tpu.memory_space<vmem_shared>>
        %dma_start3A_25 = arith.constant 0 : i32
        %dma_start3A_26 = tpu.memref_slice %arg7[%add3A_16, %dma_start3A_25] : memref<10240x128xf32, #tpu.memory_space<vmem_shared>> -> memref<128x128xf32, #tpu.memory_space<vmem_shared>>
        tpu.enqueue_dma source(%arg5 : memref<128x128xf32, #tpu.memory_space<vmem>>) target(%dma_start3A_26 : memref<128x128xf32, #tpu.memory_space<vmem_shared>>) target_semaphore(%run_scoped3A : memref<!tpu.dma_semaphore, #tpu.memory_space<semaphore_mem>>)
        %dma_wait3A = arith.constant 0 : i32
        %dma_wait3A_27 = tpu.memref_slice %arg7[%add3A_16, %dma_wait3A] : memref<10240x128xf32, #tpu.memory_space<vmem_shared>> -> memref<128x128xf32, #tpu.memory_space<vmem_shared>>
        %dma_wait3A_28 = arith.constant 0 : i32
        %dma_wait3A_29 = tpu.memref_slice %arg7[%add3A_16, %dma_wait3A_28] : memref<10240x128xf32, #tpu.memory_space<vmem_shared>> -> memref<128x128xf32, #tpu.memory_space<vmem_shared>>
        tpu.wait_dma2 semaphore(%run_scoped3A : memref<!tpu.dma_semaphore, #tpu.memory_space<semaphore_mem>>) src(%arg5 : memref<128x128xf32, #tpu.memory_space<vmem>>) dst(%dma_wait3A_29 : memref<128x128xf32, #tpu.memory_space<vmem_shared>>)
        tpu.yield
      }) : () -> ()
      %barrier3A = arith.constant 0 : index
      tpu.barrier barrier_id(%barrier3A)
      %scan3A_17 = arith.constant 0 : i32
      %scan3A_18 = arith.constant 0 : i32
      %scan3A_19 = arith.constant 79 : i32
      %scan3A_20 = arith.addi %scan3A_18, %scan3A_19 : i32
      %scan3A_21 = arith.constant 1 : i32
      scf.for %scan3A_24 = %scan3A_18 to %scan3A_20 step %scan3A_21  : i32 {
        "tpu.region"() ({
          %run_scoped3A = tpu.sem_alloc : memref<!tpu.dma_semaphore, #tpu.memory_space<semaphore_mem>>
          %dma_start3A = arith.constant 0 : i32
          %dma_start3A_25 = tpu.memref_slice %arg4[%scan3A_24, %dma_start3A] : memref<79x128xi32, #tpu.memory_space<vmem>> -> memref<1x128xi32, #tpu.memory_space<vmem>>
          %dma_start3A_26 = tpu.memref_squeeze %dma_start3A_25 : memref<1x128xi32, #tpu.memory_space<vmem>> -> memref<128xi32, #tpu.memory_space<vmem>>
          %dma_start3A_27 = arith.constant 0 : i32
          %dma_start3A_28 = arith.constant 0 : i32
          %dma_start3A_29 = tpu.memref_slice %arg7[%dma_start3A_27, %dma_start3A_28] : memref<10240x128xf32, #tpu.memory_space<vmem_shared>> -> memref<10240x128xf32, #tpu.memory_space<vmem_shared>>
          tpu.enqueue_indirect_dma source(%arg6 : memref<128x128xf32, #tpu.memory_space<vmem>>) target(%dma_start3A_29 : memref<10240x128xf32, #tpu.memory_space<vmem_shared>>) offsets(%dma_start3A_26 : memref<128xi32, #tpu.memory_space<vmem>>) semaphore(%run_scoped3A : memref<!tpu.dma_semaphore, #tpu.memory_space<semaphore_mem>>) {add = true}
          %dma_wait3A = arith.constant 0 : i32
          %dma_wait3A_30 = tpu.memref_slice %arg4[%scan3A_24, %dma_wait3A] : memref<79x128xi32, #tpu.memory_space<vmem>> -> memref<1x128xi32, #tpu.memory_space<vmem>>
          %dma_wait3A_31 = tpu.memref_squeeze %dma_wait3A_30 : memref<1x128xi32, #tpu.memory_space<vmem>> -> memref<128xi32, #tpu.memory_space<vmem>>
          %dma_wait3A_32 = arith.constant 0 : i32
          %dma_wait3A_33 = arith.constant 0 : i32
          %dma_wait3A_34 = tpu.memref_slice %arg7[%dma_wait3A_32, %dma_wait3A_33] : memref<10240x128xf32, #tpu.memory_space<vmem_shared>> -> memref<10240x128xf32, #tpu.memory_space<vmem_shared>>
          tpu.wait_indirect_dma semaphore(%run_scoped3A : memref<!tpu.dma_semaphore, #tpu.memory_space<semaphore_mem>>) src(%arg6 : memref<128x128xf32, #tpu.memory_space<vmem>>) dst(%dma_wait3A_34 : memref<10240x128xf32, #tpu.memory_space<vmem_shared>>)
          tpu.yield
        }) : () -> ()
      }
      %scan3A_22 = arith.constant 79 : i32
      %barrier3A_23 = arith.constant 0 : index
      tpu.barrier barrier_id(%barrier3A_23)
      "tpu.region"() ({
        %run_scoped3A = tpu.sem_alloc : memref<!tpu.dma_semaphore, #tpu.memory_space<semaphore_mem>>
        %dma_start3A = arith.constant 0 : i32
        %dma_start3A_24 = tpu.memref_slice %arg3[%mul3A_7, %dma_start3A] : memref<10240x128xf32, #tpu.memory_space<hbm>> -> memref<640x128xf32, #tpu.memory_space<hbm>>
        %dma_start3A_25 = arith.constant 0 : i32
        %dma_start3A_26 = tpu.memref_slice %arg7[%mul3A_7, %dma_start3A_25] : memref<10240x128xf32, #tpu.memory_space<vmem_shared>> -> memref<640x128xf32, #tpu.memory_space<vmem_shared>>
        tpu.enqueue_dma source(%dma_start3A_26 : memref<640x128xf32, #tpu.memory_space<vmem_shared>>) target(%dma_start3A_24 : memref<640x128xf32, #tpu.memory_space<hbm>>) target_semaphore(%run_scoped3A : memref<!tpu.dma_semaphore, #tpu.memory_space<semaphore_mem>>)
        %dma_wait3A = arith.constant 0 : i32
        %dma_wait3A_27 = tpu.memref_slice %arg3[%mul3A_7, %dma_wait3A] : memref<10240x128xf32, #tpu.memory_space<hbm>> -> memref<640x128xf32, #tpu.memory_space<hbm>>
        %dma_wait3A_28 = arith.constant 0 : i32
        %dma_wait3A_29 = tpu.memref_slice %arg7[%mul3A_7, %dma_wait3A_28] : memref<10240x128xf32, #tpu.memory_space<vmem_shared>> -> memref<640x128xf32, #tpu.memory_space<vmem_shared>>
        tpu.wait_dma2 semaphore(%run_scoped3A : memref<!tpu.dma_semaphore, #tpu.memory_space<semaphore_mem>>) src(%dma_wait3A_29 : memref<640x128xf32, #tpu.memory_space<vmem_shared>>) dst(%dma_wait3A_27 : memref<640x128xf32, #tpu.memory_space<hbm>>)
        tpu.yield
      }) : () -> ()
    } else {
    }
    return
  }
}

#map = affine_map<(d0, d1) -> (0, 0)>
#map1 = affine_map<(d0, d1) -> (0, 0, 0)>
module attributes {stable_mosaic.version = 14 : i64} {
  func.func @_seg_sum(%arg0: i32, %arg1: i32, %arg2: memref<10000x128xf32, #tpu.memory_space<hbm>>, %arg3: memref<10000x128xf32, #tpu.memory_space<hbm>>, %arg4: memref<16x79x128xi32, #tpu.memory_space<hbm>>, %arg5: memref<16x79x128xi32, #tpu.memory_space<hbm>>, %arg6: memref<10240x128xf32, #tpu.memory_space<hbm>>, %arg7: memref<10240x128xf32, #tpu.memory_space<hbm>>, %arg8: memref<79x128xi32, #tpu.memory_space<vmem>>, %arg9: memref<79x128xi32, #tpu.memory_space<vmem>>, %arg10: memref<128x128xf32, #tpu.memory_space<vmem>>, %arg11: memref<10240x128xf32, #tpu.memory_space<vmem_shared>>, %arg12: memref<!tpu.dma_semaphore, #tpu.memory_space<semaphore_mem>>) attributes {dimension_semantics = [#tpu.dimension_semantics<core_parallel>, #tpu.dimension_semantics<subcore_parallel>], iteration_bounds = array<i64: 2, 16>, scalar_prefetch = 0 : i64, scratch_operands = 5 : i64, tpu.core_type = #tpu.core_type<sc_vector_subcore>, window_params = [{transform_indices = #map}, {transform_indices = #map}, {transform_indices = #map1}, {transform_indices = #map1}, {transform_indices = #map}, {transform_indices = #map}]} {
    "tpu.region"() ({
      %run_scoped3A = tpu.sem_alloc : memref<!tpu.dma_semaphore, #tpu.memory_space<semaphore_mem>>
      %dma_start3A = arith.constant 0 : i32
      %dma_start3A_33 = arith.constant 0 : i32
      %dma_start3A_34 = tpu.memref_slice %arg4[%arg1, %dma_start3A, %dma_start3A_33] : memref<16x79x128xi32, #tpu.memory_space<hbm>> -> memref<1x79x128xi32, #tpu.memory_space<hbm>>
      %dma_start3A_35 = tpu.memref_squeeze %dma_start3A_34 : memref<1x79x128xi32, #tpu.memory_space<hbm>> -> memref<79x128xi32, #tpu.memory_space<hbm>>
      %dma_start3A_36 = arith.constant 0 : i32
      %dma_start3A_37 = arith.constant 0 : i32
      %dma_start3A_38 = tpu.memref_slice %arg4[%arg1, %dma_start3A_36, %dma_start3A_37] : memref<16x79x128xi32, #tpu.memory_space<hbm>> -> memref<1x79x128xi32, #tpu.memory_space<hbm>>
      %dma_start3A_39 = tpu.memref_squeeze %dma_start3A_38 : memref<1x79x128xi32, #tpu.memory_space<hbm>> -> memref<79x128xi32, #tpu.memory_space<hbm>>
      tpu.enqueue_dma source(%dma_start3A_39 : memref<79x128xi32, #tpu.memory_space<hbm>>) target(%arg8 : memref<79x128xi32, #tpu.memory_space<vmem>>) target_semaphore(%run_scoped3A : memref<!tpu.dma_semaphore, #tpu.memory_space<semaphore_mem>>)
      %dma_wait3A = arith.constant 0 : i32
      %dma_wait3A_40 = arith.constant 0 : i32
      %dma_wait3A_41 = tpu.memref_slice %arg4[%arg1, %dma_wait3A, %dma_wait3A_40] : memref<16x79x128xi32, #tpu.memory_space<hbm>> -> memref<1x79x128xi32, #tpu.memory_space<hbm>>
      %dma_wait3A_42 = tpu.memref_squeeze %dma_wait3A_41 : memref<1x79x128xi32, #tpu.memory_space<hbm>> -> memref<79x128xi32, #tpu.memory_space<hbm>>
      %dma_wait3A_43 = arith.constant 0 : i32
      %dma_wait3A_44 = arith.constant 0 : i32
      %dma_wait3A_45 = tpu.memref_slice %arg4[%arg1, %dma_wait3A_43, %dma_wait3A_44] : memref<16x79x128xi32, #tpu.memory_space<hbm>> -> memref<1x79x128xi32, #tpu.memory_space<hbm>>
      %dma_wait3A_46 = tpu.memref_squeeze %dma_wait3A_45 : memref<1x79x128xi32, #tpu.memory_space<hbm>> -> memref<79x128xi32, #tpu.memory_space<hbm>>
      tpu.wait_dma2 semaphore(%run_scoped3A : memref<!tpu.dma_semaphore, #tpu.memory_space<semaphore_mem>>) src(%dma_wait3A_46 : memref<79x128xi32, #tpu.memory_space<hbm>>) dst(%arg8 : memref<79x128xi32, #tpu.memory_space<vmem>>)
      tpu.yield
    }) : () -> ()
    "tpu.region"() ({
      %run_scoped3A = tpu.sem_alloc : memref<!tpu.dma_semaphore, #tpu.memory_space<semaphore_mem>>
      %dma_start3A = arith.constant 0 : i32
      %dma_start3A_33 = arith.constant 0 : i32
      %dma_start3A_34 = tpu.memref_slice %arg5[%arg1, %dma_start3A, %dma_start3A_33] : memref<16x79x128xi32, #tpu.memory_space<hbm>> -> memref<1x79x128xi32, #tpu.memory_space<hbm>>
      %dma_start3A_35 = tpu.memref_squeeze %dma_start3A_34 : memref<1x79x128xi32, #tpu.memory_space<hbm>> -> memref<79x128xi32, #tpu.memory_space<hbm>>
      %dma_start3A_36 = arith.constant 0 : i32
      %dma_start3A_37 = arith.constant 0 : i32
      %dma_start3A_38 = tpu.memref_slice %arg5[%arg1, %dma_start3A_36, %dma_start3A_37] : memref<16x79x128xi32, #tpu.memory_space<hbm>> -> memref<1x79x128xi32, #tpu.memory_space<hbm>>
      %dma_start3A_39 = tpu.memref_squeeze %dma_start3A_38 : memref<1x79x128xi32, #tpu.memory_space<hbm>> -> memref<79x128xi32, #tpu.memory_space<hbm>>
      tpu.enqueue_dma source(%dma_start3A_39 : memref<79x128xi32, #tpu.memory_space<hbm>>) target(%arg9 : memref<79x128xi32, #tpu.memory_space<vmem>>) target_semaphore(%run_scoped3A : memref<!tpu.dma_semaphore, #tpu.memory_space<semaphore_mem>>)
      %dma_wait3A = arith.constant 0 : i32
      %dma_wait3A_40 = arith.constant 0 : i32
      %dma_wait3A_41 = tpu.memref_slice %arg5[%arg1, %dma_wait3A, %dma_wait3A_40] : memref<16x79x128xi32, #tpu.memory_space<hbm>> -> memref<1x79x128xi32, #tpu.memory_space<hbm>>
      %dma_wait3A_42 = tpu.memref_squeeze %dma_wait3A_41 : memref<1x79x128xi32, #tpu.memory_space<hbm>> -> memref<79x128xi32, #tpu.memory_space<hbm>>
      %dma_wait3A_43 = arith.constant 0 : i32
      %dma_wait3A_44 = arith.constant 0 : i32
      %dma_wait3A_45 = tpu.memref_slice %arg5[%arg1, %dma_wait3A_43, %dma_wait3A_44] : memref<16x79x128xi32, #tpu.memory_space<hbm>> -> memref<1x79x128xi32, #tpu.memory_space<hbm>>
      %dma_wait3A_46 = tpu.memref_squeeze %dma_wait3A_45 : memref<1x79x128xi32, #tpu.memory_space<hbm>> -> memref<79x128xi32, #tpu.memory_space<hbm>>
      tpu.wait_dma2 semaphore(%run_scoped3A : memref<!tpu.dma_semaphore, #tpu.memory_space<semaphore_mem>>) src(%dma_wait3A_46 : memref<79x128xi32, #tpu.memory_space<hbm>>) dst(%arg9 : memref<79x128xi32, #tpu.memory_space<vmem>>)
      tpu.yield
    }) : () -> ()
    %scan3A = arith.constant 0 : i32
    %scan3A_0 = arith.constant 0 : i32
    %scan3A_1 = arith.constant 1024 : i32
    %scan3A_2 = arith.addi %scan3A_0, %scan3A_1 : i32
    %scan3A_3 = arith.constant 1 : i32
    scf.for %scan3A_33 = %scan3A_0 to %scan3A_2 step %scan3A_3  : i32 {
      %broadcast_in_dim3A = arith.constant 0.000000e+00 : f32
      %broadcast_in_dim3A_34 = vector.broadcast %broadcast_in_dim3A : f32 to vector<16xf32>
      %jit3A = arith.constant 8 : i32
      %div3A = arith.divsi %scan3A_33, %jit3A : i32
      %sign3A = arith.constant 0 : i32
      %sign3A_35 = arith.cmpi sgt, %scan3A_33, %sign3A : i32
      %sign3A_36 = arith.extui %sign3A_35 : i1 to i32
      %sign3A_37 = arith.constant 0 : i32
      %sign3A_38 = arith.cmpi slt, %scan3A_33, %sign3A_37 : i32
      %sign3A_39 = arith.extui %sign3A_38 : i1 to i32
      %sign3A_40 = arith.subi %sign3A_36, %sign3A_39 : i32
      %sign3A_41 = arith.constant 0 : i32
      %sign3A_42 = arith.cmpi sgt, %jit3A, %sign3A_41 : i32
      %sign3A_43 = arith.extui %sign3A_42 : i1 to i32
      %sign3A_44 = arith.constant 0 : i32
      %sign3A_45 = arith.cmpi slt, %jit3A, %sign3A_44 : i32
      %sign3A_46 = arith.extui %sign3A_45 : i1 to i32
      %sign3A_47 = arith.subi %sign3A_43, %sign3A_46 : i32
      %ne3A = arith.cmpi ne, %sign3A_40, %sign3A_47 : i32
      %rem3A = arith.remsi %scan3A_33, %jit3A : i32
      %ne3A_48 = arith.constant 0 : i32
      %ne3A_49 = arith.cmpi ne, %rem3A, %ne3A_48 : i32
      %and3A = arith.andi %ne3A, %ne3A_49 : i1
      %sub3A = arith.constant 1 : i32
      %sub3A_50 = arith.subi %div3A, %sub3A : i32
      %select_n3A = arith.select %and3A, %sub3A_50, %div3A : i32
      %jit3A_51 = arith.constant 8 : i32
      %eq3A_52 = arith.constant 0 : i32
      %eq3A_53 = arith.cmpi eq, %jit3A_51, %eq3A_52 : i32
      %jit3A_54 = arith.constant 1 : i32
      %select_n3A_55 = arith.select %eq3A_53, %jit3A_54, %jit3A_51 : i32
      %rem3A_56 = arith.remsi %scan3A_33, %select_n3A_55 : i32
      %ne3A_57 = arith.constant 0 : i32
      %ne3A_58 = arith.cmpi ne, %rem3A_56, %ne3A_57 : i32
      %lt3A = arith.constant 0 : i32
      %lt3A_59 = arith.cmpi slt, %rem3A_56, %lt3A : i32
      %lt3A_60 = arith.constant 0 : i32
      %lt3A_61 = arith.cmpi slt, %select_n3A_55, %lt3A_60 : i32
      %ne3A_62 = arith.xori %lt3A_59, %lt3A_61 : i1
      %and3A_63 = arith.andi %ne3A_62, %ne3A_58 : i1
      %add3A_64 = arith.addi %rem3A_56, %select_n3A_55 : i32
      %select_n3A_65 = arith.select %and3A_63, %add3A_64, %rem3A_56 : i32
      %mul3A_66 = arith.constant 16 : i32
      %mul3A_67 = arith.muli %select_n3A_65, %mul3A_66 : i32
      %swap3A = arith.index_cast %select_n3A : i32 to index
      %swap3A_68 = arith.index_cast %mul3A_67 : i32 to index
      %swap3A_69 = tpu.vector_load %arg10[%swap3A, %swap3A_68] {strides = array<i32>} : memref<128x128xf32, #tpu.memory_space<vmem>>, vector<1x16xf32>,
      %swap3A_70 = vector.shape_cast %swap3A_69 : vector<1x16xf32> to vector<16xf32>
      %swap3A_71 = vector.shape_cast %broadcast_in_dim3A_34 : vector<16xf32> to vector<1x16xf32>
      tpu.vector_store %arg10[%swap3A, %swap3A_68], %swap3A_71 {strides = array<i32>} : memref<128x128xf32, #tpu.memory_space<vmem>>, vector<1x16xf32>,
    }
    %scan3A_4 = arith.constant 1024 : i32
    %mul3A = arith.constant 640 : i32
    %mul3A_5 = arith.muli %arg1, %mul3A : i32
    %add3A = arith.constant 0 : i32
    %add3A_6 = arith.addi %mul3A_5, %add3A : i32
    "tpu.region"() ({
      %run_scoped3A = tpu.sem_alloc : memref<!tpu.dma_semaphore, #tpu.memory_space<semaphore_mem>>
      %dma_start3A = arith.constant 0 : i32
      %dma_start3A_33 = tpu.memref_slice %arg11[%add3A_6, %dma_start3A] : memref<10240x128xf32, #tpu.memory_space<vmem_shared>> -> memref<128x128xf32, #tpu.memory_space<vmem_shared>>
      %dma_start3A_34 = arith.constant 0 : i32
      %dma_start3A_35 = tpu.memref_slice %arg11[%add3A_6, %dma_start3A_34] : memref<10240x128xf32, #tpu.memory_space<vmem_shared>> -> memref<128x128xf32, #tpu.memory_space<vmem_shared>>
      tpu.enqueue_dma source(%arg10 : memref<128x128xf32, #tpu.memory_space<vmem>>) target(%dma_start3A_35 : memref<128x128xf32, #tpu.memory_space<vmem_shared>>) target_semaphore(%run_scoped3A : memref<!tpu.dma_semaphore, #tpu.memory_space<semaphore_mem>>)
      %dma_wait3A = arith.constant 0 : i32
      %dma_wait3A_36 = tpu.memref_slice %arg11[%add3A_6, %dma_wait3A] : memref<10240x128xf32, #tpu.memory_space<vmem_shared>> -> memref<128x128xf32, #tpu.memory_space<vmem_shared>>
      %dma_wait3A_37 = arith.constant 0 : i32
      %dma_wait3A_38 = tpu.memref_slice %arg11[%add3A_6, %dma_wait3A_37] : memref<10240x128xf32, #tpu.memory_space<vmem_shared>> -> memref<128x128xf32, #tpu.memory_space<vmem_shared>>
      tpu.wait_dma2 semaphore(%run_scoped3A : memref<!tpu.dma_semaphore, #tpu.memory_space<semaphore_mem>>) src(%arg10 : memref<128x128xf32, #tpu.memory_space<vmem>>) dst(%dma_wait3A_38 : memref<128x128xf32, #tpu.memory_space<vmem_shared>>)
      tpu.yield
    }) : () -> ()
    %add3A_7 = arith.constant 128 : i32
    %add3A_8 = arith.addi %mul3A_5, %add3A_7 : i32
    "tpu.region"() ({
      %run_scoped3A = tpu.sem_alloc : memref<!tpu.dma_semaphore, #tpu.memory_space<semaphore_mem>>
      %dma_start3A = arith.constant 0 : i32
      %dma_start3A_33 = tpu.memref_slice %arg11[%add3A_8, %dma_start3A] : memref<10240x128xf32, #tpu.memory_space<vmem_shared>> -> memref<128x128xf32, #tpu.memory_space<vmem_shared>>
      %dma_start3A_34 = arith.constant 0 : i32
      %dma_start3A_35 = tpu.memref_slice %arg11[%add3A_8, %dma_start3A_34] : memref<10240x128xf32, #tpu.memory_space<vmem_shared>> -> memref<128x128xf32, #tpu.memory_space<vmem_shared>>
      tpu.enqueue_dma source(%arg10 : memref<128x128xf32, #tpu.memory_space<vmem>>) target(%dma_start3A_35 : memref<128x128xf32, #tpu.memory_space<vmem_shared>>) target_semaphore(%run_scoped3A : memref<!tpu.dma_semaphore, #tpu.memory_space<semaphore_mem>>)
      %dma_wait3A = arith.constant 0 : i32
      %dma_wait3A_36 = tpu.memref_slice %arg11[%add3A_8, %dma_wait3A] : memref<10240x128xf32, #tpu.memory_space<vmem_shared>> -> memref<128x128xf32, #tpu.memory_space<vmem_shared>>
      %dma_wait3A_37 = arith.constant 0 : i32
      %dma_wait3A_38 = tpu.memref_slice %arg11[%add3A_8, %dma_wait3A_37] : memref<10240x128xf32, #tpu.memory_space<vmem_shared>> -> memref<128x128xf32, #tpu.memory_space<vmem_shared>>
      tpu.wait_dma2 semaphore(%run_scoped3A : memref<!tpu.dma_semaphore, #tpu.memory_space<semaphore_mem>>) src(%arg10 : memref<128x128xf32, #tpu.memory_space<vmem>>) dst(%dma_wait3A_38 : memref<128x128xf32, #tpu.memory_space<vmem_shared>>)
      tpu.yield
    }) : () -> ()
    %add3A_9 = arith.constant 256 : i32
    %add3A_10 = arith.addi %mul3A_5, %add3A_9 : i32
    "tpu.region"() ({
      %run_scoped3A = tpu.sem_alloc : memref<!tpu.dma_semaphore, #tpu.memory_space<semaphore_mem>>
      %dma_start3A = arith.constant 0 : i32
      %dma_start3A_33 = tpu.memref_slice %arg11[%add3A_10, %dma_start3A] : memref<10240x128xf32, #tpu.memory_space<vmem_shared>> -> memref<128x128xf32, #tpu.memory_space<vmem_shared>>
      %dma_start3A_34 = arith.constant 0 : i32
      %dma_start3A_35 = tpu.memref_slice %arg11[%add3A_10, %dma_start3A_34] : memref<10240x128xf32, #tpu.memory_space<vmem_shared>> -> memref<128x128xf32, #tpu.memory_space<vmem_shared>>
      tpu.enqueue_dma source(%arg10 : memref<128x128xf32, #tpu.memory_space<vmem>>) target(%dma_start3A_35 : memref<128x128xf32, #tpu.memory_space<vmem_shared>>) target_semaphore(%run_scoped3A : memref<!tpu.dma_semaphore, #tpu.memory_space<semaphore_mem>>)
      %dma_wait3A = arith.constant 0 : i32
      %dma_wait3A_36 = tpu.memref_slice %arg11[%add3A_10, %dma_wait3A] : memref<10240x128xf32, #tpu.memory_space<vmem_shared>> -> memref<128x128xf32, #tpu.memory_space<vmem_shared>>
      %dma_wait3A_37 = arith.constant 0 : i32
      %dma_wait3A_38 = tpu.memref_slice %arg11[%add3A_10, %dma_wait3A_37] : memref<10240x128xf32, #tpu.memory_space<vmem_shared>> -> memref<128x128xf32, #tpu.memory_space<vmem_shared>>
      tpu.wait_dma2 semaphore(%run_scoped3A : memref<!tpu.dma_semaphore, #tpu.memory_space<semaphore_mem>>) src(%arg10 : memref<128x128xf32, #tpu.memory_space<vmem>>) dst(%dma_wait3A_38 : memref<128x128xf32, #tpu.memory_space<vmem_shared>>)
      tpu.yield
    }) : () -> ()
    %add3A_11 = arith.constant 384 : i32
    %add3A_12 = arith.addi %mul3A_5, %add3A_11 : i32
    "tpu.region"() ({
      %run_scoped3A = tpu.sem_alloc : memref<!tpu.dma_semaphore, #tpu.memory_space<semaphore_mem>>
      %dma_start3A = arith.constant 0 : i32
      %dma_start3A_33 = tpu.memref_slice %arg11[%add3A_12, %dma_start3A] : memref<10240x128xf32, #tpu.memory_space<vmem_shared>> -> memref<128x128xf32, #tpu.memory_space<vmem_shared>>
      %dma_start3A_34 = arith.constant 0 : i32
      %dma_start3A_35 = tpu.memref_slice %arg11[%add3A_12, %dma_start3A_34] : memref<10240x128xf32, #tpu.memory_space<vmem_shared>> -> memref<128x128xf32, #tpu.memory_space<vmem_shared>>
      tpu.enqueue_dma source(%arg10 : memref<128x128xf32, #tpu.memory_space<vmem>>) target(%dma_start3A_35 : memref<128x128xf32, #tpu.memory_space<vmem_shared>>) target_semaphore(%run_scoped3A : memref<!tpu.dma_semaphore, #tpu.memory_space<semaphore_mem>>)
      %dma_wait3A = arith.constant 0 : i32
      %dma_wait3A_36 = tpu.memref_slice %arg11[%add3A_12, %dma_wait3A] : memref<10240x128xf32, #tpu.memory_space<vmem_shared>> -> memref<128x128xf32, #tpu.memory_space<vmem_shared>>
      %dma_wait3A_37 = arith.constant 0 : i32
      %dma_wait3A_38 = tpu.memref_slice %arg11[%add3A_12, %dma_wait3A_37] : memref<10240x128xf32, #tpu.memory_space<vmem_shared>> -> memref<128x128xf32, #tpu.memory_space<vmem_shared>>
      tpu.wait_dma2 semaphore(%run_scoped3A : memref<!tpu.dma_semaphore, #tpu.memory_space<semaphore_mem>>) src(%arg10 : memref<128x128xf32, #tpu.memory_space<vmem>>) dst(%dma_wait3A_38 : memref<128x128xf32, #tpu.memory_space<vmem_shared>>)
      tpu.yield
    }) : () -> ()
    %add3A_13 = arith.constant 512 : i32
    %add3A_14 = arith.addi %mul3A_5, %add3A_13 : i32
    "tpu.region"() ({
      %run_scoped3A = tpu.sem_alloc : memref<!tpu.dma_semaphore, #tpu.memory_space<semaphore_mem>>
      %dma_start3A = arith.constant 0 : i32
      %dma_start3A_33 = tpu.memref_slice %arg11[%add3A_14, %dma_start3A] : memref<10240x128xf32, #tpu.memory_space<vmem_shared>> -> memref<128x128xf32, #tpu.memory_space<vmem_shared>>
      %dma_start3A_34 = arith.constant 0 : i32
      %dma_start3A_35 = tpu.memref_slice %arg11[%add3A_14, %dma_start3A_34] : memref<10240x128xf32, #tpu.memory_space<vmem_shared>> -> memref<128x128xf32, #tpu.memory_space<vmem_shared>>
      tpu.enqueue_dma source(%arg10 : memref<128x128xf32, #tpu.memory_space<vmem>>) target(%dma_start3A_35 : memref<128x128xf32, #tpu.memory_space<vmem_shared>>) target_semaphore(%run_scoped3A : memref<!tpu.dma_semaphore, #tpu.memory_space<semaphore_mem>>)
      %dma_wait3A = arith.constant 0 : i32
      %dma_wait3A_36 = tpu.memref_slice %arg11[%add3A_14, %dma_wait3A] : memref<10240x128xf32, #tpu.memory_space<vmem_shared>> -> memref<128x128xf32, #tpu.memory_space<vmem_shared>>
      %dma_wait3A_37 = arith.constant 0 : i32
      %dma_wait3A_38 = tpu.memref_slice %arg11[%add3A_14, %dma_wait3A_37] : memref<10240x128xf32, #tpu.memory_space<vmem_shared>> -> memref<128x128xf32, #tpu.memory_space<vmem_shared>>
      tpu.wait_dma2 semaphore(%run_scoped3A : memref<!tpu.dma_semaphore, #tpu.memory_space<semaphore_mem>>) src(%arg10 : memref<128x128xf32, #tpu.memory_space<vmem>>) dst(%dma_wait3A_38 : memref<128x128xf32, #tpu.memory_space<vmem_shared>>)
      tpu.yield
    }) : () -> ()
    %barrier3A = arith.constant 0 : index
    tpu.barrier barrier_id(%barrier3A)
    %eq3A = arith.constant 0 : i32
    %eq3A_15 = arith.cmpi eq, %arg0, %eq3A : i32
    %convert_element_type3A = arith.extui %eq3A_15 : i1 to i32
    %cond3A = arith.constant 0 : i32
    %cond3A_16 = arith.cmpi ne, %convert_element_type3A, %cond3A : i32
    scf.if %cond3A_16 {
      %scan3A_33 = arith.constant 0 : i32
      %scan3A_34 = arith.constant 0 : i32
      %scan3A_35 = arith.constant 79 : i32
      %scan3A_36 = arith.addi %scan3A_34, %scan3A_35 : i32
      %scan3A_37 = arith.constant 1 : i32
      scf.for %scan3A_39 = %scan3A_34 to %scan3A_36 step %scan3A_37  : i32 {
        %dma_start3A = arith.constant 0 : i32
        %dma_start3A_40 = tpu.memref_slice %arg8[%scan3A_39, %dma_start3A] : memref<79x128xi32, #tpu.memory_space<vmem>> -> memref<1x128xi32, #tpu.memory_space<vmem>>
        %dma_start3A_41 = tpu.memref_squeeze %dma_start3A_40 : memref<1x128xi32, #tpu.memory_space<vmem>> -> memref<128xi32, #tpu.memory_space<vmem>>
        %dma_start3A_42 = arith.constant 0 : i32
        %dma_start3A_43 = arith.constant 0 : i32
        %dma_start3A_44 = tpu.memref_slice %arg2[%dma_start3A_42, %dma_start3A_43] : memref<10000x128xf32, #tpu.memory_space<hbm>> -> memref<10000x128xf32, #tpu.memory_space<hbm>>
        tpu.enqueue_indirect_dma source(%dma_start3A_44 : memref<10000x128xf32, #tpu.memory_space<hbm>>) target(%arg10 : memref<128x128xf32, #tpu.memory_space<vmem>>) offsets(%dma_start3A_41 : memref<128xi32, #tpu.memory_space<vmem>>) semaphore(%arg12 : memref<!tpu.dma_semaphore, #tpu.memory_space<semaphore_mem>>)
        %dma_wait3A = arith.constant 0 : i32
        %dma_wait3A_45 = tpu.memref_slice %arg8[%scan3A_39, %dma_wait3A] : memref<79x128xi32, #tpu.memory_space<vmem>> -> memref<1x128xi32, #tpu.memory_space<vmem>>
        %dma_wait3A_46 = tpu.memref_squeeze %dma_wait3A_45 : memref<1x128xi32, #tpu.memory_space<vmem>> -> memref<128xi32, #tpu.memory_space<vmem>>
        %dma_wait3A_47 = arith.constant 0 : i32
        %dma_wait3A_48 = arith.constant 0 : i32
        %dma_wait3A_49 = tpu.memref_slice %arg2[%dma_wait3A_47, %dma_wait3A_48] : memref<10000x128xf32, #tpu.memory_space<hbm>> -> memref<10000x128xf32, #tpu.memory_space<hbm>>
        tpu.wait_indirect_dma semaphore(%arg12 : memref<!tpu.dma_semaphore, #tpu.memory_space<semaphore_mem>>) src(%dma_wait3A_49 : memref<10000x128xf32, #tpu.memory_space<hbm>>) dst(%arg10 : memref<128x128xf32, #tpu.memory_space<vmem>>)
        "tpu.region"() ({
          %run_scoped3A = tpu.sem_alloc : memref<!tpu.dma_semaphore, #tpu.memory_space<semaphore_mem>>
          %dma_start3A_50 = arith.constant 0 : i32
          %dma_start3A_51 = tpu.memref_slice %arg9[%scan3A_39, %dma_start3A_50] : memref<79x128xi32, #tpu.memory_space<vmem>> -> memref<1x128xi32, #tpu.memory_space<vmem>>
          %dma_start3A_52 = tpu.memref_squeeze %dma_start3A_51 : memref<1x128xi32, #tpu.memory_space<vmem>> -> memref<128xi32, #tpu.memory_space<vmem>>
          %dma_start3A_53 = arith.constant 0 : i32
          %dma_start3A_54 = arith.constant 0 : i32
          %dma_start3A_55 = tpu.memref_slice %arg11[%dma_start3A_53, %dma_start3A_54] : memref<10240x128xf32, #tpu.memory_space<vmem_shared>> -> memref<10240x128xf32, #tpu.memory_space<vmem_shared>>
          tpu.enqueue_indirect_dma source(%arg10 : memref<128x128xf32, #tpu.memory_space<vmem>>) target(%dma_start3A_55 : memref<10240x128xf32, #tpu.memory_space<vmem_shared>>) offsets(%dma_start3A_52 : memref<128xi32, #tpu.memory_space<vmem>>) semaphore(%run_scoped3A : memref<!tpu.dma_semaphore, #tpu.memory_space<semaphore_mem>>) {add = true}
          %dma_wait3A_56 = arith.constant 0 : i32
          %dma_wait3A_57 = tpu.memref_slice %arg9[%scan3A_39, %dma_wait3A_56] : memref<79x128xi32, #tpu.memory_space<vmem>> -> memref<1x128xi32, #tpu.memory_space<vmem>>
          %dma_wait3A_58 = tpu.memref_squeeze %dma_wait3A_57 : memref<1x128xi32, #tpu.memory_space<vmem>> -> memref<128xi32, #tpu.memory_space<vmem>>
          %dma_wait3A_59 = arith.constant 0 : i32
          %dma_wait3A_60 = arith.constant 0 : i32
          %dma_wait3A_61 = tpu.memref_slice %arg11[%dma_wait3A_59, %dma_wait3A_60] : memref<10240x128xf32, #tpu.memory_space<vmem_shared>> -> memref<10240x128xf32, #tpu.memory_space<vmem_shared>>
          tpu.wait_indirect_dma semaphore(%run_scoped3A : memref<!tpu.dma_semaphore, #tpu.memory_space<semaphore_mem>>) src(%arg10 : memref<128x128xf32, #tpu.memory_space<vmem>>) dst(%dma_wait3A_61 : memref<10240x128xf32, #tpu.memory_space<vmem_shared>>)
          tpu.yield
        }) : () -> ()
      }
      %scan3A_38 = arith.constant 79 : i32
    } else {
    }
    %eq3A_17 = arith.constant 1 : i32
    %eq3A_18 = arith.cmpi eq, %arg0, %eq3A_17 : i32
    %convert_element_type3A_19 = arith.extui %eq3A_18 : i1 to i32
    %cond3A_20 = arith.constant 0 : i32
    %cond3A_21 = arith.cmpi ne, %convert_element_type3A_19, %cond3A_20 : i32
    scf.if %cond3A_21 {
      %scan3A_33 = arith.constant 0 : i32
      %scan3A_34 = arith.constant 0 : i32
      %scan3A_35 = arith.constant 79 : i32
      %scan3A_36 = arith.addi %scan3A_34, %scan3A_35 : i32
      %scan3A_37 = arith.constant 1 : i32
      scf.for %scan3A_39 = %scan3A_34 to %scan3A_36 step %scan3A_37  : i32 {
        %dma_start3A = arith.constant 0 : i32
        %dma_start3A_40 = tpu.memref_slice %arg8[%scan3A_39, %dma_start3A] : memref<79x128xi32, #tpu.memory_space<vmem>> -> memref<1x128xi32, #tpu.memory_space<vmem>>
        %dma_start3A_41 = tpu.memref_squeeze %dma_start3A_40 : memref<1x128xi32, #tpu.memory_space<vmem>> -> memref<128xi32, #tpu.memory_space<vmem>>
        %dma_start3A_42 = arith.constant 0 : i32
        %dma_start3A_43 = arith.constant 0 : i32
        %dma_start3A_44 = tpu.memref_slice %arg3[%dma_start3A_42, %dma_start3A_43] : memref<10000x128xf32, #tpu.memory_space<hbm>> -> memref<10000x128xf32, #tpu.memory_space<hbm>>
        tpu.enqueue_indirect_dma source(%dma_start3A_44 : memref<10000x128xf32, #tpu.memory_space<hbm>>) target(%arg10 : memref<128x128xf32, #tpu.memory_space<vmem>>) offsets(%dma_start3A_41 : memref<128xi32, #tpu.memory_space<vmem>>) semaphore(%arg12 : memref<!tpu.dma_semaphore, #tpu.memory_space<semaphore_mem>>)
        %dma_wait3A = arith.constant 0 : i32
        %dma_wait3A_45 = tpu.memref_slice %arg8[%scan3A_39, %dma_wait3A] : memref<79x128xi32, #tpu.memory_space<vmem>> -> memref<1x128xi32, #tpu.memory_space<vmem>>
        %dma_wait3A_46 = tpu.memref_squeeze %dma_wait3A_45 : memref<1x128xi32, #tpu.memory_space<vmem>> -> memref<128xi32, #tpu.memory_space<vmem>>
        %dma_wait3A_47 = arith.constant 0 : i32
        %dma_wait3A_48 = arith.constant 0 : i32
        %dma_wait3A_49 = tpu.memref_slice %arg3[%dma_wait3A_47, %dma_wait3A_48] : memref<10000x128xf32, #tpu.memory_space<hbm>> -> memref<10000x128xf32, #tpu.memory_space<hbm>>
        tpu.wait_indirect_dma semaphore(%arg12 : memref<!tpu.dma_semaphore, #tpu.memory_space<semaphore_mem>>) src(%dma_wait3A_49 : memref<10000x128xf32, #tpu.memory_space<hbm>>) dst(%arg10 : memref<128x128xf32, #tpu.memory_space<vmem>>)
        "tpu.region"() ({
          %run_scoped3A = tpu.sem_alloc : memref<!tpu.dma_semaphore, #tpu.memory_space<semaphore_mem>>
          %dma_start3A_50 = arith.constant 0 : i32
          %dma_start3A_51 = tpu.memref_slice %arg9[%scan3A_39, %dma_start3A_50] : memref<79x128xi32, #tpu.memory_space<vmem>> -> memref<1x128xi32, #tpu.memory_space<vmem>>
          %dma_start3A_52 = tpu.memref_squeeze %dma_start3A_51 : memref<1x128xi32, #tpu.memory_space<vmem>> -> memref<128xi32, #tpu.memory_space<vmem>>
          %dma_start3A_53 = arith.constant 0 : i32
          %dma_start3A_54 = arith.constant 0 : i32
          %dma_start3A_55 = tpu.memref_slice %arg11[%dma_start3A_53, %dma_start3A_54] : memref<10240x128xf32, #tpu.memory_space<vmem_shared>> -> memref<10240x128xf32, #tpu.memory_space<vmem_shared>>
          tpu.enqueue_indirect_dma source(%arg10 : memref<128x128xf32, #tpu.memory_space<vmem>>) target(%dma_start3A_55 : memref<10240x128xf32, #tpu.memory_space<vmem_shared>>) offsets(%dma_start3A_52 : memref<128xi32, #tpu.memory_space<vmem>>) semaphore(%run_scoped3A : memref<!tpu.dma_semaphore, #tpu.memory_space<semaphore_mem>>) {add = true}
          %dma_wait3A_56 = arith.constant 0 : i32
          %dma_wait3A_57 = tpu.memref_slice %arg9[%scan3A_39, %dma_wait3A_56] : memref<79x128xi32, #tpu.memory_space<vmem>> -> memref<1x128xi32, #tpu.memory_space<vmem>>
          %dma_wait3A_58 = tpu.memref_squeeze %dma_wait3A_57 : memref<1x128xi32, #tpu.memory_space<vmem>> -> memref<128xi32, #tpu.memory_space<vmem>>
          %dma_wait3A_59 = arith.constant 0 : i32
          %dma_wait3A_60 = arith.constant 0 : i32
          %dma_wait3A_61 = tpu.memref_slice %arg11[%dma_wait3A_59, %dma_wait3A_60] : memref<10240x128xf32, #tpu.memory_space<vmem_shared>> -> memref<10240x128xf32, #tpu.memory_space<vmem_shared>>
          tpu.wait_indirect_dma semaphore(%run_scoped3A : memref<!tpu.dma_semaphore, #tpu.memory_space<semaphore_mem>>) src(%arg10 : memref<128x128xf32, #tpu.memory_space<vmem>>) dst(%dma_wait3A_61 : memref<10240x128xf32, #tpu.memory_space<vmem_shared>>)
          tpu.yield
        }) : () -> ()
      }
      %scan3A_38 = arith.constant 79 : i32
    } else {
    }
    %barrier3A_22 = arith.constant 0 : index
    tpu.barrier barrier_id(%barrier3A_22)
    %eq3A_23 = arith.constant 0 : i32
    %eq3A_24 = arith.cmpi eq, %arg0, %eq3A_23 : i32
    %convert_element_type3A_25 = arith.extui %eq3A_24 : i1 to i32
    %cond3A_26 = arith.constant 0 : i32
    %cond3A_27 = arith.cmpi ne, %convert_element_type3A_25, %cond3A_26 : i32
    scf.if %cond3A_27 {
      "tpu.region"() ({
        %run_scoped3A = tpu.sem_alloc : memref<!tpu.dma_semaphore, #tpu.memory_space<semaphore_mem>>
        %dma_start3A = arith.constant 0 : i32
        %dma_start3A_33 = tpu.memref_slice %arg6[%mul3A_5, %dma_start3A] : memref<10240x128xf32, #tpu.memory_space<hbm>> -> memref<640x128xf32, #tpu.memory_space<hbm>>
        %dma_start3A_34 = arith.constant 0 : i32
        %dma_start3A_35 = tpu.memref_slice %arg11[%mul3A_5, %dma_start3A_34] : memref<10240x128xf32, #tpu.memory_space<vmem_shared>> -> memref<640x128xf32, #tpu.memory_space<vmem_shared>>
        tpu.enqueue_dma source(%dma_start3A_35 : memref<640x128xf32, #tpu.memory_space<vmem_shared>>) target(%dma_start3A_33 : memref<640x128xf32, #tpu.memory_space<hbm>>) target_semaphore(%run_scoped3A : memref<!tpu.dma_semaphore, #tpu.memory_space<semaphore_mem>>)
        %dma_wait3A = arith.constant 0 : i32
        %dma_wait3A_36 = tpu.memref_slice %arg6[%mul3A_5, %dma_wait3A] : memref<10240x128xf32, #tpu.memory_space<hbm>> -> memref<640x128xf32, #tpu.memory_space<hbm>>
        %dma_wait3A_37 = arith.constant 0 : i32
        %dma_wait3A_38 = tpu.memref_slice %arg11[%mul3A_5, %dma_wait3A_37] : memref<10240x128xf32, #tpu.memory_space<vmem_shared>> -> memref<640x128xf32, #tpu.memory_space<vmem_shared>>
        tpu.wait_dma2 semaphore(%run_scoped3A : memref<!tpu.dma_semaphore, #tpu.memory_space<semaphore_mem>>) src(%dma_wait3A_38 : memref<640x128xf32, #tpu.memory_space<vmem_shared>>) dst(%dma_wait3A_36 : memref<640x128xf32, #tpu.memory_space<hbm>>)
        tpu.yield
      }) : () -> ()
    } else {
    }
    %eq3A_28 = arith.constant 1 : i32
    %eq3A_29 = arith.cmpi eq, %arg0, %eq3A_28 : i32
    %convert_element_type3A_30 = arith.extui %eq3A_29 : i1 to i32
    %cond3A_31 = arith.constant 0 : i32
    %cond3A_32 = arith.cmpi ne, %convert_element_type3A_30, %cond3A_31 : i32
    scf.if %cond3A_32 {
      "tpu.region"() ({
        %run_scoped3A = tpu.sem_alloc : memref<!tpu.dma_semaphore, #tpu.memory_space<semaphore_mem>>
        %dma_start3A = arith.constant 0 : i32
        %dma_start3A_33 = tpu.memref_slice %arg7[%mul3A_5, %dma_start3A] : memref<10240x128xf32, #tpu.memory_space<hbm>> -> memref<640x128xf32, #tpu.memory_space<hbm>>
        %dma_start3A_34 = arith.constant 0 : i32
        %dma_start3A_35 = tpu.memref_slice %arg11[%mul3A_5, %dma_start3A_34] : memref<10240x128xf32, #tpu.memory_space<vmem_shared>> -> memref<640x128xf32, #tpu.memory_space<vmem_shared>>
        tpu.enqueue_dma source(%dma_start3A_35 : memref<640x128xf32, #tpu.memory_space<vmem_shared>>) target(%dma_start3A_33 : memref<640x128xf32, #tpu.memory_space<hbm>>) target_semaphore(%run_scoped3A : memref<!tpu.dma_semaphore, #tpu.memory_space<semaphore_mem>>)
        %dma_wait3A = arith.constant 0 : i32
        %dma_wait3A_36 = tpu.memref_slice %arg7[%mul3A_5, %dma_wait3A] : memref<10240x128xf32, #tpu.memory_space<hbm>> -> memref<640x128xf32, #tpu.memory_space<hbm>>
        %dma_wait3A_37 = arith.constant 0 : i32
        %dma_wait3A_38 = tpu.memref_slice %arg11[%mul3A_5, %dma_wait3A_37] : memref<10240x128xf32, #tpu.memory_space<vmem_shared>> -> memref<640x128xf32, #tpu.memory_space<vmem_shared>>
        tpu.wait_dma2 semaphore(%run_scoped3A : memref<!tpu.dma_semaphore, #tpu.memory_space<semaphore_mem>>) src(%dma_wait3A_38 : memref<640x128xf32, #tpu.memory_space<vmem_shared>>) dst(%dma_wait3A_36 : memref<640x128xf32, #tpu.memory_space<hbm>>)
        tpu.yield
      }) : () -> ()
    } else {
    }
    return
  }
}

module attributes {stable_mosaic.version = 14 : i64} {
  func.func @_mm_body(%arg0: i32, %arg1: memref<1000x128xf32, #tpu.memory_space<vmem>>, %arg2: memref<1000x128xf32, #tpu.memory_space<vmem>>, %arg3: memref<1000x128xf32, #tpu.memory_space<vmem>>, %arg4: memref<1000x128xf32, #tpu.memory_space<vmem>>, %arg5: memref<256x256xf32, #tpu.memory_space<vmem>>, %arg6: memref<1x256xf32, #tpu.memory_space<vmem>>, %arg7: memref<1000x128xf32, #tpu.memory_space<vmem>>, %arg8: memref<1000x128xf32, #tpu.memory_space<vmem>>, %arg9: memref<1000x128xf32, #tpu.memory_space<vmem>>) attributes {dimension_semantics = [#tpu.dimension_semantics<arbitrary>], iteration_bounds = array<i64: 10>, scalar_prefetch = 0 : i64, scratch_operands = 0 : i64, tpu.core_type = #tpu.core_type<tc>, window_params = [{transform_indices = @transform_0, window_bounds = array<i64: 1000, 128>}, {transform_indices = @transform_1, window_bounds = array<i64: 1000, 128>}, {transform_indices = @transform_2, window_bounds = array<i64: 1000, 128>}, {transform_indices = @transform_3, window_bounds = array<i64: 1000, 128>}, {pipeline_mode = #tpu.pipeline_mode<synchronous>, transform_indices = @transform_4, window_bounds = array<i64: 256, 256>}, {pipeline_mode = #tpu.pipeline_mode<synchronous>, transform_indices = @transform_5, window_bounds = array<i64: 1, 256>}, {transform_indices = @transform_6, window_bounds = array<i64: 1000, 128>}, {transform_indices = @transform_7, window_bounds = array<i64: 1000, 128>}, {transform_indices = @transform_8, window_bounds = array<i64: 1000, 128>}]} {
    %get3A = arith.constant 0 : index
    %get3A_0 = arith.constant 0 : index
    %get3A_1 = vector.load %arg1[%get3A, %get3A_0] : memref<1000x128xf32, #tpu.memory_space<vmem>>, vector<1000x128xf32>
    %get3A_2 = arith.constant 0 : index
    %get3A_3 = arith.constant 0 : index
    %get3A_4 = vector.load %arg3[%get3A_2, %get3A_3] : memref<1000x128xf32, #tpu.memory_space<vmem>>, vector<1000x128xf32>
    %add3A = arith.addf %get3A_1, %get3A_4 : vector<1000x128xf32>
    %get3A_5 = arith.constant 0 : index
    %get3A_6 = arith.constant 0 : index
    %get3A_7 = vector.load %arg2[%get3A_5, %get3A_6] : memref<1000x128xf32, #tpu.memory_space<vmem>>, vector<1000x128xf32>
    %get3A_8 = arith.constant 0 : index
    %get3A_9 = arith.constant 0 : index
    %get3A_10 = vector.load %arg4[%get3A_8, %get3A_9] : memref<1000x128xf32, #tpu.memory_space<vmem>>, vector<1000x128xf32>
    %add3A_11 = arith.addf %get3A_7, %get3A_10 : vector<1000x128xf32>
    %concatenate3A = tpu.concatenate %add3A, %add3A_11 in 1 : vector<1000x128xf32>, vector<1000x128xf32> -> vector<1000x256xf32>
    %get3A_12 = arith.constant 0 : index
    %get3A_13 = arith.constant 0 : index
    %get3A_14 = vector.load %arg5[%get3A_12, %get3A_13] : memref<256x256xf32, #tpu.memory_space<vmem>>, vector<256x256xf32>
    %convert_element_type3A = arith.truncf %concatenate3A : vector<1000x256xf32> to vector<1000x256xbf16>
    %convert_element_type3A_15 = arith.truncf %get3A_14 : vector<256x256xf32> to vector<256x256xbf16>
    %dot_general3A = arith.constant dense<0.000000e+00> : vector<1000x256xf32>
    %dot_general3A_16 = tpu.matmul %convert_element_type3A, %convert_element_type3A_15, %dot_general3A {dimension_numbers = #tpu.dot_dimension_numbers<[1], [0], [0], [1], [0, 0, 1, 1], [], []>, transpose_lhs_hint = false} : vector<1000x256xbf16>, vector<256x256xbf16>, vector<1000x256xf32> -> vector<1000x256xf32>
    %get3A_17 = arith.constant 0 : index
    %get3A_18 = arith.constant 0 : index
    %get3A_19 = vector.load %arg6[%get3A_17, %get3A_18] : memref<1x256xf32, #tpu.memory_space<vmem>>, vector<1x256xf32>
    %add3A_20 = vector.broadcast %get3A_19 : vector<1x256xf32> to vector<1000x256xf32>
    %add3A_21 = arith.addf %dot_general3A_16, %add3A_20 : vector<1000x256xf32>
    %get3A_22 = arith.constant 0 : index
    %get3A_23 = arith.constant 0 : index
    %get3A_24 = vector.load %arg7[%get3A_22, %get3A_23] : memref<1000x128xf32, #tpu.memory_space<vmem>>, vector<1000x1xf32>
    %add3A_25 = arith.constant 1.000000e+00 : f32
    %add3A_26 = vector.broadcast %add3A_25 : f32 to vector<1000x1xf32>
    %add3A_27 = arith.addf %get3A_24, %add3A_26 : vector<1000x1xf32>
    %div3A = vector.broadcast %add3A_27 : vector<1000x1xf32> to vector<1000x256xf32>
    %div3A_28 = arith.divf %add3A_21, %div3A : vector<1000x256xf32>
    %tanh3A = math.tanh %div3A_28 : vector<1000x256xf32>
    %slice3A = vector.extract_strided_slice %tanh3A {offsets = [0, 0], sizes = [1000, 128], strides = [1, 1]} : vector<1000x256xf32> to vector<1000x128xf32>
    %swap3A = arith.constant 0 : index
    %swap3A_29 = arith.constant 0 : index
    %swap3A_30 = vector.load %arg8[%swap3A, %swap3A_29] : memref<1000x128xf32, #tpu.memory_space<vmem>>, vector<1000x128xf32>
    tpu.vector_store %arg8[%swap3A, %swap3A_29], %slice3A {strides = array<i32>} : memref<1000x128xf32, #tpu.memory_space<vmem>>, vector<1000x128xf32>,
    %slice3A_31 = vector.extract_strided_slice %tanh3A {offsets = [0, 128], sizes = [1000, 128], strides = [1, 1]} : vector<1000x256xf32> to vector<1000x128xf32>
    %swap3A_32 = arith.constant 0 : index
    %swap3A_33 = arith.constant 0 : index
    %swap3A_34 = vector.load %arg9[%swap3A_32, %swap3A_33] : memref<1000x128xf32, #tpu.memory_space<vmem>>, vector<1000x128xf32>
    tpu.vector_store %arg9[%swap3A_32, %swap3A_33], %slice3A_31 {strides = array<i32>} : memref<1000x128xf32, #tpu.memory_space<vmem>>, vector<1000x128xf32>,
    return
  }
  func.func @transform_0(%arg0: i32) -> (i32, i32) {
    %c0_i32 = arith.constant 0 : i32
    %c0_i32_0 = arith.constant 0 : i32
    return %arg0, %c0_i32 : i32, i32
  }
  func.func @transform_1(%arg0: i32) -> (i32, i32) {
    %c0_i32 = arith.constant 0 : i32
    %c0_i32_0 = arith.constant 0 : i32
    return %arg0, %c0_i32 : i32, i32
  }
  func.func @transform_2(%arg0: i32) -> (i32, i32) {
    %c0_i32 = arith.constant 0 : i32
    %c0_i32_0 = arith.constant 0 : i32
    return %arg0, %c0_i32 : i32, i32
  }
  func.func @transform_3(%arg0: i32) -> (i32, i32) {
    %c0_i32 = arith.constant 0 : i32
    %c0_i32_0 = arith.constant 0 : i32
    return %arg0, %c0_i32 : i32, i32
  }
  func.func @transform_4(%arg0: i32) -> (i32, i32) {
    %c0_i32 = arith.constant 0 : i32
    %c0_i32_0 = arith.constant 0 : i32
    %c0_i32_1 = arith.constant 0 : i32
    return %c0_i32, %c0_i32_0 : i32, i32
  }
  func.func @transform_5(%arg0: i32) -> (i32, i32) {
    %c0_i32 = arith.constant 0 : i32
    %c0_i32_0 = arith.constant 0 : i32
    %c0_i32_1 = arith.constant 0 : i32
    return %c0_i32, %c0_i32_0 : i32, i32
  }
  func.func @transform_6(%arg0: i32) -> (i32, i32) {
    %c0_i32 = arith.constant 0 : i32
    %c0_i32_0 = arith.constant 0 : i32
    return %arg0, %c0_i32 : i32, i32
  }
  func.func @transform_7(%arg0: i32) -> (i32, i32) {
    %c0_i32 = arith.constant 0 : i32
    %c0_i32_0 = arith.constant 0 : i32
    return %arg0, %c0_i32 : i32, i32
  }
  func.func @transform_8(%arg0: i32) -> (i32, i32) {
    %c0_i32 = arith.constant 0 : i32
    %c0_i32_0 = arith.constant 0 : i32
    return %arg0, %c0_i32 : i32, i32
  }
}

module attributes {stable_mosaic.version = 14 : i64} {
  func.func @_y1_body(%arg0: i32, %arg1: memref<1000x128xf32, #tpu.memory_space<vmem>>, %arg2: memref<1000x128xf32, #tpu.memory_space<vmem>>, %arg3: memref<1000x128xf32, #tpu.memory_space<vmem>>, %arg4: memref<1000x128xf32, #tpu.memory_space<vmem>>, %arg5: memref<1000x128xf32, #tpu.memory_space<vmem>>, %arg6: memref<1000x128xf32, #tpu.memory_space<vmem>>, %arg7: memref<1000x128xf32, #tpu.memory_space<vmem>>, %arg8: memref<128x16xf32, #tpu.memory_space<vmem>>, %arg9: memref<128x16xf32, #tpu.memory_space<vmem>>, %arg10: memref<128x16xf32, #tpu.memory_space<vmem>>, %arg11: memref<128x16xf32, #tpu.memory_space<vmem>>, %arg12: memref<128x16xf32, #tpu.memory_space<vmem>>, %arg13: memref<128x16xf32, #tpu.memory_space<vmem>>, %arg14: memref<1x16xf32, #tpu.memory_space<vmem>>, %arg15: memref<1x16xf32, #tpu.memory_space<vmem>>, %arg16: memref<1000x16xf32, #tpu.memory_space<vmem>>) attributes {dimension_semantics = [#tpu.dimension_semantics<arbitrary>], iteration_bounds = array<i64: 10>, scalar_prefetch = 0 : i64, scratch_operands = 0 : i64, tpu.core_type = #tpu.core_type<tc>, window_params = [{transform_indices = @transform_0, window_bounds = array<i64: 1000, 128>}, {transform_indices = @transform_1, window_bounds = array<i64: 1000, 128>}, {transform_indices = @transform_2, window_bounds = array<i64: 1000, 128>}, {transform_indices = @transform_3, window_bounds = array<i64: 1000, 128>}, {transform_indices = @transform_4, window_bounds = array<i64: 1000, 128>}, {transform_indices = @transform_5, window_bounds = array<i64: 1000, 128>}, {transform_indices = @transform_6, window_bounds = array<i64: 1000, 128>}, {pipeline_mode = #tpu.pipeline_mode<synchronous>, transform_indices = @transform_7, window_bounds = array<i64: 128, 16>}, {pipeline_mode = #tpu.pipeline_mode<synchronous>, transform_indices = @transform_8, window_bounds = array<i64: 128, 16>}, {pipeline_mode = #tpu.pipeline_mode<synchronous>, transform_indices = @transform_9, window_bounds = array<i64: 128, 16>}, {pipeline_mode = #tpu.pipeline_mode<synchronous>, transform_indices = @transform_10, window_bounds = array<i64: 128, 16>}, {pipeline_mode = #tpu.pipeline_mode<synchronous>, transform_indices = @transform_11, window_bounds = array<i64: 128, 16>}, {pipeline_mode = #tpu.pipeline_mode<synchronous>, transform_indices = @transform_12, window_bounds = array<i64: 128, 16>}, {pipeline_mode = #tpu.pipeline_mode<synchronous>, transform_indices = @transform_13, window_bounds = array<i64: 1, 16>}, {pipeline_mode = #tpu.pipeline_mode<synchronous>, transform_indices = @transform_14, window_bounds = array<i64: 1, 16>}, {transform_indices = @transform_15, window_bounds = array<i64: 1000, 16>}]} {
    %get3A = arith.constant 0 : index
    %get3A_0 = arith.constant 0 : index
    %get3A_1 = vector.load %arg15[%get3A, %get3A_0] : memref<1x16xf32, #tpu.memory_space<vmem>>, vector<1x16xf32>
    %get3A_2 = arith.constant 0 : index
    %get3A_3 = arith.constant 0 : index
    %get3A_4 = vector.load %arg1[%get3A_2, %get3A_3] : memref<1000x128xf32, #tpu.memory_space<vmem>>, vector<1000x128xf32>
    %get3A_5 = arith.constant 0 : index
    %get3A_6 = arith.constant 0 : index
    %get3A_7 = vector.load %arg8[%get3A_5, %get3A_6] : memref<128x16xf32, #tpu.memory_space<vmem>>, vector<128x16xf32>
    %convert_element_type3A = arith.truncf %get3A_4 : vector<1000x128xf32> to vector<1000x128xbf16>
    %convert_element_type3A_8 = arith.truncf %get3A_7 : vector<128x16xf32> to vector<128x16xbf16>
    %dot_general3A = arith.constant dense<0.000000e+00> : vector<1000x16xf32>
    %dot_general3A_9 = tpu.matmul %convert_element_type3A, %convert_element_type3A_8, %dot_general3A {dimension_numbers = #tpu.dot_dimension_numbers<[1], [0], [0], [1], [0, 0, 1, 1], [], []>, transpose_lhs_hint = false} : vector<1000x128xbf16>, vector<128x16xbf16>, vector<1000x16xf32> -> vector<1000x16xf32>
    %add3A = vector.broadcast %get3A_1 : vector<1x16xf32> to vector<1000x16xf32>
    %add3A_10 = arith.addf %add3A, %dot_general3A_9 : vector<1000x16xf32>
    %get3A_11 = arith.constant 0 : index
    %get3A_12 = arith.constant 0 : index
    %get3A_13 = vector.load %arg2[%get3A_11, %get3A_12] : memref<1000x128xf32, #tpu.memory_space<vmem>>, vector<1000x128xf32>
    %get3A_14 = arith.constant 0 : index
    %get3A_15 = arith.constant 0 : index
    %get3A_16 = vector.load %arg9[%get3A_14, %get3A_15] : memref<128x16xf32, #tpu.memory_space<vmem>>, vector<128x16xf32>
    %convert_element_type3A_17 = arith.truncf %get3A_13 : vector<1000x128xf32> to vector<1000x128xbf16>
    %convert_element_type3A_18 = arith.truncf %get3A_16 : vector<128x16xf32> to vector<128x16xbf16>
    %dot_general3A_19 = arith.constant dense<0.000000e+00> : vector<1000x16xf32>
    %dot_general3A_20 = tpu.matmul %convert_element_type3A_17, %convert_element_type3A_18, %dot_general3A_19 {dimension_numbers = #tpu.dot_dimension_numbers<[1], [0], [0], [1], [0, 0, 1, 1], [], []>, transpose_lhs_hint = false} : vector<1000x128xbf16>, vector<128x16xbf16>, vector<1000x16xf32> -> vector<1000x16xf32>
    %add3A_21 = arith.addf %add3A_10, %dot_general3A_20 : vector<1000x16xf32>
    %get3A_22 = arith.constant 0 : index
    %get3A_23 = arith.constant 0 : index
    %get3A_24 = vector.load %arg3[%get3A_22, %get3A_23] : memref<1000x128xf32, #tpu.memory_space<vmem>>, vector<1000x128xf32>
    %get3A_25 = arith.constant 0 : index
    %get3A_26 = arith.constant 0 : index
    %get3A_27 = vector.load %arg10[%get3A_25, %get3A_26] : memref<128x16xf32, #tpu.memory_space<vmem>>, vector<128x16xf32>
    %convert_element_type3A_28 = arith.truncf %get3A_24 : vector<1000x128xf32> to vector<1000x128xbf16>
    %convert_element_type3A_29 = arith.truncf %get3A_27 : vector<128x16xf32> to vector<128x16xbf16>
    %dot_general3A_30 = arith.constant dense<0.000000e+00> : vector<1000x16xf32>
    %dot_general3A_31 = tpu.matmul %convert_element_type3A_28, %convert_element_type3A_29, %dot_general3A_30 {dimension_numbers = #tpu.dot_dimension_numbers<[1], [0], [0], [1], [0, 0, 1, 1], [], []>, transpose_lhs_hint = false} : vector<1000x128xbf16>, vector<128x16xbf16>, vector<1000x16xf32> -> vector<1000x16xf32>
    %add3A_32 = arith.addf %add3A_21, %dot_general3A_31 : vector<1000x16xf32>
    %get3A_33 = arith.constant 0 : index
    %get3A_34 = arith.constant 0 : index
    %get3A_35 = vector.load %arg4[%get3A_33, %get3A_34] : memref<1000x128xf32, #tpu.memory_space<vmem>>, vector<1000x128xf32>
    %get3A_36 = arith.constant 0 : index
    %get3A_37 = arith.constant 0 : index
    %get3A_38 = vector.load %arg11[%get3A_36, %get3A_37] : memref<128x16xf32, #tpu.memory_space<vmem>>, vector<128x16xf32>
    %convert_element_type3A_39 = arith.truncf %get3A_35 : vector<1000x128xf32> to vector<1000x128xbf16>
    %convert_element_type3A_40 = arith.truncf %get3A_38 : vector<128x16xf32> to vector<128x16xbf16>
    %dot_general3A_41 = arith.constant dense<0.000000e+00> : vector<1000x16xf32>
    %dot_general3A_42 = tpu.matmul %convert_element_type3A_39, %convert_element_type3A_40, %dot_general3A_41 {dimension_numbers = #tpu.dot_dimension_numbers<[1], [0], [0], [1], [0, 0, 1, 1], [], []>, transpose_lhs_hint = false} : vector<1000x128xbf16>, vector<128x16xbf16>, vector<1000x16xf32> -> vector<1000x16xf32>
    %add3A_43 = arith.addf %add3A_32, %dot_general3A_42 : vector<1000x16xf32>
    %get3A_44 = arith.constant 0 : index
    %get3A_45 = arith.constant 0 : index
    %get3A_46 = vector.load %arg5[%get3A_44, %get3A_45] : memref<1000x128xf32, #tpu.memory_space<vmem>>, vector<1000x128xf32>
    %get3A_47 = arith.constant 0 : index
    %get3A_48 = arith.constant 0 : index
    %get3A_49 = vector.load %arg12[%get3A_47, %get3A_48] : memref<128x16xf32, #tpu.memory_space<vmem>>, vector<128x16xf32>
    %convert_element_type3A_50 = arith.truncf %get3A_46 : vector<1000x128xf32> to vector<1000x128xbf16>
    %convert_element_type3A_51 = arith.truncf %get3A_49 : vector<128x16xf32> to vector<128x16xbf16>
    %dot_general3A_52 = arith.constant dense<0.000000e+00> : vector<1000x16xf32>
    %dot_general3A_53 = tpu.matmul %convert_element_type3A_50, %convert_element_type3A_51, %dot_general3A_52 {dimension_numbers = #tpu.dot_dimension_numbers<[1], [0], [0], [1], [0, 0, 1, 1], [], []>, transpose_lhs_hint = false} : vector<1000x128xbf16>, vector<128x16xbf16>, vector<1000x16xf32> -> vector<1000x16xf32>
    %add3A_54 = arith.addf %add3A_43, %dot_general3A_53 : vector<1000x16xf32>
    %get3A_55 = arith.constant 0 : index
    %get3A_56 = arith.constant 0 : index
    %get3A_57 = vector.load %arg6[%get3A_55, %get3A_56] : memref<1000x128xf32, #tpu.memory_space<vmem>>, vector<1000x128xf32>
    %get3A_58 = arith.constant 0 : index
    %get3A_59 = arith.constant 0 : index
    %get3A_60 = vector.load %arg13[%get3A_58, %get3A_59] : memref<128x16xf32, #tpu.memory_space<vmem>>, vector<128x16xf32>
    %convert_element_type3A_61 = arith.truncf %get3A_57 : vector<1000x128xf32> to vector<1000x128xbf16>
    %convert_element_type3A_62 = arith.truncf %get3A_60 : vector<128x16xf32> to vector<128x16xbf16>
    %dot_general3A_63 = arith.constant dense<0.000000e+00> : vector<1000x16xf32>
    %dot_general3A_64 = tpu.matmul %convert_element_type3A_61, %convert_element_type3A_62, %dot_general3A_63 {dimension_numbers = #tpu.dot_dimension_numbers<[1], [0], [0], [1], [0, 0, 1, 1], [], []>, transpose_lhs_hint = false} : vector<1000x128xbf16>, vector<128x16xbf16>, vector<1000x16xf32> -> vector<1000x16xf32>
    %add3A_65 = arith.addf %add3A_54, %dot_general3A_64 : vector<1000x16xf32>
    %get3A_66 = arith.constant 0 : index
    %get3A_67 = arith.constant 0 : index
    %get3A_68 = vector.load %arg7[%get3A_66, %get3A_67] : memref<1000x128xf32, #tpu.memory_space<vmem>>, vector<1000x1xf32>
    %convert_element_type3A_69 = arith.truncf %get3A_68 : vector<1000x1xf32> to vector<1000x1xbf16>
    %convert_element_type3A_70 = arith.extf %convert_element_type3A_69 : vector<1000x1xbf16> to vector<1000x1xf32>
    %get3A_71 = arith.constant 0 : index
    %get3A_72 = arith.constant 0 : index
    %get3A_73 = vector.load %arg14[%get3A_71, %get3A_72] : memref<1x16xf32, #tpu.memory_space<vmem>>, vector<1x16xf32>
    %convert_element_type3A_74 = arith.truncf %get3A_73 : vector<1x16xf32> to vector<1x16xbf16>
    %convert_element_type3A_75 = arith.extf %convert_element_type3A_74 : vector<1x16xbf16> to vector<1x16xf32>
    %mul3A = vector.broadcast %convert_element_type3A_70 : vector<1000x1xf32> to vector<1000x16xf32>
    %mul3A_76 = vector.broadcast %convert_element_type3A_75 : vector<1x16xf32> to vector<1000x16xf32>
    %mul3A_77 = arith.mulf %mul3A, %mul3A_76 : vector<1000x16xf32>
    %add3A_78 = arith.addf %add3A_65, %mul3A_77 : vector<1000x16xf32>
    %max3A = arith.constant 0.000000e+00 : f32
    %max3A_79 = vector.broadcast %max3A : f32 to vector<1000x16xf32>
    %max3A_80 = arith.maximumf %add3A_78, %max3A_79 : vector<1000x16xf32>
    %swap3A = arith.constant 0 : index
    %swap3A_81 = arith.constant 0 : index
    %swap3A_82 = vector.load %arg16[%swap3A, %swap3A_81] : memref<1000x16xf32, #tpu.memory_space<vmem>>, vector<1000x16xf32>
    tpu.vector_store %arg16[%swap3A, %swap3A_81], %max3A_80 {strides = array<i32>} : memref<1000x16xf32, #tpu.memory_space<vmem>>, vector<1000x16xf32>,
    return
  }
  func.func @transform_0(%arg0: i32) -> (i32, i32) {
    %c0_i32 = arith.constant 0 : i32
    %c0_i32_0 = arith.constant 0 : i32
    return %arg0, %c0_i32 : i32, i32
  }
  func.func @transform_1(%arg0: i32) -> (i32, i32) {
    %c0_i32 = arith.constant 0 : i32
    %c0_i32_0 = arith.constant 0 : i32
    return %arg0, %c0_i32 : i32, i32
  }
  func.func @transform_2(%arg0: i32) -> (i32, i32) {
    %c0_i32 = arith.constant 0 : i32
    %c0_i32_0 = arith.constant 0 : i32
    return %arg0, %c0_i32 : i32, i32
  }
  func.func @transform_3(%arg0: i32) -> (i32, i32) {
    %c0_i32 = arith.constant 0 : i32
    %c0_i32_0 = arith.constant 0 : i32
    return %arg0, %c0_i32 : i32, i32
  }
  func.func @transform_4(%arg0: i32) -> (i32, i32) {
    %c0_i32 = arith.constant 0 : i32
    %c0_i32_0 = arith.constant 0 : i32
    return %arg0, %c0_i32 : i32, i32
  }
  func.func @transform_5(%arg0: i32) -> (i32, i32) {
    %c0_i32 = arith.constant 0 : i32
    %c0_i32_0 = arith.constant 0 : i32
    return %arg0, %c0_i32 : i32, i32
  }
  func.func @transform_6(%arg0: i32) -> (i32, i32) {
    %c0_i32 = arith.constant 0 : i32
    %c0_i32_0 = arith.constant 0 : i32
    return %arg0, %c0_i32 : i32, i32
  }
  func.func @transform_7(%arg0: i32) -> (i32, i32) {
    %c0_i32 = arith.constant 0 : i32
    %c0_i32_0 = arith.constant 0 : i32
    %c0_i32_1 = arith.constant 0 : i32
    return %c0_i32, %c0_i32_0 : i32, i32
  }
  func.func @transform_8(%arg0: i32) -> (i32, i32) {
    %c0_i32 = arith.constant 0 : i32
    %c0_i32_0 = arith.constant 0 : i32
    %c0_i32_1 = arith.constant 0 : i32
    return %c0_i32, %c0_i32_0 : i32, i32
  }
  func.func @transform_9(%arg0: i32) -> (i32, i32) {
    %c0_i32 = arith.constant 0 : i32
    %c0_i32_0 = arith.constant 0 : i32
    %c0_i32_1 = arith.constant 0 : i32
    return %c0_i32, %c0_i32_0 : i32, i32
  }
  func.func @transform_10(%arg0: i32) -> (i32, i32) {
    %c0_i32 = arith.constant 0 : i32
    %c0_i32_0 = arith.constant 0 : i32
    %c0_i32_1 = arith.constant 0 : i32
    return %c0_i32, %c0_i32_0 : i32, i32
  }
  func.func @transform_11(%arg0: i32) -> (i32, i32) {
    %c0_i32 = arith.constant 0 : i32
    %c0_i32_0 = arith.constant 0 : i32
    %c0_i32_1 = arith.constant 0 : i32
    return %c0_i32, %c0_i32_0 : i32, i32
  }
  func.func @transform_12(%arg0: i32) -> (i32, i32) {
    %c0_i32 = arith.constant 0 : i32
    %c0_i32_0 = arith.constant 0 : i32
    %c0_i32_1 = arith.constant 0 : i32
    return %c0_i32, %c0_i32_0 : i32, i32
  }
  func.func @transform_13(%arg0: i32) -> (i32, i32) {
    %c0_i32 = arith.constant 0 : i32
    %c0_i32_0 = arith.constant 0 : i32
    %c0_i32_1 = arith.constant 0 : i32
    return %c0_i32, %c0_i32_0 : i32, i32
  }
  func.func @transform_14(%arg0: i32) -> (i32, i32) {
    %c0_i32 = arith.constant 0 : i32
    %c0_i32_0 = arith.constant 0 : i32
    %c0_i32_1 = arith.constant 0 : i32
    return %c0_i32, %c0_i32_0 : i32, i32
  }
  func.func @transform_15(%arg0: i32) -> (i32, i32) {
    %c0_i32 = arith.constant 0 : i32
    %c0_i32_0 = arith.constant 0 : i32
    return %arg0, %c0_i32 : i32, i32
  }
}

module attributes {stable_mosaic.version = 14 : i64} {
  func.func @_mm3_body(%arg0: i32, %arg1: memref<1000x128xf32, #tpu.memory_space<vmem>>, %arg2: memref<1000x128xf32, #tpu.memory_space<vmem>>, %arg3: memref<1000x128xf32, #tpu.memory_space<vmem>>, %arg4: memref<1000x128xf32, #tpu.memory_space<vmem>>, %arg5: memref<256x128xf32, #tpu.memory_space<vmem>>, %arg6: memref<1x128xf32, #tpu.memory_space<vmem>>, %arg7: memref<1000x128xf32, #tpu.memory_space<vmem>>, %arg8: memref<1000x128xf32, #tpu.memory_space<vmem>>) attributes {dimension_semantics = [#tpu.dimension_semantics<arbitrary>], iteration_bounds = array<i64: 10>, scalar_prefetch = 0 : i64, scratch_operands = 0 : i64, tpu.core_type = #tpu.core_type<tc>, window_params = [{transform_indices = @transform_0, window_bounds = array<i64: 1000, 128>}, {transform_indices = @transform_1, window_bounds = array<i64: 1000, 128>}, {transform_indices = @transform_2, window_bounds = array<i64: 1000, 128>}, {transform_indices = @transform_3, window_bounds = array<i64: 1000, 128>}, {pipeline_mode = #tpu.pipeline_mode<synchronous>, transform_indices = @transform_4, window_bounds = array<i64: 256, 128>}, {pipeline_mode = #tpu.pipeline_mode<synchronous>, transform_indices = @transform_5, window_bounds = array<i64: 1, 128>}, {transform_indices = @transform_6, window_bounds = array<i64: 1000, 128>}, {transform_indices = @transform_7, window_bounds = array<i64: 1000, 128>}]} {
    %get3A = arith.constant 0 : index
    %get3A_0 = arith.constant 0 : index
    %get3A_1 = vector.load %arg1[%get3A, %get3A_0] : memref<1000x128xf32, #tpu.memory_space<vmem>>, vector<1000x128xf32>
    %get3A_2 = arith.constant 0 : index
    %get3A_3 = arith.constant 0 : index
    %get3A_4 = vector.load %arg3[%get3A_2, %get3A_3] : memref<1000x128xf32, #tpu.memory_space<vmem>>, vector<1000x128xf32>
    %add3A = arith.addf %get3A_1, %get3A_4 : vector<1000x128xf32>
    %get3A_5 = arith.constant 0 : index
    %get3A_6 = arith.constant 0 : index
    %get3A_7 = vector.load %arg2[%get3A_5, %get3A_6] : memref<1000x128xf32, #tpu.memory_space<vmem>>, vector<1000x128xf32>
    %get3A_8 = arith.constant 0 : index
    %get3A_9 = arith.constant 0 : index
    %get3A_10 = vector.load %arg4[%get3A_8, %get3A_9] : memref<1000x128xf32, #tpu.memory_space<vmem>>, vector<1000x128xf32>
    %add3A_11 = arith.addf %get3A_7, %get3A_10 : vector<1000x128xf32>
    %concatenate3A = tpu.concatenate %add3A, %add3A_11 in 1 : vector<1000x128xf32>, vector<1000x128xf32> -> vector<1000x256xf32>
    %get3A_12 = arith.constant 0 : index
    %get3A_13 = arith.constant 0 : index
    %get3A_14 = vector.load %arg5[%get3A_12, %get3A_13] : memref<256x128xf32, #tpu.memory_space<vmem>>, vector<256x128xf32>
    %convert_element_type3A = arith.truncf %concatenate3A : vector<1000x256xf32> to vector<1000x256xbf16>
    %convert_element_type3A_15 = arith.truncf %get3A_14 : vector<256x128xf32> to vector<256x128xbf16>
    %dot_general3A = arith.constant dense<0.000000e+00> : vector<1000x128xf32>
    %dot_general3A_16 = tpu.matmul %convert_element_type3A, %convert_element_type3A_15, %dot_general3A {dimension_numbers = #tpu.dot_dimension_numbers<[1], [0], [0], [1], [0, 0, 1, 1], [], []>, transpose_lhs_hint = false} : vector<1000x256xbf16>, vector<256x128xbf16>, vector<1000x128xf32> -> vector<1000x128xf32>
    %get3A_17 = arith.constant 0 : index
    %get3A_18 = arith.constant 0 : index
    %get3A_19 = vector.load %arg6[%get3A_17, %get3A_18] : memref<1x128xf32, #tpu.memory_space<vmem>>, vector<1x128xf32>
    %add3A_20 = vector.broadcast %get3A_19 : vector<1x128xf32> to vector<1000x128xf32>
    %add3A_21 = arith.addf %dot_general3A_16, %add3A_20 : vector<1000x128xf32>
    %get3A_22 = arith.constant 0 : index
    %get3A_23 = arith.constant 0 : index
    %get3A_24 = vector.load %arg7[%get3A_22, %get3A_23] : memref<1000x128xf32, #tpu.memory_space<vmem>>, vector<1000x1xf32>
    %add3A_25 = arith.constant 1.000000e+00 : f32
    %add3A_26 = vector.broadcast %add3A_25 : f32 to vector<1000x1xf32>
    %add3A_27 = arith.addf %get3A_24, %add3A_26 : vector<1000x1xf32>
    %div3A = vector.broadcast %add3A_27 : vector<1000x1xf32> to vector<1000x128xf32>
    %div3A_28 = arith.divf %add3A_21, %div3A : vector<1000x128xf32>
    %tanh3A = math.tanh %div3A_28 : vector<1000x128xf32>
    %swap3A = arith.constant 0 : index
    %swap3A_29 = arith.constant 0 : index
    %swap3A_30 = vector.load %arg8[%swap3A, %swap3A_29] : memref<1000x128xf32, #tpu.memory_space<vmem>>, vector<1000x128xf32>
    tpu.vector_store %arg8[%swap3A, %swap3A_29], %tanh3A {strides = array<i32>} : memref<1000x128xf32, #tpu.memory_space<vmem>>, vector<1000x128xf32>,
    return
  }
  func.func @transform_0(%arg0: i32) -> (i32, i32) {
    %c0_i32 = arith.constant 0 : i32
    %c0_i32_0 = arith.constant 0 : i32
    return %arg0, %c0_i32 : i32, i32
  }
  func.func @transform_1(%arg0: i32) -> (i32, i32) {
    %c0_i32 = arith.constant 0 : i32
    %c0_i32_0 = arith.constant 0 : i32
    return %arg0, %c0_i32 : i32, i32
  }
  func.func @transform_2(%arg0: i32) -> (i32, i32) {
    %c0_i32 = arith.constant 0 : i32
    %c0_i32_0 = arith.constant 0 : i32
    return %arg0, %c0_i32 : i32, i32
  }
  func.func @transform_3(%arg0: i32) -> (i32, i32) {
    %c0_i32 = arith.constant 0 : i32
    %c0_i32_0 = arith.constant 0 : i32
    return %arg0, %c0_i32 : i32, i32
  }
  func.func @transform_4(%arg0: i32) -> (i32, i32) {
    %c0_i32 = arith.constant 0 : i32
    %c0_i32_0 = arith.constant 0 : i32
    %c0_i32_1 = arith.constant 0 : i32
    return %c0_i32, %c0_i32_0 : i32, i32
  }
  func.func @transform_5(%arg0: i32) -> (i32, i32) {
    %c0_i32 = arith.constant 0 : i32
    %c0_i32_0 = arith.constant 0 : i32
    %c0_i32_1 = arith.constant 0 : i32
    return %c0_i32, %c0_i32_0 : i32, i32
  }
  func.func @transform_6(%arg0: i32) -> (i32, i32) {
    %c0_i32 = arith.constant 0 : i32
    %c0_i32_0 = arith.constant 0 : i32
    return %arg0, %c0_i32 : i32, i32
  }
  func.func @transform_7(%arg0: i32) -> (i32, i32) {
    %c0_i32 = arith.constant 0 : i32
    %c0_i32_0 = arith.constant 0 : i32
    return %arg0, %c0_i32 : i32, i32
  }
}

module attributes {stable_mosaic.version = 14 : i64} {
  func.func @_sortpool_body(%arg0: i32, %arg1: memref<1000x16xf32, #tpu.memory_space<vmem>>, %arg2: memref<1000x128xf32, #tpu.memory_space<vmem>>, %arg3: memref<80x32xf32, #tpu.memory_space<vmem>>, %arg4: memref<1x32xf32, #tpu.memory_space<vmem>>, %arg5: memref<352x128xf32, #tpu.memory_space<vmem>>, %arg6: memref<1x128xf32, #tpu.memory_space<vmem>>, %arg7: memref<1x10x128xf32, #tpu.memory_space<vmem>>) attributes {dimension_semantics = [#tpu.dimension_semantics<arbitrary>], iteration_bounds = array<i64: 10>, scalar_prefetch = 0 : i64, scratch_operands = 0 : i64, tpu.core_type = #tpu.core_type<tc>, window_params = [{transform_indices = @transform_0, window_bounds = array<i64: 1000, 16>}, {transform_indices = @transform_1, window_bounds = array<i64: 1000, 128>}, {pipeline_mode = #tpu.pipeline_mode<synchronous>, transform_indices = @transform_2, window_bounds = array<i64: 80, 32>}, {pipeline_mode = #tpu.pipeline_mode<synchronous>, transform_indices = @transform_3, window_bounds = array<i64: 1, 32>}, {pipeline_mode = #tpu.pipeline_mode<synchronous>, transform_indices = @transform_4, window_bounds = array<i64: 352, 128>}, {pipeline_mode = #tpu.pipeline_mode<synchronous>, transform_indices = @transform_5, window_bounds = array<i64: 1, 128>}, {transform_indices = @transform_6, window_bounds = array<i64: 1, 10, 128>}]} {
    %get3A = arith.constant 0 : index
    %get3A_0 = arith.constant 0 : index
    %get3A_1 = vector.load %arg3[%get3A, %get3A_0] : memref<80x32xf32, #tpu.memory_space<vmem>>, vector<80x32xf32>
    %get3A_2 = arith.constant 0 : index
    %get3A_3 = arith.constant 0 : index
    %get3A_4 = vector.load %arg4[%get3A_2, %get3A_3] : memref<1x32xf32, #tpu.memory_space<vmem>>, vector<1x32xf32>
    %get3A_5 = arith.constant 0 : index
    %get3A_6 = arith.constant 0 : index
    %get3A_7 = vector.load %arg5[%get3A_5, %get3A_6] : memref<352x128xf32, #tpu.memory_space<vmem>>, vector<352x128xf32>
    %get3A_8 = arith.constant 0 : index
    %get3A_9 = arith.constant 0 : index
    %get3A_10 = vector.load %arg6[%get3A_8, %get3A_9] : memref<1x128xf32, #tpu.memory_space<vmem>>, vector<1x128xf32>
    %get3A_11 = arith.constant 0 : index
    %get3A_12 = arith.constant 0 : index
    %get3A_13 = vector.load %arg2[%get3A_11, %get3A_12] : memref<1000x128xf32, #tpu.memory_space<vmem>>, vector<100x1xf32>
    %get3A_14 = vector.shape_cast %get3A_13 : vector<100x1xf32> to vector<100xf32>
    %broadcast_in_dim3A = vector.shape_cast %get3A_14 : vector<100xf32> to vector<100x1xf32>
    %broadcast_in_dim3A_15 = vector.broadcast %broadcast_in_dim3A : vector<100x1xf32> to vector<100x100xf32>
    %broadcast_in_dim3A_16 = vector.shape_cast %get3A_14 : vector<100xf32> to vector<1x100xf32>
    %broadcast_in_dim3A_17 = vector.broadcast %broadcast_in_dim3A_16 : vector<1x100xf32> to vector<100x100xf32>
    %iota3A = tpu.iota {dimensions = array<i32: 0>} : vector<100x100xi32>
    %iota3A_18 = tpu.iota {dimensions = array<i32: 1>} : vector<100x100xi32>
    %gt3A = arith.cmpf ogt, %broadcast_in_dim3A_17, %broadcast_in_dim3A_15 : vector<100x100xf32>
    %eq3A = arith.cmpf oeq, %broadcast_in_dim3A_17, %broadcast_in_dim3A_15 : vector<100x100xf32>
    %lt3A = arith.cmpi slt, %iota3A_18, %iota3A : vector<100x100xi32>
    %and3A = arith.andi %eq3A, %lt3A : vector<100x100xi1>
    %or3A = arith.ori %gt3A, %and3A : vector<100x100xi1>
    %jit3A = arith.constant 1.000000e+00 : f32
    %jit3A_19 = arith.constant 0.000000e+00 : f32
    %broadcast_in_dim3A_20 = vector.broadcast %jit3A : f32 to vector<100x100xf32>
    %broadcast_in_dim3A_21 = vector.broadcast %jit3A_19 : f32 to vector<100x100xf32>
    %select_n3A = arith.select %or3A, %broadcast_in_dim3A_20, %broadcast_in_dim3A_21 : vector<100x100xi1>, vector<100x100xf32>
    %reduce_sum3A = arith.constant dense<0.000000e+00> : vector<100xf32>
    %reduce_sum3A_22 = vector.multi_reduction <add>, %select_n3A, %reduce_sum3A [1] : vector<100x100xf32> to vector<100xf32>
    %iota3A_23 = tpu.iota {dimensions = array<i32: 0>} : vector<15x100xi32>
    %broadcast_in_dim3A_24 = vector.shape_cast %reduce_sum3A_22 : vector<100xf32> to vector<1x100xf32>
    %broadcast_in_dim3A_25 = vector.broadcast %broadcast_in_dim3A_24 : vector<1x100xf32> to vector<15x100xf32>
    %mul3A = arith.constant 2 : i32
    %mul3A_26 = vector.broadcast %mul3A : i32 to vector<15x100xi32>
    %mul3A_27 = arith.muli %mul3A_26, %iota3A_23 : vector<15x100xi32>
    %convert_element_type3A = arith.sitofp %mul3A_27 : vector<15x100xi32> to vector<15x100xf32>
    %eq3A_28 = arith.cmpf oeq, %broadcast_in_dim3A_25, %convert_element_type3A : vector<15x100xf32>
    %jit3A_29 = arith.constant 1.000000e+00 : f32
    %jit3A_30 = arith.constant 0.000000e+00 : f32
    %broadcast_in_dim3A_31 = vector.broadcast %jit3A_29 : f32 to vector<15x100xf32>
    %broadcast_in_dim3A_32 = vector.broadcast %jit3A_30 : f32 to vector<15x100xf32>
    %select_n3A_33 = arith.select %eq3A_28, %broadcast_in_dim3A_31, %broadcast_in_dim3A_32 : vector<15x100xi1>, vector<15x100xf32>
    %mul3A_34 = arith.constant 2 : i32
    %mul3A_35 = vector.broadcast %mul3A_34 : i32 to vector<15x100xi32>
    %mul3A_36 = arith.muli %mul3A_35, %iota3A_23 : vector<15x100xi32>
    %add3A = arith.constant 1 : i32
    %add3A_37 = vector.broadcast %add3A : i32 to vector<15x100xi32>
    %add3A_38 = arith.addi %mul3A_36, %add3A_37 : vector<15x100xi32>
    %convert_element_type3A_39 = arith.sitofp %add3A_38 : vector<15x100xi32> to vector<15x100xf32>
    %eq3A_40 = arith.cmpf oeq, %broadcast_in_dim3A_25, %convert_element_type3A_39 : vector<15x100xf32>
    %jit3A_41 = arith.constant 1.000000e+00 : f32
    %jit3A_42 = arith.constant 0.000000e+00 : f32
    %broadcast_in_dim3A_43 = vector.broadcast %jit3A_41 : f32 to vector<15x100xf32>
    %broadcast_in_dim3A_44 = vector.broadcast %jit3A_42 : f32 to vector<15x100xf32>
    %select_n3A_45 = arith.select %eq3A_40, %broadcast_in_dim3A_43, %broadcast_in_dim3A_44 : vector<15x100xi1>, vector<15x100xf32>
    %get3A_46 = arith.constant 0 : index
    %get3A_47 = arith.constant 0 : index
    %get3A_48 = vector.load %arg1[%get3A_46, %get3A_47] : memref<1000x16xf32, #tpu.memory_space<vmem>>, vector<100x16xf32>
    %dot_general3A = arith.constant dense<0.000000e+00> : vector<15x16xf32>
    %dot_general3A_49 = tpu.matmul %select_n3A_33, %get3A_48, %dot_general3A {dimension_numbers = #tpu.dot_dimension_numbers<[1], [0], [0], [1], [0, 0, 1, 1], [], []>, transpose_lhs_hint = false} : vector<15x100xf32>, vector<100x16xf32>, vector<15x16xf32> -> vector<15x16xf32>
    %dot_general3A_50 = arith.constant dense<0.000000e+00> : vector<15x16xf32>
    %dot_general3A_51 = tpu.matmul %select_n3A_45, %get3A_48, %dot_general3A_50 {dimension_numbers = #tpu.dot_dimension_numbers<[1], [0], [0], [1], [0, 0, 1, 1], [], []>, transpose_lhs_hint = false} : vector<15x100xf32>, vector<100x16xf32>, vector<15x16xf32> -> vector<15x16xf32>
    %max3A = arith.maximumf %dot_general3A_49, %dot_general3A_51 : vector<15x16xf32>
    %slice3A = vector.extract_strided_slice %max3A {offsets = [0, 0], sizes = [11, 16], strides = [1, 1]} : vector<15x16xf32> to vector<11x16xf32>
    %slice3A_52 = vector.extract_strided_slice %max3A {offsets = [1, 0], sizes = [11, 16], strides = [1, 1]} : vector<15x16xf32> to vector<11x16xf32>
    %slice3A_53 = vector.extract_strided_slice %max3A {offsets = [2, 0], sizes = [11, 16], strides = [1, 1]} : vector<15x16xf32> to vector<11x16xf32>
    %slice3A_54 = vector.extract_strided_slice %max3A {offsets = [3, 0], sizes = [11, 16], strides = [1, 1]} : vector<15x16xf32> to vector<11x16xf32>
    %slice3A_55 = vector.extract_strided_slice %max3A {offsets = [4, 0], sizes = [11, 16], strides = [1, 1]} : vector<15x16xf32> to vector<11x16xf32>
    %concatenate3A = tpu.concatenate %slice3A, %slice3A_52, %slice3A_53, %slice3A_54, %slice3A_55 in 1 : vector<11x16xf32>, vector<11x16xf32>, vector<11x16xf32>, vector<11x16xf32>, vector<11x16xf32> -> vector<11x80xf32>
    %convert_element_type3A_56 = arith.truncf %concatenate3A : vector<11x80xf32> to vector<11x80xbf16>
    %convert_element_type3A_57 = arith.truncf %get3A_1 : vector<80x32xf32> to vector<80x32xbf16>
    %dot_general3A_58 = arith.constant dense<0.000000e+00> : vector<11x32xf32>
    %dot_general3A_59 = tpu.matmul %convert_element_type3A_56, %convert_element_type3A_57, %dot_general3A_58 {dimension_numbers = #tpu.dot_dimension_numbers<[1], [0], [0], [1], [0, 0, 1, 1], [], []>, transpose_lhs_hint = false} : vector<11x80xbf16>, vector<80x32xbf16>, vector<11x32xf32> -> vector<11x32xf32>
    %add3A_60 = vector.broadcast %get3A_4 : vector<1x32xf32> to vector<11x32xf32>
    %add3A_61 = arith.addf %dot_general3A_59, %add3A_60 : vector<11x32xf32>
    %max3A_62 = arith.constant 0.000000e+00 : f32
    %max3A_63 = vector.broadcast %max3A_62 : f32 to vector<11x32xf32>
    %max3A_64 = arith.maximumf %add3A_61, %max3A_63 : vector<11x32xf32>
    %slice3A_65 = vector.extract_strided_slice %max3A_64 {offsets = [0, 0], sizes = [1, 32], strides = [1, 1]} : vector<11x32xf32> to vector<1x32xf32>
    %slice3A_66 = vector.extract_strided_slice %max3A_64 {offsets = [1, 0], sizes = [1, 32], strides = [1, 1]} : vector<11x32xf32> to vector<1x32xf32>
    %slice3A_67 = vector.extract_strided_slice %max3A_64 {offsets = [2, 0], sizes = [1, 32], strides = [1, 1]} : vector<11x32xf32> to vector<1x32xf32>
    %slice3A_68 = vector.extract_strided_slice %max3A_64 {offsets = [3, 0], sizes = [1, 32], strides = [1, 1]} : vector<11x32xf32> to vector<1x32xf32>
    %slice3A_69 = vector.extract_strided_slice %max3A_64 {offsets = [4, 0], sizes = [1, 32], strides = [1, 1]} : vector<11x32xf32> to vector<1x32xf32>
    %slice3A_70 = vector.extract_strided_slice %max3A_64 {offsets = [5, 0], sizes = [1, 32], strides = [1, 1]} : vector<11x32xf32> to vector<1x32xf32>
    %slice3A_71 = vector.extract_strided_slice %max3A_64 {offsets = [6, 0], sizes = [1, 32], strides = [1, 1]} : vector<11x32xf32> to vector<1x32xf32>
    %slice3A_72 = vector.extract_strided_slice %max3A_64 {offsets = [7, 0], sizes = [1, 32], strides = [1, 1]} : vector<11x32xf32> to vector<1x32xf32>
    %slice3A_73 = vector.extract_strided_slice %max3A_64 {offsets = [8, 0], sizes = [1, 32], strides = [1, 1]} : vector<11x32xf32> to vector<1x32xf32>
    %slice3A_74 = vector.extract_strided_slice %max3A_64 {offsets = [9, 0], sizes = [1, 32], strides = [1, 1]} : vector<11x32xf32> to vector<1x32xf32>
    %slice3A_75 = vector.extract_strided_slice %max3A_64 {offsets = [10, 0], sizes = [1, 32], strides = [1, 1]} : vector<11x32xf32> to vector<1x32xf32>
    %concatenate3A_76 = tpu.concatenate %slice3A_65, %slice3A_66, %slice3A_67, %slice3A_68, %slice3A_69, %slice3A_70, %slice3A_71, %slice3A_72, %slice3A_73, %slice3A_74, %slice3A_75 in 1 : vector<1x32xf32>, vector<1x32xf32>, vector<1x32xf32>, vector<1x32xf32>, vector<1x32xf32>, vector<1x32xf32>, vector<1x32xf32>, vector<1x32xf32>, vector<1x32xf32>, vector<1x32xf32>, vector<1x32xf32> -> vector<1x352xf32>
    %convert_element_type3A_77 = arith.truncf %concatenate3A_76 : vector<1x352xf32> to vector<1x352xbf16>
    %convert_element_type3A_78 = arith.truncf %get3A_7 : vector<352x128xf32> to vector<352x128xbf16>
    %dot_general3A_79 = arith.constant dense<0.000000e+00> : vector<1x128xf32>
    %dot_general3A_80 = tpu.matmul %convert_element_type3A_77, %convert_element_type3A_78, %dot_general3A_79 {dimension_numbers = #tpu.dot_dimension_numbers<[1], [0], [0], [1], [0, 0, 1, 1], [], []>, transpose_lhs_hint = false} : vector<1x352xbf16>, vector<352x128xbf16>, vector<1x128xf32> -> vector<1x128xf32>
    %add3A_81 = arith.addf %dot_general3A_80, %get3A_10 : vector<1x128xf32>
    %max3A_82 = arith.constant 0.000000e+00 : f32
    %max3A_83 = vector.broadcast %max3A_82 : f32 to vector<1x128xf32>
    %max3A_84 = arith.maximumf %add3A_81, %max3A_83 : vector<1x128xf32>
    %swap3A = arith.constant 0 : index
    %swap3A_85 = arith.constant 0 : index
    %swap3A_86 = arith.constant 0 : index
    %swap3A_87 = vector.load %arg7[%swap3A, %swap3A_85, %swap3A_86] : memref<1x10x128xf32, #tpu.memory_space<vmem>>, vector<1x1x128xf32>
    %swap3A_88 = vector.shape_cast %swap3A_87 : vector<1x1x128xf32> to vector<1x128xf32>
    %swap3A_89 = vector.shape_cast %max3A_84 : vector<1x128xf32> to vector<1x1x128xf32>
    tpu.vector_store %arg7[%swap3A, %swap3A_85, %swap3A_86], %swap3A_89 {strides = array<i32>} : memref<1x10x128xf32, #tpu.memory_space<vmem>>, vector<1x1x128xf32>,
    %get3A_90 = arith.constant 100 : index
    %get3A_91 = arith.constant 0 : index
    %get3A_92 = vector.load %arg2[%get3A_90, %get3A_91] : memref<1000x128xf32, #tpu.memory_space<vmem>>, vector<100x1xf32>
    %get3A_93 = vector.shape_cast %get3A_92 : vector<100x1xf32> to vector<100xf32>
    %broadcast_in_dim3A_94 = vector.shape_cast %get3A_93 : vector<100xf32> to vector<100x1xf32>
    %broadcast_in_dim3A_95 = vector.broadcast %broadcast_in_dim3A_94 : vector<100x1xf32> to vector<100x100xf32>
    %broadcast_in_dim3A_96 = vector.shape_cast %get3A_93 : vector<100xf32> to vector<1x100xf32>
    %broadcast_in_dim3A_97 = vector.broadcast %broadcast_in_dim3A_96 : vector<1x100xf32> to vector<100x100xf32>
    %iota3A_98 = tpu.iota {dimensions = array<i32: 0>} : vector<100x100xi32>
    %iota3A_99 = tpu.iota {dimensions = array<i32: 1>} : vector<100x100xi32>
    %gt3A_100 = arith.cmpf ogt, %broadcast_in_dim3A_97, %broadcast_in_dim3A_95 : vector<100x100xf32>
    %eq3A_101 = arith.cmpf oeq, %broadcast_in_dim3A_97, %broadcast_in_dim3A_95 : vector<100x100xf32>
    %lt3A_102 = arith.cmpi slt, %iota3A_99, %iota3A_98 : vector<100x100xi32>
    %and3A_103 = arith.andi %eq3A_101, %lt3A_102 : vector<100x100xi1>
    %or3A_104 = arith.ori %gt3A_100, %and3A_103 : vector<100x100xi1>
    %jit3A_105 = arith.constant 1.000000e+00 : f32
    %jit3A_106 = arith.constant 0.000000e+00 : f32
    %broadcast_in_dim3A_107 = vector.broadcast %jit3A_105 : f32 to vector<100x100xf32>
    %broadcast_in_dim3A_108 = vector.broadcast %jit3A_106 : f32 to vector<100x100xf32>
    %select_n3A_109 = arith.select %or3A_104, %broadcast_in_dim3A_107, %broadcast_in_dim3A_108 : vector<100x100xi1>, vector<100x100xf32>
    %reduce_sum3A_110 = arith.constant dense<0.000000e+00> : vector<100xf32>
    %reduce_sum3A_111 = vector.multi_reduction <add>, %select_n3A_109, %reduce_sum3A_110 [1] : vector<100x100xf32> to vector<100xf32>
    %iota3A_112 = tpu.iota {dimensions = array<i32: 0>} : vector<15x100xi32>
    %broadcast_in_dim3A_113 = vector.shape_cast %reduce_sum3A_111 : vector<100xf32> to vector<1x100xf32>
    %broadcast_in_dim3A_114 = vector.broadcast %broadcast_in_dim3A_113 : vector<1x100xf32> to vector<15x100xf32>
    %mul3A_115 = arith.constant 2 : i32
    %mul3A_116 = vector.broadcast %mul3A_115 : i32 to vector<15x100xi32>
    %mul3A_117 = arith.muli %mul3A_116, %iota3A_112 : vector<15x100xi32>
    %convert_element_type3A_118 = arith.sitofp %mul3A_117 : vector<15x100xi32> to vector<15x100xf32>
    %eq3A_119 = arith.cmpf oeq, %broadcast_in_dim3A_114, %convert_element_type3A_118 : vector<15x100xf32>
    %jit3A_120 = arith.constant 1.000000e+00 : f32
    %jit3A_121 = arith.constant 0.000000e+00 : f32
    %broadcast_in_dim3A_122 = vector.broadcast %jit3A_120 : f32 to vector<15x100xf32>
    %broadcast_in_dim3A_123 = vector.broadcast %jit3A_121 : f32 to vector<15x100xf32>
    %select_n3A_124 = arith.select %eq3A_119, %broadcast_in_dim3A_122, %broadcast_in_dim3A_123 : vector<15x100xi1>, vector<15x100xf32>
    %mul3A_125 = arith.constant 2 : i32
    %mul3A_126 = vector.broadcast %mul3A_125 : i32 to vector<15x100xi32>
    %mul3A_127 = arith.muli %mul3A_126, %iota3A_112 : vector<15x100xi32>
    %add3A_128 = arith.constant 1 : i32
    %add3A_129 = vector.broadcast %add3A_128 : i32 to vector<15x100xi32>
    %add3A_130 = arith.addi %mul3A_127, %add3A_129 : vector<15x100xi32>
    %convert_element_type3A_131 = arith.sitofp %add3A_130 : vector<15x100xi32> to vector<15x100xf32>
    %eq3A_132 = arith.cmpf oeq, %broadcast_in_dim3A_114, %convert_element_type3A_131 : vector<15x100xf32>
    %jit3A_133 = arith.constant 1.000000e+00 : f32
    %jit3A_134 = arith.constant 0.000000e+00 : f32
    %broadcast_in_dim3A_135 = vector.broadcast %jit3A_133 : f32 to vector<15x100xf32>
    %broadcast_in_dim3A_136 = vector.broadcast %jit3A_134 : f32 to vector<15x100xf32>
    %select_n3A_137 = arith.select %eq3A_132, %broadcast_in_dim3A_135, %broadcast_in_dim3A_136 : vector<15x100xi1>, vector<15x100xf32>
    %get3A_138 = arith.constant 100 : index
    %get3A_139 = arith.constant 0 : index
    %get3A_140 = vector.load %arg1[%get3A_138, %get3A_139] : memref<1000x16xf32, #tpu.memory_space<vmem>>, vector<100x16xf32>
    %dot_general3A_141 = arith.constant dense<0.000000e+00> : vector<15x16xf32>
    %dot_general3A_142 = tpu.matmul %select_n3A_124, %get3A_140, %dot_general3A_141 {dimension_numbers = #tpu.dot_dimension_numbers<[1], [0], [0], [1], [0, 0, 1, 1], [], []>, transpose_lhs_hint = false} : vector<15x100xf32>, vector<100x16xf32>, vector<15x16xf32> -> vector<15x16xf32>
    %dot_general3A_143 = arith.constant dense<0.000000e+00> : vector<15x16xf32>
    %dot_general3A_144 = tpu.matmul %select_n3A_137, %get3A_140, %dot_general3A_143 {dimension_numbers = #tpu.dot_dimension_numbers<[1], [0], [0], [1], [0, 0, 1, 1], [], []>, transpose_lhs_hint = false} : vector<15x100xf32>, vector<100x16xf32>, vector<15x16xf32> -> vector<15x16xf32>
    %max3A_145 = arith.maximumf %dot_general3A_142, %dot_general3A_144 : vector<15x16xf32>
    %slice3A_146 = vector.extract_strided_slice %max3A_145 {offsets = [0, 0], sizes = [11, 16], strides = [1, 1]} : vector<15x16xf32> to vector<11x16xf32>
    %slice3A_147 = vector.extract_strided_slice %max3A_145 {offsets = [1, 0], sizes = [11, 16], strides = [1, 1]} : vector<15x16xf32> to vector<11x16xf32>
    %slice3A_148 = vector.extract_strided_slice %max3A_145 {offsets = [2, 0], sizes = [11, 16], strides = [1, 1]} : vector<15x16xf32> to vector<11x16xf32>
    %slice3A_149 = vector.extract_strided_slice %max3A_145 {offsets = [3, 0], sizes = [11, 16], strides = [1, 1]} : vector<15x16xf32> to vector<11x16xf32>
    %slice3A_150 = vector.extract_strided_slice %max3A_145 {offsets = [4, 0], sizes = [11, 16], strides = [1, 1]} : vector<15x16xf32> to vector<11x16xf32>
    %concatenate3A_151 = tpu.concatenate %slice3A_146, %slice3A_147, %slice3A_148, %slice3A_149, %slice3A_150 in 1 : vector<11x16xf32>, vector<11x16xf32>, vector<11x16xf32>, vector<11x16xf32>, vector<11x16xf32> -> vector<11x80xf32>
    %convert_element_type3A_152 = arith.truncf %concatenate3A_151 : vector<11x80xf32> to vector<11x80xbf16>
    %convert_element_type3A_153 = arith.truncf %get3A_1 : vector<80x32xf32> to vector<80x32xbf16>
    %dot_general3A_154 = arith.constant dense<0.000000e+00> : vector<11x32xf32>
    %dot_general3A_155 = tpu.matmul %convert_element_type3A_152, %convert_element_type3A_153, %dot_general3A_154 {dimension_numbers = #tpu.dot_dimension_numbers<[1], [0], [0], [1], [0, 0, 1, 1], [], []>, transpose_lhs_hint = false} : vector<11x80xbf16>, vector<80x32xbf16>, vector<11x32xf32> -> vector<11x32xf32>
    %add3A_156 = vector.broadcast %get3A_4 : vector<1x32xf32> to vector<11x32xf32>
    %add3A_157 = arith.addf %dot_general3A_155, %add3A_156 : vector<11x32xf32>
    %max3A_158 = arith.constant 0.000000e+00 : f32
    %max3A_159 = vector.broadcast %max3A_158 : f32 to vector<11x32xf32>
    %max3A_160 = arith.maximumf %add3A_157, %max3A_159 : vector<11x32xf32>
    %slice3A_161 = vector.extract_strided_slice %max3A_160 {offsets = [0, 0], sizes = [1, 32], strides = [1, 1]} : vector<11x32xf32> to vector<1x32xf32>
    %slice3A_162 = vector.extract_strided_slice %max3A_160 {offsets = [1, 0], sizes = [1, 32], strides = [1, 1]} : vector<11x32xf32> to vector<1x32xf32>
    %slice3A_163 = vector.extract_strided_slice %max3A_160 {offsets = [2, 0], sizes = [1, 32], strides = [1, 1]} : vector<11x32xf32> to vector<1x32xf32>
    %slice3A_164 = vector.extract_strided_slice %max3A_160 {offsets = [3, 0], sizes = [1, 32], strides = [1, 1]} : vector<11x32xf32> to vector<1x32xf32>
    %slice3A_165 = vector.extract_strided_slice %max3A_160 {offsets = [4, 0], sizes = [1, 32], strides = [1, 1]} : vector<11x32xf32> to vector<1x32xf32>
    %slice3A_166 = vector.extract_strided_slice %max3A_160 {offsets = [5, 0], sizes = [1, 32], strides = [1, 1]} : vector<11x32xf32> to vector<1x32xf32>
    %slice3A_167 = vector.extract_strided_slice %max3A_160 {offsets = [6, 0], sizes = [1, 32], strides = [1, 1]} : vector<11x32xf32> to vector<1x32xf32>
    %slice3A_168 = vector.extract_strided_slice %max3A_160 {offsets = [7, 0], sizes = [1, 32], strides = [1, 1]} : vector<11x32xf32> to vector<1x32xf32>
    %slice3A_169 = vector.extract_strided_slice %max3A_160 {offsets = [8, 0], sizes = [1, 32], strides = [1, 1]} : vector<11x32xf32> to vector<1x32xf32>
    %slice3A_170 = vector.extract_strided_slice %max3A_160 {offsets = [9, 0], sizes = [1, 32], strides = [1, 1]} : vector<11x32xf32> to vector<1x32xf32>
    %slice3A_171 = vector.extract_strided_slice %max3A_160 {offsets = [10, 0], sizes = [1, 32], strides = [1, 1]} : vector<11x32xf32> to vector<1x32xf32>
    %concatenate3A_172 = tpu.concatenate %slice3A_161, %slice3A_162, %slice3A_163, %slice3A_164, %slice3A_165, %slice3A_166, %slice3A_167, %slice3A_168, %slice3A_169, %slice3A_170, %slice3A_171 in 1 : vector<1x32xf32>, vector<1x32xf32>, vector<1x32xf32>, vector<1x32xf32>, vector<1x32xf32>, vector<1x32xf32>, vector<1x32xf32>, vector<1x32xf32>, vector<1x32xf32>, vector<1x32xf32>, vector<1x32xf32> -> vector<1x352xf32>
    %convert_element_type3A_173 = arith.truncf %concatenate3A_172 : vector<1x352xf32> to vector<1x352xbf16>
    %convert_element_type3A_174 = arith.truncf %get3A_7 : vector<352x128xf32> to vector<352x128xbf16>
    %dot_general3A_175 = arith.constant dense<0.000000e+00> : vector<1x128xf32>
    %dot_general3A_176 = tpu.matmul %convert_element_type3A_173, %convert_element_type3A_174, %dot_general3A_175 {dimension_numbers = #tpu.dot_dimension_numbers<[1], [0], [0], [1], [0, 0, 1, 1], [], []>, transpose_lhs_hint = false} : vector<1x352xbf16>, vector<352x128xbf16>, vector<1x128xf32> -> vector<1x128xf32>
    %add3A_177 = arith.addf %dot_general3A_176, %get3A_10 : vector<1x128xf32>
    %max3A_178 = arith.constant 0.000000e+00 : f32
    %max3A_179 = vector.broadcast %max3A_178 : f32 to vector<1x128xf32>
    %max3A_180 = arith.maximumf %add3A_177, %max3A_179 : vector<1x128xf32>
    %swap3A_181 = arith.constant 0 : index
    %swap3A_182 = arith.constant 1 : index
    %swap3A_183 = arith.constant 0 : index
    %swap3A_184 = vector.load %arg7[%swap3A_181, %swap3A_182, %swap3A_183] : memref<1x10x128xf32, #tpu.memory_space<vmem>>, vector<1x1x128xf32>
    %swap3A_185 = vector.shape_cast %swap3A_184 : vector<1x1x128xf32> to vector<1x128xf32>
    %swap3A_186 = vector.shape_cast %max3A_180 : vector<1x128xf32> to vector<1x1x128xf32>
    tpu.vector_store %arg7[%swap3A_181, %swap3A_182, %swap3A_183], %swap3A_186 {strides = array<i32>} : memref<1x10x128xf32, #tpu.memory_space<vmem>>, vector<1x1x128xf32>,
    %get3A_187 = arith.constant 200 : index
    %get3A_188 = arith.constant 0 : index
    %get3A_189 = vector.load %arg2[%get3A_187, %get3A_188] : memref<1000x128xf32, #tpu.memory_space<vmem>>, vector<100x1xf32>
    %get3A_190 = vector.shape_cast %get3A_189 : vector<100x1xf32> to vector<100xf32>
    %broadcast_in_dim3A_191 = vector.shape_cast %get3A_190 : vector<100xf32> to vector<100x1xf32>
    %broadcast_in_dim3A_192 = vector.broadcast %broadcast_in_dim3A_191 : vector<100x1xf32> to vector<100x100xf32>
    %broadcast_in_dim3A_193 = vector.shape_cast %get3A_190 : vector<100xf32> to vector<1x100xf32>
    %broadcast_in_dim3A_194 = vector.broadcast %broadcast_in_dim3A_193 : vector<1x100xf32> to vector<100x100xf32>
    %iota3A_195 = tpu.iota {dimensions = array<i32: 0>} : vector<100x100xi32>
    %iota3A_196 = tpu.iota {dimensions = array<i32: 1>} : vector<100x100xi32>
    %gt3A_197 = arith.cmpf ogt, %broadcast_in_dim3A_194, %broadcast_in_dim3A_192 : vector<100x100xf32>
    %eq3A_198 = arith.cmpf oeq, %broadcast_in_dim3A_194, %broadcast_in_dim3A_192 : vector<100x100xf32>
    %lt3A_199 = arith.cmpi slt, %iota3A_196, %iota3A_195 : vector<100x100xi32>
    %and3A_200 = arith.andi %eq3A_198, %lt3A_199 : vector<100x100xi1>
    %or3A_201 = arith.ori %gt3A_197, %and3A_200 : vector<100x100xi1>
    %jit3A_202 = arith.constant 1.000000e+00 : f32
    %jit3A_203 = arith.constant 0.000000e+00 : f32
    %broadcast_in_dim3A_204 = vector.broadcast %jit3A_202 : f32 to vector<100x100xf32>
    %broadcast_in_dim3A_205 = vector.broadcast %jit3A_203 : f32 to vector<100x100xf32>
    %select_n3A_206 = arith.select %or3A_201, %broadcast_in_dim3A_204, %broadcast_in_dim3A_205 : vector<100x100xi1>, vector<100x100xf32>
    %reduce_sum3A_207 = arith.constant dense<0.000000e+00> : vector<100xf32>
    %reduce_sum3A_208 = vector.multi_reduction <add>, %select_n3A_206, %reduce_sum3A_207 [1] : vector<100x100xf32> to vector<100xf32>
    %iota3A_209 = tpu.iota {dimensions = array<i32: 0>} : vector<15x100xi32>
    %broadcast_in_dim3A_210 = vector.shape_cast %reduce_sum3A_208 : vector<100xf32> to vector<1x100xf32>
    %broadcast_in_dim3A_211 = vector.broadcast %broadcast_in_dim3A_210 : vector<1x100xf32> to vector<15x100xf32>
    %mul3A_212 = arith.constant 2 : i32
    %mul3A_213 = vector.broadcast %mul3A_212 : i32 to vector<15x100xi32>
    %mul3A_214 = arith.muli %mul3A_213, %iota3A_209 : vector<15x100xi32>
    %convert_element_type3A_215 = arith.sitofp %mul3A_214 : vector<15x100xi32> to vector<15x100xf32>
    %eq3A_216 = arith.cmpf oeq, %broadcast_in_dim3A_211, %convert_element_type3A_215 : vector<15x100xf32>
    %jit3A_217 = arith.constant 1.000000e+00 : f32
    %jit3A_218 = arith.constant 0.000000e+00 : f32
    %broadcast_in_dim3A_219 = vector.broadcast %jit3A_217 : f32 to vector<15x100xf32>
    %broadcast_in_dim3A_220 = vector.broadcast %jit3A_218 : f32 to vector<15x100xf32>
    %select_n3A_221 = arith.select %eq3A_216, %broadcast_in_dim3A_219, %broadcast_in_dim3A_220 : vector<15x100xi1>, vector<15x100xf32>
    %mul3A_222 = arith.constant 2 : i32
    %mul3A_223 = vector.broadcast %mul3A_222 : i32 to vector<15x100xi32>
    %mul3A_224 = arith.muli %mul3A_223, %iota3A_209 : vector<15x100xi32>
    %add3A_225 = arith.constant 1 : i32
    %add3A_226 = vector.broadcast %add3A_225 : i32 to vector<15x100xi32>
    %add3A_227 = arith.addi %mul3A_224, %add3A_226 : vector<15x100xi32>
    %convert_element_type3A_228 = arith.sitofp %add3A_227 : vector<15x100xi32> to vector<15x100xf32>
    %eq3A_229 = arith.cmpf oeq, %broadcast_in_dim3A_211, %convert_element_type3A_228 : vector<15x100xf32>
    %jit3A_230 = arith.constant 1.000000e+00 : f32
    %jit3A_231 = arith.constant 0.000000e+00 : f32
    %broadcast_in_dim3A_232 = vector.broadcast %jit3A_230 : f32 to vector<15x100xf32>
    %broadcast_in_dim3A_233 = vector.broadcast %jit3A_231 : f32 to vector<15x100xf32>
    %select_n3A_234 = arith.select %eq3A_229, %broadcast_in_dim3A_232, %broadcast_in_dim3A_233 : vector<15x100xi1>, vector<15x100xf32>
    %get3A_235 = arith.constant 200 : index
    %get3A_236 = arith.constant 0 : index
    %get3A_237 = vector.load %arg1[%get3A_235, %get3A_236] : memref<1000x16xf32, #tpu.memory_space<vmem>>, vector<100x16xf32>
    %dot_general3A_238 = arith.constant dense<0.000000e+00> : vector<15x16xf32>
    %dot_general3A_239 = tpu.matmul %select_n3A_221, %get3A_237, %dot_general3A_238 {dimension_numbers = #tpu.dot_dimension_numbers<[1], [0], [0], [1], [0, 0, 1, 1], [], []>, transpose_lhs_hint = false} : vector<15x100xf32>, vector<100x16xf32>, vector<15x16xf32> -> vector<15x16xf32>
    %dot_general3A_240 = arith.constant dense<0.000000e+00> : vector<15x16xf32>
    %dot_general3A_241 = tpu.matmul %select_n3A_234, %get3A_237, %dot_general3A_240 {dimension_numbers = #tpu.dot_dimension_numbers<[1], [0], [0], [1], [0, 0, 1, 1], [], []>, transpose_lhs_hint = false} : vector<15x100xf32>, vector<100x16xf32>, vector<15x16xf32> -> vector<15x16xf32>
    %max3A_242 = arith.maximumf %dot_general3A_239, %dot_general3A_241 : vector<15x16xf32>
    %slice3A_243 = vector.extract_strided_slice %max3A_242 {offsets = [0, 0], sizes = [11, 16], strides = [1, 1]} : vector<15x16xf32> to vector<11x16xf32>
    %slice3A_244 = vector.extract_strided_slice %max3A_242 {offsets = [1, 0], sizes = [11, 16], strides = [1, 1]} : vector<15x16xf32> to vector<11x16xf32>
    %slice3A_245 = vector.extract_strided_slice %max3A_242 {offsets = [2, 0], sizes = [11, 16], strides = [1, 1]} : vector<15x16xf32> to vector<11x16xf32>
    %slice3A_246 = vector.extract_strided_slice %max3A_242 {offsets = [3, 0], sizes = [11, 16], strides = [1, 1]} : vector<15x16xf32> to vector<11x16xf32>
    %slice3A_247 = vector.extract_strided_slice %max3A_242 {offsets = [4, 0], sizes = [11, 16], strides = [1, 1]} : vector<15x16xf32> to vector<11x16xf32>
    %concatenate3A_248 = tpu.concatenate %slice3A_243, %slice3A_244, %slice3A_245, %slice3A_246, %slice3A_247 in 1 : vector<11x16xf32>, vector<11x16xf32>, vector<11x16xf32>, vector<11x16xf32>, vector<11x16xf32> -> vector<11x80xf32>
    %convert_element_type3A_249 = arith.truncf %concatenate3A_248 : vector<11x80xf32> to vector<11x80xbf16>
    %convert_element_type3A_250 = arith.truncf %get3A_1 : vector<80x32xf32> to vector<80x32xbf16>
    %dot_general3A_251 = arith.constant dense<0.000000e+00> : vector<11x32xf32>
    %dot_general3A_252 = tpu.matmul %convert_element_type3A_249, %convert_element_type3A_250, %dot_general3A_251 {dimension_numbers = #tpu.dot_dimension_numbers<[1], [0], [0], [1], [0, 0, 1, 1], [], []>, transpose_lhs_hint = false} : vector<11x80xbf16>, vector<80x32xbf16>, vector<11x32xf32> -> vector<11x32xf32>
    %add3A_253 = vector.broadcast %get3A_4 : vector<1x32xf32> to vector<11x32xf32>
    %add3A_254 = arith.addf %dot_general3A_252, %add3A_253 : vector<11x32xf32>
    %max3A_255 = arith.constant 0.000000e+00 : f32
    %max3A_256 = vector.broadcast %max3A_255 : f32 to vector<11x32xf32>
    %max3A_257 = arith.maximumf %add3A_254, %max3A_256 : vector<11x32xf32>
    %slice3A_258 = vector.extract_strided_slice %max3A_257 {offsets = [0, 0], sizes = [1, 32], strides = [1, 1]} : vector<11x32xf32> to vector<1x32xf32>
    %slice3A_259 = vector.extract_strided_slice %max3A_257 {offsets = [1, 0], sizes = [1, 32], strides = [1, 1]} : vector<11x32xf32> to vector<1x32xf32>
    %slice3A_260 = vector.extract_strided_slice %max3A_257 {offsets = [2, 0], sizes = [1, 32], strides = [1, 1]} : vector<11x32xf32> to vector<1x32xf32>
    %slice3A_261 = vector.extract_strided_slice %max3A_257 {offsets = [3, 0], sizes = [1, 32], strides = [1, 1]} : vector<11x32xf32> to vector<1x32xf32>
    %slice3A_262 = vector.extract_strided_slice %max3A_257 {offsets = [4, 0], sizes = [1, 32], strides = [1, 1]} : vector<11x32xf32> to vector<1x32xf32>
    %slice3A_263 = vector.extract_strided_slice %max3A_257 {offsets = [5, 0], sizes = [1, 32], strides = [1, 1]} : vector<11x32xf32> to vector<1x32xf32>
    %slice3A_264 = vector.extract_strided_slice %max3A_257 {offsets = [6, 0], sizes = [1, 32], strides = [1, 1]} : vector<11x32xf32> to vector<1x32xf32>
    %slice3A_265 = vector.extract_strided_slice %max3A_257 {offsets = [7, 0], sizes = [1, 32], strides = [1, 1]} : vector<11x32xf32> to vector<1x32xf32>
    %slice3A_266 = vector.extract_strided_slice %max3A_257 {offsets = [8, 0], sizes = [1, 32], strides = [1, 1]} : vector<11x32xf32> to vector<1x32xf32>
    %slice3A_267 = vector.extract_strided_slice %max3A_257 {offsets = [9, 0], sizes = [1, 32], strides = [1, 1]} : vector<11x32xf32> to vector<1x32xf32>
    %slice3A_268 = vector.extract_strided_slice %max3A_257 {offsets = [10, 0], sizes = [1, 32], strides = [1, 1]} : vector<11x32xf32> to vector<1x32xf32>
    %concatenate3A_269 = tpu.concatenate %slice3A_258, %slice3A_259, %slice3A_260, %slice3A_261, %slice3A_262, %slice3A_263, %slice3A_264, %slice3A_265, %slice3A_266, %slice3A_267, %slice3A_268 in 1 : vector<1x32xf32>, vector<1x32xf32>, vector<1x32xf32>, vector<1x32xf32>, vector<1x32xf32>, vector<1x32xf32>, vector<1x32xf32>, vector<1x32xf32>, vector<1x32xf32>, vector<1x32xf32>, vector<1x32xf32> -> vector<1x352xf32>
    %convert_element_type3A_270 = arith.truncf %concatenate3A_269 : vector<1x352xf32> to vector<1x352xbf16>
    %convert_element_type3A_271 = arith.truncf %get3A_7 : vector<352x128xf32> to vector<352x128xbf16>
    %dot_general3A_272 = arith.constant dense<0.000000e+00> : vector<1x128xf32>
    %dot_general3A_273 = tpu.matmul %convert_element_type3A_270, %convert_element_type3A_271, %dot_general3A_272 {dimension_numbers = #tpu.dot_dimension_numbers<[1], [0], [0], [1], [0, 0, 1, 1], [], []>, transpose_lhs_hint = false} : vector<1x352xbf16>, vector<352x128xbf16>, vector<1x128xf32> -> vector<1x128xf32>
    %add3A_274 = arith.addf %dot_general3A_273, %get3A_10 : vector<1x128xf32>
    %max3A_275 = arith.constant 0.000000e+00 : f32
    %max3A_276 = vector.broadcast %max3A_275 : f32 to vector<1x128xf32>
    %max3A_277 = arith.maximumf %add3A_274, %max3A_276 : vector<1x128xf32>
    %swap3A_278 = arith.constant 0 : index
    %swap3A_279 = arith.constant 2 : index
    %swap3A_280 = arith.constant 0 : index
    %swap3A_281 = vector.load %arg7[%swap3A_278, %swap3A_279, %swap3A_280] : memref<1x10x128xf32, #tpu.memory_space<vmem>>, vector<1x1x128xf32>
    %swap3A_282 = vector.shape_cast %swap3A_281 : vector<1x1x128xf32> to vector<1x128xf32>
    %swap3A_283 = vector.shape_cast %max3A_277 : vector<1x128xf32> to vector<1x1x128xf32>
    tpu.vector_store %arg7[%swap3A_278, %swap3A_279, %swap3A_280], %swap3A_283 {strides = array<i32>} : memref<1x10x128xf32, #tpu.memory_space<vmem>>, vector<1x1x128xf32>,
    %get3A_284 = arith.constant 300 : index
    %get3A_285 = arith.constant 0 : index
    %get3A_286 = vector.load %arg2[%get3A_284, %get3A_285] : memref<1000x128xf32, #tpu.memory_space<vmem>>, vector<100x1xf32>
    %get3A_287 = vector.shape_cast %get3A_286 : vector<100x1xf32> to vector<100xf32>
    %broadcast_in_dim3A_288 = vector.shape_cast %get3A_287 : vector<100xf32> to vector<100x1xf32>
    %broadcast_in_dim3A_289 = vector.broadcast %broadcast_in_dim3A_288 : vector<100x1xf32> to vector<100x100xf32>
    %broadcast_in_dim3A_290 = vector.shape_cast %get3A_287 : vector<100xf32> to vector<1x100xf32>
    %broadcast_in_dim3A_291 = vector.broadcast %broadcast_in_dim3A_290 : vector<1x100xf32> to vector<100x100xf32>
    %iota3A_292 = tpu.iota {dimensions = array<i32: 0>} : vector<100x100xi32>
    %iota3A_293 = tpu.iota {dimensions = array<i32: 1>} : vector<100x100xi32>
    %gt3A_294 = arith.cmpf ogt, %broadcast_in_dim3A_291, %broadcast_in_dim3A_289 : vector<100x100xf32>
    %eq3A_295 = arith.cmpf oeq, %broadcast_in_dim3A_291, %broadcast_in_dim3A_289 : vector<100x100xf32>
    %lt3A_296 = arith.cmpi slt, %iota3A_293, %iota3A_292 : vector<100x100xi32>
    %and3A_297 = arith.andi %eq3A_295, %lt3A_296 : vector<100x100xi1>
    %or3A_298 = arith.ori %gt3A_294, %and3A_297 : vector<100x100xi1>
    %jit3A_299 = arith.constant 1.000000e+00 : f32
    %jit3A_300 = arith.constant 0.000000e+00 : f32
    %broadcast_in_dim3A_301 = vector.broadcast %jit3A_299 : f32 to vector<100x100xf32>
    %broadcast_in_dim3A_302 = vector.broadcast %jit3A_300 : f32 to vector<100x100xf32>
    %select_n3A_303 = arith.select %or3A_298, %broadcast_in_dim3A_301, %broadcast_in_dim3A_302 : vector<100x100xi1>, vector<100x100xf32>
    %reduce_sum3A_304 = arith.constant dense<0.000000e+00> : vector<100xf32>
    %reduce_sum3A_305 = vector.multi_reduction <add>, %select_n3A_303, %reduce_sum3A_304 [1] : vector<100x100xf32> to vector<100xf32>
    %iota3A_306 = tpu.iota {dimensions = array<i32: 0>} : vector<15x100xi32>
    %broadcast_in_dim3A_307 = vector.shape_cast %reduce_sum3A_305 : vector<100xf32> to vector<1x100xf32>
    %broadcast_in_dim3A_308 = vector.broadcast %broadcast_in_dim3A_307 : vector<1x100xf32> to vector<15x100xf32>
    %mul3A_309 = arith.constant 2 : i32
    %mul3A_310 = vector.broadcast %mul3A_309 : i32 to vector<15x100xi32>
    %mul3A_311 = arith.muli %mul3A_310, %iota3A_306 : vector<15x100xi32>
    %convert_element_type3A_312 = arith.sitofp %mul3A_311 : vector<15x100xi32> to vector<15x100xf32>
    %eq3A_313 = arith.cmpf oeq, %broadcast_in_dim3A_308, %convert_element_type3A_312 : vector<15x100xf32>
    %jit3A_314 = arith.constant 1.000000e+00 : f32
    %jit3A_315 = arith.constant 0.000000e+00 : f32
    %broadcast_in_dim3A_316 = vector.broadcast %jit3A_314 : f32 to vector<15x100xf32>
    %broadcast_in_dim3A_317 = vector.broadcast %jit3A_315 : f32 to vector<15x100xf32>
    %select_n3A_318 = arith.select %eq3A_313, %broadcast_in_dim3A_316, %broadcast_in_dim3A_317 : vector<15x100xi1>, vector<15x100xf32>
    %mul3A_319 = arith.constant 2 : i32
    %mul3A_320 = vector.broadcast %mul3A_319 : i32 to vector<15x100xi32>
    %mul3A_321 = arith.muli %mul3A_320, %iota3A_306 : vector<15x100xi32>
    %add3A_322 = arith.constant 1 : i32
    %add3A_323 = vector.broadcast %add3A_322 : i32 to vector<15x100xi32>
    %add3A_324 = arith.addi %mul3A_321, %add3A_323 : vector<15x100xi32>
    %convert_element_type3A_325 = arith.sitofp %add3A_324 : vector<15x100xi32> to vector<15x100xf32>
    %eq3A_326 = arith.cmpf oeq, %broadcast_in_dim3A_308, %convert_element_type3A_325 : vector<15x100xf32>
    %jit3A_327 = arith.constant 1.000000e+00 : f32
    %jit3A_328 = arith.constant 0.000000e+00 : f32
    %broadcast_in_dim3A_329 = vector.broadcast %jit3A_327 : f32 to vector<15x100xf32>
    %broadcast_in_dim3A_330 = vector.broadcast %jit3A_328 : f32 to vector<15x100xf32>
    %select_n3A_331 = arith.select %eq3A_326, %broadcast_in_dim3A_329, %broadcast_in_dim3A_330 : vector<15x100xi1>, vector<15x100xf32>
    %get3A_332 = arith.constant 300 : index
    %get3A_333 = arith.constant 0 : index
    %get3A_334 = vector.load %arg1[%get3A_332, %get3A_333] : memref<1000x16xf32, #tpu.memory_space<vmem>>, vector<100x16xf32>
    %dot_general3A_335 = arith.constant dense<0.000000e+00> : vector<15x16xf32>
    %dot_general3A_336 = tpu.matmul %select_n3A_318, %get3A_334, %dot_general3A_335 {dimension_numbers = #tpu.dot_dimension_numbers<[1], [0], [0], [1], [0, 0, 1, 1], [], []>, transpose_lhs_hint = false} : vector<15x100xf32>, vector<100x16xf32>, vector<15x16xf32> -> vector<15x16xf32>
    %dot_general3A_337 = arith.constant dense<0.000000e+00> : vector<15x16xf32>
    %dot_general3A_338 = tpu.matmul %select_n3A_331, %get3A_334, %dot_general3A_337 {dimension_numbers = #tpu.dot_dimension_numbers<[1], [0], [0], [1], [0, 0, 1, 1], [], []>, transpose_lhs_hint = false} : vector<15x100xf32>, vector<100x16xf32>, vector<15x16xf32> -> vector<15x16xf32>
    %max3A_339 = arith.maximumf %dot_general3A_336, %dot_general3A_338 : vector<15x16xf32>
    %slice3A_340 = vector.extract_strided_slice %max3A_339 {offsets = [0, 0], sizes = [11, 16], strides = [1, 1]} : vector<15x16xf32> to vector<11x16xf32>
    %slice3A_341 = vector.extract_strided_slice %max3A_339 {offsets = [1, 0], sizes = [11, 16], strides = [1, 1]} : vector<15x16xf32> to vector<11x16xf32>
    %slice3A_342 = vector.extract_strided_slice %max3A_339 {offsets = [2, 0], sizes = [11, 16], strides = [1, 1]} : vector<15x16xf32> to vector<11x16xf32>
    %slice3A_343 = vector.extract_strided_slice %max3A_339 {offsets = [3, 0], sizes = [11, 16], strides = [1, 1]} : vector<15x16xf32> to vector<11x16xf32>
    %slice3A_344 = vector.extract_strided_slice %max3A_339 {offsets = [4, 0], sizes = [11, 16], strides = [1, 1]} : vector<15x16xf32> to vector<11x16xf32>
    %concatenate3A_345 = tpu.concatenate %slice3A_340, %slice3A_341, %slice3A_342, %slice3A_343, %slice3A_344 in 1 : vector<11x16xf32>, vector<11x16xf32>, vector<11x16xf32>, vector<11x16xf32>, vector<11x16xf32> -> vector<11x80xf32>
    %convert_element_type3A_346 = arith.truncf %concatenate3A_345 : vector<11x80xf32> to vector<11x80xbf16>
    %convert_element_type3A_347 = arith.truncf %get3A_1 : vector<80x32xf32> to vector<80x32xbf16>
    %dot_general3A_348 = arith.constant dense<0.000000e+00> : vector<11x32xf32>
    %dot_general3A_349 = tpu.matmul %convert_element_type3A_346, %convert_element_type3A_347, %dot_general3A_348 {dimension_numbers = #tpu.dot_dimension_numbers<[1], [0], [0], [1], [0, 0, 1, 1], [], []>, transpose_lhs_hint = false} : vector<11x80xbf16>, vector<80x32xbf16>, vector<11x32xf32> -> vector<11x32xf32>
    %add3A_350 = vector.broadcast %get3A_4 : vector<1x32xf32> to vector<11x32xf32>
    %add3A_351 = arith.addf %dot_general3A_349, %add3A_350 : vector<11x32xf32>
    %max3A_352 = arith.constant 0.000000e+00 : f32
    %max3A_353 = vector.broadcast %max3A_352 : f32 to vector<11x32xf32>
    %max3A_354 = arith.maximumf %add3A_351, %max3A_353 : vector<11x32xf32>
    %slice3A_355 = vector.extract_strided_slice %max3A_354 {offsets = [0, 0], sizes = [1, 32], strides = [1, 1]} : vector<11x32xf32> to vector<1x32xf32>
    %slice3A_356 = vector.extract_strided_slice %max3A_354 {offsets = [1, 0], sizes = [1, 32], strides = [1, 1]} : vector<11x32xf32> to vector<1x32xf32>
    %slice3A_357 = vector.extract_strided_slice %max3A_354 {offsets = [2, 0], sizes = [1, 32], strides = [1, 1]} : vector<11x32xf32> to vector<1x32xf32>
    %slice3A_358 = vector.extract_strided_slice %max3A_354 {offsets = [3, 0], sizes = [1, 32], strides = [1, 1]} : vector<11x32xf32> to vector<1x32xf32>
    %slice3A_359 = vector.extract_strided_slice %max3A_354 {offsets = [4, 0], sizes = [1, 32], strides = [1, 1]} : vector<11x32xf32> to vector<1x32xf32>
    %slice3A_360 = vector.extract_strided_slice %max3A_354 {offsets = [5, 0], sizes = [1, 32], strides = [1, 1]} : vector<11x32xf32> to vector<1x32xf32>
    %slice3A_361 = vector.extract_strided_slice %max3A_354 {offsets = [6, 0], sizes = [1, 32], strides = [1, 1]} : vector<11x32xf32> to vector<1x32xf32>
    %slice3A_362 = vector.extract_strided_slice %max3A_354 {offsets = [7, 0], sizes = [1, 32], strides = [1, 1]} : vector<11x32xf32> to vector<1x32xf32>
    %slice3A_363 = vector.extract_strided_slice %max3A_354 {offsets = [8, 0], sizes = [1, 32], strides = [1, 1]} : vector<11x32xf32> to vector<1x32xf32>
    %slice3A_364 = vector.extract_strided_slice %max3A_354 {offsets = [9, 0], sizes = [1, 32], strides = [1, 1]} : vector<11x32xf32> to vector<1x32xf32>
    %slice3A_365 = vector.extract_strided_slice %max3A_354 {offsets = [10, 0], sizes = [1, 32], strides = [1, 1]} : vector<11x32xf32> to vector<1x32xf32>
    %concatenate3A_366 = tpu.concatenate %slice3A_355, %slice3A_356, %slice3A_357, %slice3A_358, %slice3A_359, %slice3A_360, %slice3A_361, %slice3A_362, %slice3A_363, %slice3A_364, %slice3A_365 in 1 : vector<1x32xf32>, vector<1x32xf32>, vector<1x32xf32>, vector<1x32xf32>, vector<1x32xf32>, vector<1x32xf32>, vector<1x32xf32>, vector<1x32xf32>, vector<1x32xf32>, vector<1x32xf32>, vector<1x32xf32> -> vector<1x352xf32>
    %convert_element_type3A_367 = arith.truncf %concatenate3A_366 : vector<1x352xf32> to vector<1x352xbf16>
    %convert_element_type3A_368 = arith.truncf %get3A_7 : vector<352x128xf32> to vector<352x128xbf16>
    %dot_general3A_369 = arith.constant dense<0.000000e+00> : vector<1x128xf32>
    %dot_general3A_370 = tpu.matmul %convert_element_type3A_367, %convert_element_type3A_368, %dot_general3A_369 {dimension_numbers = #tpu.dot_dimension_numbers<[1], [0], [0], [1], [0, 0, 1, 1], [], []>, transpose_lhs_hint = false} : vector<1x352xbf16>, vector<352x128xbf16>, vector<1x128xf32> -> vector<1x128xf32>
    %add3A_371 = arith.addf %dot_general3A_370, %get3A_10 : vector<1x128xf32>
    %max3A_372 = arith.constant 0.000000e+00 : f32
    %max3A_373 = vector.broadcast %max3A_372 : f32 to vector<1x128xf32>
    %max3A_374 = arith.maximumf %add3A_371, %max3A_373 : vector<1x128xf32>
    %swap3A_375 = arith.constant 0 : index
    %swap3A_376 = arith.constant 3 : index
    %swap3A_377 = arith.constant 0 : index
    %swap3A_378 = vector.load %arg7[%swap3A_375, %swap3A_376, %swap3A_377] : memref<1x10x128xf32, #tpu.memory_space<vmem>>, vector<1x1x128xf32>
    %swap3A_379 = vector.shape_cast %swap3A_378 : vector<1x1x128xf32> to vector<1x128xf32>
    %swap3A_380 = vector.shape_cast %max3A_374 : vector<1x128xf32> to vector<1x1x128xf32>
    tpu.vector_store %arg7[%swap3A_375, %swap3A_376, %swap3A_377], %swap3A_380 {strides = array<i32>} : memref<1x10x128xf32, #tpu.memory_space<vmem>>, vector<1x1x128xf32>,
    %get3A_381 = arith.constant 400 : index
    %get3A_382 = arith.constant 0 : index
    %get3A_383 = vector.load %arg2[%get3A_381, %get3A_382] : memref<1000x128xf32, #tpu.memory_space<vmem>>, vector<100x1xf32>
    %get3A_384 = vector.shape_cast %get3A_383 : vector<100x1xf32> to vector<100xf32>
    %broadcast_in_dim3A_385 = vector.shape_cast %get3A_384 : vector<100xf32> to vector<100x1xf32>
    %broadcast_in_dim3A_386 = vector.broadcast %broadcast_in_dim3A_385 : vector<100x1xf32> to vector<100x100xf32>
    %broadcast_in_dim3A_387 = vector.shape_cast %get3A_384 : vector<100xf32> to vector<1x100xf32>
    %broadcast_in_dim3A_388 = vector.broadcast %broadcast_in_dim3A_387 : vector<1x100xf32> to vector<100x100xf32>
    %iota3A_389 = tpu.iota {dimensions = array<i32: 0>} : vector<100x100xi32>
    %iota3A_390 = tpu.iota {dimensions = array<i32: 1>} : vector<100x100xi32>
    %gt3A_391 = arith.cmpf ogt, %broadcast_in_dim3A_388, %broadcast_in_dim3A_386 : vector<100x100xf32>
    %eq3A_392 = arith.cmpf oeq, %broadcast_in_dim3A_388, %broadcast_in_dim3A_386 : vector<100x100xf32>
    %lt3A_393 = arith.cmpi slt, %iota3A_390, %iota3A_389 : vector<100x100xi32>
    %and3A_394 = arith.andi %eq3A_392, %lt3A_393 : vector<100x100xi1>
    %or3A_395 = arith.ori %gt3A_391, %and3A_394 : vector<100x100xi1>
    %jit3A_396 = arith.constant 1.000000e+00 : f32
    %jit3A_397 = arith.constant 0.000000e+00 : f32
    %broadcast_in_dim3A_398 = vector.broadcast %jit3A_396 : f32 to vector<100x100xf32>
    %broadcast_in_dim3A_399 = vector.broadcast %jit3A_397 : f32 to vector<100x100xf32>
    %select_n3A_400 = arith.select %or3A_395, %broadcast_in_dim3A_398, %broadcast_in_dim3A_399 : vector<100x100xi1>, vector<100x100xf32>
    %reduce_sum3A_401 = arith.constant dense<0.000000e+00> : vector<100xf32>
    %reduce_sum3A_402 = vector.multi_reduction <add>, %select_n3A_400, %reduce_sum3A_401 [1] : vector<100x100xf32> to vector<100xf32>
    %iota3A_403 = tpu.iota {dimensions = array<i32: 0>} : vector<15x100xi32>
    %broadcast_in_dim3A_404 = vector.shape_cast %reduce_sum3A_402 : vector<100xf32> to vector<1x100xf32>
    %broadcast_in_dim3A_405 = vector.broadcast %broadcast_in_dim3A_404 : vector<1x100xf32> to vector<15x100xf32>
    %mul3A_406 = arith.constant 2 : i32
    %mul3A_407 = vector.broadcast %mul3A_406 : i32 to vector<15x100xi32>
    %mul3A_408 = arith.muli %mul3A_407, %iota3A_403 : vector<15x100xi32>
    %convert_element_type3A_409 = arith.sitofp %mul3A_408 : vector<15x100xi32> to vector<15x100xf32>
    %eq3A_410 = arith.cmpf oeq, %broadcast_in_dim3A_405, %convert_element_type3A_409 : vector<15x100xf32>
    %jit3A_411 = arith.constant 1.000000e+00 : f32
    %jit3A_412 = arith.constant 0.000000e+00 : f32
    %broadcast_in_dim3A_413 = vector.broadcast %jit3A_411 : f32 to vector<15x100xf32>
    %broadcast_in_dim3A_414 = vector.broadcast %jit3A_412 : f32 to vector<15x100xf32>
    %select_n3A_415 = arith.select %eq3A_410, %broadcast_in_dim3A_413, %broadcast_in_dim3A_414 : vector<15x100xi1>, vector<15x100xf32>
    %mul3A_416 = arith.constant 2 : i32
    %mul3A_417 = vector.broadcast %mul3A_416 : i32 to vector<15x100xi32>
    %mul3A_418 = arith.muli %mul3A_417, %iota3A_403 : vector<15x100xi32>
    %add3A_419 = arith.constant 1 : i32
    %add3A_420 = vector.broadcast %add3A_419 : i32 to vector<15x100xi32>
    %add3A_421 = arith.addi %mul3A_418, %add3A_420 : vector<15x100xi32>
    %convert_element_type3A_422 = arith.sitofp %add3A_421 : vector<15x100xi32> to vector<15x100xf32>
    %eq3A_423 = arith.cmpf oeq, %broadcast_in_dim3A_405, %convert_element_type3A_422 : vector<15x100xf32>
    %jit3A_424 = arith.constant 1.000000e+00 : f32
    %jit3A_425 = arith.constant 0.000000e+00 : f32
    %broadcast_in_dim3A_426 = vector.broadcast %jit3A_424 : f32 to vector<15x100xf32>
    %broadcast_in_dim3A_427 = vector.broadcast %jit3A_425 : f32 to vector<15x100xf32>
    %select_n3A_428 = arith.select %eq3A_423, %broadcast_in_dim3A_426, %broadcast_in_dim3A_427 : vector<15x100xi1>, vector<15x100xf32>
    %get3A_429 = arith.constant 400 : index
    %get3A_430 = arith.constant 0 : index
    %get3A_431 = vector.load %arg1[%get3A_429, %get3A_430] : memref<1000x16xf32, #tpu.memory_space<vmem>>, vector<100x16xf32>
    %dot_general3A_432 = arith.constant dense<0.000000e+00> : vector<15x16xf32>
    %dot_general3A_433 = tpu.matmul %select_n3A_415, %get3A_431, %dot_general3A_432 {dimension_numbers = #tpu.dot_dimension_numbers<[1], [0], [0], [1], [0, 0, 1, 1], [], []>, transpose_lhs_hint = false} : vector<15x100xf32>, vector<100x16xf32>, vector<15x16xf32> -> vector<15x16xf32>
    %dot_general3A_434 = arith.constant dense<0.000000e+00> : vector<15x16xf32>
    %dot_general3A_435 = tpu.matmul %select_n3A_428, %get3A_431, %dot_general3A_434 {dimension_numbers = #tpu.dot_dimension_numbers<[1], [0], [0], [1], [0, 0, 1, 1], [], []>, transpose_lhs_hint = false} : vector<15x100xf32>, vector<100x16xf32>, vector<15x16xf32> -> vector<15x16xf32>
    %max3A_436 = arith.maximumf %dot_general3A_433, %dot_general3A_435 : vector<15x16xf32>
    %slice3A_437 = vector.extract_strided_slice %max3A_436 {offsets = [0, 0], sizes = [11, 16], strides = [1, 1]} : vector<15x16xf32> to vector<11x16xf32>
    %slice3A_438 = vector.extract_strided_slice %max3A_436 {offsets = [1, 0], sizes = [11, 16], strides = [1, 1]} : vector<15x16xf32> to vector<11x16xf32>
    %slice3A_439 = vector.extract_strided_slice %max3A_436 {offsets = [2, 0], sizes = [11, 16], strides = [1, 1]} : vector<15x16xf32> to vector<11x16xf32>
    %slice3A_440 = vector.extract_strided_slice %max3A_436 {offsets = [3, 0], sizes = [11, 16], strides = [1, 1]} : vector<15x16xf32> to vector<11x16xf32>
    %slice3A_441 = vector.extract_strided_slice %max3A_436 {offsets = [4, 0], sizes = [11, 16], strides = [1, 1]} : vector<15x16xf32> to vector<11x16xf32>
    %concatenate3A_442 = tpu.concatenate %slice3A_437, %slice3A_438, %slice3A_439, %slice3A_440, %slice3A_441 in 1 : vector<11x16xf32>, vector<11x16xf32>, vector<11x16xf32>, vector<11x16xf32>, vector<11x16xf32> -> vector<11x80xf32>
    %convert_element_type3A_443 = arith.truncf %concatenate3A_442 : vector<11x80xf32> to vector<11x80xbf16>
    %convert_element_type3A_444 = arith.truncf %get3A_1 : vector<80x32xf32> to vector<80x32xbf16>
    %dot_general3A_445 = arith.constant dense<0.000000e+00> : vector<11x32xf32>
    %dot_general3A_446 = tpu.matmul %convert_element_type3A_443, %convert_element_type3A_444, %dot_general3A_445 {dimension_numbers = #tpu.dot_dimension_numbers<[1], [0], [0], [1], [0, 0, 1, 1], [], []>, transpose_lhs_hint = false} : vector<11x80xbf16>, vector<80x32xbf16>, vector<11x32xf32> -> vector<11x32xf32>
    %add3A_447 = vector.broadcast %get3A_4 : vector<1x32xf32> to vector<11x32xf32>
    %add3A_448 = arith.addf %dot_general3A_446, %add3A_447 : vector<11x32xf32>
    %max3A_449 = arith.constant 0.000000e+00 : f32
    %max3A_450 = vector.broadcast %max3A_449 : f32 to vector<11x32xf32>
    %max3A_451 = arith.maximumf %add3A_448, %max3A_450 : vector<11x32xf32>
    %slice3A_452 = vector.extract_strided_slice %max3A_451 {offsets = [0, 0], sizes = [1, 32], strides = [1, 1]} : vector<11x32xf32> to vector<1x32xf32>
    %slice3A_453 = vector.extract_strided_slice %max3A_451 {offsets = [1, 0], sizes = [1, 32], strides = [1, 1]} : vector<11x32xf32> to vector<1x32xf32>
    %slice3A_454 = vector.extract_strided_slice %max3A_451 {offsets = [2, 0], sizes = [1, 32], strides = [1, 1]} : vector<11x32xf32> to vector<1x32xf32>
    %slice3A_455 = vector.extract_strided_slice %max3A_451 {offsets = [3, 0], sizes = [1, 32], strides = [1, 1]} : vector<11x32xf32> to vector<1x32xf32>
    %slice3A_456 = vector.extract_strided_slice %max3A_451 {offsets = [4, 0], sizes = [1, 32], strides = [1, 1]} : vector<11x32xf32> to vector<1x32xf32>
    %slice3A_457 = vector.extract_strided_slice %max3A_451 {offsets = [5, 0], sizes = [1, 32], strides = [1, 1]} : vector<11x32xf32> to vector<1x32xf32>
    %slice3A_458 = vector.extract_strided_slice %max3A_451 {offsets = [6, 0], sizes = [1, 32], strides = [1, 1]} : vector<11x32xf32> to vector<1x32xf32>
    %slice3A_459 = vector.extract_strided_slice %max3A_451 {offsets = [7, 0], sizes = [1, 32], strides = [1, 1]} : vector<11x32xf32> to vector<1x32xf32>
    %slice3A_460 = vector.extract_strided_slice %max3A_451 {offsets = [8, 0], sizes = [1, 32], strides = [1, 1]} : vector<11x32xf32> to vector<1x32xf32>
    %slice3A_461 = vector.extract_strided_slice %max3A_451 {offsets = [9, 0], sizes = [1, 32], strides = [1, 1]} : vector<11x32xf32> to vector<1x32xf32>
    %slice3A_462 = vector.extract_strided_slice %max3A_451 {offsets = [10, 0], sizes = [1, 32], strides = [1, 1]} : vector<11x32xf32> to vector<1x32xf32>
    %concatenate3A_463 = tpu.concatenate %slice3A_452, %slice3A_453, %slice3A_454, %slice3A_455, %slice3A_456, %slice3A_457, %slice3A_458, %slice3A_459, %slice3A_460, %slice3A_461, %slice3A_462 in 1 : vector<1x32xf32>, vector<1x32xf32>, vector<1x32xf32>, vector<1x32xf32>, vector<1x32xf32>, vector<1x32xf32>, vector<1x32xf32>, vector<1x32xf32>, vector<1x32xf32>, vector<1x32xf32>, vector<1x32xf32> -> vector<1x352xf32>
    %convert_element_type3A_464 = arith.truncf %concatenate3A_463 : vector<1x352xf32> to vector<1x352xbf16>
    %convert_element_type3A_465 = arith.truncf %get3A_7 : vector<352x128xf32> to vector<352x128xbf16>
    %dot_general3A_466 = arith.constant dense<0.000000e+00> : vector<1x128xf32>
    %dot_general3A_467 = tpu.matmul %convert_element_type3A_464, %convert_element_type3A_465, %dot_general3A_466 {dimension_numbers = #tpu.dot_dimension_numbers<[1], [0], [0], [1], [0, 0, 1, 1], [], []>, transpose_lhs_hint = false} : vector<1x352xbf16>, vector<352x128xbf16>, vector<1x128xf32> -> vector<1x128xf32>
    %add3A_468 = arith.addf %dot_general3A_467, %get3A_10 : vector<1x128xf32>
    %max3A_469 = arith.constant 0.000000e+00 : f32
    %max3A_470 = vector.broadcast %max3A_469 : f32 to vector<1x128xf32>
    %max3A_471 = arith.maximumf %add3A_468, %max3A_470 : vector<1x128xf32>
    %swap3A_472 = arith.constant 0 : index
    %swap3A_473 = arith.constant 4 : index
    %swap3A_474 = arith.constant 0 : index
    %swap3A_475 = vector.load %arg7[%swap3A_472, %swap3A_473, %swap3A_474] : memref<1x10x128xf32, #tpu.memory_space<vmem>>, vector<1x1x128xf32>
    %swap3A_476 = vector.shape_cast %swap3A_475 : vector<1x1x128xf32> to vector<1x128xf32>
    %swap3A_477 = vector.shape_cast %max3A_471 : vector<1x128xf32> to vector<1x1x128xf32>
    tpu.vector_store %arg7[%swap3A_472, %swap3A_473, %swap3A_474], %swap3A_477 {strides = array<i32>} : memref<1x10x128xf32, #tpu.memory_space<vmem>>, vector<1x1x128xf32>,
    %get3A_478 = arith.constant 500 : index
    %get3A_479 = arith.constant 0 : index
    %get3A_480 = vector.load %arg2[%get3A_478, %get3A_479] : memref<1000x128xf32, #tpu.memory_space<vmem>>, vector<100x1xf32>
    %get3A_481 = vector.shape_cast %get3A_480 : vector<100x1xf32> to vector<100xf32>
    %broadcast_in_dim3A_482 = vector.shape_cast %get3A_481 : vector<100xf32> to vector<100x1xf32>
    %broadcast_in_dim3A_483 = vector.broadcast %broadcast_in_dim3A_482 : vector<100x1xf32> to vector<100x100xf32>
    %broadcast_in_dim3A_484 = vector.shape_cast %get3A_481 : vector<100xf32> to vector<1x100xf32>
    %broadcast_in_dim3A_485 = vector.broadcast %broadcast_in_dim3A_484 : vector<1x100xf32> to vector<100x100xf32>
    %iota3A_486 = tpu.iota {dimensions = array<i32: 0>} : vector<100x100xi32>
    %iota3A_487 = tpu.iota {dimensions = array<i32: 1>} : vector<100x100xi32>
    %gt3A_488 = arith.cmpf ogt, %broadcast_in_dim3A_485, %broadcast_in_dim3A_483 : vector<100x100xf32>
    %eq3A_489 = arith.cmpf oeq, %broadcast_in_dim3A_485, %broadcast_in_dim3A_483 : vector<100x100xf32>
    %lt3A_490 = arith.cmpi slt, %iota3A_487, %iota3A_486 : vector<100x100xi32>
    %and3A_491 = arith.andi %eq3A_489, %lt3A_490 : vector<100x100xi1>
    %or3A_492 = arith.ori %gt3A_488, %and3A_491 : vector<100x100xi1>
    %jit3A_493 = arith.constant 1.000000e+00 : f32
    %jit3A_494 = arith.constant 0.000000e+00 : f32
    %broadcast_in_dim3A_495 = vector.broadcast %jit3A_493 : f32 to vector<100x100xf32>
    %broadcast_in_dim3A_496 = vector.broadcast %jit3A_494 : f32 to vector<100x100xf32>
    %select_n3A_497 = arith.select %or3A_492, %broadcast_in_dim3A_495, %broadcast_in_dim3A_496 : vector<100x100xi1>, vector<100x100xf32>
    %reduce_sum3A_498 = arith.constant dense<0.000000e+00> : vector<100xf32>
    %reduce_sum3A_499 = vector.multi_reduction <add>, %select_n3A_497, %reduce_sum3A_498 [1] : vector<100x100xf32> to vector<100xf32>
    %iota3A_500 = tpu.iota {dimensions = array<i32: 0>} : vector<15x100xi32>
    %broadcast_in_dim3A_501 = vector.shape_cast %reduce_sum3A_499 : vector<100xf32> to vector<1x100xf32>
    %broadcast_in_dim3A_502 = vector.broadcast %broadcast_in_dim3A_501 : vector<1x100xf32> to vector<15x100xf32>
    %mul3A_503 = arith.constant 2 : i32
    %mul3A_504 = vector.broadcast %mul3A_503 : i32 to vector<15x100xi32>
    %mul3A_505 = arith.muli %mul3A_504, %iota3A_500 : vector<15x100xi32>
    %convert_element_type3A_506 = arith.sitofp %mul3A_505 : vector<15x100xi32> to vector<15x100xf32>
    %eq3A_507 = arith.cmpf oeq, %broadcast_in_dim3A_502, %convert_element_type3A_506 : vector<15x100xf32>
    %jit3A_508 = arith.constant 1.000000e+00 : f32
    %jit3A_509 = arith.constant 0.000000e+00 : f32
    %broadcast_in_dim3A_510 = vector.broadcast %jit3A_508 : f32 to vector<15x100xf32>
    %broadcast_in_dim3A_511 = vector.broadcast %jit3A_509 : f32 to vector<15x100xf32>
    %select_n3A_512 = arith.select %eq3A_507, %broadcast_in_dim3A_510, %broadcast_in_dim3A_511 : vector<15x100xi1>, vector<15x100xf32>
    %mul3A_513 = arith.constant 2 : i32
    %mul3A_514 = vector.broadcast %mul3A_513 : i32 to vector<15x100xi32>
    %mul3A_515 = arith.muli %mul3A_514, %iota3A_500 : vector<15x100xi32>
    %add3A_516 = arith.constant 1 : i32
    %add3A_517 = vector.broadcast %add3A_516 : i32 to vector<15x100xi32>
    %add3A_518 = arith.addi %mul3A_515, %add3A_517 : vector<15x100xi32>
    %convert_element_type3A_519 = arith.sitofp %add3A_518 : vector<15x100xi32> to vector<15x100xf32>
    %eq3A_520 = arith.cmpf oeq, %broadcast_in_dim3A_502, %convert_element_type3A_519 : vector<15x100xf32>
    %jit3A_521 = arith.constant 1.000000e+00 : f32
    %jit3A_522 = arith.constant 0.000000e+00 : f32
    %broadcast_in_dim3A_523 = vector.broadcast %jit3A_521 : f32 to vector<15x100xf32>
    %broadcast_in_dim3A_524 = vector.broadcast %jit3A_522 : f32 to vector<15x100xf32>
    %select_n3A_525 = arith.select %eq3A_520, %broadcast_in_dim3A_523, %broadcast_in_dim3A_524 : vector<15x100xi1>, vector<15x100xf32>
    %get3A_526 = arith.constant 500 : index
    %get3A_527 = arith.constant 0 : index
    %get3A_528 = vector.load %arg1[%get3A_526, %get3A_527] : memref<1000x16xf32, #tpu.memory_space<vmem>>, vector<100x16xf32>
    %dot_general3A_529 = arith.constant dense<0.000000e+00> : vector<15x16xf32>
    %dot_general3A_530 = tpu.matmul %select_n3A_512, %get3A_528, %dot_general3A_529 {dimension_numbers = #tpu.dot_dimension_numbers<[1], [0], [0], [1], [0, 0, 1, 1], [], []>, transpose_lhs_hint = false} : vector<15x100xf32>, vector<100x16xf32>, vector<15x16xf32> -> vector<15x16xf32>
    %dot_general3A_531 = arith.constant dense<0.000000e+00> : vector<15x16xf32>
    %dot_general3A_532 = tpu.matmul %select_n3A_525, %get3A_528, %dot_general3A_531 {dimension_numbers = #tpu.dot_dimension_numbers<[1], [0], [0], [1], [0, 0, 1, 1], [], []>, transpose_lhs_hint = false} : vector<15x100xf32>, vector<100x16xf32>, vector<15x16xf32> -> vector<15x16xf32>
    %max3A_533 = arith.maximumf %dot_general3A_530, %dot_general3A_532 : vector<15x16xf32>
    %slice3A_534 = vector.extract_strided_slice %max3A_533 {offsets = [0, 0], sizes = [11, 16], strides = [1, 1]} : vector<15x16xf32> to vector<11x16xf32>
    %slice3A_535 = vector.extract_strided_slice %max3A_533 {offsets = [1, 0], sizes = [11, 16], strides = [1, 1]} : vector<15x16xf32> to vector<11x16xf32>
    %slice3A_536 = vector.extract_strided_slice %max3A_533 {offsets = [2, 0], sizes = [11, 16], strides = [1, 1]} : vector<15x16xf32> to vector<11x16xf32>
    %slice3A_537 = vector.extract_strided_slice %max3A_533 {offsets = [3, 0], sizes = [11, 16], strides = [1, 1]} : vector<15x16xf32> to vector<11x16xf32>
    %slice3A_538 = vector.extract_strided_slice %max3A_533 {offsets = [4, 0], sizes = [11, 16], strides = [1, 1]} : vector<15x16xf32> to vector<11x16xf32>
    %concatenate3A_539 = tpu.concatenate %slice3A_534, %slice3A_535, %slice3A_536, %slice3A_537, %slice3A_538 in 1 : vector<11x16xf32>, vector<11x16xf32>, vector<11x16xf32>, vector<11x16xf32>, vector<11x16xf32> -> vector<11x80xf32>
    %convert_element_type3A_540 = arith.truncf %concatenate3A_539 : vector<11x80xf32> to vector<11x80xbf16>
    %convert_element_type3A_541 = arith.truncf %get3A_1 : vector<80x32xf32> to vector<80x32xbf16>
    %dot_general3A_542 = arith.constant dense<0.000000e+00> : vector<11x32xf32>
    %dot_general3A_543 = tpu.matmul %convert_element_type3A_540, %convert_element_type3A_541, %dot_general3A_542 {dimension_numbers = #tpu.dot_dimension_numbers<[1], [0], [0], [1], [0, 0, 1, 1], [], []>, transpose_lhs_hint = false} : vector<11x80xbf16>, vector<80x32xbf16>, vector<11x32xf32> -> vector<11x32xf32>
    %add3A_544 = vector.broadcast %get3A_4 : vector<1x32xf32> to vector<11x32xf32>
    %add3A_545 = arith.addf %dot_general3A_543, %add3A_544 : vector<11x32xf32>
    %max3A_546 = arith.constant 0.000000e+00 : f32
    %max3A_547 = vector.broadcast %max3A_546 : f32 to vector<11x32xf32>
    %max3A_548 = arith.maximumf %add3A_545, %max3A_547 : vector<11x32xf32>
    %slice3A_549 = vector.extract_strided_slice %max3A_548 {offsets = [0, 0], sizes = [1, 32], strides = [1, 1]} : vector<11x32xf32> to vector<1x32xf32>
    %slice3A_550 = vector.extract_strided_slice %max3A_548 {offsets = [1, 0], sizes = [1, 32], strides = [1, 1]} : vector<11x32xf32> to vector<1x32xf32>
    %slice3A_551 = vector.extract_strided_slice %max3A_548 {offsets = [2, 0], sizes = [1, 32], strides = [1, 1]} : vector<11x32xf32> to vector<1x32xf32>
    %slice3A_552 = vector.extract_strided_slice %max3A_548 {offsets = [3, 0], sizes = [1, 32], strides = [1, 1]} : vector<11x32xf32> to vector<1x32xf32>
    %slice3A_553 = vector.extract_strided_slice %max3A_548 {offsets = [4, 0], sizes = [1, 32], strides = [1, 1]} : vector<11x32xf32> to vector<1x32xf32>
    %slice3A_554 = vector.extract_strided_slice %max3A_548 {offsets = [5, 0], sizes = [1, 32], strides = [1, 1]} : vector<11x32xf32> to vector<1x32xf32>
    %slice3A_555 = vector.extract_strided_slice %max3A_548 {offsets = [6, 0], sizes = [1, 32], strides = [1, 1]} : vector<11x32xf32> to vector<1x32xf32>
    %slice3A_556 = vector.extract_strided_slice %max3A_548 {offsets = [7, 0], sizes = [1, 32], strides = [1, 1]} : vector<11x32xf32> to vector<1x32xf32>
    %slice3A_557 = vector.extract_strided_slice %max3A_548 {offsets = [8, 0], sizes = [1, 32], strides = [1, 1]} : vector<11x32xf32> to vector<1x32xf32>
    %slice3A_558 = vector.extract_strided_slice %max3A_548 {offsets = [9, 0], sizes = [1, 32], strides = [1, 1]} : vector<11x32xf32> to vector<1x32xf32>
    %slice3A_559 = vector.extract_strided_slice %max3A_548 {offsets = [10, 0], sizes = [1, 32], strides = [1, 1]} : vector<11x32xf32> to vector<1x32xf32>
    %concatenate3A_560 = tpu.concatenate %slice3A_549, %slice3A_550, %slice3A_551, %slice3A_552, %slice3A_553, %slice3A_554, %slice3A_555, %slice3A_556, %slice3A_557, %slice3A_558, %slice3A_559 in 1 : vector<1x32xf32>, vector<1x32xf32>, vector<1x32xf32>, vector<1x32xf32>, vector<1x32xf32>, vector<1x32xf32>, vector<1x32xf32>, vector<1x32xf32>, vector<1x32xf32>, vector<1x32xf32>, vector<1x32xf32> -> vector<1x352xf32>
    %convert_element_type3A_561 = arith.truncf %concatenate3A_560 : vector<1x352xf32> to vector<1x352xbf16>
    %convert_element_type3A_562 = arith.truncf %get3A_7 : vector<352x128xf32> to vector<352x128xbf16>
    %dot_general3A_563 = arith.constant dense<0.000000e+00> : vector<1x128xf32>
    %dot_general3A_564 = tpu.matmul %convert_element_type3A_561, %convert_element_type3A_562, %dot_general3A_563 {dimension_numbers = #tpu.dot_dimension_numbers<[1], [0], [0], [1], [0, 0, 1, 1], [], []>, transpose_lhs_hint = false} : vector<1x352xbf16>, vector<352x128xbf16>, vector<1x128xf32> -> vector<1x128xf32>
    %add3A_565 = arith.addf %dot_general3A_564, %get3A_10 : vector<1x128xf32>
    %max3A_566 = arith.constant 0.000000e+00 : f32
    %max3A_567 = vector.broadcast %max3A_566 : f32 to vector<1x128xf32>
    %max3A_568 = arith.maximumf %add3A_565, %max3A_567 : vector<1x128xf32>
    %swap3A_569 = arith.constant 0 : index
    %swap3A_570 = arith.constant 5 : index
    %swap3A_571 = arith.constant 0 : index
    %swap3A_572 = vector.load %arg7[%swap3A_569, %swap3A_570, %swap3A_571] : memref<1x10x128xf32, #tpu.memory_space<vmem>>, vector<1x1x128xf32>
    %swap3A_573 = vector.shape_cast %swap3A_572 : vector<1x1x128xf32> to vector<1x128xf32>
    %swap3A_574 = vector.shape_cast %max3A_568 : vector<1x128xf32> to vector<1x1x128xf32>
    tpu.vector_store %arg7[%swap3A_569, %swap3A_570, %swap3A_571], %swap3A_574 {strides = array<i32>} : memref<1x10x128xf32, #tpu.memory_space<vmem>>, vector<1x1x128xf32>,
    %get3A_575 = arith.constant 600 : index
    %get3A_576 = arith.constant 0 : index
    %get3A_577 = vector.load %arg2[%get3A_575, %get3A_576] : memref<1000x128xf32, #tpu.memory_space<vmem>>, vector<100x1xf32>
    %get3A_578 = vector.shape_cast %get3A_577 : vector<100x1xf32> to vector<100xf32>
    %broadcast_in_dim3A_579 = vector.shape_cast %get3A_578 : vector<100xf32> to vector<100x1xf32>
    %broadcast_in_dim3A_580 = vector.broadcast %broadcast_in_dim3A_579 : vector<100x1xf32> to vector<100x100xf32>
    %broadcast_in_dim3A_581 = vector.shape_cast %get3A_578 : vector<100xf32> to vector<1x100xf32>
    %broadcast_in_dim3A_582 = vector.broadcast %broadcast_in_dim3A_581 : vector<1x100xf32> to vector<100x100xf32>
    %iota3A_583 = tpu.iota {dimensions = array<i32: 0>} : vector<100x100xi32>
    %iota3A_584 = tpu.iota {dimensions = array<i32: 1>} : vector<100x100xi32>
    %gt3A_585 = arith.cmpf ogt, %broadcast_in_dim3A_582, %broadcast_in_dim3A_580 : vector<100x100xf32>
    %eq3A_586 = arith.cmpf oeq, %broadcast_in_dim3A_582, %broadcast_in_dim3A_580 : vector<100x100xf32>
    %lt3A_587 = arith.cmpi slt, %iota3A_584, %iota3A_583 : vector<100x100xi32>
    %and3A_588 = arith.andi %eq3A_586, %lt3A_587 : vector<100x100xi1>
    %or3A_589 = arith.ori %gt3A_585, %and3A_588 : vector<100x100xi1>
    %jit3A_590 = arith.constant 1.000000e+00 : f32
    %jit3A_591 = arith.constant 0.000000e+00 : f32
    %broadcast_in_dim3A_592 = vector.broadcast %jit3A_590 : f32 to vector<100x100xf32>
    %broadcast_in_dim3A_593 = vector.broadcast %jit3A_591 : f32 to vector<100x100xf32>
    %select_n3A_594 = arith.select %or3A_589, %broadcast_in_dim3A_592, %broadcast_in_dim3A_593 : vector<100x100xi1>, vector<100x100xf32>
    %reduce_sum3A_595 = arith.constant dense<0.000000e+00> : vector<100xf32>
    %reduce_sum3A_596 = vector.multi_reduction <add>, %select_n3A_594, %reduce_sum3A_595 [1] : vector<100x100xf32> to vector<100xf32>
    %iota3A_597 = tpu.iota {dimensions = array<i32: 0>} : vector<15x100xi32>
    %broadcast_in_dim3A_598 = vector.shape_cast %reduce_sum3A_596 : vector<100xf32> to vector<1x100xf32>
    %broadcast_in_dim3A_599 = vector.broadcast %broadcast_in_dim3A_598 : vector<1x100xf32> to vector<15x100xf32>
    %mul3A_600 = arith.constant 2 : i32
    %mul3A_601 = vector.broadcast %mul3A_600 : i32 to vector<15x100xi32>
    %mul3A_602 = arith.muli %mul3A_601, %iota3A_597 : vector<15x100xi32>
    %convert_element_type3A_603 = arith.sitofp %mul3A_602 : vector<15x100xi32> to vector<15x100xf32>
    %eq3A_604 = arith.cmpf oeq, %broadcast_in_dim3A_599, %convert_element_type3A_603 : vector<15x100xf32>
    %jit3A_605 = arith.constant 1.000000e+00 : f32
    %jit3A_606 = arith.constant 0.000000e+00 : f32
    %broadcast_in_dim3A_607 = vector.broadcast %jit3A_605 : f32 to vector<15x100xf32>
    %broadcast_in_dim3A_608 = vector.broadcast %jit3A_606 : f32 to vector<15x100xf32>
    %select_n3A_609 = arith.select %eq3A_604, %broadcast_in_dim3A_607, %broadcast_in_dim3A_608 : vector<15x100xi1>, vector<15x100xf32>
    %mul3A_610 = arith.constant 2 : i32
    %mul3A_611 = vector.broadcast %mul3A_610 : i32 to vector<15x100xi32>
    %mul3A_612 = arith.muli %mul3A_611, %iota3A_597 : vector<15x100xi32>
    %add3A_613 = arith.constant 1 : i32
    %add3A_614 = vector.broadcast %add3A_613 : i32 to vector<15x100xi32>
    %add3A_615 = arith.addi %mul3A_612, %add3A_614 : vector<15x100xi32>
    %convert_element_type3A_616 = arith.sitofp %add3A_615 : vector<15x100xi32> to vector<15x100xf32>
    %eq3A_617 = arith.cmpf oeq, %broadcast_in_dim3A_599, %convert_element_type3A_616 : vector<15x100xf32>
    %jit3A_618 = arith.constant 1.000000e+00 : f32
    %jit3A_619 = arith.constant 0.000000e+00 : f32
    %broadcast_in_dim3A_620 = vector.broadcast %jit3A_618 : f32 to vector<15x100xf32>
    %broadcast_in_dim3A_621 = vector.broadcast %jit3A_619 : f32 to vector<15x100xf32>
    %select_n3A_622 = arith.select %eq3A_617, %broadcast_in_dim3A_620, %broadcast_in_dim3A_621 : vector<15x100xi1>, vector<15x100xf32>
    %get3A_623 = arith.constant 600 : index
    %get3A_624 = arith.constant 0 : index
    %get3A_625 = vector.load %arg1[%get3A_623, %get3A_624] : memref<1000x16xf32, #tpu.memory_space<vmem>>, vector<100x16xf32>
    %dot_general3A_626 = arith.constant dense<0.000000e+00> : vector<15x16xf32>
    %dot_general3A_627 = tpu.matmul %select_n3A_609, %get3A_625, %dot_general3A_626 {dimension_numbers = #tpu.dot_dimension_numbers<[1], [0], [0], [1], [0, 0, 1, 1], [], []>, transpose_lhs_hint = false} : vector<15x100xf32>, vector<100x16xf32>, vector<15x16xf32> -> vector<15x16xf32>
    %dot_general3A_628 = arith.constant dense<0.000000e+00> : vector<15x16xf32>
    %dot_general3A_629 = tpu.matmul %select_n3A_622, %get3A_625, %dot_general3A_628 {dimension_numbers = #tpu.dot_dimension_numbers<[1], [0], [0], [1], [0, 0, 1, 1], [], []>, transpose_lhs_hint = false} : vector<15x100xf32>, vector<100x16xf32>, vector<15x16xf32> -> vector<15x16xf32>
    %max3A_630 = arith.maximumf %dot_general3A_627, %dot_general3A_629 : vector<15x16xf32>
    %slice3A_631 = vector.extract_strided_slice %max3A_630 {offsets = [0, 0], sizes = [11, 16], strides = [1, 1]} : vector<15x16xf32> to vector<11x16xf32>
    %slice3A_632 = vector.extract_strided_slice %max3A_630 {offsets = [1, 0], sizes = [11, 16], strides = [1, 1]} : vector<15x16xf32> to vector<11x16xf32>
    %slice3A_633 = vector.extract_strided_slice %max3A_630 {offsets = [2, 0], sizes = [11, 16], strides = [1, 1]} : vector<15x16xf32> to vector<11x16xf32>
    %slice3A_634 = vector.extract_strided_slice %max3A_630 {offsets = [3, 0], sizes = [11, 16], strides = [1, 1]} : vector<15x16xf32> to vector<11x16xf32>
    %slice3A_635 = vector.extract_strided_slice %max3A_630 {offsets = [4, 0], sizes = [11, 16], strides = [1, 1]} : vector<15x16xf32> to vector<11x16xf32>
    %concatenate3A_636 = tpu.concatenate %slice3A_631, %slice3A_632, %slice3A_633, %slice3A_634, %slice3A_635 in 1 : vector<11x16xf32>, vector<11x16xf32>, vector<11x16xf32>, vector<11x16xf32>, vector<11x16xf32> -> vector<11x80xf32>
    %convert_element_type3A_637 = arith.truncf %concatenate3A_636 : vector<11x80xf32> to vector<11x80xbf16>
    %convert_element_type3A_638 = arith.truncf %get3A_1 : vector<80x32xf32> to vector<80x32xbf16>
    %dot_general3A_639 = arith.constant dense<0.000000e+00> : vector<11x32xf32>
    %dot_general3A_640 = tpu.matmul %convert_element_type3A_637, %convert_element_type3A_638, %dot_general3A_639 {dimension_numbers = #tpu.dot_dimension_numbers<[1], [0], [0], [1], [0, 0, 1, 1], [], []>, transpose_lhs_hint = false} : vector<11x80xbf16>, vector<80x32xbf16>, vector<11x32xf32> -> vector<11x32xf32>
    %add3A_641 = vector.broadcast %get3A_4 : vector<1x32xf32> to vector<11x32xf32>
    %add3A_642 = arith.addf %dot_general3A_640, %add3A_641 : vector<11x32xf32>
    %max3A_643 = arith.constant 0.000000e+00 : f32
    %max3A_644 = vector.broadcast %max3A_643 : f32 to vector<11x32xf32>
    %max3A_645 = arith.maximumf %add3A_642, %max3A_644 : vector<11x32xf32>
    %slice3A_646 = vector.extract_strided_slice %max3A_645 {offsets = [0, 0], sizes = [1, 32], strides = [1, 1]} : vector<11x32xf32> to vector<1x32xf32>
    %slice3A_647 = vector.extract_strided_slice %max3A_645 {offsets = [1, 0], sizes = [1, 32], strides = [1, 1]} : vector<11x32xf32> to vector<1x32xf32>
    %slice3A_648 = vector.extract_strided_slice %max3A_645 {offsets = [2, 0], sizes = [1, 32], strides = [1, 1]} : vector<11x32xf32> to vector<1x32xf32>
    %slice3A_649 = vector.extract_strided_slice %max3A_645 {offsets = [3, 0], sizes = [1, 32], strides = [1, 1]} : vector<11x32xf32> to vector<1x32xf32>
    %slice3A_650 = vector.extract_strided_slice %max3A_645 {offsets = [4, 0], sizes = [1, 32], strides = [1, 1]} : vector<11x32xf32> to vector<1x32xf32>
    %slice3A_651 = vector.extract_strided_slice %max3A_645 {offsets = [5, 0], sizes = [1, 32], strides = [1, 1]} : vector<11x32xf32> to vector<1x32xf32>
    %slice3A_652 = vector.extract_strided_slice %max3A_645 {offsets = [6, 0], sizes = [1, 32], strides = [1, 1]} : vector<11x32xf32> to vector<1x32xf32>
    %slice3A_653 = vector.extract_strided_slice %max3A_645 {offsets = [7, 0], sizes = [1, 32], strides = [1, 1]} : vector<11x32xf32> to vector<1x32xf32>
    %slice3A_654 = vector.extract_strided_slice %max3A_645 {offsets = [8, 0], sizes = [1, 32], strides = [1, 1]} : vector<11x32xf32> to vector<1x32xf32>
    %slice3A_655 = vector.extract_strided_slice %max3A_645 {offsets = [9, 0], sizes = [1, 32], strides = [1, 1]} : vector<11x32xf32> to vector<1x32xf32>
    %slice3A_656 = vector.extract_strided_slice %max3A_645 {offsets = [10, 0], sizes = [1, 32], strides = [1, 1]} : vector<11x32xf32> to vector<1x32xf32>
    %concatenate3A_657 = tpu.concatenate %slice3A_646, %slice3A_647, %slice3A_648, %slice3A_649, %slice3A_650, %slice3A_651, %slice3A_652, %slice3A_653, %slice3A_654, %slice3A_655, %slice3A_656 in 1 : vector<1x32xf32>, vector<1x32xf32>, vector<1x32xf32>, vector<1x32xf32>, vector<1x32xf32>, vector<1x32xf32>, vector<1x32xf32>, vector<1x32xf32>, vector<1x32xf32>, vector<1x32xf32>, vector<1x32xf32> -> vector<1x352xf32>
    %convert_element_type3A_658 = arith.truncf %concatenate3A_657 : vector<1x352xf32> to vector<1x352xbf16>
    %convert_element_type3A_659 = arith.truncf %get3A_7 : vector<352x128xf32> to vector<352x128xbf16>
    %dot_general3A_660 = arith.constant dense<0.000000e+00> : vector<1x128xf32>
    %dot_general3A_661 = tpu.matmul %convert_element_type3A_658, %convert_element_type3A_659, %dot_general3A_660 {dimension_numbers = #tpu.dot_dimension_numbers<[1], [0], [0], [1], [0, 0, 1, 1], [], []>, transpose_lhs_hint = false} : vector<1x352xbf16>, vector<352x128xbf16>, vector<1x128xf32> -> vector<1x128xf32>
    %add3A_662 = arith.addf %dot_general3A_661, %get3A_10 : vector<1x128xf32>
    %max3A_663 = arith.constant 0.000000e+00 : f32
    %max3A_664 = vector.broadcast %max3A_663 : f32 to vector<1x128xf32>
    %max3A_665 = arith.maximumf %add3A_662, %max3A_664 : vector<1x128xf32>
    %swap3A_666 = arith.constant 0 : index
    %swap3A_667 = arith.constant 6 : index
    %swap3A_668 = arith.constant 0 : index
    %swap3A_669 = vector.load %arg7[%swap3A_666, %swap3A_667, %swap3A_668] : memref<1x10x128xf32, #tpu.memory_space<vmem>>, vector<1x1x128xf32>
    %swap3A_670 = vector.shape_cast %swap3A_669 : vector<1x1x128xf32> to vector<1x128xf32>
    %swap3A_671 = vector.shape_cast %max3A_665 : vector<1x128xf32> to vector<1x1x128xf32>
    tpu.vector_store %arg7[%swap3A_666, %swap3A_667, %swap3A_668], %swap3A_671 {strides = array<i32>} : memref<1x10x128xf32, #tpu.memory_space<vmem>>, vector<1x1x128xf32>,
    %get3A_672 = arith.constant 700 : index
    %get3A_673 = arith.constant 0 : index
    %get3A_674 = vector.load %arg2[%get3A_672, %get3A_673] : memref<1000x128xf32, #tpu.memory_space<vmem>>, vector<100x1xf32>
    %get3A_675 = vector.shape_cast %get3A_674 : vector<100x1xf32> to vector<100xf32>
    %broadcast_in_dim3A_676 = vector.shape_cast %get3A_675 : vector<100xf32> to vector<100x1xf32>
    %broadcast_in_dim3A_677 = vector.broadcast %broadcast_in_dim3A_676 : vector<100x1xf32> to vector<100x100xf32>
    %broadcast_in_dim3A_678 = vector.shape_cast %get3A_675 : vector<100xf32> to vector<1x100xf32>
    %broadcast_in_dim3A_679 = vector.broadcast %broadcast_in_dim3A_678 : vector<1x100xf32> to vector<100x100xf32>
    %iota3A_680 = tpu.iota {dimensions = array<i32: 0>} : vector<100x100xi32>
    %iota3A_681 = tpu.iota {dimensions = array<i32: 1>} : vector<100x100xi32>
    %gt3A_682 = arith.cmpf ogt, %broadcast_in_dim3A_679, %broadcast_in_dim3A_677 : vector<100x100xf32>
    %eq3A_683 = arith.cmpf oeq, %broadcast_in_dim3A_679, %broadcast_in_dim3A_677 : vector<100x100xf32>
    %lt3A_684 = arith.cmpi slt, %iota3A_681, %iota3A_680 : vector<100x100xi32>
    %and3A_685 = arith.andi %eq3A_683, %lt3A_684 : vector<100x100xi1>
    %or3A_686 = arith.ori %gt3A_682, %and3A_685 : vector<100x100xi1>
    %jit3A_687 = arith.constant 1.000000e+00 : f32
    %jit3A_688 = arith.constant 0.000000e+00 : f32
    %broadcast_in_dim3A_689 = vector.broadcast %jit3A_687 : f32 to vector<100x100xf32>
    %broadcast_in_dim3A_690 = vector.broadcast %jit3A_688 : f32 to vector<100x100xf32>
    %select_n3A_691 = arith.select %or3A_686, %broadcast_in_dim3A_689, %broadcast_in_dim3A_690 : vector<100x100xi1>, vector<100x100xf32>
    %reduce_sum3A_692 = arith.constant dense<0.000000e+00> : vector<100xf32>
    %reduce_sum3A_693 = vector.multi_reduction <add>, %select_n3A_691, %reduce_sum3A_692 [1] : vector<100x100xf32> to vector<100xf32>
    %iota3A_694 = tpu.iota {dimensions = array<i32: 0>} : vector<15x100xi32>
    %broadcast_in_dim3A_695 = vector.shape_cast %reduce_sum3A_693 : vector<100xf32> to vector<1x100xf32>
    %broadcast_in_dim3A_696 = vector.broadcast %broadcast_in_dim3A_695 : vector<1x100xf32> to vector<15x100xf32>
    %mul3A_697 = arith.constant 2 : i32
    %mul3A_698 = vector.broadcast %mul3A_697 : i32 to vector<15x100xi32>
    %mul3A_699 = arith.muli %mul3A_698, %iota3A_694 : vector<15x100xi32>
    %convert_element_type3A_700 = arith.sitofp %mul3A_699 : vector<15x100xi32> to vector<15x100xf32>
    %eq3A_701 = arith.cmpf oeq, %broadcast_in_dim3A_696, %convert_element_type3A_700 : vector<15x100xf32>
    %jit3A_702 = arith.constant 1.000000e+00 : f32
    %jit3A_703 = arith.constant 0.000000e+00 : f32
    %broadcast_in_dim3A_704 = vector.broadcast %jit3A_702 : f32 to vector<15x100xf32>
    %broadcast_in_dim3A_705 = vector.broadcast %jit3A_703 : f32 to vector<15x100xf32>
    %select_n3A_706 = arith.select %eq3A_701, %broadcast_in_dim3A_704, %broadcast_in_dim3A_705 : vector<15x100xi1>, vector<15x100xf32>
    %mul3A_707 = arith.constant 2 : i32
    %mul3A_708 = vector.broadcast %mul3A_707 : i32 to vector<15x100xi32>
    %mul3A_709 = arith.muli %mul3A_708, %iota3A_694 : vector<15x100xi32>
    %add3A_710 = arith.constant 1 : i32
    %add3A_711 = vector.broadcast %add3A_710 : i32 to vector<15x100xi32>
    %add3A_712 = arith.addi %mul3A_709, %add3A_711 : vector<15x100xi32>
    %convert_element_type3A_713 = arith.sitofp %add3A_712 : vector<15x100xi32> to vector<15x100xf32>
    %eq3A_714 = arith.cmpf oeq, %broadcast_in_dim3A_696, %convert_element_type3A_713 : vector<15x100xf32>
    %jit3A_715 = arith.constant 1.000000e+00 : f32
    %jit3A_716 = arith.constant 0.000000e+00 : f32
    %broadcast_in_dim3A_717 = vector.broadcast %jit3A_715 : f32 to vector<15x100xf32>
    %broadcast_in_dim3A_718 = vector.broadcast %jit3A_716 : f32 to vector<15x100xf32>
    %select_n3A_719 = arith.select %eq3A_714, %broadcast_in_dim3A_717, %broadcast_in_dim3A_718 : vector<15x100xi1>, vector<15x100xf32>
    %get3A_720 = arith.constant 700 : index
    %get3A_721 = arith.constant 0 : index
    %get3A_722 = vector.load %arg1[%get3A_720, %get3A_721] : memref<1000x16xf32, #tpu.memory_space<vmem>>, vector<100x16xf32>
    %dot_general3A_723 = arith.constant dense<0.000000e+00> : vector<15x16xf32>
    %dot_general3A_724 = tpu.matmul %select_n3A_706, %get3A_722, %dot_general3A_723 {dimension_numbers = #tpu.dot_dimension_numbers<[1], [0], [0], [1], [0, 0, 1, 1], [], []>, transpose_lhs_hint = false} : vector<15x100xf32>, vector<100x16xf32>, vector<15x16xf32> -> vector<15x16xf32>
    %dot_general3A_725 = arith.constant dense<0.000000e+00> : vector<15x16xf32>
    %dot_general3A_726 = tpu.matmul %select_n3A_719, %get3A_722, %dot_general3A_725 {dimension_numbers = #tpu.dot_dimension_numbers<[1], [0], [0], [1], [0, 0, 1, 1], [], []>, transpose_lhs_hint = false} : vector<15x100xf32>, vector<100x16xf32>, vector<15x16xf32> -> vector<15x16xf32>
    %max3A_727 = arith.maximumf %dot_general3A_724, %dot_general3A_726 : vector<15x16xf32>
    %slice3A_728 = vector.extract_strided_slice %max3A_727 {offsets = [0, 0], sizes = [11, 16], strides = [1, 1]} : vector<15x16xf32> to vector<11x16xf32>
    %slice3A_729 = vector.extract_strided_slice %max3A_727 {offsets = [1, 0], sizes = [11, 16], strides = [1, 1]} : vector<15x16xf32> to vector<11x16xf32>
    %slice3A_730 = vector.extract_strided_slice %max3A_727 {offsets = [2, 0], sizes = [11, 16], strides = [1, 1]} : vector<15x16xf32> to vector<11x16xf32>
    %slice3A_731 = vector.extract_strided_slice %max3A_727 {offsets = [3, 0], sizes = [11, 16], strides = [1, 1]} : vector<15x16xf32> to vector<11x16xf32>
    %slice3A_732 = vector.extract_strided_slice %max3A_727 {offsets = [4, 0], sizes = [11, 16], strides = [1, 1]} : vector<15x16xf32> to vector<11x16xf32>
    %concatenate3A_733 = tpu.concatenate %slice3A_728, %slice3A_729, %slice3A_730, %slice3A_731, %slice3A_732 in 1 : vector<11x16xf32>, vector<11x16xf32>, vector<11x16xf32>, vector<11x16xf32>, vector<11x16xf32> -> vector<11x80xf32>
    %convert_element_type3A_734 = arith.truncf %concatenate3A_733 : vector<11x80xf32> to vector<11x80xbf16>
    %convert_element_type3A_735 = arith.truncf %get3A_1 : vector<80x32xf32> to vector<80x32xbf16>
    %dot_general3A_736 = arith.constant dense<0.000000e+00> : vector<11x32xf32>
    %dot_general3A_737 = tpu.matmul %convert_element_type3A_734, %convert_element_type3A_735, %dot_general3A_736 {dimension_numbers = #tpu.dot_dimension_numbers<[1], [0], [0], [1], [0, 0, 1, 1], [], []>, transpose_lhs_hint = false} : vector<11x80xbf16>, vector<80x32xbf16>, vector<11x32xf32> -> vector<11x32xf32>
    %add3A_738 = vector.broadcast %get3A_4 : vector<1x32xf32> to vector<11x32xf32>
    %add3A_739 = arith.addf %dot_general3A_737, %add3A_738 : vector<11x32xf32>
    %max3A_740 = arith.constant 0.000000e+00 : f32
    %max3A_741 = vector.broadcast %max3A_740 : f32 to vector<11x32xf32>
    %max3A_742 = arith.maximumf %add3A_739, %max3A_741 : vector<11x32xf32>
    %slice3A_743 = vector.extract_strided_slice %max3A_742 {offsets = [0, 0], sizes = [1, 32], strides = [1, 1]} : vector<11x32xf32> to vector<1x32xf32>
    %slice3A_744 = vector.extract_strided_slice %max3A_742 {offsets = [1, 0], sizes = [1, 32], strides = [1, 1]} : vector<11x32xf32> to vector<1x32xf32>
    %slice3A_745 = vector.extract_strided_slice %max3A_742 {offsets = [2, 0], sizes = [1, 32], strides = [1, 1]} : vector<11x32xf32> to vector<1x32xf32>
    %slice3A_746 = vector.extract_strided_slice %max3A_742 {offsets = [3, 0], sizes = [1, 32], strides = [1, 1]} : vector<11x32xf32> to vector<1x32xf32>
    %slice3A_747 = vector.extract_strided_slice %max3A_742 {offsets = [4, 0], sizes = [1, 32], strides = [1, 1]} : vector<11x32xf32> to vector<1x32xf32>
    %slice3A_748 = vector.extract_strided_slice %max3A_742 {offsets = [5, 0], sizes = [1, 32], strides = [1, 1]} : vector<11x32xf32> to vector<1x32xf32>
    %slice3A_749 = vector.extract_strided_slice %max3A_742 {offsets = [6, 0], sizes = [1, 32], strides = [1, 1]} : vector<11x32xf32> to vector<1x32xf32>
    %slice3A_750 = vector.extract_strided_slice %max3A_742 {offsets = [7, 0], sizes = [1, 32], strides = [1, 1]} : vector<11x32xf32> to vector<1x32xf32>
    %slice3A_751 = vector.extract_strided_slice %max3A_742 {offsets = [8, 0], sizes = [1, 32], strides = [1, 1]} : vector<11x32xf32> to vector<1x32xf32>
    %slice3A_752 = vector.extract_strided_slice %max3A_742 {offsets = [9, 0], sizes = [1, 32], strides = [1, 1]} : vector<11x32xf32> to vector<1x32xf32>
    %slice3A_753 = vector.extract_strided_slice %max3A_742 {offsets = [10, 0], sizes = [1, 32], strides = [1, 1]} : vector<11x32xf32> to vector<1x32xf32>
    %concatenate3A_754 = tpu.concatenate %slice3A_743, %slice3A_744, %slice3A_745, %slice3A_746, %slice3A_747, %slice3A_748, %slice3A_749, %slice3A_750, %slice3A_751, %slice3A_752, %slice3A_753 in 1 : vector<1x32xf32>, vector<1x32xf32>, vector<1x32xf32>, vector<1x32xf32>, vector<1x32xf32>, vector<1x32xf32>, vector<1x32xf32>, vector<1x32xf32>, vector<1x32xf32>, vector<1x32xf32>, vector<1x32xf32> -> vector<1x352xf32>
    %convert_element_type3A_755 = arith.truncf %concatenate3A_754 : vector<1x352xf32> to vector<1x352xbf16>
    %convert_element_type3A_756 = arith.truncf %get3A_7 : vector<352x128xf32> to vector<352x128xbf16>
    %dot_general3A_757 = arith.constant dense<0.000000e+00> : vector<1x128xf32>
    %dot_general3A_758 = tpu.matmul %convert_element_type3A_755, %convert_element_type3A_756, %dot_general3A_757 {dimension_numbers = #tpu.dot_dimension_numbers<[1], [0], [0], [1], [0, 0, 1, 1], [], []>, transpose_lhs_hint = false} : vector<1x352xbf16>, vector<352x128xbf16>, vector<1x128xf32> -> vector<1x128xf32>
    %add3A_759 = arith.addf %dot_general3A_758, %get3A_10 : vector<1x128xf32>
    %max3A_760 = arith.constant 0.000000e+00 : f32
    %max3A_761 = vector.broadcast %max3A_760 : f32 to vector<1x128xf32>
    %max3A_762 = arith.maximumf %add3A_759, %max3A_761 : vector<1x128xf32>
    %swap3A_763 = arith.constant 0 : index
    %swap3A_764 = arith.constant 7 : index
    %swap3A_765 = arith.constant 0 : index
    %swap3A_766 = vector.load %arg7[%swap3A_763, %swap3A_764, %swap3A_765] : memref<1x10x128xf32, #tpu.memory_space<vmem>>, vector<1x1x128xf32>
    %swap3A_767 = vector.shape_cast %swap3A_766 : vector<1x1x128xf32> to vector<1x128xf32>
    %swap3A_768 = vector.shape_cast %max3A_762 : vector<1x128xf32> to vector<1x1x128xf32>
    tpu.vector_store %arg7[%swap3A_763, %swap3A_764, %swap3A_765], %swap3A_768 {strides = array<i32>} : memref<1x10x128xf32, #tpu.memory_space<vmem>>, vector<1x1x128xf32>,
    %get3A_769 = arith.constant 800 : index
    %get3A_770 = arith.constant 0 : index
    %get3A_771 = vector.load %arg2[%get3A_769, %get3A_770] : memref<1000x128xf32, #tpu.memory_space<vmem>>, vector<100x1xf32>
    %get3A_772 = vector.shape_cast %get3A_771 : vector<100x1xf32> to vector<100xf32>
    %broadcast_in_dim3A_773 = vector.shape_cast %get3A_772 : vector<100xf32> to vector<100x1xf32>
    %broadcast_in_dim3A_774 = vector.broadcast %broadcast_in_dim3A_773 : vector<100x1xf32> to vector<100x100xf32>
    %broadcast_in_dim3A_775 = vector.shape_cast %get3A_772 : vector<100xf32> to vector<1x100xf32>
    %broadcast_in_dim3A_776 = vector.broadcast %broadcast_in_dim3A_775 : vector<1x100xf32> to vector<100x100xf32>
    %iota3A_777 = tpu.iota {dimensions = array<i32: 0>} : vector<100x100xi32>
    %iota3A_778 = tpu.iota {dimensions = array<i32: 1>} : vector<100x100xi32>
    %gt3A_779 = arith.cmpf ogt, %broadcast_in_dim3A_776, %broadcast_in_dim3A_774 : vector<100x100xf32>
    %eq3A_780 = arith.cmpf oeq, %broadcast_in_dim3A_776, %broadcast_in_dim3A_774 : vector<100x100xf32>
    %lt3A_781 = arith.cmpi slt, %iota3A_778, %iota3A_777 : vector<100x100xi32>
    %and3A_782 = arith.andi %eq3A_780, %lt3A_781 : vector<100x100xi1>
    %or3A_783 = arith.ori %gt3A_779, %and3A_782 : vector<100x100xi1>
    %jit3A_784 = arith.constant 1.000000e+00 : f32
    %jit3A_785 = arith.constant 0.000000e+00 : f32
    %broadcast_in_dim3A_786 = vector.broadcast %jit3A_784 : f32 to vector<100x100xf32>
    %broadcast_in_dim3A_787 = vector.broadcast %jit3A_785 : f32 to vector<100x100xf32>
    %select_n3A_788 = arith.select %or3A_783, %broadcast_in_dim3A_786, %broadcast_in_dim3A_787 : vector<100x100xi1>, vector<100x100xf32>
    %reduce_sum3A_789 = arith.constant dense<0.000000e+00> : vector<100xf32>
    %reduce_sum3A_790 = vector.multi_reduction <add>, %select_n3A_788, %reduce_sum3A_789 [1] : vector<100x100xf32> to vector<100xf32>
    %iota3A_791 = tpu.iota {dimensions = array<i32: 0>} : vector<15x100xi32>
    %broadcast_in_dim3A_792 = vector.shape_cast %reduce_sum3A_790 : vector<100xf32> to vector<1x100xf32>
    %broadcast_in_dim3A_793 = vector.broadcast %broadcast_in_dim3A_792 : vector<1x100xf32> to vector<15x100xf32>
    %mul3A_794 = arith.constant 2 : i32
    %mul3A_795 = vector.broadcast %mul3A_794 : i32 to vector<15x100xi32>
    %mul3A_796 = arith.muli %mul3A_795, %iota3A_791 : vector<15x100xi32>
    %convert_element_type3A_797 = arith.sitofp %mul3A_796 : vector<15x100xi32> to vector<15x100xf32>
    %eq3A_798 = arith.cmpf oeq, %broadcast_in_dim3A_793, %convert_element_type3A_797 : vector<15x100xf32>
    %jit3A_799 = arith.constant 1.000000e+00 : f32
    %jit3A_800 = arith.constant 0.000000e+00 : f32
    %broadcast_in_dim3A_801 = vector.broadcast %jit3A_799 : f32 to vector<15x100xf32>
    %broadcast_in_dim3A_802 = vector.broadcast %jit3A_800 : f32 to vector<15x100xf32>
    %select_n3A_803 = arith.select %eq3A_798, %broadcast_in_dim3A_801, %broadcast_in_dim3A_802 : vector<15x100xi1>, vector<15x100xf32>
    %mul3A_804 = arith.constant 2 : i32
    %mul3A_805 = vector.broadcast %mul3A_804 : i32 to vector<15x100xi32>
    %mul3A_806 = arith.muli %mul3A_805, %iota3A_791 : vector<15x100xi32>
    %add3A_807 = arith.constant 1 : i32
    %add3A_808 = vector.broadcast %add3A_807 : i32 to vector<15x100xi32>
    %add3A_809 = arith.addi %mul3A_806, %add3A_808 : vector<15x100xi32>
    %convert_element_type3A_810 = arith.sitofp %add3A_809 : vector<15x100xi32> to vector<15x100xf32>
    %eq3A_811 = arith.cmpf oeq, %broadcast_in_dim3A_793, %convert_element_type3A_810 : vector<15x100xf32>
    %jit3A_812 = arith.constant 1.000000e+00 : f32
    %jit3A_813 = arith.constant 0.000000e+00 : f32
    %broadcast_in_dim3A_814 = vector.broadcast %jit3A_812 : f32 to vector<15x100xf32>
    %broadcast_in_dim3A_815 = vector.broadcast %jit3A_813 : f32 to vector<15x100xf32>
    %select_n3A_816 = arith.select %eq3A_811, %broadcast_in_dim3A_814, %broadcast_in_dim3A_815 : vector<15x100xi1>, vector<15x100xf32>
    %get3A_817 = arith.constant 800 : index
    %get3A_818 = arith.constant 0 : index
    %get3A_819 = vector.load %arg1[%get3A_817, %get3A_818] : memref<1000x16xf32, #tpu.memory_space<vmem>>, vector<100x16xf32>
    %dot_general3A_820 = arith.constant dense<0.000000e+00> : vector<15x16xf32>
    %dot_general3A_821 = tpu.matmul %select_n3A_803, %get3A_819, %dot_general3A_820 {dimension_numbers = #tpu.dot_dimension_numbers<[1], [0], [0], [1], [0, 0, 1, 1], [], []>, transpose_lhs_hint = false} : vector<15x100xf32>, vector<100x16xf32>, vector<15x16xf32> -> vector<15x16xf32>
    %dot_general3A_822 = arith.constant dense<0.000000e+00> : vector<15x16xf32>
    %dot_general3A_823 = tpu.matmul %select_n3A_816, %get3A_819, %dot_general3A_822 {dimension_numbers = #tpu.dot_dimension_numbers<[1], [0], [0], [1], [0, 0, 1, 1], [], []>, transpose_lhs_hint = false} : vector<15x100xf32>, vector<100x16xf32>, vector<15x16xf32> -> vector<15x16xf32>
    %max3A_824 = arith.maximumf %dot_general3A_821, %dot_general3A_823 : vector<15x16xf32>
    %slice3A_825 = vector.extract_strided_slice %max3A_824 {offsets = [0, 0], sizes = [11, 16], strides = [1, 1]} : vector<15x16xf32> to vector<11x16xf32>
    %slice3A_826 = vector.extract_strided_slice %max3A_824 {offsets = [1, 0], sizes = [11, 16], strides = [1, 1]} : vector<15x16xf32> to vector<11x16xf32>
    %slice3A_827 = vector.extract_strided_slice %max3A_824 {offsets = [2, 0], sizes = [11, 16], strides = [1, 1]} : vector<15x16xf32> to vector<11x16xf32>
    %slice3A_828 = vector.extract_strided_slice %max3A_824 {offsets = [3, 0], sizes = [11, 16], strides = [1, 1]} : vector<15x16xf32> to vector<11x16xf32>
    %slice3A_829 = vector.extract_strided_slice %max3A_824 {offsets = [4, 0], sizes = [11, 16], strides = [1, 1]} : vector<15x16xf32> to vector<11x16xf32>
    %concatenate3A_830 = tpu.concatenate %slice3A_825, %slice3A_826, %slice3A_827, %slice3A_828, %slice3A_829 in 1 : vector<11x16xf32>, vector<11x16xf32>, vector<11x16xf32>, vector<11x16xf32>, vector<11x16xf32> -> vector<11x80xf32>
    %convert_element_type3A_831 = arith.truncf %concatenate3A_830 : vector<11x80xf32> to vector<11x80xbf16>
    %convert_element_type3A_832 = arith.truncf %get3A_1 : vector<80x32xf32> to vector<80x32xbf16>
    %dot_general3A_833 = arith.constant dense<0.000000e+00> : vector<11x32xf32>
    %dot_general3A_834 = tpu.matmul %convert_element_type3A_831, %convert_element_type3A_832, %dot_general3A_833 {dimension_numbers = #tpu.dot_dimension_numbers<[1], [0], [0], [1], [0, 0, 1, 1], [], []>, transpose_lhs_hint = false} : vector<11x80xbf16>, vector<80x32xbf16>, vector<11x32xf32> -> vector<11x32xf32>
    %add3A_835 = vector.broadcast %get3A_4 : vector<1x32xf32> to vector<11x32xf32>
    %add3A_836 = arith.addf %dot_general3A_834, %add3A_835 : vector<11x32xf32>
    %max3A_837 = arith.constant 0.000000e+00 : f32
    %max3A_838 = vector.broadcast %max3A_837 : f32 to vector<11x32xf32>
    %max3A_839 = arith.maximumf %add3A_836, %max3A_838 : vector<11x32xf32>
    %slice3A_840 = vector.extract_strided_slice %max3A_839 {offsets = [0, 0], sizes = [1, 32], strides = [1, 1]} : vector<11x32xf32> to vector<1x32xf32>
    %slice3A_841 = vector.extract_strided_slice %max3A_839 {offsets = [1, 0], sizes = [1, 32], strides = [1, 1]} : vector<11x32xf32> to vector<1x32xf32>
    %slice3A_842 = vector.extract_strided_slice %max3A_839 {offsets = [2, 0], sizes = [1, 32], strides = [1, 1]} : vector<11x32xf32> to vector<1x32xf32>
    %slice3A_843 = vector.extract_strided_slice %max3A_839 {offsets = [3, 0], sizes = [1, 32], strides = [1, 1]} : vector<11x32xf32> to vector<1x32xf32>
    %slice3A_844 = vector.extract_strided_slice %max3A_839 {offsets = [4, 0], sizes = [1, 32], strides = [1, 1]} : vector<11x32xf32> to vector<1x32xf32>
    %slice3A_845 = vector.extract_strided_slice %max3A_839 {offsets = [5, 0], sizes = [1, 32], strides = [1, 1]} : vector<11x32xf32> to vector<1x32xf32>
    %slice3A_846 = vector.extract_strided_slice %max3A_839 {offsets = [6, 0], sizes = [1, 32], strides = [1, 1]} : vector<11x32xf32> to vector<1x32xf32>
    %slice3A_847 = vector.extract_strided_slice %max3A_839 {offsets = [7, 0], sizes = [1, 32], strides = [1, 1]} : vector<11x32xf32> to vector<1x32xf32>
    %slice3A_848 = vector.extract_strided_slice %max3A_839 {offsets = [8, 0], sizes = [1, 32], strides = [1, 1]} : vector<11x32xf32> to vector<1x32xf32>
    %slice3A_849 = vector.extract_strided_slice %max3A_839 {offsets = [9, 0], sizes = [1, 32], strides = [1, 1]} : vector<11x32xf32> to vector<1x32xf32>
    %slice3A_850 = vector.extract_strided_slice %max3A_839 {offsets = [10, 0], sizes = [1, 32], strides = [1, 1]} : vector<11x32xf32> to vector<1x32xf32>
    %concatenate3A_851 = tpu.concatenate %slice3A_840, %slice3A_841, %slice3A_842, %slice3A_843, %slice3A_844, %slice3A_845, %slice3A_846, %slice3A_847, %slice3A_848, %slice3A_849, %slice3A_850 in 1 : vector<1x32xf32>, vector<1x32xf32>, vector<1x32xf32>, vector<1x32xf32>, vector<1x32xf32>, vector<1x32xf32>, vector<1x32xf32>, vector<1x32xf32>, vector<1x32xf32>, vector<1x32xf32>, vector<1x32xf32> -> vector<1x352xf32>
    %convert_element_type3A_852 = arith.truncf %concatenate3A_851 : vector<1x352xf32> to vector<1x352xbf16>
    %convert_element_type3A_853 = arith.truncf %get3A_7 : vector<352x128xf32> to vector<352x128xbf16>
    %dot_general3A_854 = arith.constant dense<0.000000e+00> : vector<1x128xf32>
    %dot_general3A_855 = tpu.matmul %convert_element_type3A_852, %convert_element_type3A_853, %dot_general3A_854 {dimension_numbers = #tpu.dot_dimension_numbers<[1], [0], [0], [1], [0, 0, 1, 1], [], []>, transpose_lhs_hint = false} : vector<1x352xbf16>, vector<352x128xbf16>, vector<1x128xf32> -> vector<1x128xf32>
    %add3A_856 = arith.addf %dot_general3A_855, %get3A_10 : vector<1x128xf32>
    %max3A_857 = arith.constant 0.000000e+00 : f32
    %max3A_858 = vector.broadcast %max3A_857 : f32 to vector<1x128xf32>
    %max3A_859 = arith.maximumf %add3A_856, %max3A_858 : vector<1x128xf32>
    %swap3A_860 = arith.constant 0 : index
    %swap3A_861 = arith.constant 8 : index
    %swap3A_862 = arith.constant 0 : index
    %swap3A_863 = vector.load %arg7[%swap3A_860, %swap3A_861, %swap3A_862] : memref<1x10x128xf32, #tpu.memory_space<vmem>>, vector<1x1x128xf32>
    %swap3A_864 = vector.shape_cast %swap3A_863 : vector<1x1x128xf32> to vector<1x128xf32>
    %swap3A_865 = vector.shape_cast %max3A_859 : vector<1x128xf32> to vector<1x1x128xf32>
    tpu.vector_store %arg7[%swap3A_860, %swap3A_861, %swap3A_862], %swap3A_865 {strides = array<i32>} : memref<1x10x128xf32, #tpu.memory_space<vmem>>, vector<1x1x128xf32>,
    %get3A_866 = arith.constant 900 : index
    %get3A_867 = arith.constant 0 : index
    %get3A_868 = vector.load %arg2[%get3A_866, %get3A_867] : memref<1000x128xf32, #tpu.memory_space<vmem>>, vector<100x1xf32>
    %get3A_869 = vector.shape_cast %get3A_868 : vector<100x1xf32> to vector<100xf32>
    %broadcast_in_dim3A_870 = vector.shape_cast %get3A_869 : vector<100xf32> to vector<100x1xf32>
    %broadcast_in_dim3A_871 = vector.broadcast %broadcast_in_dim3A_870 : vector<100x1xf32> to vector<100x100xf32>
    %broadcast_in_dim3A_872 = vector.shape_cast %get3A_869 : vector<100xf32> to vector<1x100xf32>
    %broadcast_in_dim3A_873 = vector.broadcast %broadcast_in_dim3A_872 : vector<1x100xf32> to vector<100x100xf32>
    %iota3A_874 = tpu.iota {dimensions = array<i32: 0>} : vector<100x100xi32>
    %iota3A_875 = tpu.iota {dimensions = array<i32: 1>} : vector<100x100xi32>
    %gt3A_876 = arith.cmpf ogt, %broadcast_in_dim3A_873, %broadcast_in_dim3A_871 : vector<100x100xf32>
    %eq3A_877 = arith.cmpf oeq, %broadcast_in_dim3A_873, %broadcast_in_dim3A_871 : vector<100x100xf32>
    %lt3A_878 = arith.cmpi slt, %iota3A_875, %iota3A_874 : vector<100x100xi32>
    %and3A_879 = arith.andi %eq3A_877, %lt3A_878 : vector<100x100xi1>
    %or3A_880 = arith.ori %gt3A_876, %and3A_879 : vector<100x100xi1>
    %jit3A_881 = arith.constant 1.000000e+00 : f32
    %jit3A_882 = arith.constant 0.000000e+00 : f32
    %broadcast_in_dim3A_883 = vector.broadcast %jit3A_881 : f32 to vector<100x100xf32>
    %broadcast_in_dim3A_884 = vector.broadcast %jit3A_882 : f32 to vector<100x100xf32>
    %select_n3A_885 = arith.select %or3A_880, %broadcast_in_dim3A_883, %broadcast_in_dim3A_884 : vector<100x100xi1>, vector<100x100xf32>
    %reduce_sum3A_886 = arith.constant dense<0.000000e+00> : vector<100xf32>
    %reduce_sum3A_887 = vector.multi_reduction <add>, %select_n3A_885, %reduce_sum3A_886 [1] : vector<100x100xf32> to vector<100xf32>
    %iota3A_888 = tpu.iota {dimensions = array<i32: 0>} : vector<15x100xi32>
    %broadcast_in_dim3A_889 = vector.shape_cast %reduce_sum3A_887 : vector<100xf32> to vector<1x100xf32>
    %broadcast_in_dim3A_890 = vector.broadcast %broadcast_in_dim3A_889 : vector<1x100xf32> to vector<15x100xf32>
    %mul3A_891 = arith.constant 2 : i32
    %mul3A_892 = vector.broadcast %mul3A_891 : i32 to vector<15x100xi32>
    %mul3A_893 = arith.muli %mul3A_892, %iota3A_888 : vector<15x100xi32>
    %convert_element_type3A_894 = arith.sitofp %mul3A_893 : vector<15x100xi32> to vector<15x100xf32>
    %eq3A_895 = arith.cmpf oeq, %broadcast_in_dim3A_890, %convert_element_type3A_894 : vector<15x100xf32>
    %jit3A_896 = arith.constant 1.000000e+00 : f32
    %jit3A_897 = arith.constant 0.000000e+00 : f32
    %broadcast_in_dim3A_898 = vector.broadcast %jit3A_896 : f32 to vector<15x100xf32>
    %broadcast_in_dim3A_899 = vector.broadcast %jit3A_897 : f32 to vector<15x100xf32>
    %select_n3A_900 = arith.select %eq3A_895, %broadcast_in_dim3A_898, %broadcast_in_dim3A_899 : vector<15x100xi1>, vector<15x100xf32>
    %mul3A_901 = arith.constant 2 : i32
    %mul3A_902 = vector.broadcast %mul3A_901 : i32 to vector<15x100xi32>
    %mul3A_903 = arith.muli %mul3A_902, %iota3A_888 : vector<15x100xi32>
    %add3A_904 = arith.constant 1 : i32
    %add3A_905 = vector.broadcast %add3A_904 : i32 to vector<15x100xi32>
    %add3A_906 = arith.addi %mul3A_903, %add3A_905 : vector<15x100xi32>
    %convert_element_type3A_907 = arith.sitofp %add3A_906 : vector<15x100xi32> to vector<15x100xf32>
    %eq3A_908 = arith.cmpf oeq, %broadcast_in_dim3A_890, %convert_element_type3A_907 : vector<15x100xf32>
    %jit3A_909 = arith.constant 1.000000e+00 : f32
    %jit3A_910 = arith.constant 0.000000e+00 : f32
    %broadcast_in_dim3A_911 = vector.broadcast %jit3A_909 : f32 to vector<15x100xf32>
    %broadcast_in_dim3A_912 = vector.broadcast %jit3A_910 : f32 to vector<15x100xf32>
    %select_n3A_913 = arith.select %eq3A_908, %broadcast_in_dim3A_911, %broadcast_in_dim3A_912 : vector<15x100xi1>, vector<15x100xf32>
    %get3A_914 = arith.constant 900 : index
    %get3A_915 = arith.constant 0 : index
    %get3A_916 = vector.load %arg1[%get3A_914, %get3A_915] : memref<1000x16xf32, #tpu.memory_space<vmem>>, vector<100x16xf32>
    %dot_general3A_917 = arith.constant dense<0.000000e+00> : vector<15x16xf32>
    %dot_general3A_918 = tpu.matmul %select_n3A_900, %get3A_916, %dot_general3A_917 {dimension_numbers = #tpu.dot_dimension_numbers<[1], [0], [0], [1], [0, 0, 1, 1], [], []>, transpose_lhs_hint = false} : vector<15x100xf32>, vector<100x16xf32>, vector<15x16xf32> -> vector<15x16xf32>
    %dot_general3A_919 = arith.constant dense<0.000000e+00> : vector<15x16xf32>
    %dot_general3A_920 = tpu.matmul %select_n3A_913, %get3A_916, %dot_general3A_919 {dimension_numbers = #tpu.dot_dimension_numbers<[1], [0], [0], [1], [0, 0, 1, 1], [], []>, transpose_lhs_hint = false} : vector<15x100xf32>, vector<100x16xf32>, vector<15x16xf32> -> vector<15x16xf32>
    %max3A_921 = arith.maximumf %dot_general3A_918, %dot_general3A_920 : vector<15x16xf32>
    %slice3A_922 = vector.extract_strided_slice %max3A_921 {offsets = [0, 0], sizes = [11, 16], strides = [1, 1]} : vector<15x16xf32> to vector<11x16xf32>
    %slice3A_923 = vector.extract_strided_slice %max3A_921 {offsets = [1, 0], sizes = [11, 16], strides = [1, 1]} : vector<15x16xf32> to vector<11x16xf32>
    %slice3A_924 = vector.extract_strided_slice %max3A_921 {offsets = [2, 0], sizes = [11, 16], strides = [1, 1]} : vector<15x16xf32> to vector<11x16xf32>
    %slice3A_925 = vector.extract_strided_slice %max3A_921 {offsets = [3, 0], sizes = [11, 16], strides = [1, 1]} : vector<15x16xf32> to vector<11x16xf32>
    %slice3A_926 = vector.extract_strided_slice %max3A_921 {offsets = [4, 0], sizes = [11, 16], strides = [1, 1]} : vector<15x16xf32> to vector<11x16xf32>
    %concatenate3A_927 = tpu.concatenate %slice3A_922, %slice3A_923, %slice3A_924, %slice3A_925, %slice3A_926 in 1 : vector<11x16xf32>, vector<11x16xf32>, vector<11x16xf32>, vector<11x16xf32>, vector<11x16xf32> -> vector<11x80xf32>
    %convert_element_type3A_928 = arith.truncf %concatenate3A_927 : vector<11x80xf32> to vector<11x80xbf16>
    %convert_element_type3A_929 = arith.truncf %get3A_1 : vector<80x32xf32> to vector<80x32xbf16>
    %dot_general3A_930 = arith.constant dense<0.000000e+00> : vector<11x32xf32>
    %dot_general3A_931 = tpu.matmul %convert_element_type3A_928, %convert_element_type3A_929, %dot_general3A_930 {dimension_numbers = #tpu.dot_dimension_numbers<[1], [0], [0], [1], [0, 0, 1, 1], [], []>, transpose_lhs_hint = false} : vector<11x80xbf16>, vector<80x32xbf16>, vector<11x32xf32> -> vector<11x32xf32>
    %add3A_932 = vector.broadcast %get3A_4 : vector<1x32xf32> to vector<11x32xf32>
    %add3A_933 = arith.addf %dot_general3A_931, %add3A_932 : vector<11x32xf32>
    %max3A_934 = arith.constant 0.000000e+00 : f32
    %max3A_935 = vector.broadcast %max3A_934 : f32 to vector<11x32xf32>
    %max3A_936 = arith.maximumf %add3A_933, %max3A_935 : vector<11x32xf32>
    %slice3A_937 = vector.extract_strided_slice %max3A_936 {offsets = [0, 0], sizes = [1, 32], strides = [1, 1]} : vector<11x32xf32> to vector<1x32xf32>
    %slice3A_938 = vector.extract_strided_slice %max3A_936 {offsets = [1, 0], sizes = [1, 32], strides = [1, 1]} : vector<11x32xf32> to vector<1x32xf32>
    %slice3A_939 = vector.extract_strided_slice %max3A_936 {offsets = [2, 0], sizes = [1, 32], strides = [1, 1]} : vector<11x32xf32> to vector<1x32xf32>
    %slice3A_940 = vector.extract_strided_slice %max3A_936 {offsets = [3, 0], sizes = [1, 32], strides = [1, 1]} : vector<11x32xf32> to vector<1x32xf32>
    %slice3A_941 = vector.extract_strided_slice %max3A_936 {offsets = [4, 0], sizes = [1, 32], strides = [1, 1]} : vector<11x32xf32> to vector<1x32xf32>
    %slice3A_942 = vector.extract_strided_slice %max3A_936 {offsets = [5, 0], sizes = [1, 32], strides = [1, 1]} : vector<11x32xf32> to vector<1x32xf32>
    %slice3A_943 = vector.extract_strided_slice %max3A_936 {offsets = [6, 0], sizes = [1, 32], strides = [1, 1]} : vector<11x32xf32> to vector<1x32xf32>
    %slice3A_944 = vector.extract_strided_slice %max3A_936 {offsets = [7, 0], sizes = [1, 32], strides = [1, 1]} : vector<11x32xf32> to vector<1x32xf32>
    %slice3A_945 = vector.extract_strided_slice %max3A_936 {offsets = [8, 0], sizes = [1, 32], strides = [1, 1]} : vector<11x32xf32> to vector<1x32xf32>
    %slice3A_946 = vector.extract_strided_slice %max3A_936 {offsets = [9, 0], sizes = [1, 32], strides = [1, 1]} : vector<11x32xf32> to vector<1x32xf32>
    %slice3A_947 = vector.extract_strided_slice %max3A_936 {offsets = [10, 0], sizes = [1, 32], strides = [1, 1]} : vector<11x32xf32> to vector<1x32xf32>
    %concatenate3A_948 = tpu.concatenate %slice3A_937, %slice3A_938, %slice3A_939, %slice3A_940, %slice3A_941, %slice3A_942, %slice3A_943, %slice3A_944, %slice3A_945, %slice3A_946, %slice3A_947 in 1 : vector<1x32xf32>, vector<1x32xf32>, vector<1x32xf32>, vector<1x32xf32>, vector<1x32xf32>, vector<1x32xf32>, vector<1x32xf32>, vector<1x32xf32>, vector<1x32xf32>, vector<1x32xf32>, vector<1x32xf32> -> vector<1x352xf32>
    %convert_element_type3A_949 = arith.truncf %concatenate3A_948 : vector<1x352xf32> to vector<1x352xbf16>
    %convert_element_type3A_950 = arith.truncf %get3A_7 : vector<352x128xf32> to vector<352x128xbf16>
    %dot_general3A_951 = arith.constant dense<0.000000e+00> : vector<1x128xf32>
    %dot_general3A_952 = tpu.matmul %convert_element_type3A_949, %convert_element_type3A_950, %dot_general3A_951 {dimension_numbers = #tpu.dot_dimension_numbers<[1], [0], [0], [1], [0, 0, 1, 1], [], []>, transpose_lhs_hint = false} : vector<1x352xbf16>, vector<352x128xbf16>, vector<1x128xf32> -> vector<1x128xf32>
    %add3A_953 = arith.addf %dot_general3A_952, %get3A_10 : vector<1x128xf32>
    %max3A_954 = arith.constant 0.000000e+00 : f32
    %max3A_955 = vector.broadcast %max3A_954 : f32 to vector<1x128xf32>
    %max3A_956 = arith.maximumf %add3A_953, %max3A_955 : vector<1x128xf32>
    %swap3A_957 = arith.constant 0 : index
    %swap3A_958 = arith.constant 9 : index
    %swap3A_959 = arith.constant 0 : index
    %swap3A_960 = vector.load %arg7[%swap3A_957, %swap3A_958, %swap3A_959] : memref<1x10x128xf32, #tpu.memory_space<vmem>>, vector<1x1x128xf32>
    %swap3A_961 = vector.shape_cast %swap3A_960 : vector<1x1x128xf32> to vector<1x128xf32>
    %swap3A_962 = vector.shape_cast %max3A_956 : vector<1x128xf32> to vector<1x1x128xf32>
    tpu.vector_store %arg7[%swap3A_957, %swap3A_958, %swap3A_959], %swap3A_962 {strides = array<i32>} : memref<1x10x128xf32, #tpu.memory_space<vmem>>, vector<1x1x128xf32>,
    return
  }
  func.func @transform_0(%arg0: i32) -> (i32, i32) {
    %c0_i32 = arith.constant 0 : i32
    %c0_i32_0 = arith.constant 0 : i32
    return %arg0, %c0_i32 : i32, i32
  }
  func.func @transform_1(%arg0: i32) -> (i32, i32) {
    %c0_i32 = arith.constant 0 : i32
    %c0_i32_0 = arith.constant 0 : i32
    return %arg0, %c0_i32 : i32, i32
  }
  func.func @transform_2(%arg0: i32) -> (i32, i32) {
    %c0_i32 = arith.constant 0 : i32
    %c0_i32_0 = arith.constant 0 : i32
    %c0_i32_1 = arith.constant 0 : i32
    return %c0_i32, %c0_i32_0 : i32, i32
  }
  func.func @transform_3(%arg0: i32) -> (i32, i32) {
    %c0_i32 = arith.constant 0 : i32
    %c0_i32_0 = arith.constant 0 : i32
    %c0_i32_1 = arith.constant 0 : i32
    return %c0_i32, %c0_i32_0 : i32, i32
  }
  func.func @transform_4(%arg0: i32) -> (i32, i32) {
    %c0_i32 = arith.constant 0 : i32
    %c0_i32_0 = arith.constant 0 : i32
    %c0_i32_1 = arith.constant 0 : i32
    return %c0_i32, %c0_i32_0 : i32, i32
  }
  func.func @transform_5(%arg0: i32) -> (i32, i32) {
    %c0_i32 = arith.constant 0 : i32
    %c0_i32_0 = arith.constant 0 : i32
    %c0_i32_1 = arith.constant 0 : i32
    return %c0_i32, %c0_i32_0 : i32, i32
  }
  func.func @transform_6(%arg0: i32) -> (i32, i32, i32) {
    %c0_i32 = arith.constant 0 : i32
    %c0_i32_0 = arith.constant 0 : i32
    %c0_i32_1 = arith.constant 0 : i32
    return %arg0, %c0_i32, %c0_i32_0 : i32, i32, i32
  }
}

</mosaic_0001>

<sc_bundles>
// kernel: kernel.13.cloned.1.call-start
scs
__scs_entry_jumppad:
0x0: {  	(pc) =	sbr.rel $0x88, $3  }
0x1: {  	(tag) =	ssettag $0x0;
	lr =	simm.s32 $0x1  }
0x2: {  	[smem:$0x3F91] =	sst lr;
	_ =	strace $0xD0000000  }
0x3: {  	_ = 	snop  }
0x4: {  	_ = 	snop  }
0x5: {  	_ = 	snop  }
0x6: {  	_ = 	snop  }
0x7: {  	_ = 	snop  }
__scs_overlays_trampoline_lowered:
0x8: {  	[smem:$0x3FA0] =	sst s0  }
0x9: {  	[smem:$0x3FA1] =	sst s1  }
0xa: {  	[smem:$0x3FA2] =	sst s2  }
0xb: {  	[smem:$0x3FA3] =	sst s3  }
0xc: {  	[smem:$0x3FA4] =	sst s4  }
0xd: {  	[smem:$0x3FA5] =	sst s5  }
0xe: {  	[smem:$0x3FA6] =	sst s6  }
0xf: {  	[smem:$0x3FA7] =	sst s7  }
0x10: {  	[smem:$0x3FA8] =	sst s8  }
0x11: {  	[smem:$0x3FA9] =	sst s9;
	s0 =	simm.s32 @!p0 $0x0  }
0x12: {  	s1 =	sld [smem:$0x3F8F];
	s0 =	simm.s32 @p0 $0x1  }
0x13: {  	[smem:$0x3FAA] =	sst s0;
	s0 =	simm.s32 @!p1 $0x0  }
0x14: {  	s2 =	sld [smem:$0x3F8E];
	s0 =	simm.s32 @p1 $0x1  }
0x15: {  	[smem:$0x3FAB] =	sst s0;
	s0 =	simm.s32 @!p2 $0x0  }
0x16: {  	s3 =	sld [smem:$0x3FDB];
	s0 =	simm.s32 @p2 $0x1  }
0x17: {  	s4 =	simm.s32 $0x1BF5;
	[smem:$0x3FAD] =	sst s0  }
0x18: {  	s0 =	sld [smem:$0x3F90];
	_ =	swait.ge [sflag:s4], $0x0  }
0x19: {  	s7 =	sld [smem:$0x3F91]  }
0x1a: {  	s8 =	sadd.s32 $0xFFFFE003, lr  }
0x1b: {  	s9 =	sadd.s32 $0xFFFFFEF7, lr;
	s5 =	simm.s32 $0xFFFFFFFF;
	p2 =	slt.u32 s8, $0xFFFFF086  }
0x1c: {  	p1 =	slt.u32 s9, $0xF7A;
	s5 =	simm.s32 @!p2 $0x0  }
0x1d: {  	s5 =	simm.s32 @p1 $0x1;
	p0 =	seq.s32 s7, s2  }
0x1e: {  	s7 =	smul.u32 @!p0 $0xF7A, s2;
	p2 =	seq.s32 @!p0 s5, $0x0  }
0x1f: {  	s9 =	smul.u32 $0xF7A, s1;
	s8 =	simm.s32 @!p0 $0x1BF5;
	p2 =	por !p2, p0  }
0x20: {  	[sflag:s8] =	ssyncset.s32 @!p0 $0xFFFFF086;
	s6 =	sadd.s32 @!p0 s3, s7;
	s7 =	simm.s32 @!p0 $0x108  }
0x21: {  	s3 =	sadd.s32 s3, s9;
	s6 =	sadd.s32 @!p0 $0x88, s6;
	s7 =	simm.s32 @p2 $0x1082  }
0x22: {  	[simem:s7], [sflag:s8] =	dma.local @!p0 [hbm:s6], $0xF7A  }
0x23: {  	s9 =	sor.u32 $0xD0000000, s2;
	s6 =	simm.s32 $0x108;
	_ =	swait.ge @!p0 [sflag:s8], $0x0  }
0x24: {  	s3 =	sadd.s32 $0x88, s3;
	s6 =	simm.s32 @!p1 $0x1082;
	[sflag:s4] =	ssyncset.s32 $0xFFFFF086  }
0x25: {  	[simem:s6], [sflag:s4] =	dma.local [hbm:s3], $0xF7A  }
0x26: {  	[smem:$0x3F91] =	sst s1;
	(tag) =	ssettag s2;
	_ =	strace s9  }
0x27: {  	s1 =	sld [smem:$0x3FA1]  }
0x28: {  	s2 =	sld [smem:$0x3FA2]  }
0x29: {  	s4 =	sld [smem:$0x3FA4]  }
0x2a: {  	p0 =	seq.s32 s5, $0x0;
	s5 =	sld [smem:$0x3FA5]  }
0x2b: {  	s6 =	sld [smem:$0x3FA6]  }
0x2c: {  	s7 =	sld [smem:$0x3FA7]  }
0x2d: {  	s3 =	simm.s32 $0x108;
	s8 =	sld [smem:$0x3FA8]  }
0x2e: {  	s3 =	simm.s32 @!p0 $0x1082;
	s9 =	sld [smem:$0x3FA9]  }
0x2f: {  	lr =	sadd.s32 s0, s3;
	s0 =	sld [smem:$0x3FA0]  }
0x30: {  	s3 =	sld [smem:$0x3FA3]  }
0x31: {  	[smem:$0x3FAC] =	sst s10  }
0x32: {  	s10 =	sld [smem:$0x3FAA];
	_ =	sdelay $0x3  }
0x33: {  	p0 =	seq.s32 s10, $0x1;
	s10 =	sld [smem:$0x3FAC];
	_ =	sdelay $0x3  }
0x34: {  	[smem:$0x3FAC] =	sst s10  }
0x35: {  	s10 =	sld [smem:$0x3FAB];
	_ =	sdelay $0x3  }
0x36: {  	p1 =	seq.s32 s10, $0x1;
	s10 =	sld [smem:$0x3FAC];
	_ =	sdelay $0x3  }
0x37: {  	[smem:$0x3FAC] =	sst s10  }
0x38: {  	s10 =	sld [smem:$0x3FAD]  }
0x39: {  	_ = 	snop;
	(pc) =	sbr.ind lr, $3  }
0x3a: {  	_ = 	snop  }
0x3b: {  	_ = 	snop  }
0x3c: {  	p2 =	seq.s32 s10, $0x1;
	s10 =	sld [smem:$0x3FAC]  }
0x3d: {  	_ =	shalt  }
0x3e: {  	_ =	shalt  }
0x3f: {  	_ =	shalt  }
0x40: {  	_ =	shalt  }
0x41: {  	_ =	shalt  }
0x42: {  	_ =	shalt  }
0x43: {  	_ =	shalt  }
0x44: {  	_ =	shalt  }
0x45: {  	_ =	shalt  }
0x46: {  	_ =	shalt  }
0x47: {  	_ =	shalt  }
0x48: {  	_ =	shalt  }
0x49: {  	_ =	shalt  }
0x4a: {  	_ =	shalt  }
0x4b: {  	_ =	shalt  }
0x4c: {  	_ =	shalt  }
0x4d: {  	_ =	shalt  }
0x4e: {  	_ =	shalt  }
0x4f: {  	_ =	shalt  }
0x50: {  	_ =	shalt  }
0x51: {  	_ =	shalt  }
0x52: {  	_ =	shalt  }
0x53: {  	_ =	shalt  }
0x54: {  	_ =	shalt  }
0x55: {  	_ =	shalt  }
0x56: {  	_ =	shalt  }
0x57: {  	_ =	shalt  }
0x58: {  	_ =	shalt  }
0x59: {  	_ =	shalt  }
0x5a: {  	_ =	shalt  }
0x5b: {  	_ =	shalt  }
0x5c: {  	_ =	shalt  }
0x5d: {  	_ =	shalt  }
0x5e: {  	_ =	shalt  }
0x5f: {  	_ =	shalt  }
0x60: {  	_ =	shalt  }
0x61: {  	_ =	shalt  }
0x62: {  	_ =	shalt  }
0x63: {  	_ =	shalt  }
0x64: {  	_ =	shalt  }
0x65: {  	_ =	shalt  }
0x66: {  	_ =	shalt  }
0x67: {  	_ =	shalt  }
0x68: {  	_ =	shalt  }
0x69: {  	_ =	shalt  }
0x6a: {  	_ =	shalt  }
0x6b: {  	_ =	shalt  }
0x6c: {  	_ =	shalt  }
0x6d: {  	_ =	shalt  }
0x6e: {  	_ =	shalt  }
0x6f: {  	_ =	shalt  }
0x70: {  	_ =	shalt  }
0x71: {  	_ =	shalt  }
0x72: {  	_ =	shalt  }
0x73: {  	_ =	shalt  }
0x74: {  	_ =	shalt  }
0x75: {  	_ =	shalt  }
0x76: {  	_ =	shalt  }
0x77: {  	_ =	shalt  }
0x78: {  	_ =	shalt  }
0x79: {  	_ =	shalt  }
0x7a: {  	_ =	shalt  }
0x7b: {  	_ =	shalt  }
0x7c: {  	_ =	shalt  }
0x7d: {  	_ =	shalt  }
0x7e: {  	_ =	shalt  }
0x7f: {  	_ =	shalt  }
0x80: {  	_ =	shalt  }
0x81: {  	_ =	shalt  }
0x82: {  	_ =	shalt  }
0x83: {  	_ =	shalt  }
0x84: {  	_ =	shalt  }
0x85: {  	_ =	shalt  }
0x86: {  	_ =	shalt  }
0x87: {  	_ =	shalt  }
.Lfunc_end0:
.L_simem_size_0:
called_computation_lowered:
.L_overlay_start_0:
0x88: {  	s2 =	sld [smem:$0x3FD9]  }
0x89: {  	s3 =	sld [smem:$0x3FFE];
	_ =	sdelay $0x1  }
0x8a: {  	s1 =	srdreg.scid  }
0x8b: {  	s0 =	sand.u32 $0x1, s1  }
0x8c: {  	s17 =	sshll.u32 s0, $0xA;
	s2 =	sadd.s32 s3, s2  }
0x8d: {  	s2 =	sadd.s32 s2, s17  }
0x8e: {  	[smem:$0x3FB8] =	sst s2  }
0x8f: {  	_ = 	snop  }
0x90: {  	(tm) =	ssettm $0x1  }
0x91: {  	s18 =	sld [smem:$0x3FFB];
	_ =	sdelay $0x3  }
0x92: {  	_ =	strace s18  }
0x93: {  	s2 =	sld [smem:$0x3FFC];
	_ =	sdelay $0x3  }
0x94: {  	_ =	strace s2  }
0x95: {  	s2 =	sld [smem:$0x3FFD];
	_ =	sdelay $0x3  }
0x96: {  	_ =	strace s2  }
0x97: {  	_ =	strace $0x8FFFFFFF  }
0x98: {  	s19 =	sld [smem:$0x3FDB];
	_ =	sdelay $0x1  }
0x99: {  	s20 =	simm.s32 $_scs_section_size  }
0x9a: {  	s4 =	simm.s32 $_size__tile_overlayer_lowered;
	s5 =	simm.s32 $_tile_overlayer_lowered  }
0x9b: {  	s6 =	simm.s32 $0x1BFF;
	s21 =	sshll.u32 s5, $0x1;
	s3 =	sadd.s32 s20, s19  }
0x9c: {  	s22 =	simm.s32 $0x0;
	s4 =	sshll.u32 s4, $0x1;
	s5 =	sadd.s32 s21, s3  }
0x9d: {  	[timem:s22], [sflag:s6] =	dma.local [hbm:s5], s4  }
0x9e: {  	_ =	swait.ge [sflag:s6], s4  }
0x9f: {  	s4 =	ssub.s32 $0x0, s4;
	[sflag:s6] =	ssyncset.done $0x0  }
0xa0: {  	[sflag:s6] =	ssyncadd.s32 s4;
	_ =	sdelay $0x1  }
0xa1: {  	s23 =	simm.s32 $0x1B8B  }
0xa2: {  	_ =	swait.ge [sflag:s23], $0x1  }
0xa3: {  	[sflag:s23] =	ssyncset.done $0x0  }
0xa4: {  	[sflag:s23] =	ssyncadd.s32 $0xFFFFFFFF  }
0xa5: {  	s4 =	sld [smem:$0x0]  }
0xa6: {  	s5 =	sand.u32 $0xFFFFFFFE, s1  }
0xa7: {  	p0 =	sne.s32 s1, s5  }
0xa8: {  	s5 =	sshll.u32 @p0 s5, $0xE  }
0xa9: {  	s5 =	sadd.s32 @p0 $0x11B8D, s5;
	s6 =	sshll.u32 @p0 s4, $0x11  }
0xaa: {  	s5 =	sor.u32 @p0 s6, s5  }
0xab: {  	[sflag:s5] =	ssyncadd.remote.s32 @p0 $0x1;
	_ =	sdelay $0x1  }
0xac: {  	s5 =	simm.s32 @p0 $0x1B8D  }
0xad: {  	_ =	swait.eq @p0 [sflag:s5], $0x1  }
0xae: {  	[sflag:s5] =	ssyncadd.s32 @p0 $0xFFFFFFFF  }
0xaf: {  	s6 =	sshll.u32 @!p0 s1, $0xE  }
0xb0: {  	s6 =	sor.u32 @!p0 $0x4000, s6;
	s5 =	simm.s32 @!p0 $0x1B8D  }
0xb1: {  	s4 =	sshll.u32 @!p0 s4, $0x11;
	s6 =	sadd.s32 @!p0 $0x11B8D, s6;
	_ =	swait.eq @!p0 [sflag:s5], $0x1  }
0xb2: {  	s4 =	sor.u32 @!p0 s4, s6;
	[sflag:s5] =	ssyncadd.s32 @!p0 $0xFFFFFFFF  }
0xb3: {  	s25 =	simm.s32 $0x1B8E;
	s24 =	sld [smem:$0x3FFE];
	[sflag:s4] =	ssyncadd.remote.s32 @!p0 $0x1  }
0xb4: {  	s26 =	simm.s32 $execute0_lowered;
	[smem:$0x3FD2] =	sst s25  }
0xb5: {  	s5 =	sshll.u32 s26, $0x1;
	_ =	strace $0x80000049;
	[dreg:$0x1] =	wrdreg $0xFFFFFFFF  }
0xb6: {  	s28 =	simm.s32 $_size_execute0_lowered;
	s3 =	sadd.s32 s3, s5;
	[dreg:$0x0] =	wrdreg $0x0  }
0xb7: {  	s5 =	sshll.u32 s28, $0x1;
	[dreg:$0x2] =	wrdreg s3  }
0xb8: {  	[dreg:$0x3] =	wrdreg s5  }
0xb9: {  	[dreg:$0x4] =	wrdreg $0xC0  }
0xba: {  	_ =	task [dreg:s22], $0x5FFFF  }
0xbb: {  	[dreg:$0x1] =	wrdreg $0xFFFFFFFF  }
0xbc: {  	[dreg:$0x0] =	wrdreg $0x60  }
0xbd: {  	[dreg:$0x2] =	wrdreg s24  }
0xbe: {  	[dreg:$0x3] =	wrdreg $0xA8000  }
0xbf: {  	[dreg:$0x4] =	wrdreg $0x9  }
0xc0: {  	_ =	task.clear_ibuf [dreg:s22], $0x5FFFF;
	_ =	strace $0x90000049  }
0xc1: {  	s29 =	simm.s32 $0x9;
	_ =	strace $0x8000004B  }
0xc2: {  	_ =	swait.ge [sflag:s29], $0x1  }
0xc3: {  	[sflag:s29] =	ssyncadd.s32 $0xFFFFFFFF  }
0xc4: {  	_ =	strace $0x9000004B  }
0xc5: {  	_ =	sfence  }
0xc6: {  	s30 =	sld [smem:$0x0];
	_ =	sdelay $0x2  }
0xc7: {  	s31 =	sshll.u32 s1, $0xD;
	s1 =	sshrl.u32 s1, $0x2  }
0xc8: {  	s4 =	sand.u32 $0x4000, s31;
	s1 =	sadd.s32 s1, s30  }
0xc9: {  	s0 =	sor.u32 s4, s0;
	s1 =	sshll.u32 s1, $0x11  }
0xca: {  	s0 =	sor.u32 s1, s0  }
0xcb: {  	s0 =	sadd.s32 $0x8F2B, s0  }
0xcc: {  	[sflag:s0] =	ssyncadd.remote.s32 $0x1  }
0xcd: {  	_ =	sfence.sel $0xFFFF  }
0xce: {  	[dreg:$0x0] =	wrdreg $0xFFFFFFFF;
	(pc) =	sbr.abs _section_cstart, $3  }
0xcf: {  	[dreg:$0x1] =	wrdreg $0xFFFFFFFF  }
0xd0: {  	_ =	task.clear_ibuf [dreg:s22], $0x2FFFF;
	_ =	strace $0x9FFFFFFF  }
0xd1: {  	(tm) =	ssettm $0x7FFFFFFF  }
tec
execute0_lowered:
.L_overlay_start_1:
0x0: {  	(tag) =	ssettag $0x1  }
0x1: {  	s1 =	srdreg.scid  }
0x2: {  	s1 =	sand.u32 $0x1, s1  }
0x3: {  	p0 =	seq.s32 s1, $0x1  }
.Ltmp0:
0x4: {  	_ = 	snop;
	(pc) =	sbr.rel @p0 .LBB2_6-.Ltmp0, $4  }
0x5: {  	s4 =	rddreg [dreg:$0x0]  }
0x6: {  	s2 =	rddreg [dreg:$0x1];
	s5 =	simm.s32 $0x0  }
0x7: {  	[smem:$0x7FF] =	sst s5  }
0x8: {  	s0 =	rddreg [dreg:$0x2];
	_ =	strace $0x8000004A;
	s1 =	stileid.u32  }
0x9: {  	s3 =	smul.u32 $0x50000, s1  }
0xa: {  	s6 =	smul.u32 $0x500, s1  }
0xb: {  	s7 =	sadd.s32 $0x7000, s4;
	s8 =	smul.u32 $0x2800, s1  }
0xc: {  	s31 =	simm.s32 $0x1;
	s10 =	simm.s32 $0x0;
	s3 =	sshrl.u32 s3, $0x2  }
0xd: {  	s6 =	sadd.s32 s7, s6;
	s30 =	sadd.s32 s8, s4;
	s3 =	sadd.s32 s3, s2  }
0xe: {  	[tilespmem:s5], [sflag:$0x1] =	stream.linear.gather [hbm4b:s6+s5], $0x2780, $0x38;
	[tilespmem:$0x1E800] =	vst v63  }
0xf: {  	s4 =	sadd.s32 $0xAF400, s30;
	s5 =	simm.s32 $0x40;
	_ =	swait.ge [sflag:s31], $0x2780  }
0x10: {  	s9 =	sadd.s32 $0x4000, s3;
	s8 =	sadd.s32 $0x8000, s3;
	[sflag:s31] =	ssyncset.done $0x0  }
0x11: {  	v0 =	vimm.f32 $0.0e+00;
	v1 =	vimm.f32 $1.000000000e+00;
	s7 =	sadd.s32 $0xC000, s3;
	s6 =	sadd.s32 $0x10000, s3;
	[sflag:s31] =	ssyncadd.s32 $0xFFFFD880  }
.LBB2_2:
0x12: {  	p0 =	sne.s32 s5, $0xFFC0;
	[tilespmem:s10+$0x2800] =	vst v0;
	s11 =	smov.u32 s5;
	s5 =	sadd.s32 $0x40, s5  }
.Ltmp1:
0x13: {  	[tilespmem:s10+$0x6800] =	vst v1;
	(pc) =	sbr.rel @p0 .LBB2_2-.Ltmp1, $2  }
0x14: {  	_ =	sdelay $0x2  }
0x15: {  	s10 =	sshra.s32 s11, $0x2  }
0x16: {  	[tilespmem:s10+$0x2800] =	vst v0  }
0x17: {  	[tilespmem:s10+$0x6800] =	vst v1;
	s30 =	simm.s32 $0x2800;
	s5 =	simm.s32 $0x1  }
0x18: {  	[spmem:s3] =	stream.linear.scatter [tilespmem:s30], [sflag:$0x1], $0x4000, $0x38;
	[tilespmem:$0x1E800] =	vst v63  }
0x19: {  	_ =	swait.ge [sflag:s5], $0x4000  }
0x1a: {  	[sflag:s5] =	ssyncset.done $0x0  }
0x1b: {  	[sflag:s5] =	ssyncadd.s32 $0xFFFFC000  }
0x1c: {  	[spmem:s9] =	stream.linear.scatter [tilespmem:s30], [sflag:$0x1], $0x4000, $0x38;
	[tilespmem:$0x1E800] =	vst v63  }
0x1d: {  	_ =	swait.ge [sflag:s5], $0x4000  }
0x1e: {  	[sflag:s5] =	ssyncset.done $0x0  }
0x1f: {  	[sflag:s5] =	ssyncadd.s32 $0xFFFFC000  }
0x20: {  	[spmem:s8] =	stream.linear.scatter [tilespmem:s30], [sflag:$0x1], $0x4000, $0x38;
	[tilespmem:$0x1E800] =	vst v63  }
0x21: {  	_ =	swait.ge [sflag:s5], $0x4000  }
0x22: {  	[sflag:s5] =	ssyncset.done $0x0  }
0x23: {  	[sflag:s5] =	ssyncadd.s32 $0xFFFFC000  }
0x24: {  	[spmem:s7] =	stream.linear.scatter [tilespmem:s30], [sflag:$0x1], $0x4000, $0x38;
	[tilespmem:$0x1E800] =	vst v63  }
0x25: {  	_ =	swait.ge [sflag:s5], $0x4000  }
0x26: {  	[sflag:s5] =	ssyncset.done $0x0  }
0x27: {  	[sflag:s5] =	ssyncadd.s32 $0xFFFFC000  }
0x28: {  	[spmem:s6] =	stream.linear.scatter [tilespmem:s30], [sflag:$0x1], $0x4000, $0x38;
	[tilespmem:$0x1E800] =	vst v63  }
0x29: {  	_ =	swait.ge [sflag:s5], $0x4000  }
0x2a: {  	[sflag:s5] =	ssyncset.done $0x0  }
0x2b: {  	s31 =	simm.s32 $0x0;
	[sflag:s5] =	ssyncadd.s32 $0xFFFFC000  }
0x2c: {  	s7 =	simm.s32 $0x6800;
	s6 =	simm.s32 $0x80;
	[bflag:$0x0] =	sbarrier.arrive $0xFFFF  }
0x2d: {  	[spmem:s2] =	stream.indirect.scatter.add.f32 [tilespmem:s7], [sflag:$0x1], $0x80, s31, s6, $0xb8;
	[tilespmem:$0x1E800] =	vst v63  }
0x2e: {  	_ =	swait.ge [sflag:s5], $0x4000  }
0x2f: {  	s8 =	simm.s32 $0x200;
	[sflag:s5] =	ssyncset.done $0x0  }
.LBB2_4:
0x30: {  	s9 =	sshra.s32 s8, $0x2;
	[sflag:s5] =	ssyncadd.s32 $0xFFFFC000;
	p0 =	sne.s32 s8, $0x9C00  }
0x31: {  	[spmem:s2] =	stream.indirect.scatter.add.f32 [tilespmem:s7], [sflag:$0x1], $0x80, s9, s6, $0xb8;
	[tilespmem:$0x1E800] =	vst v63  }
.Ltmp2:
0x32: {  	_ = 	snop;
	(pc) =	sbr.rel @p0 .LBB2_4-.Ltmp2, $4  }
0x33: {  	_ = 	snop  }
0x34: {  	s8 =	sadd.s32 $0x200, s8  }
0x35: {  	_ =	swait.ge [sflag:s5], $0x4000  }
0x36: {  	[sflag:s5] =	ssyncset.done $0x0  }
0x37: {  	[sflag:s5] =	ssyncadd.s32 $0xFFFFC000;
	s2 =	sshll.u32 s1, $0x6;
	s3 =	sshrl.u32 s3, $0x3  }
0x38: {  	s31 =	simm.s32 $0x1;
	[bflag:$0x0] =	sbarrier.arrive $0xFFFF;
	s2 =	sor.u32 $0x1C01, s2  }
0x39: {  	[hbm:s4], [sflag:s2] =	dma.local [spmem:s3], $0x2800  }
0x3a: {  	_ =	swait.ge [sflag:s31], $0x2800  }
0x3b: {  	[sflag:s31] =	ssyncset.done $0x0  }
0x3c: {  	[sflag:s31] =	ssyncadd.s32 $0xFFFFD800  }
.LBB2_6:
0x3d: {  	_ =	sfence.sel $0x180000  }
0x3e: {  	[bflag:$0x0] =	sbarrier.arrive $0xFFFF  }
0x3f: {  	p0 =	sne.s32 s1, $0x0;
	_ =	strace $0x9000004A  }
0x40: {  	s0 =	sadd.s32 @!p0 $0x100000, s0;
	[bflag:$0x2] =	sbarrier.arrive $0xFFFF  }
0x41: {  	[sflag:s0] =	ssyncadd.tile.s32 @!p0 $0x1;
	_ =	shalt  }
.Lfunc_end2:
_tile_overlayer_lowered:
.L_overlay_start_2:
0x42: {  	(tag) =	ssettag $0x2  }
0x43: {  	s0 =	rddreg [dreg:$0x0];
	s2 =	stileid.u32  }
0x44: {  	s1 =	rddreg [dreg:$0x1];
	p0 =	sne.s32 s2, $0x0  }
0x45: {  	s3 =	rddreg [dreg:$0x2];
	[bflag:$0x3] =	sbarrier.arrive $0xFFFF;
	s2 =	simm.s32 @!p0 $0x1C01  }
0x46: {  	[timem:s3], [sflag:s2] =	dma.local @!p0 [hbm:s0], s1  }
0x47: {  	s0 =	simm.s32 @!p0 $0x1  }
0x48: {  	_ =	swait.ge @!p0 [sflag:s0], s1  }
0x49: {  	s1 =	ssub.s32 @!p0 $0x0, s1;
	[sflag:s0] =	ssyncset.done @!p0 $0x0  }
0x4a: {  	[sflag:s0] =	ssyncadd.s32 @!p0 s1  }
0x4b: {  	[bflag:$0x3] =	sbarrier.arrive $0xFFFF  }
0x4c: {  	_ =	shalt  }

// kernel: kernel.16.cloned.1.call-start
scs
__scs_entry_jumppad:
0x0: {  	(pc) =	sbr.rel $0x88, $3  }
0x1: {  	(tag) =	ssettag $0x0;
	lr =	simm.s32 $0x1  }
0x2: {  	[smem:$0x3F91] =	sst lr;
	_ =	strace $0xD0000000  }
0x3: {  	_ = 	snop  }
0x4: {  	_ = 	snop  }
0x5: {  	_ = 	snop  }
0x6: {  	_ = 	snop  }
0x7: {  	_ = 	snop  }
__scs_overlays_trampoline_lowered:
0x8: {  	[smem:$0x3FA0] =	sst s0  }
0x9: {  	[smem:$0x3FA1] =	sst s1  }
0xa: {  	[smem:$0x3FA2] =	sst s2  }
0xb: {  	[smem:$0x3FA3] =	sst s3  }
0xc: {  	[smem:$0x3FA4] =	sst s4  }
0xd: {  	[smem:$0x3FA5] =	sst s5  }
0xe: {  	[smem:$0x3FA6] =	sst s6  }
0xf: {  	[smem:$0x3FA7] =	sst s7  }
0x10: {  	[smem:$0x3FA8] =	sst s8  }
0x11: {  	[smem:$0x3FA9] =	sst s9;
	s0 =	simm.s32 @!p0 $0x0  }
0x12: {  	s1 =	sld [smem:$0x3F8F];
	s0 =	simm.s32 @p0 $0x1  }
0x13: {  	[smem:$0x3FAA] =	sst s0;
	s0 =	simm.s32 @!p1 $0x0  }
0x14: {  	s2 =	sld [smem:$0x3F8E];
	s0 =	simm.s32 @p1 $0x1  }
0x15: {  	[smem:$0x3FAB] =	sst s0;
	s0 =	simm.s32 @!p2 $0x0  }
0x16: {  	s3 =	sld [smem:$0x3FDB];
	s0 =	simm.s32 @p2 $0x1  }
0x17: {  	s4 =	simm.s32 $0x1BF5;
	[smem:$0x3FAD] =	sst s0  }
0x18: {  	s0 =	sld [smem:$0x3F90];
	_ =	swait.ge [sflag:s4], $0x0  }
0x19: {  	s7 =	sld [smem:$0x3F91]  }
0x1a: {  	s8 =	sadd.s32 $0xFFFFE003, lr  }
0x1b: {  	s9 =	sadd.s32 $0xFFFFFEF7, lr;
	s5 =	simm.s32 $0xFFFFFFFF;
	p2 =	slt.u32 s8, $0xFFFFF086  }
0x1c: {  	p1 =	slt.u32 s9, $0xF7A;
	s5 =	simm.s32 @!p2 $0x0  }
0x1d: {  	s5 =	simm.s32 @p1 $0x1;
	p0 =	seq.s32 s7, s2  }
0x1e: {  	s7 =	smul.u32 @!p0 $0xF7A, s2;
	p2 =	seq.s32 @!p0 s5, $0x0  }
0x1f: {  	s9 =	smul.u32 $0xF7A, s1;
	s8 =	simm.s32 @!p0 $0x1BF5;
	p2 =	por !p2, p0  }
0x20: {  	[sflag:s8] =	ssyncset.s32 @!p0 $0xFFFFF086;
	s6 =	sadd.s32 @!p0 s3, s7;
	s7 =	simm.s32 @!p0 $0x108  }
0x21: {  	s3 =	sadd.s32 s3, s9;
	s6 =	sadd.s32 @!p0 $0x88, s6;
	s7 =	simm.s32 @p2 $0x1082  }
0x22: {  	[simem:s7], [sflag:s8] =	dma.local @!p0 [hbm:s6], $0xF7A  }
0x23: {  	s9 =	sor.u32 $0xD0000000, s2;
	s6 =	simm.s32 $0x108;
	_ =	swait.ge @!p0 [sflag:s8], $0x0  }
0x24: {  	s3 =	sadd.s32 $0x88, s3;
	s6 =	simm.s32 @!p1 $0x1082;
	[sflag:s4] =	ssyncset.s32 $0xFFFFF086  }
0x25: {  	[simem:s6], [sflag:s4] =	dma.local [hbm:s3], $0xF7A  }
0x26: {  	[smem:$0x3F91] =	sst s1;
	(tag) =	ssettag s2;
	_ =	strace s9  }
0x27: {  	s1 =	sld [smem:$0x3FA1]  }
0x28: {  	s2 =	sld [smem:$0x3FA2]  }
0x29: {  	s4 =	sld [smem:$0x3FA4]  }
0x2a: {  	p0 =	seq.s32 s5, $0x0;
	s5 =	sld [smem:$0x3FA5]  }
0x2b: {  	s6 =	sld [smem:$0x3FA6]  }
0x2c: {  	s7 =	sld [smem:$0x3FA7]  }
0x2d: {  	s3 =	simm.s32 $0x108;
	s8 =	sld [smem:$0x3FA8]  }
0x2e: {  	s3 =	simm.s32 @!p0 $0x1082;
	s9 =	sld [smem:$0x3FA9]  }
0x2f: {  	lr =	sadd.s32 s0, s3;
	s0 =	sld [smem:$0x3FA0]  }
0x30: {  	s3 =	sld [smem:$0x3FA3]  }
0x31: {  	[smem:$0x3FAC] =	sst s10  }
0x32: {  	s10 =	sld [smem:$0x3FAA];
	_ =	sdelay $0x3  }
0x33: {  	p0 =	seq.s32 s10, $0x1;
	s10 =	sld [smem:$0x3FAC];
	_ =	sdelay $0x3  }
0x34: {  	[smem:$0x3FAC] =	sst s10  }
0x35: {  	s10 =	sld [smem:$0x3FAB];
	_ =	sdelay $0x3  }
0x36: {  	p1 =	seq.s32 s10, $0x1;
	s10 =	sld [smem:$0x3FAC];
	_ =	sdelay $0x3  }
0x37: {  	[smem:$0x3FAC] =	sst s10  }
0x38: {  	s10 =	sld [smem:$0x3FAD]  }
0x39: {  	_ = 	snop;
	(pc) =	sbr.ind lr, $3  }
0x3a: {  	_ = 	snop  }
0x3b: {  	_ = 	snop  }
0x3c: {  	p2 =	seq.s32 s10, $0x1;
	s10 =	sld [smem:$0x3FAC]  }
0x3d: {  	_ =	shalt  }
0x3e: {  	_ =	shalt  }
0x3f: {  	_ =	shalt  }
0x40: {  	_ =	shalt  }
0x41: {  	_ =	shalt  }
0x42: {  	_ =	shalt  }
0x43: {  	_ =	shalt  }
0x44: {  	_ =	shalt  }
0x45: {  	_ =	shalt  }
0x46: {  	_ =	shalt  }
0x47: {  	_ =	shalt  }
0x48: {  	_ =	shalt  }
0x49: {  	_ =	shalt  }
0x4a: {  	_ =	shalt  }
0x4b: {  	_ =	shalt  }
0x4c: {  	_ =	shalt  }
0x4d: {  	_ =	shalt  }
0x4e: {  	_ =	shalt  }
0x4f: {  	_ =	shalt  }
0x50: {  	_ =	shalt  }
0x51: {  	_ =	shalt  }
0x52: {  	_ =	shalt  }
0x53: {  	_ =	shalt  }
0x54: {  	_ =	shalt  }
0x55: {  	_ =	shalt  }
0x56: {  	_ =	shalt  }
0x57: {  	_ =	shalt  }
0x58: {  	_ =	shalt  }
0x59: {  	_ =	shalt  }
0x5a: {  	_ =	shalt  }
0x5b: {  	_ =	shalt  }
0x5c: {  	_ =	shalt  }
0x5d: {  	_ =	shalt  }
0x5e: {  	_ =	shalt  }
0x5f: {  	_ =	shalt  }
0x60: {  	_ =	shalt  }
0x61: {  	_ =	shalt  }
0x62: {  	_ =	shalt  }
0x63: {  	_ =	shalt  }
0x64: {  	_ =	shalt  }
0x65: {  	_ =	shalt  }
0x66: {  	_ =	shalt  }
0x67: {  	_ =	shalt  }
0x68: {  	_ =	shalt  }
0x69: {  	_ =	shalt  }
0x6a: {  	_ =	shalt  }
0x6b: {  	_ =	shalt  }
0x6c: {  	_ =	shalt  }
0x6d: {  	_ =	shalt  }
0x6e: {  	_ =	shalt  }
0x6f: {  	_ =	shalt  }
0x70: {  	_ =	shalt  }
0x71: {  	_ =	shalt  }
0x72: {  	_ =	shalt  }
0x73: {  	_ =	shalt  }
0x74: {  	_ =	shalt  }
0x75: {  	_ =	shalt  }
0x76: {  	_ =	shalt  }
0x77: {  	_ =	shalt  }
0x78: {  	_ =	shalt  }
0x79: {  	_ =	shalt  }
0x7a: {  	_ =	shalt  }
0x7b: {  	_ =	shalt  }
0x7c: {  	_ =	shalt  }
0x7d: {  	_ =	shalt  }
0x7e: {  	_ =	shalt  }
0x7f: {  	_ =	shalt  }
0x80: {  	_ =	shalt  }
0x81: {  	_ =	shalt  }
0x82: {  	_ =	shalt  }
0x83: {  	_ =	shalt  }
0x84: {  	_ =	shalt  }
0x85: {  	_ =	shalt  }
0x86: {  	_ =	shalt  }
0x87: {  	_ =	shalt  }
.Lfunc_end0:
.L_simem_size_0:
called_computation.1_lowered:
.L_overlay_start_0:
0x88: {  	s2 =	sld [smem:$0x3FD9]  }
0x89: {  	s3 =	sld [smem:$0x3FFE];
	_ =	sdelay $0x1  }
0x8a: {  	s1 =	srdreg.scid  }
0x8b: {  	s0 =	sand.u32 $0x1, s1  }
0x8c: {  	s16 =	sshll.u32 s0, $0xA;
	s2 =	sadd.s32 s3, s2  }
0x8d: {  	s2 =	sadd.s32 s2, s16  }
0x8e: {  	[smem:$0x3FB8] =	sst s2  }
0x8f: {  	_ = 	snop  }
0x90: {  	(tm) =	ssettm $0x1  }
0x91: {  	s17 =	sld [smem:$0x3FFB];
	_ =	sdelay $0x3  }
0x92: {  	_ =	strace s17  }
0x93: {  	s2 =	sld [smem:$0x3FFC];
	_ =	sdelay $0x3  }
0x94: {  	_ =	strace s2  }
0x95: {  	s2 =	sld [smem:$0x3FFD];
	_ =	sdelay $0x3  }
0x96: {  	_ =	strace s2  }
0x97: {  	_ =	strace $0x8FFFFFFF  }
0x98: {  	s18 =	sld [smem:$0x3FDB];
	_ =	sdelay $0x1  }
0x99: {  	s19 =	simm.s32 $_scs_section_size  }
0x9a: {  	s4 =	simm.s32 $_size__tile_overlayer_lowered;
	s5 =	simm.s32 $_tile_overlayer_lowered  }
0x9b: {  	s22 =	simm.s32 $0x1BFF;
	s21 =	sshll.u32 s5, $0x1;
	s2 =	sadd.s32 s19, s18  }
0x9c: {  	s6 =	simm.s32 $0x0;
	s20 =	sshll.u32 s4, $0x1;
	s4 =	sadd.s32 s21, s2  }
0x9d: {  	[timem:s6], [sflag:s22] =	dma.local [hbm:s4], s20  }
0x9e: {  	_ =	swait.ge [sflag:s22], s20  }
0x9f: {  	s3 =	ssub.s32 $0x0, s20;
	[sflag:s22] =	ssyncset.done $0x0  }
0xa0: {  	[sflag:s22] =	ssyncadd.s32 s3;
	_ =	sdelay $0x1  }
0xa1: {  	s23 =	simm.s32 $0x1B8B  }
0xa2: {  	_ =	swait.ge [sflag:s23], $0x1  }
0xa3: {  	[sflag:s23] =	ssyncset.done $0x0  }
0xa4: {  	s25 =	simm.s32 $0x1B8E;
	s24 =	sld [smem:$0x3FFE];
	[sflag:s23] =	ssyncadd.s32 $0xFFFFFFFF  }
0xa5: {  	s26 =	simm.s32 $execute0_lowered;
	[smem:$0x3FD2] =	sst s25  }
0xa6: {  	s4 =	sshll.u32 s26, $0x1;
	_ =	strace $0x80000046;
	[dreg:$0x1] =	wrdreg $0xFFFFFFFF  }
0xa7: {  	s28 =	simm.s32 $_size_execute0_lowered;
	s2 =	sadd.s32 s2, s4;
	[dreg:$0x0] =	wrdreg $0x0  }
0xa8: {  	s4 =	sshll.u32 s28, $0x1;
	[dreg:$0x2] =	wrdreg s2  }
0xa9: {  	[dreg:$0x3] =	wrdreg s4  }
0xaa: {  	[dreg:$0x4] =	wrdreg $0xC0  }
0xab: {  	_ =	task [dreg:s6], $0x5FFFF  }
0xac: {  	[dreg:$0x1] =	wrdreg $0xFFFFFFFF  }
0xad: {  	[dreg:$0x0] =	wrdreg $0x60  }
0xae: {  	[dreg:$0x2] =	wrdreg s24  }
0xaf: {  	[dreg:$0x3] =	wrdreg $0x90000  }
0xb0: {  	[dreg:$0x4] =	wrdreg $0xA  }
0xb1: {  	_ =	task.clear_ibuf [dreg:s6], $0x5FFFF;
	_ =	strace $0x90000046  }
0xb2: {  	s29 =	simm.s32 $0xA;
	_ =	strace $0x80000048  }
0xb3: {  	_ =	swait.ge [sflag:s29], $0x1  }
0xb4: {  	[sflag:s29] =	ssyncadd.s32 $0xFFFFFFFF  }
0xb5: {  	_ =	strace $0x90000048  }
0xb6: {  	_ =	sfence  }
0xb7: {  	s30 =	sld [smem:$0x0];
	_ =	sdelay $0x2  }
0xb8: {  	s31 =	sshll.u32 s1, $0xD;
	s1 =	sshrl.u32 s1, $0x2  }
0xb9: {  	s3 =	sand.u32 $0x4000, s31;
	s1 =	sadd.s32 s1, s30  }
0xba: {  	s0 =	sor.u32 s3, s0;
	s1 =	sshll.u32 s1, $0x11  }
0xbb: {  	s0 =	sor.u32 s1, s0  }
0xbc: {  	s0 =	sadd.s32 $0x8F2B, s0  }
0xbd: {  	[sflag:s0] =	ssyncadd.remote.s32 $0x1  }
0xbe: {  	_ =	sfence.sel $0xFFFF  }
0xbf: {  	[dreg:$0x0] =	wrdreg $0xFFFFFFFF;
	(pc) =	sbr.abs _section_cstart, $3  }
0xc0: {  	[dreg:$0x1] =	wrdreg $0xFFFFFFFF  }
0xc1: {  	_ =	task.clear_ibuf [dreg:s6], $0x2FFFF;
	_ =	strace $0x9FFFFFFF  }
0xc2: {  	(tm) =	ssettm $0x7FFFFFFF  }
0xc3: {  	_ =	shalt  }
tec
execute0_lowered:
.L_overlay_start_1:
0x0: {  	(tag) =	ssettag $0x1  }
0x1: {  	s7 =	rddreg [dreg:$0x0]  }
0x2: {  	s2 =	rddreg [dreg:$0x1]  }
0x3: {  	s0 =	rddreg [dreg:$0x2];
	s3 =	simm.s32 $0x0  }
0x4: {  	s1 =	stileid.u32;
	s5 =	srdreg.scid;
	s17 =	simm.s32 $0x2  }
0x5: {  	s18 =	simm.s32 $0x2800;
	s20 =	simm.s32 $0x80;
	s21 =	simm.s32 $0x1  }
0x6: {  	s24 =	simm.s32 $0x0;
	[smem:$0x7FF] =	sst s3;
	s6 =	smul.u32 $0x500, s1  }
0x7: {  	s4 =	sadd.s32 $0x11000, s7;
	s19 =	sand.u32 $0x1, s5;
	s8 =	smul.u32 $0x50000, s1  }
0x8: {  	s5 =	sadd.s32 $0x38200, s7;
	s15 =	smul.u32 $0x2800, s1;
	s22 =	sshll.u32 s1, $0x6  }
0x9: {  	_ =	strace $0x80000047;
	s9 =	ssub.s32 $0x2, s19;
	p0 =	sne.s32 s19, $0x0  }
0xa: {  	s19 =	simm.s32 $0x5000;
	s22 =	sor.u32 $0x1C02, s22;
	s10 =	sadd.s32 s6, s7  }
.Ltmp0:
0xb: {  	s6 =	sadd.s32 $0x5F400, s7;
	s11 =	sshrl.u32 s9, $0x1;
	(pc) =	sbr.rel .LBB2_1-.Ltmp0, $4  }
0xc: {  	s8 =	sshrl.u32 s8, $0x2;
	s7 =	sadd.s32 $0x87400, s7;
	s16 =	ssub.s32 s9, s11  }
0xd: {  	s8 =	sadd.s32 s8, s2;
	s9 =	sadd.s32 $0xC000, s10;
	s10 =	sadd.s32 $0x7000, s10  }
0xe: {  	s11 =	sadd.s32 $0x4000, s8;
	s12 =	sadd.s32 $0x8000, s8;
	s13 =	sadd.s32 $0xC000, s8  }
0xf: {  	v0 =	vimm.f32 $0.0e+00;
	s14 =	sadd.s32 $0x10000, s8;
	s16 =	smax.u32 s16, $0x1;
	s23 =	sshrl.u32 s8, $0x3  }
.LBB2_9:
0x10: {  	s25 =	sshra.s32 s25, $0x2;
	[sflag:s17] =	ssyncadd.s32 $0xFFFFC000  }
0x11: {  	[tilespmem:s19], [sflag:$0x1] =	stream.indirect.gather [hbm4b:s5+s20], $0x80, s25, s20, $0xb8;
	[tilespmem:$0x1D000] =	vst v63  }
0x12: {  	_ =	swait.ge [sflag:s21], $0x4000  }
0x13: {  	[sflag:s21] =	ssyncset.done $0x0  }
0x14: {  	s25 =	sadd.s32 $0x2800, s25;
	[sflag:s21] =	ssyncadd.s32 $0xFFFFC000  }
0x15: {  	[spmem:s2] =	stream.indirect.scatter.add.f32 [tilespmem:s19], [sflag:$0x2], $0x80, s25, s20, $0xb8;
	[tilespmem:$0x1D000] =	vst v63  }
0x16: {  	_ =	swait.ge [sflag:s17], $0x4000  }
0x17: {  	[sflag:s17] =	ssyncset.done $0x0  }
0x18: {  	s25 =	smov.u32 s7;
	[sflag:s17] =	ssyncadd.s32 $0xFFFFC000  }
.LBB2_10:
0x19: {  	s24 =	sadd.s32 $0x1, s24  }
0x1a: {  	p1 =	sne.s32 s24, s16  }
.Ltmp1:
0x1b: {  	s25 =	sadd.s32 s25, s15;
	[bflag:$0x0] =	sbarrier.arrive $0xFFFF;
	(pc) =	sbr.rel @!p1 .LBB2_11-.Ltmp1, $4  }
0x1c: {  	[hbm:s25], [sflag:s22] =	dma.local [spmem:s23], $0x2800  }
0x1d: {  	_ =	swait.ge [sflag:s17], $0x2800  }
0x1e: {  	[sflag:s17] =	ssyncset.done $0x0  }
0x1f: {  	[sflag:s17] =	ssyncadd.s32 $0xFFFFD800  }
.LBB2_1:
0x20: {  	[tilespmem:s3], [sflag:$0x2] =	stream.linear.gather [hbm4b:s9+s3], $0x2780, $0x38;
	[tilespmem:$0x1D000] =	vst v63  }
0x21: {  	_ =	swait.ge [sflag:s17], $0x2780  }
0x22: {  	[sflag:s17] =	ssyncset.done $0x0  }
0x23: {  	[sflag:s17] =	ssyncadd.s32 $0xFFFFD880  }
0x24: {  	[tilespmem:s18], [sflag:$0x2] =	stream.linear.gather [hbm4b:s10+s3], $0x2780, $0x38;
	[tilespmem:$0x1D000] =	vst v63  }
0x25: {  	s25 =	sand.u32 $0xFE00, s3;
	s26 =	sand.u32 $0x70, s3;
	_ =	swait.ge [sflag:s17], $0x2780  }
0x26: {  	s28 =	sshrl.u32 s25, $0x2;
	s25 =	simm.s32 $0x40;
	[sflag:s17] =	ssyncset.done $0x0  }
0x27: {  	s28 =	sor.u32 s26, s28;
	s26 =	simm.s32 $0x0;
	[sflag:s17] =	ssyncadd.s32 $0xFFFFD880  }
.LBB2_2:
0x28: {  	p1 =	sne.s32 s25, $0xFFC0  }
0x29: {  	[tilespmem:s28+$0x5000] =	vst v0;
	s26 =	sadd.s32 $0x10, s26;
	s28 =	smov.u32 s25;
	s25 =	sadd.s32 $0x40, s25  }
.Ltmp2:
0x2a: {  	(pc) =	sbr.rel @p1 .LBB2_2-.Ltmp2, $4  }
0x2b: {  	_ = 	snop  }
0x2c: {  	s28 =	sand.u32 $0xFE00, s28  }
0x2d: {  	s29 =	sand.u32 $0x70, s26;
	s28 =	sshrl.u32 s28, $0x2  }
0x2e: {  	s28 =	sor.u32 s29, s28  }
0x2f: {  	[tilespmem:s28+$0x5000] =	vst v0  }
0x30: {  	[spmem:s8] =	stream.linear.scatter [tilespmem:s19], [sflag:$0x2], $0x4000, $0x38;
	[tilespmem:$0x1D000] =	vst v63  }
0x31: {  	_ =	swait.ge [sflag:s17], $0x4000  }
0x32: {  	[sflag:s17] =	ssyncset.done $0x0  }
0x33: {  	[sflag:s17] =	ssyncadd.s32 $0xFFFFC000  }
0x34: {  	[spmem:s11] =	stream.linear.scatter [tilespmem:s19], [sflag:$0x2], $0x4000, $0x38;
	[tilespmem:$0x1D000] =	vst v63  }
0x35: {  	_ =	swait.ge [sflag:s17], $0x4000  }
0x36: {  	[sflag:s17] =	ssyncset.done $0x0  }
0x37: {  	[sflag:s17] =	ssyncadd.s32 $0xFFFFC000  }
0x38: {  	[spmem:s12] =	stream.linear.scatter [tilespmem:s19], [sflag:$0x2], $0x4000, $0x38;
	[tilespmem:$0x1D000] =	vst v63  }
0x39: {  	_ =	swait.ge [sflag:s17], $0x4000  }
0x3a: {  	[sflag:s17] =	ssyncset.done $0x0  }
0x3b: {  	[sflag:s17] =	ssyncadd.s32 $0xFFFFC000  }
0x3c: {  	[spmem:s13] =	stream.linear.scatter [tilespmem:s19], [sflag:$0x2], $0x4000, $0x38;
	[tilespmem:$0x1D000] =	vst v63  }
0x3d: {  	_ =	swait.ge [sflag:s17], $0x4000  }
0x3e: {  	[sflag:s17] =	ssyncset.done $0x0  }
0x3f: {  	[sflag:s17] =	ssyncadd.s32 $0xFFFFC000  }
0x40: {  	[spmem:s14] =	stream.linear.scatter [tilespmem:s19], [sflag:$0x2], $0x4000, $0x38;
	[tilespmem:$0x1D000] =	vst v63  }
.Ltmp3:
0x41: {  	_ =	swait.ge [sflag:s17], $0x4000;
	(pc) =	sbr.rel @p0 .LBB2_7-.Ltmp3, $4  }
0x42: {  	[sflag:s17] =	ssyncset.done $0x0  }
0x43: {  	[sflag:s17] =	ssyncadd.s32 $0xFFFFC000  }
0x44: {  	[bflag:$0x0] =	sbarrier.arrive $0xFFFF  }
0x45: {  	s25 =	simm.s32 $0x0  }
0x46: {  	[tilespmem:s19], [sflag:$0x1] =	stream.indirect.gather [hbm4b:s4+s20], $0x80, s25, s20, $0xb8;
	[tilespmem:$0x1D000] =	vst v63  }
0x47: {  	_ =	swait.ge [sflag:s21], $0x4000  }
0x48: {  	[sflag:s21] =	ssyncset.done $0x0  }
0x49: {  	s31 =	simm.s32 $0x2800;
	[sflag:s21] =	ssyncadd.s32 $0xFFFFC000  }
0x4a: {  	[spmem:s2] =	stream.indirect.scatter.add.f32 [tilespmem:s19], [sflag:$0x2], $0x80, s31, s20, $0xb8;
	[tilespmem:$0x1D000] =	vst v63  }
0x4b: {  	_ =	swait.ge [sflag:s17], $0x4000  }
0x4c: {  	s25 =	simm.s32 $0x200;
	s26 =	simm.s32 $0x400;
	[sflag:s17] =	ssyncset.done $0x0  }
.LBB2_5:
0x4d: {  	s28 =	sshra.s32 s25, $0x2  }
0x4e: {  	[sflag:s17] =	ssyncadd.s32 $0xFFFFC000;
	s25 =	smov.u32 s26;
	s29 =	sadd.s32 $0x200, s26  }
0x4f: {  	[tilespmem:s19], [sflag:$0x1] =	stream.indirect.gather [hbm4b:s4+s20], $0x80, s28, s20, $0xb8;
	[tilespmem:$0x1D000] =	vst v63  }
0x50: {  	p1 =	seq.s32 s26, $0x9C00;
	_ =	swait.ge [sflag:s21], $0x4000  }
.Ltmp4:
0x51: {  	[sflag:s21] =	ssyncset.done $0x0;
	(pc) =	sbr.rel @!p1 .LBB2_5-.Ltmp4, $4  }
0x52: {  	s26 =	sadd.s32 $0x2800, s28;
	[sflag:s21] =	ssyncadd.s32 $0xFFFFC000  }
0x53: {  	[spmem:s2] =	stream.indirect.scatter.add.f32 [tilespmem:s19], [sflag:$0x2], $0x80, s26, s20, $0xb8;
	[tilespmem:$0x1D000] =	vst v63  }
0x54: {  	_ =	swait.ge [sflag:s17], $0x4000  }
0x55: {  	s26 =	smov.u32 s29;
	[sflag:s17] =	ssyncset.done $0x0  }
0x56: {  	s25 =	sshra.s32 s25, $0x2;
	[sflag:s17] =	ssyncadd.s32 $0xFFFFC000  }
0x57: {  	[tilespmem:s19], [sflag:$0x1] =	stream.indirect.gather [hbm4b:s4+s20], $0x80, s25, s20, $0xb8;
	[tilespmem:$0x1D000] =	vst v63  }
0x58: {  	_ =	swait.ge [sflag:s21], $0x4000  }
0x59: {  	[sflag:s21] =	ssyncset.done $0x0  }
.Ltmp5:
0x5a: {  	s25 =	sadd.s32 $0x2800, s25;
	[sflag:s21] =	ssyncadd.s32 $0xFFFFC000;
	(pc) =	sbr.rel .LBB2_10-.Ltmp5, $4  }
0x5b: {  	[spmem:s2] =	stream.indirect.scatter.add.f32 [tilespmem:s19], [sflag:$0x2], $0x80, s25, s20, $0xb8;
	[tilespmem:$0x1D000] =	vst v63  }
0x5c: {  	_ =	swait.ge [sflag:s17], $0x4000  }
0x5d: {  	[sflag:s17] =	ssyncset.done $0x0  }
0x5e: {  	s25 =	smov.u32 s6;
	[sflag:s17] =	ssyncadd.s32 $0xFFFFC000  }
.LBB2_7:
0x5f: {  	[tilespmem:s19], [sflag:$0x1] =	stream.indirect.gather [hbm4b:s5+s20], $0x80, s25, s20, $0xb8;
	[tilespmem:$0x1D000] =	vst v63  }
0x60: {  	_ =	swait.ge [sflag:s21], $0x4000  }
0x61: {  	[sflag:s21] =	ssyncset.done $0x0  }
0x62: {  	s31 =	simm.s32 $0x2800;
	[sflag:s21] =	ssyncadd.s32 $0xFFFFC000  }
0x63: {  	[spmem:s2] =	stream.indirect.scatter.add.f32 [tilespmem:s19], [sflag:$0x2], $0x80, s31, s20, $0xb8;
	[tilespmem:$0x1D000] =	vst v63  }
0x64: {  	_ =	swait.ge [sflag:s17], $0x4000  }
0x65: {  	s25 =	simm.s32 $0x200;
	s26 =	simm.s32 $0x400;
	[sflag:s17] =	ssyncset.done $0x0  }
.LBB2_8:
0x66: {  	s28 =	sshra.s32 s25, $0x2  }
0x67: {  	[sflag:s17] =	ssyncadd.s32 $0xFFFFC000;
	s25 =	smov.u32 s26;
	s29 =	sadd.s32 $0x200, s26  }
0x68: {  	[tilespmem:s19], [sflag:$0x1] =	stream.indirect.gather [hbm4b:s5+s20], $0x80, s28, s20, $0xb8;
	[tilespmem:$0x1D000] =	vst v63  }
0x69: {  	p1 =	sne.s32 s26, $0x9C00;
	_ =	swait.ge [sflag:s21], $0x4000  }
.Ltmp6:
0x6a: {  	[sflag:s21] =	ssyncset.done $0x0;
	(pc) =	sbr.rel @p1 .LBB2_8-.Ltmp6, $4  }
0x6b: {  	s26 =	sadd.s32 $0x2800, s28;
	[sflag:s21] =	ssyncadd.s32 $0xFFFFC000  }
0x6c: {  	[spmem:s2] =	stream.indirect.scatter.add.f32 [tilespmem:s19], [sflag:$0x2], $0x80, s26, s20, $0xb8;
	[tilespmem:$0x1D000] =	vst v63  }
0x6d: {  	_ =	swait.ge [sflag:s17], $0x4000  }
0x6e: {  	s26 =	smov.u32 s29;
	[sflag:s17] =	ssyncset.done $0x0  }
.Ltmp7:
0x6f: {  	_ = 	snop;
	(pc) =	sbr.rel .LBB2_9-.Ltmp7, $1  }
0x70: {  	_ =	sdelay $0x3  }
.LBB2_11:
0x71: {  	_ =	sfence.sel $0x180000  }
0x72: {  	[bflag:$0x0] =	sbarrier.arrive $0xFFFF  }
0x73: {  	p0 =	sne.s32 s1, $0x0;
	_ =	strace $0x90000047  }
0x74: {  	s0 =	sadd.s32 @!p0 $0x100000, s0;
	[bflag:$0x2] =	sbarrier.arrive $0xFFFF  }
0x75: {  	[sflag:s0] =	ssyncadd.tile.s32 @!p0 $0x1;
	_ =	shalt  }
.Lfunc_end2:
_tile_overlayer_lowered:
.L_overlay_start_2:
0x76: {  	(tag) =	ssettag $0x2  }
0x77: {  	s0 =	rddreg [dreg:$0x0];
	s2 =	stileid.u32  }
0x78: {  	s1 =	rddreg [dreg:$0x1];
	p0 =	sne.s32 s2, $0x0  }
0x79: {  	s3 =	rddreg [dreg:$0x2];
	[bflag:$0x3] =	sbarrier.arrive $0xFFFF;
	s2 =	simm.s32 @!p0 $0x1C02  }
0x7a: {  	[timem:s3], [sflag:s2] =	dma.local @!p0 [hbm:s0], s1  }
0x7b: {  	s0 =	simm.s32 @!p0 $0x2  }
0x7c: {  	_ =	swait.ge @!p0 [sflag:s0], s1  }
0x7d: {  	s1 =	ssub.s32 @!p0 $0x0, s1;
	[sflag:s0] =	ssyncset.done @!p0 $0x0  }
0x7e: {  	[sflag:s0] =	ssyncadd.s32 @!p0 s1  }
0x7f: {  	[bflag:$0x3] =	sbarrier.arrive $0xFFFF  }
0x80: {  	_ =	shalt  }

// kernel: kernel.19.cloned.1.call-start
scs
__scs_entry_jumppad:
0x0: {  	(pc) =	sbr.rel $0x88, $3  }
0x1: {  	(tag) =	ssettag $0x0;
	lr =	simm.s32 $0x1  }
0x2: {  	[smem:$0x3F91] =	sst lr;
	_ =	strace $0xD0000000  }
0x3: {  	_ = 	snop  }
0x4: {  	_ = 	snop  }
0x5: {  	_ = 	snop  }
0x6: {  	_ = 	snop  }
0x7: {  	_ = 	snop  }
__scs_overlays_trampoline_lowered:
0x8: {  	[smem:$0x3FA0] =	sst s0  }
0x9: {  	[smem:$0x3FA1] =	sst s1  }
0xa: {  	[smem:$0x3FA2] =	sst s2  }
0xb: {  	[smem:$0x3FA3] =	sst s3  }
0xc: {  	[smem:$0x3FA4] =	sst s4  }
0xd: {  	[smem:$0x3FA5] =	sst s5  }
0xe: {  	[smem:$0x3FA6] =	sst s6  }
0xf: {  	[smem:$0x3FA7] =	sst s7  }
0x10: {  	[smem:$0x3FA8] =	sst s8  }
0x11: {  	[smem:$0x3FA9] =	sst s9;
	s0 =	simm.s32 @!p0 $0x0  }
0x12: {  	s1 =	sld [smem:$0x3F8F];
	s0 =	simm.s32 @p0 $0x1  }
0x13: {  	[smem:$0x3FAA] =	sst s0;
	s0 =	simm.s32 @!p1 $0x0  }
0x14: {  	s2 =	sld [smem:$0x3F8E];
	s0 =	simm.s32 @p1 $0x1  }
0x15: {  	[smem:$0x3FAB] =	sst s0;
	s0 =	simm.s32 @!p2 $0x0  }
0x16: {  	s3 =	sld [smem:$0x3FDB];
	s0 =	simm.s32 @p2 $0x1  }
0x17: {  	s4 =	simm.s32 $0x1BF5;
	[smem:$0x3FAD] =	sst s0  }
0x18: {  	s0 =	sld [smem:$0x3F90];
	_ =	swait.ge [sflag:s4], $0x0  }
0x19: {  	s7 =	sld [smem:$0x3F91]  }
0x1a: {  	s8 =	sadd.s32 $0xFFFFE003, lr  }
0x1b: {  	s9 =	sadd.s32 $0xFFFFFEF7, lr;
	s5 =	simm.s32 $0xFFFFFFFF;
	p2 =	slt.u32 s8, $0xFFFFF086  }
0x1c: {  	p1 =	slt.u32 s9, $0xF7A;
	s5 =	simm.s32 @!p2 $0x0  }
0x1d: {  	s5 =	simm.s32 @p1 $0x1;
	p0 =	seq.s32 s7, s2  }
0x1e: {  	s7 =	smul.u32 @!p0 $0xF7A, s2;
	p2 =	seq.s32 @!p0 s5, $0x0  }
0x1f: {  	s9 =	smul.u32 $0xF7A, s1;
	s8 =	simm.s32 @!p0 $0x1BF5;
	p2 =	por !p2, p0  }
0x20: {  	[sflag:s8] =	ssyncset.s32 @!p0 $0xFFFFF086;
	s6 =	sadd.s32 @!p0 s3, s7;
	s7 =	simm.s32 @!p0 $0x108  }
0x21: {  	s3 =	sadd.s32 s3, s9;
	s6 =	sadd.s32 @!p0 $0x88, s6;
	s7 =	simm.s32 @p2 $0x1082  }
0x22: {  	[simem:s7], [sflag:s8] =	dma.local @!p0 [hbm:s6], $0xF7A  }
0x23: {  	s9 =	sor.u32 $0xD0000000, s2;
	s6 =	simm.s32 $0x108;
	_ =	swait.ge @!p0 [sflag:s8], $0x0  }
0x24: {  	s3 =	sadd.s32 $0x88, s3;
	s6 =	simm.s32 @!p1 $0x1082;
	[sflag:s4] =	ssyncset.s32 $0xFFFFF086  }
0x25: {  	[simem:s6], [sflag:s4] =	dma.local [hbm:s3], $0xF7A  }
0x26: {  	[smem:$0x3F91] =	sst s1;
	(tag) =	ssettag s2;
	_ =	strace s9  }
0x27: {  	s1 =	sld [smem:$0x3FA1]  }
0x28: {  	s2 =	sld [smem:$0x3FA2]  }
0x29: {  	s4 =	sld [smem:$0x3FA4]  }
0x2a: {  	p0 =	seq.s32 s5, $0x0;
	s5 =	sld [smem:$0x3FA5]  }
0x2b: {  	s6 =	sld [smem:$0x3FA6]  }
0x2c: {  	s7 =	sld [smem:$0x3FA7]  }
0x2d: {  	s3 =	simm.s32 $0x108;
	s8 =	sld [smem:$0x3FA8]  }
0x2e: {  	s3 =	simm.s32 @!p0 $0x1082;
	s9 =	sld [smem:$0x3FA9]  }
0x2f: {  	lr =	sadd.s32 s0, s3;
	s0 =	sld [smem:$0x3FA0]  }
0x30: {  	s3 =	sld [smem:$0x3FA3]  }
0x31: {  	[smem:$0x3FAC] =	sst s10  }
0x32: {  	s10 =	sld [smem:$0x3FAA];
	_ =	sdelay $0x3  }
0x33: {  	p0 =	seq.s32 s10, $0x1;
	s10 =	sld [smem:$0x3FAC];
	_ =	sdelay $0x3  }
0x34: {  	[smem:$0x3FAC] =	sst s10  }
0x35: {  	s10 =	sld [smem:$0x3FAB];
	_ =	sdelay $0x3  }
0x36: {  	p1 =	seq.s32 s10, $0x1;
	s10 =	sld [smem:$0x3FAC];
	_ =	sdelay $0x3  }
0x37: {  	[smem:$0x3FAC] =	sst s10  }
0x38: {  	s10 =	sld [smem:$0x3FAD]  }
0x39: {  	_ = 	snop;
	(pc) =	sbr.ind lr, $3  }
0x3a: {  	_ = 	snop  }
0x3b: {  	_ = 	snop  }
0x3c: {  	p2 =	seq.s32 s10, $0x1;
	s10 =	sld [smem:$0x3FAC]  }
0x3d: {  	_ =	shalt  }
0x3e: {  	_ =	shalt  }
0x3f: {  	_ =	shalt  }
0x40: {  	_ =	shalt  }
0x41: {  	_ =	shalt  }
0x42: {  	_ =	shalt  }
0x43: {  	_ =	shalt  }
0x44: {  	_ =	shalt  }
0x45: {  	_ =	shalt  }
0x46: {  	_ =	shalt  }
0x47: {  	_ =	shalt  }
0x48: {  	_ =	shalt  }
0x49: {  	_ =	shalt  }
0x4a: {  	_ =	shalt  }
0x4b: {  	_ =	shalt  }
0x4c: {  	_ =	shalt  }
0x4d: {  	_ =	shalt  }
0x4e: {  	_ =	shalt  }
0x4f: {  	_ =	shalt  }
0x50: {  	_ =	shalt  }
0x51: {  	_ =	shalt  }
0x52: {  	_ =	shalt  }
0x53: {  	_ =	shalt  }
0x54: {  	_ =	shalt  }
0x55: {  	_ =	shalt  }
0x56: {  	_ =	shalt  }
0x57: {  	_ =	shalt  }
0x58: {  	_ =	shalt  }
0x59: {  	_ =	shalt  }
0x5a: {  	_ =	shalt  }
0x5b: {  	_ =	shalt  }
0x5c: {  	_ =	shalt  }
0x5d: {  	_ =	shalt  }
0x5e: {  	_ =	shalt  }
0x5f: {  	_ =	shalt  }
0x60: {  	_ =	shalt  }
0x61: {  	_ =	shalt  }
0x62: {  	_ =	shalt  }
0x63: {  	_ =	shalt  }
0x64: {  	_ =	shalt  }
0x65: {  	_ =	shalt  }
0x66: {  	_ =	shalt  }
0x67: {  	_ =	shalt  }
0x68: {  	_ =	shalt  }
0x69: {  	_ =	shalt  }
0x6a: {  	_ =	shalt  }
0x6b: {  	_ =	shalt  }
0x6c: {  	_ =	shalt  }
0x6d: {  	_ =	shalt  }
0x6e: {  	_ =	shalt  }
0x6f: {  	_ =	shalt  }
0x70: {  	_ =	shalt  }
0x71: {  	_ =	shalt  }
0x72: {  	_ =	shalt  }
0x73: {  	_ =	shalt  }
0x74: {  	_ =	shalt  }
0x75: {  	_ =	shalt  }
0x76: {  	_ =	shalt  }
0x77: {  	_ =	shalt  }
0x78: {  	_ =	shalt  }
0x79: {  	_ =	shalt  }
0x7a: {  	_ =	shalt  }
0x7b: {  	_ =	shalt  }
0x7c: {  	_ =	shalt  }
0x7d: {  	_ =	shalt  }
0x7e: {  	_ =	shalt  }
0x7f: {  	_ =	shalt  }
0x80: {  	_ =	shalt  }
0x81: {  	_ =	shalt  }
0x82: {  	_ =	shalt  }
0x83: {  	_ =	shalt  }
0x84: {  	_ =	shalt  }
0x85: {  	_ =	shalt  }
0x86: {  	_ =	shalt  }
0x87: {  	_ =	shalt  }
.Lfunc_end0:
.L_simem_size_0:
called_computation.2_lowered:
.L_overlay_start_0:
0x88: {  	s2 =	sld [smem:$0x3FD9]  }
0x89: {  	s3 =	sld [smem:$0x3FFE];
	_ =	sdelay $0x1  }
0x8a: {  	s1 =	srdreg.scid  }
0x8b: {  	s0 =	sand.u32 $0x1, s1  }
0x8c: {  	s16 =	sshll.u32 s0, $0xA;
	s2 =	sadd.s32 s3, s2  }
0x8d: {  	s2 =	sadd.s32 s2, s16  }
0x8e: {  	[smem:$0x3FB8] =	sst s2  }
0x8f: {  	_ = 	snop  }
0x90: {  	(tm) =	ssettm $0x1  }
0x91: {  	s17 =	sld [smem:$0x3FFB];
	_ =	sdelay $0x3  }
0x92: {  	_ =	strace s17  }
0x93: {  	s2 =	sld [smem:$0x3FFC];
	_ =	sdelay $0x3  }
0x94: {  	_ =	strace s2  }
0x95: {  	s2 =	sld [smem:$0x3FFD];
	_ =	sdelay $0x3  }
0x96: {  	_ =	strace s2  }
0x97: {  	_ =	strace $0x8FFFFFFF  }
0x98: {  	s18 =	sld [smem:$0x3FDB];
	_ =	sdelay $0x1  }
0x99: {  	s19 =	simm.s32 $_scs_section_size  }
0x9a: {  	s4 =	simm.s32 $_size__tile_overlayer_lowered;
	s5 =	simm.s32 $_tile_overlayer_lowered  }
0x9b: {  	s22 =	simm.s32 $0x1BFF;
	s21 =	sshll.u32 s5, $0x1;
	s2 =	sadd.s32 s19, s18  }
0x9c: {  	s6 =	simm.s32 $0x0;
	s20 =	sshll.u32 s4, $0x1;
	s4 =	sadd.s32 s21, s2  }
0x9d: {  	[timem:s6], [sflag:s22] =	dma.local [hbm:s4], s20  }
0x9e: {  	_ =	swait.ge [sflag:s22], s20  }
0x9f: {  	s3 =	ssub.s32 $0x0, s20;
	[sflag:s22] =	ssyncset.done $0x0  }
0xa0: {  	[sflag:s22] =	ssyncadd.s32 s3;
	_ =	sdelay $0x1  }
0xa1: {  	s23 =	simm.s32 $0x1B8B  }
0xa2: {  	_ =	swait.ge [sflag:s23], $0x1  }
0xa3: {  	[sflag:s23] =	ssyncset.done $0x0  }
0xa4: {  	s25 =	simm.s32 $0x1B8E;
	s24 =	sld [smem:$0x3FFE];
	[sflag:s23] =	ssyncadd.s32 $0xFFFFFFFF  }
0xa5: {  	s26 =	simm.s32 $execute0_lowered;
	[smem:$0x3FD2] =	sst s25  }
0xa6: {  	s4 =	sshll.u32 s26, $0x1;
	_ =	strace $0x8000004C;
	[dreg:$0x1] =	wrdreg $0xFFFFFFFF  }
0xa7: {  	s28 =	simm.s32 $_size_execute0_lowered;
	s2 =	sadd.s32 s2, s4;
	[dreg:$0x0] =	wrdreg $0x0  }
0xa8: {  	s4 =	sshll.u32 s28, $0x1;
	[dreg:$0x2] =	wrdreg s2  }
0xa9: {  	[dreg:$0x3] =	wrdreg s4  }
0xaa: {  	[dreg:$0x4] =	wrdreg $0xC0  }
0xab: {  	_ =	task [dreg:s6], $0x5FFFF  }
0xac: {  	[dreg:$0x1] =	wrdreg $0xFFFFFFFF  }
0xad: {  	[dreg:$0x0] =	wrdreg $0x60  }
0xae: {  	[dreg:$0x2] =	wrdreg s24  }
0xaf: {  	[dreg:$0x3] =	wrdreg $0x90000  }
0xb0: {  	[dreg:$0x4] =	wrdreg $0x9  }
0xb1: {  	_ =	task.clear_ibuf [dreg:s6], $0x5FFFF;
	_ =	strace $0x9000004C  }
0xb2: {  	s29 =	simm.s32 $0x9;
	_ =	strace $0x8000004E  }
0xb3: {  	_ =	swait.ge [sflag:s29], $0x1  }
0xb4: {  	[sflag:s29] =	ssyncadd.s32 $0xFFFFFFFF  }
0xb5: {  	_ =	strace $0x9000004E  }
0xb6: {  	_ =	sfence  }
0xb7: {  	s30 =	sld [smem:$0x0];
	_ =	sdelay $0x2  }
0xb8: {  	s31 =	sshll.u32 s1, $0xD;
	s1 =	sshrl.u32 s1, $0x2  }
0xb9: {  	s3 =	sand.u32 $0x4000, s31;
	s1 =	sadd.s32 s1, s30  }
0xba: {  	s0 =	sor.u32 s3, s0;
	s1 =	sshll.u32 s1, $0x11  }
0xbb: {  	s0 =	sor.u32 s1, s0  }
0xbc: {  	s0 =	sadd.s32 $0x8F2B, s0  }
0xbd: {  	[sflag:s0] =	ssyncadd.remote.s32 $0x1  }
0xbe: {  	_ =	sfence.sel $0xFFFF  }
0xbf: {  	[dreg:$0x0] =	wrdreg $0xFFFFFFFF;
	(pc) =	sbr.abs _section_cstart, $3  }
0xc0: {  	[dreg:$0x1] =	wrdreg $0xFFFFFFFF  }
0xc1: {  	_ =	task.clear_ibuf [dreg:s6], $0x2FFFF;
	_ =	strace $0x9FFFFFFF  }
0xc2: {  	(tm) =	ssettm $0x7FFFFFFF  }
0xc3: {  	_ =	shalt  }
tec
execute0_lowered:
.L_overlay_start_1:
0x0: {  	(tag) =	ssettag $0x1  }
0x1: {  	s7 =	rddreg [dreg:$0x0]  }
0x2: {  	s2 =	rddreg [dreg:$0x1]  }
0x3: {  	s0 =	rddreg [dreg:$0x2];
	s3 =	simm.s32 $0x0  }
0x4: {  	s1 =	stileid.u32;
	s5 =	srdreg.scid;
	s17 =	simm.s32 $0x2  }
0x5: {  	s18 =	simm.s32 $0x2800;
	s20 =	simm.s32 $0x80;
	s21 =	simm.s32 $0x1  }
0x6: {  	s24 =	simm.s32 $0x0;
	[smem:$0x7FF] =	sst s3;
	s6 =	smul.u32 $0x500, s1  }
0x7: {  	s4 =	sadd.s32 $0x11000, s7;
	s19 =	sand.u32 $0x1, s5;
	s8 =	smul.u32 $0x50000, s1  }
0x8: {  	s5 =	sadd.s32 $0x38200, s7;
	s15 =	smul.u32 $0x2800, s1;
	s22 =	sshll.u32 s1, $0x6  }
0x9: {  	_ =	strace $0x8000004D;
	s9 =	ssub.s32 $0x2, s19;
	p0 =	sne.s32 s19, $0x0  }
0xa: {  	s19 =	simm.s32 $0x5000;
	s22 =	sor.u32 $0x1C02, s22;
	s10 =	sadd.s32 s6, s7  }
.Ltmp0:
0xb: {  	s6 =	sadd.s32 $0x5F400, s7;
	s11 =	sshrl.u32 s9, $0x1;
	(pc) =	sbr.rel .LBB2_1-.Ltmp0, $4  }
0xc: {  	s8 =	sshrl.u32 s8, $0x2;
	s7 =	sadd.s32 $0x87400, s7;
	s16 =	ssub.s32 s9, s11  }
0xd: {  	s8 =	sadd.s32 s8, s2;
	s9 =	sadd.s32 $0xC000, s10;
	s10 =	sadd.s32 $0x7000, s10  }
0xe: {  	s11 =	sadd.s32 $0x4000, s8;
	s12 =	sadd.s32 $0x8000, s8;
	s13 =	sadd.s32 $0xC000, s8  }
0xf: {  	v0 =	vimm.f32 $0.0e+00;
	s14 =	sadd.s32 $0x10000, s8;
	s16 =	smax.u32 s16, $0x1;
	s23 =	sshrl.u32 s8, $0x3  }
.LBB2_9:
0x10: {  	s25 =	sshra.s32 s25, $0x2;
	[sflag:s17] =	ssyncadd.s32 $0xFFFFC000  }
0x11: {  	[tilespmem:s19], [sflag:$0x1] =	stream.indirect.gather [hbm4b:s5+s20], $0x80, s25, s20, $0xb8;
	[tilespmem:$0x1D000] =	vst v63  }
0x12: {  	_ =	swait.ge [sflag:s21], $0x4000  }
0x13: {  	[sflag:s21] =	ssyncset.done $0x0  }
0x14: {  	s25 =	sadd.s32 $0x2800, s25;
	[sflag:s21] =	ssyncadd.s32 $0xFFFFC000  }
0x15: {  	[spmem:s2] =	stream.indirect.scatter.add.f32 [tilespmem:s19], [sflag:$0x2], $0x80, s25, s20, $0xb8;
	[tilespmem:$0x1D000] =	vst v63  }
0x16: {  	_ =	swait.ge [sflag:s17], $0x4000  }
0x17: {  	[sflag:s17] =	ssyncset.done $0x0  }
0x18: {  	s25 =	smov.u32 s7;
	[sflag:s17] =	ssyncadd.s32 $0xFFFFC000  }
.LBB2_10:
0x19: {  	s24 =	sadd.s32 $0x1, s24  }
0x1a: {  	p1 =	sne.s32 s24, s16  }
.Ltmp1:
0x1b: {  	s25 =	sadd.s32 s25, s15;
	[bflag:$0x0] =	sbarrier.arrive $0xFFFF;
	(pc) =	sbr.rel @!p1 .LBB2_11-.Ltmp1, $4  }
0x1c: {  	[hbm:s25], [sflag:s22] =	dma.local [spmem:s23], $0x2800  }
0x1d: {  	_ =	swait.ge [sflag:s17], $0x2800  }
0x1e: {  	[sflag:s17] =	ssyncset.done $0x0  }
0x1f: {  	[sflag:s17] =	ssyncadd.s32 $0xFFFFD800  }
.LBB2_1:
0x20: {  	[tilespmem:s3], [sflag:$0x2] =	stream.linear.gather [hbm4b:s9+s3], $0x2780, $0x38;
	[tilespmem:$0x1D000] =	vst v63  }
0x21: {  	_ =	swait.ge [sflag:s17], $0x2780  }
0x22: {  	[sflag:s17] =	ssyncset.done $0x0  }
0x23: {  	[sflag:s17] =	ssyncadd.s32 $0xFFFFD880  }
0x24: {  	[tilespmem:s18], [sflag:$0x2] =	stream.linear.gather [hbm4b:s10+s3], $0x2780, $0x38;
	[tilespmem:$0x1D000] =	vst v63  }
0x25: {  	s25 =	sand.u32 $0xFE00, s3;
	s26 =	sand.u32 $0x70, s3;
	_ =	swait.ge [sflag:s17], $0x2780  }
0x26: {  	s28 =	sshrl.u32 s25, $0x2;
	s25 =	simm.s32 $0x40;
	[sflag:s17] =	ssyncset.done $0x0  }
0x27: {  	s28 =	sor.u32 s26, s28;
	s26 =	simm.s32 $0x0;
	[sflag:s17] =	ssyncadd.s32 $0xFFFFD880  }
.LBB2_2:
0x28: {  	p1 =	sne.s32 s25, $0xFFC0  }
0x29: {  	[tilespmem:s28+$0x5000] =	vst v0;
	s26 =	sadd.s32 $0x10, s26;
	s28 =	smov.u32 s25;
	s25 =	sadd.s32 $0x40, s25  }
.Ltmp2:
0x2a: {  	(pc) =	sbr.rel @p1 .LBB2_2-.Ltmp2, $4  }
0x2b: {  	_ = 	snop  }
0x2c: {  	s28 =	sand.u32 $0xFE00, s28  }
0x2d: {  	s29 =	sand.u32 $0x70, s26;
	s28 =	sshrl.u32 s28, $0x2  }
0x2e: {  	s28 =	sor.u32 s29, s28  }
0x2f: {  	[tilespmem:s28+$0x5000] =	vst v0  }
0x30: {  	[spmem:s8] =	stream.linear.scatter [tilespmem:s19], [sflag:$0x2], $0x4000, $0x38;
	[tilespmem:$0x1D000] =	vst v63  }
0x31: {  	_ =	swait.ge [sflag:s17], $0x4000  }
0x32: {  	[sflag:s17] =	ssyncset.done $0x0  }
0x33: {  	[sflag:s17] =	ssyncadd.s32 $0xFFFFC000  }
0x34: {  	[spmem:s11] =	stream.linear.scatter [tilespmem:s19], [sflag:$0x2], $0x4000, $0x38;
	[tilespmem:$0x1D000] =	vst v63  }
0x35: {  	_ =	swait.ge [sflag:s17], $0x4000  }
0x36: {  	[sflag:s17] =	ssyncset.done $0x0  }
0x37: {  	[sflag:s17] =	ssyncadd.s32 $0xFFFFC000  }
0x38: {  	[spmem:s12] =	stream.linear.scatter [tilespmem:s19], [sflag:$0x2], $0x4000, $0x38;
	[tilespmem:$0x1D000] =	vst v63  }
0x39: {  	_ =	swait.ge [sflag:s17], $0x4000  }
0x3a: {  	[sflag:s17] =	ssyncset.done $0x0  }
0x3b: {  	[sflag:s17] =	ssyncadd.s32 $0xFFFFC000  }
0x3c: {  	[spmem:s13] =	stream.linear.scatter [tilespmem:s19], [sflag:$0x2], $0x4000, $0x38;
	[tilespmem:$0x1D000] =	vst v63  }
0x3d: {  	_ =	swait.ge [sflag:s17], $0x4000  }
0x3e: {  	[sflag:s17] =	ssyncset.done $0x0  }
0x3f: {  	[sflag:s17] =	ssyncadd.s32 $0xFFFFC000  }
0x40: {  	[spmem:s14] =	stream.linear.scatter [tilespmem:s19], [sflag:$0x2], $0x4000, $0x38;
	[tilespmem:$0x1D000] =	vst v63  }
.Ltmp3:
0x41: {  	_ =	swait.ge [sflag:s17], $0x4000;
	(pc) =	sbr.rel @p0 .LBB2_7-.Ltmp3, $4  }
0x42: {  	[sflag:s17] =	ssyncset.done $0x0  }
0x43: {  	[sflag:s17] =	ssyncadd.s32 $0xFFFFC000  }
0x44: {  	[bflag:$0x0] =	sbarrier.arrive $0xFFFF  }
0x45: {  	s25 =	simm.s32 $0x0  }
0x46: {  	[tilespmem:s19], [sflag:$0x1] =	stream.indirect.gather [hbm4b:s4+s20], $0x80, s25, s20, $0xb8;
	[tilespmem:$0x1D000] =	vst v63  }
0x47: {  	_ =	swait.ge [sflag:s21], $0x4000  }
0x48: {  	[sflag:s21] =	ssyncset.done $0x0  }
0x49: {  	s31 =	simm.s32 $0x2800;
	[sflag:s21] =	ssyncadd.s32 $0xFFFFC000  }
0x4a: {  	[spmem:s2] =	stream.indirect.scatter.add.f32 [tilespmem:s19], [sflag:$0x2], $0x80, s31, s20, $0xb8;
	[tilespmem:$0x1D000] =	vst v63  }
0x4b: {  	_ =	swait.ge [sflag:s17], $0x4000  }
0x4c: {  	s25 =	simm.s32 $0x200;
	s26 =	simm.s32 $0x400;
	[sflag:s17] =	ssyncset.done $0x0  }
.LBB2_5:
0x4d: {  	s28 =	sshra.s32 s25, $0x2  }
0x4e: {  	[sflag:s17] =	ssyncadd.s32 $0xFFFFC000;
	s25 =	smov.u32 s26;
	s29 =	sadd.s32 $0x200, s26  }
0x4f: {  	[tilespmem:s19], [sflag:$0x1] =	stream.indirect.gather [hbm4b:s4+s20], $0x80, s28, s20, $0xb8;
	[tilespmem:$0x1D000] =	vst v63  }
0x50: {  	p1 =	seq.s32 s26, $0x9C00;
	_ =	swait.ge [sflag:s21], $0x4000  }
.Ltmp4:
0x51: {  	[sflag:s21] =	ssyncset.done $0x0;
	(pc) =	sbr.rel @!p1 .LBB2_5-.Ltmp4, $4  }
0x52: {  	s26 =	sadd.s32 $0x2800, s28;
	[sflag:s21] =	ssyncadd.s32 $0xFFFFC000  }
0x53: {  	[spmem:s2] =	stream.indirect.scatter.add.f32 [tilespmem:s19], [sflag:$0x2], $0x80, s26, s20, $0xb8;
	[tilespmem:$0x1D000] =	vst v63  }
0x54: {  	_ =	swait.ge [sflag:s17], $0x4000  }
0x55: {  	s26 =	smov.u32 s29;
	[sflag:s17] =	ssyncset.done $0x0  }
0x56: {  	s25 =	sshra.s32 s25, $0x2;
	[sflag:s17] =	ssyncadd.s32 $0xFFFFC000  }
0x57: {  	[tilespmem:s19], [sflag:$0x1] =	stream.indirect.gather [hbm4b:s4+s20], $0x80, s25, s20, $0xb8;
	[tilespmem:$0x1D000] =	vst v63  }
0x58: {  	_ =	swait.ge [sflag:s21], $0x4000  }
0x59: {  	[sflag:s21] =	ssyncset.done $0x0  }
.Ltmp5:
0x5a: {  	s25 =	sadd.s32 $0x2800, s25;
	[sflag:s21] =	ssyncadd.s32 $0xFFFFC000;
	(pc) =	sbr.rel .LBB2_10-.Ltmp5, $4  }
0x5b: {  	[spmem:s2] =	stream.indirect.scatter.add.f32 [tilespmem:s19], [sflag:$0x2], $0x80, s25, s20, $0xb8;
	[tilespmem:$0x1D000] =	vst v63  }
0x5c: {  	_ =	swait.ge [sflag:s17], $0x4000  }
0x5d: {  	[sflag:s17] =	ssyncset.done $0x0  }
0x5e: {  	s25 =	smov.u32 s6;
	[sflag:s17] =	ssyncadd.s32 $0xFFFFC000  }
.LBB2_7:
0x5f: {  	[tilespmem:s19], [sflag:$0x1] =	stream.indirect.gather [hbm4b:s5+s20], $0x80, s25, s20, $0xb8;
	[tilespmem:$0x1D000] =	vst v63  }
0x60: {  	_ =	swait.ge [sflag:s21], $0x4000  }
0x61: {  	[sflag:s21] =	ssyncset.done $0x0  }
0x62: {  	s31 =	simm.s32 $0x2800;
	[sflag:s21] =	ssyncadd.s32 $0xFFFFC000  }
0x63: {  	[spmem:s2] =	stream.indirect.scatter.add.f32 [tilespmem:s19], [sflag:$0x2], $0x80, s31, s20, $0xb8;
	[tilespmem:$0x1D000] =	vst v63  }
0x64: {  	_ =	swait.ge [sflag:s17], $0x4000  }
0x65: {  	s25 =	simm.s32 $0x200;
	s26 =	simm.s32 $0x400;
	[sflag:s17] =	ssyncset.done $0x0  }
.LBB2_8:
0x66: {  	s28 =	sshra.s32 s25, $0x2  }
0x67: {  	[sflag:s17] =	ssyncadd.s32 $0xFFFFC000;
	s25 =	smov.u32 s26;
	s29 =	sadd.s32 $0x200, s26  }
0x68: {  	[tilespmem:s19], [sflag:$0x1] =	stream.indirect.gather [hbm4b:s5+s20], $0x80, s28, s20, $0xb8;
	[tilespmem:$0x1D000] =	vst v63  }
0x69: {  	p1 =	sne.s32 s26, $0x9C00;
	_ =	swait.ge [sflag:s21], $0x4000  }
.Ltmp6:
0x6a: {  	[sflag:s21] =	ssyncset.done $0x0;
	(pc) =	sbr.rel @p1 .LBB2_8-.Ltmp6, $4  }
0x6b: {  	s26 =	sadd.s32 $0x2800, s28;
	[sflag:s21] =	ssyncadd.s32 $0xFFFFC000  }
0x6c: {  	[spmem:s2] =	stream.indirect.scatter.add.f32 [tilespmem:s19], [sflag:$0x2], $0x80, s26, s20, $0xb8;
	[tilespmem:$0x1D000] =	vst v63  }
0x6d: {  	_ =	swait.ge [sflag:s17], $0x4000  }
0x6e: {  	s26 =	smov.u32 s29;
	[sflag:s17] =	ssyncset.done $0x0  }
.Ltmp7:
0x6f: {  	_ = 	snop;
	(pc) =	sbr.rel .LBB2_9-.Ltmp7, $1  }
0x70: {  	_ =	sdelay $0x3  }
.LBB2_11:
0x71: {  	_ =	sfence.sel $0x180000  }
0x72: {  	[bflag:$0x0] =	sbarrier.arrive $0xFFFF  }
0x73: {  	p0 =	sne.s32 s1, $0x0;
	_ =	strace $0x9000004D  }
0x74: {  	s0 =	sadd.s32 @!p0 $0x100000, s0;
	[bflag:$0x2] =	sbarrier.arrive $0xFFFF  }
0x75: {  	[sflag:s0] =	ssyncadd.tile.s32 @!p0 $0x1;
	_ =	shalt  }
.Lfunc_end2:
_tile_overlayer_lowered:
.L_overlay_start_2:
0x76: {  	(tag) =	ssettag $0x2  }
0x77: {  	s0 =	rddreg [dreg:$0x0];
	s2 =	stileid.u32  }
0x78: {  	s1 =	rddreg [dreg:$0x1];
	p0 =	sne.s32 s2, $0x0  }
0x79: {  	s3 =	rddreg [dreg:$0x2];
	[bflag:$0x3] =	sbarrier.arrive $0xFFFF;
	s2 =	simm.s32 @!p0 $0x1C02  }
0x7a: {  	[timem:s3], [sflag:s2] =	dma.local @!p0 [hbm:s0], s1  }
0x7b: {  	s0 =	simm.s32 @!p0 $0x2  }
0x7c: {  	_ =	swait.ge @!p0 [sflag:s0], s1  }
0x7d: {  	s1 =	ssub.s32 @!p0 $0x0, s1;
	[sflag:s0] =	ssyncset.done @!p0 $0x0  }
0x7e: {  	[sflag:s0] =	ssyncadd.s32 @!p0 s1  }
0x7f: {  	[bflag:$0x3] =	sbarrier.arrive $0xFFFF  }
0x80: {  	_ =	shalt  }

// kernel: kernel.22.cloned.1.call-start
scs
__scs_entry_jumppad:
0x0: {  	(pc) =	sbr.rel $0x88, $3  }
0x1: {  	(tag) =	ssettag $0x0;
	lr =	simm.s32 $0x1  }
0x2: {  	[smem:$0x3F91] =	sst lr;
	_ =	strace $0xD0000000  }
0x3: {  	_ = 	snop  }
0x4: {  	_ = 	snop  }
0x5: {  	_ = 	snop  }
0x6: {  	_ = 	snop  }
0x7: {  	_ = 	snop  }
__scs_overlays_trampoline_lowered:
0x8: {  	[smem:$0x3FA0] =	sst s0  }
0x9: {  	[smem:$0x3FA1] =	sst s1  }
0xa: {  	[smem:$0x3FA2] =	sst s2  }
0xb: {  	[smem:$0x3FA3] =	sst s3  }
0xc: {  	[smem:$0x3FA4] =	sst s4  }
0xd: {  	[smem:$0x3FA5] =	sst s5  }
0xe: {  	[smem:$0x3FA6] =	sst s6  }
0xf: {  	[smem:$0x3FA7] =	sst s7  }
0x10: {  	[smem:$0x3FA8] =	sst s8  }
0x11: {  	[smem:$0x3FA9] =	sst s9;
	s0 =	simm.s32 @!p0 $0x0  }
0x12: {  	s1 =	sld [smem:$0x3F8F];
	s0 =	simm.s32 @p0 $0x1  }
0x13: {  	[smem:$0x3FAA] =	sst s0;
	s0 =	simm.s32 @!p1 $0x0  }
0x14: {  	s2 =	sld [smem:$0x3F8E];
	s0 =	simm.s32 @p1 $0x1  }
0x15: {  	[smem:$0x3FAB] =	sst s0;
	s0 =	simm.s32 @!p2 $0x0  }
0x16: {  	s3 =	sld [smem:$0x3FDB];
	s0 =	simm.s32 @p2 $0x1  }
0x17: {  	s4 =	simm.s32 $0x1BF5;
	[smem:$0x3FAD] =	sst s0  }
0x18: {  	s0 =	sld [smem:$0x3F90];
	_ =	swait.ge [sflag:s4], $0x0  }
0x19: {  	s7 =	sld [smem:$0x3F91]  }
0x1a: {  	s8 =	sadd.s32 $0xFFFFE003, lr  }
0x1b: {  	s9 =	sadd.s32 $0xFFFFFEF7, lr;
	s5 =	simm.s32 $0xFFFFFFFF;
	p2 =	slt.u32 s8, $0xFFFFF086  }
0x1c: {  	p1 =	slt.u32 s9, $0xF7A;
	s5 =	simm.s32 @!p2 $0x0  }
0x1d: {  	s5 =	simm.s32 @p1 $0x1;
	p0 =	seq.s32 s7, s2  }
0x1e: {  	s7 =	smul.u32 @!p0 $0xF7A, s2;
	p2 =	seq.s32 @!p0 s5, $0x0  }
0x1f: {  	s9 =	smul.u32 $0xF7A, s1;
	s8 =	simm.s32 @!p0 $0x1BF5;
	p2 =	por !p2, p0  }
0x20: {  	[sflag:s8] =	ssyncset.s32 @!p0 $0xFFFFF086;
	s6 =	sadd.s32 @!p0 s3, s7;
	s7 =	simm.s32 @!p0 $0x108  }
0x21: {  	s3 =	sadd.s32 s3, s9;
	s6 =	sadd.s32 @!p0 $0x88, s6;
	s7 =	simm.s32 @p2 $0x1082  }
0x22: {  	[simem:s7], [sflag:s8] =	dma.local @!p0 [hbm:s6], $0xF7A  }
0x23: {  	s9 =	sor.u32 $0xD0000000, s2;
	s6 =	simm.s32 $0x108;
	_ =	swait.ge @!p0 [sflag:s8], $0x0  }
0x24: {  	s3 =	sadd.s32 $0x88, s3;
	s6 =	simm.s32 @!p1 $0x1082;
	[sflag:s4] =	ssyncset.s32 $0xFFFFF086  }
0x25: {  	[simem:s6], [sflag:s4] =	dma.local [hbm:s3], $0xF7A  }
0x26: {  	[smem:$0x3F91] =	sst s1;
	(tag) =	ssettag s2;
	_ =	strace s9  }
0x27: {  	s1 =	sld [smem:$0x3FA1]  }
0x28: {  	s2 =	sld [smem:$0x3FA2]  }
0x29: {  	s4 =	sld [smem:$0x3FA4]  }
0x2a: {  	p0 =	seq.s32 s5, $0x0;
	s5 =	sld [smem:$0x3FA5]  }
0x2b: {  	s6 =	sld [smem:$0x3FA6]  }
0x2c: {  	s7 =	sld [smem:$0x3FA7]  }
0x2d: {  	s3 =	simm.s32 $0x108;
	s8 =	sld [smem:$0x3FA8]  }
0x2e: {  	s3 =	simm.s32 @!p0 $0x1082;
	s9 =	sld [smem:$0x3FA9]  }
0x2f: {  	lr =	sadd.s32 s0, s3;
	s0 =	sld [smem:$0x3FA0]  }
0x30: {  	s3 =	sld [smem:$0x3FA3]  }
0x31: {  	[smem:$0x3FAC] =	sst s10  }
0x32: {  	s10 =	sld [smem:$0x3FAA];
	_ =	sdelay $0x3  }
0x33: {  	p0 =	seq.s32 s10, $0x1;
	s10 =	sld [smem:$0x3FAC];
	_ =	sdelay $0x3  }
0x34: {  	[smem:$0x3FAC] =	sst s10  }
0x35: {  	s10 =	sld [smem:$0x3FAB];
	_ =	sdelay $0x3  }
0x36: {  	p1 =	seq.s32 s10, $0x1;
	s10 =	sld [smem:$0x3FAC];
	_ =	sdelay $0x3  }
0x37: {  	[smem:$0x3FAC] =	sst s10  }
0x38: {  	s10 =	sld [smem:$0x3FAD]  }
0x39: {  	_ = 	snop;
	(pc) =	sbr.ind lr, $3  }
0x3a: {  	_ = 	snop  }
0x3b: {  	_ = 	snop  }
0x3c: {  	p2 =	seq.s32 s10, $0x1;
	s10 =	sld [smem:$0x3FAC]  }
0x3d: {  	_ =	shalt  }
0x3e: {  	_ =	shalt  }
0x3f: {  	_ =	shalt  }
0x40: {  	_ =	shalt  }
0x41: {  	_ =	shalt  }
0x42: {  	_ =	shalt  }
0x43: {  	_ =	shalt  }
0x44: {  	_ =	shalt  }
0x45: {  	_ =	shalt  }
0x46: {  	_ =	shalt  }
0x47: {  	_ =	shalt  }
0x48: {  	_ =	shalt  }
0x49: {  	_ =	shalt  }
0x4a: {  	_ =	shalt  }
0x4b: {  	_ =	shalt  }
0x4c: {  	_ =	shalt  }
0x4d: {  	_ =	shalt  }
0x4e: {  	_ =	shalt  }
0x4f: {  	_ =	shalt  }
0x50: {  	_ =	shalt  }
0x51: {  	_ =	shalt  }
0x52: {  	_ =	shalt  }
0x53: {  	_ =	shalt  }
0x54: {  	_ =	shalt  }
0x55: {  	_ =	shalt  }
0x56: {  	_ =	shalt  }
0x57: {  	_ =	shalt  }
0x58: {  	_ =	shalt  }
0x59: {  	_ =	shalt  }
0x5a: {  	_ =	shalt  }
0x5b: {  	_ =	shalt  }
0x5c: {  	_ =	shalt  }
0x5d: {  	_ =	shalt  }
0x5e: {  	_ =	shalt  }
0x5f: {  	_ =	shalt  }
0x60: {  	_ =	shalt  }
0x61: {  	_ =	shalt  }
0x62: {  	_ =	shalt  }
0x63: {  	_ =	shalt  }
0x64: {  	_ =	shalt  }
0x65: {  	_ =	shalt  }
0x66: {  	_ =	shalt  }
0x67: {  	_ =	shalt  }
0x68: {  	_ =	shalt  }
0x69: {  	_ =	shalt  }
0x6a: {  	_ =	shalt  }
0x6b: {  	_ =	shalt  }
0x6c: {  	_ =	shalt  }
0x6d: {  	_ =	shalt  }
0x6e: {  	_ =	shalt  }
0x6f: {  	_ =	shalt  }
0x70: {  	_ =	shalt  }
0x71: {  	_ =	shalt  }
0x72: {  	_ =	shalt  }
0x73: {  	_ =	shalt  }
0x74: {  	_ =	shalt  }
0x75: {  	_ =	shalt  }
0x76: {  	_ =	shalt  }
0x77: {  	_ =	shalt  }
0x78: {  	_ =	shalt  }
0x79: {  	_ =	shalt  }
0x7a: {  	_ =	shalt  }
0x7b: {  	_ =	shalt  }
0x7c: {  	_ =	shalt  }
0x7d: {  	_ =	shalt  }
0x7e: {  	_ =	shalt  }
0x7f: {  	_ =	shalt  }
0x80: {  	_ =	shalt  }
0x81: {  	_ =	shalt  }
0x82: {  	_ =	shalt  }
0x83: {  	_ =	shalt  }
0x84: {  	_ =	shalt  }
0x85: {  	_ =	shalt  }
0x86: {  	_ =	shalt  }
0x87: {  	_ =	shalt  }
.Lfunc_end0:
.L_simem_size_0:
called_computation.3_lowered:
.L_overlay_start_0:
0x88: {  	s2 =	sld [smem:$0x3FD9]  }
0x89: {  	s3 =	sld [smem:$0x3FFE];
	_ =	sdelay $0x1  }
0x8a: {  	s1 =	srdreg.scid  }
0x8b: {  	s0 =	sand.u32 $0x1, s1  }
0x8c: {  	s16 =	sshll.u32 s0, $0xA;
	s2 =	sadd.s32 s3, s2  }
0x8d: {  	s2 =	sadd.s32 s2, s16  }
0x8e: {  	[smem:$0x3FB8] =	sst s2  }
0x8f: {  	_ = 	snop  }
0x90: {  	(tm) =	ssettm $0x1  }
0x91: {  	s17 =	sld [smem:$0x3FFB];
	_ =	sdelay $0x3  }
0x92: {  	_ =	strace s17  }
0x93: {  	s2 =	sld [smem:$0x3FFC];
	_ =	sdelay $0x3  }
0x94: {  	_ =	strace s2  }
0x95: {  	s2 =	sld [smem:$0x3FFD];
	_ =	sdelay $0x3  }
0x96: {  	_ =	strace s2  }
0x97: {  	_ =	strace $0x8FFFFFFF  }
0x98: {  	s18 =	sld [smem:$0x3FDB];
	_ =	sdelay $0x1  }
0x99: {  	s19 =	simm.s32 $_scs_section_size  }
0x9a: {  	s4 =	simm.s32 $_size__tile_overlayer_lowered;
	s5 =	simm.s32 $_tile_overlayer_lowered  }
0x9b: {  	s22 =	simm.s32 $0x1BFF;
	s21 =	sshll.u32 s5, $0x1;
	s2 =	sadd.s32 s19, s18  }
0x9c: {  	s6 =	simm.s32 $0x0;
	s20 =	sshll.u32 s4, $0x1;
	s4 =	sadd.s32 s21, s2  }
0x9d: {  	[timem:s6], [sflag:s22] =	dma.local [hbm:s4], s20  }
0x9e: {  	_ =	swait.ge [sflag:s22], s20  }
0x9f: {  	s3 =	ssub.s32 $0x0, s20;
	[sflag:s22] =	ssyncset.done $0x0  }
0xa0: {  	[sflag:s22] =	ssyncadd.s32 s3;
	_ =	sdelay $0x1  }
0xa1: {  	s23 =	simm.s32 $0x1B8B  }
0xa2: {  	_ =	swait.ge [sflag:s23], $0x1  }
0xa3: {  	[sflag:s23] =	ssyncset.done $0x0  }
0xa4: {  	s25 =	simm.s32 $0x1B8E;
	s24 =	sld [smem:$0x3FFE];
	[sflag:s23] =	ssyncadd.s32 $0xFFFFFFFF  }
0xa5: {  	s26 =	simm.s32 $execute0_lowered;
	[smem:$0x3FD2] =	sst s25  }
0xa6: {  	s4 =	sshll.u32 s26, $0x1;
	_ =	strace $0x8000004F;
	[dreg:$0x1] =	wrdreg $0xFFFFFFFF  }
0xa7: {  	s28 =	simm.s32 $_size_execute0_lowered;
	s2 =	sadd.s32 s2, s4;
	[dreg:$0x0] =	wrdreg $0x0  }
0xa8: {  	s4 =	sshll.u32 s28, $0x1;
	[dreg:$0x2] =	wrdreg s2  }
0xa9: {  	[dreg:$0x3] =	wrdreg s4  }
0xaa: {  	[dreg:$0x4] =	wrdreg $0xC0  }
0xab: {  	_ =	task [dreg:s6], $0x5FFFF  }
0xac: {  	[dreg:$0x1] =	wrdreg $0xFFFFFFFF  }
0xad: {  	[dreg:$0x0] =	wrdreg $0x60  }
0xae: {  	[dreg:$0x2] =	wrdreg s24  }
0xaf: {  	[dreg:$0x3] =	wrdreg $0x90000  }
0xb0: {  	[dreg:$0x4] =	wrdreg $0x9  }
0xb1: {  	_ =	task.clear_ibuf [dreg:s6], $0x5FFFF;
	_ =	strace $0x9000004F  }
0xb2: {  	s29 =	simm.s32 $0x9;
	_ =	strace $0x80000051  }
0xb3: {  	_ =	swait.ge [sflag:s29], $0x1  }
0xb4: {  	[sflag:s29] =	ssyncadd.s32 $0xFFFFFFFF  }
0xb5: {  	_ =	strace $0x90000051  }
0xb6: {  	_ =	sfence  }
0xb7: {  	s30 =	sld [smem:$0x0];
	_ =	sdelay $0x2  }
0xb8: {  	s31 =	sshll.u32 s1, $0xD;
	s1 =	sshrl.u32 s1, $0x2  }
0xb9: {  	s3 =	sand.u32 $0x4000, s31;
	s1 =	sadd.s32 s1, s30  }
0xba: {  	s0 =	sor.u32 s3, s0;
	s1 =	sshll.u32 s1, $0x11  }
0xbb: {  	s0 =	sor.u32 s1, s0  }
0xbc: {  	s0 =	sadd.s32 $0x8F2B, s0  }
0xbd: {  	[sflag:s0] =	ssyncadd.remote.s32 $0x1  }
0xbe: {  	_ =	sfence.sel $0xFFFF  }
0xbf: {  	[dreg:$0x0] =	wrdreg $0xFFFFFFFF;
	(pc) =	sbr.abs _section_cstart, $3  }
0xc0: {  	[dreg:$0x1] =	wrdreg $0xFFFFFFFF  }
0xc1: {  	_ =	task.clear_ibuf [dreg:s6], $0x2FFFF;
	_ =	strace $0x9FFFFFFF  }
0xc2: {  	(tm) =	ssettm $0x7FFFFFFF  }
0xc3: {  	_ =	shalt  }
tec
execute0_lowered:
.L_overlay_start_1:
0x0: {  	(tag) =	ssettag $0x1  }
0x1: {  	s7 =	rddreg [dreg:$0x0]  }
0x2: {  	s2 =	rddreg [dreg:$0x1]  }
0x3: {  	s0 =	rddreg [dreg:$0x2];
	s3 =	simm.s32 $0x0  }
0x4: {  	s1 =	stileid.u32;
	s5 =	srdreg.scid;
	s17 =	simm.s32 $0x2  }
0x5: {  	s18 =	simm.s32 $0x2800;
	s20 =	simm.s32 $0x80;
	s21 =	simm.s32 $0x1  }
0x6: {  	s24 =	simm.s32 $0x0;
	[smem:$0x7FF] =	sst s3;
	s6 =	smul.u32 $0x500, s1  }
0x7: {  	s4 =	sadd.s32 $0x11000, s7;
	s19 =	sand.u32 $0x1, s5;
	s8 =	smul.u32 $0x50000, s1  }
0x8: {  	s5 =	sadd.s32 $0x5F400, s7;
	s15 =	smul.u32 $0x2800, s1;
	s22 =	sshll.u32 s1, $0x6  }
0x9: {  	_ =	strace $0x80000050;
	s9 =	ssub.s32 $0x2, s19;
	p0 =	sne.s32 s19, $0x0  }
0xa: {  	s19 =	simm.s32 $0x5000;
	s22 =	sor.u32 $0x1C02, s22;
	s10 =	sadd.s32 s6, s7  }
.Ltmp0:
0xb: {  	s6 =	sadd.s32 $0x86600, s7;
	s11 =	sshrl.u32 s9, $0x1;
	(pc) =	sbr.rel .LBB2_1-.Ltmp0, $4  }
0xc: {  	s8 =	sshrl.u32 s8, $0x2;
	s7 =	sadd.s32 $0xD7400, s7;
	s16 =	ssub.s32 s9, s11  }
0xd: {  	s8 =	sadd.s32 s8, s2;
	s9 =	sadd.s32 $0xC000, s10;
	s10 =	sadd.s32 $0x7000, s10  }
0xe: {  	s11 =	sadd.s32 $0x4000, s8;
	s12 =	sadd.s32 $0x8000, s8;
	s13 =	sadd.s32 $0xC000, s8  }
0xf: {  	v0 =	vimm.f32 $0.0e+00;
	s14 =	sadd.s32 $0x10000, s8;
	s16 =	smax.u32 s16, $0x1;
	s23 =	sshrl.u32 s8, $0x3  }
.LBB2_9:
0x10: {  	s25 =	sshra.s32 s25, $0x2;
	[sflag:s17] =	ssyncadd.s32 $0xFFFFC000  }
0x11: {  	[tilespmem:s19], [sflag:$0x1] =	stream.indirect.gather [hbm4b:s5+s20], $0x80, s25, s20, $0xb8;
	[tilespmem:$0x1D000] =	vst v63  }
0x12: {  	_ =	swait.ge [sflag:s21], $0x4000  }
0x13: {  	[sflag:s21] =	ssyncset.done $0x0  }
0x14: {  	s25 =	sadd.s32 $0x2800, s25;
	[sflag:s21] =	ssyncadd.s32 $0xFFFFC000  }
0x15: {  	[spmem:s2] =	stream.indirect.scatter.add.f32 [tilespmem:s19], [sflag:$0x2], $0x80, s25, s20, $0xb8;
	[tilespmem:$0x1D000] =	vst v63  }
0x16: {  	_ =	swait.ge [sflag:s17], $0x4000  }
0x17: {  	[sflag:s17] =	ssyncset.done $0x0  }
0x18: {  	s25 =	smov.u32 s7;
	[sflag:s17] =	ssyncadd.s32 $0xFFFFC000  }
.LBB2_10:
0x19: {  	s24 =	sadd.s32 $0x1, s24  }
0x1a: {  	p1 =	sne.s32 s24, s16  }
.Ltmp1:
0x1b: {  	s25 =	sadd.s32 s25, s15;
	[bflag:$0x0] =	sbarrier.arrive $0xFFFF;
	(pc) =	sbr.rel @!p1 .LBB2_11-.Ltmp1, $4  }
0x1c: {  	[hbm:s25], [sflag:s22] =	dma.local [spmem:s23], $0x2800  }
0x1d: {  	_ =	swait.ge [sflag:s17], $0x2800  }
0x1e: {  	[sflag:s17] =	ssyncset.done $0x0  }
0x1f: {  	[sflag:s17] =	ssyncadd.s32 $0xFFFFD800  }
.LBB2_1:
0x20: {  	[tilespmem:s3], [sflag:$0x2] =	stream.linear.gather [hbm4b:s9+s3], $0x2780, $0x38;
	[tilespmem:$0x1D000] =	vst v63  }
0x21: {  	_ =	swait.ge [sflag:s17], $0x2780  }
0x22: {  	[sflag:s17] =	ssyncset.done $0x0  }
0x23: {  	[sflag:s17] =	ssyncadd.s32 $0xFFFFD880  }
0x24: {  	[tilespmem:s18], [sflag:$0x2] =	stream.linear.gather [hbm4b:s10+s3], $0x2780, $0x38;
	[tilespmem:$0x1D000] =	vst v63  }
0x25: {  	s25 =	sand.u32 $0xFE00, s3;
	s26 =	sand.u32 $0x70, s3;
	_ =	swait.ge [sflag:s17], $0x2780  }
0x26: {  	s28 =	sshrl.u32 s25, $0x2;
	s25 =	simm.s32 $0x40;
	[sflag:s17] =	ssyncset.done $0x0  }
0x27: {  	s28 =	sor.u32 s26, s28;
	s26 =	simm.s32 $0x0;
	[sflag:s17] =	ssyncadd.s32 $0xFFFFD880  }
.LBB2_2:
0x28: {  	p1 =	sne.s32 s25, $0xFFC0  }
0x29: {  	[tilespmem:s28+$0x5000] =	vst v0;
	s26 =	sadd.s32 $0x10, s26;
	s28 =	smov.u32 s25;
	s25 =	sadd.s32 $0x40, s25  }
.Ltmp2:
0x2a: {  	(pc) =	sbr.rel @p1 .LBB2_2-.Ltmp2, $4  }
0x2b: {  	_ = 	snop  }
0x2c: {  	s28 =	sand.u32 $0xFE00, s28  }
0x2d: {  	s29 =	sand.u32 $0x70, s26;
	s28 =	sshrl.u32 s28, $0x2  }
0x2e: {  	s28 =	sor.u32 s29, s28  }
0x2f: {  	[tilespmem:s28+$0x5000] =	vst v0  }
0x30: {  	[spmem:s8] =	stream.linear.scatter [tilespmem:s19], [sflag:$0x2], $0x4000, $0x38;
	[tilespmem:$0x1D000] =	vst v63  }
0x31: {  	_ =	swait.ge [sflag:s17], $0x4000  }
0x32: {  	[sflag:s17] =	ssyncset.done $0x0  }
0x33: {  	[sflag:s17] =	ssyncadd.s32 $0xFFFFC000  }
0x34: {  	[spmem:s11] =	stream.linear.scatter [tilespmem:s19], [sflag:$0x2], $0x4000, $0x38;
	[tilespmem:$0x1D000] =	vst v63  }
0x35: {  	_ =	swait.ge [sflag:s17], $0x4000  }
0x36: {  	[sflag:s17] =	ssyncset.done $0x0  }
0x37: {  	[sflag:s17] =	ssyncadd.s32 $0xFFFFC000  }
0x38: {  	[spmem:s12] =	stream.linear.scatter [tilespmem:s19], [sflag:$0x2], $0x4000, $0x38;
	[tilespmem:$0x1D000] =	vst v63  }
0x39: {  	_ =	swait.ge [sflag:s17], $0x4000  }
0x3a: {  	[sflag:s17] =	ssyncset.done $0x0  }
0x3b: {  	[sflag:s17] =	ssyncadd.s32 $0xFFFFC000  }
0x3c: {  	[spmem:s13] =	stream.linear.scatter [tilespmem:s19], [sflag:$0x2], $0x4000, $0x38;
	[tilespmem:$0x1D000] =	vst v63  }
0x3d: {  	_ =	swait.ge [sflag:s17], $0x4000  }
0x3e: {  	[sflag:s17] =	ssyncset.done $0x0  }
0x3f: {  	[sflag:s17] =	ssyncadd.s32 $0xFFFFC000  }
0x40: {  	[spmem:s14] =	stream.linear.scatter [tilespmem:s19], [sflag:$0x2], $0x4000, $0x38;
	[tilespmem:$0x1D000] =	vst v63  }
.Ltmp3:
0x41: {  	_ =	swait.ge [sflag:s17], $0x4000;
	(pc) =	sbr.rel @p0 .LBB2_7-.Ltmp3, $4  }
0x42: {  	[sflag:s17] =	ssyncset.done $0x0  }
0x43: {  	[sflag:s17] =	ssyncadd.s32 $0xFFFFC000  }
0x44: {  	[bflag:$0x0] =	sbarrier.arrive $0xFFFF  }
0x45: {  	s25 =	simm.s32 $0x0  }
0x46: {  	[tilespmem:s19], [sflag:$0x1] =	stream.indirect.gather [hbm4b:s4+s20], $0x80, s25, s20, $0xb8;
	[tilespmem:$0x1D000] =	vst v63  }
0x47: {  	_ =	swait.ge [sflag:s21], $0x4000  }
0x48: {  	[sflag:s21] =	ssyncset.done $0x0  }
0x49: {  	s31 =	simm.s32 $0x2800;
	[sflag:s21] =	ssyncadd.s32 $0xFFFFC000  }
0x4a: {  	[spmem:s2] =	stream.indirect.scatter.add.f32 [tilespmem:s19], [sflag:$0x2], $0x80, s31, s20, $0xb8;
	[tilespmem:$0x1D000] =	vst v63  }
0x4b: {  	_ =	swait.ge [sflag:s17], $0x4000  }
0x4c: {  	s25 =	simm.s32 $0x200;
	s26 =	simm.s32 $0x400;
	[sflag:s17] =	ssyncset.done $0x0  }
.LBB2_5:
0x4d: {  	s28 =	sshra.s32 s25, $0x2  }
0x4e: {  	[sflag:s17] =	ssyncadd.s32 $0xFFFFC000;
	s25 =	smov.u32 s26;
	s29 =	sadd.s32 $0x200, s26  }
0x4f: {  	[tilespmem:s19], [sflag:$0x1] =	stream.indirect.gather [hbm4b:s4+s20], $0x80, s28, s20, $0xb8;
	[tilespmem:$0x1D000] =	vst v63  }
0x50: {  	p1 =	seq.s32 s26, $0x9C00;
	_ =	swait.ge [sflag:s21], $0x4000  }
.Ltmp4:
0x51: {  	[sflag:s21] =	ssyncset.done $0x0;
	(pc) =	sbr.rel @!p1 .LBB2_5-.Ltmp4, $4  }
0x52: {  	s26 =	sadd.s32 $0x2800, s28;
	[sflag:s21] =	ssyncadd.s32 $0xFFFFC000  }
0x53: {  	[spmem:s2] =	stream.indirect.scatter.add.f32 [tilespmem:s19], [sflag:$0x2], $0x80, s26, s20, $0xb8;
	[tilespmem:$0x1D000] =	vst v63  }
0x54: {  	_ =	swait.ge [sflag:s17], $0x4000  }
0x55: {  	s26 =	smov.u32 s29;
	[sflag:s17] =	ssyncset.done $0x0  }
0x56: {  	s25 =	sshra.s32 s25, $0x2;
	[sflag:s17] =	ssyncadd.s32 $0xFFFFC000  }
0x57: {  	[tilespmem:s19], [sflag:$0x1] =	stream.indirect.gather [hbm4b:s4+s20], $0x80, s25, s20, $0xb8;
	[tilespmem:$0x1D000] =	vst v63  }
0x58: {  	_ =	swait.ge [sflag:s21], $0x4000  }
0x59: {  	[sflag:s21] =	ssyncset.done $0x0  }
.Ltmp5:
0x5a: {  	s25 =	sadd.s32 $0x2800, s25;
	[sflag:s21] =	ssyncadd.s32 $0xFFFFC000;
	(pc) =	sbr.rel .LBB2_10-.Ltmp5, $4  }
0x5b: {  	[spmem:s2] =	stream.indirect.scatter.add.f32 [tilespmem:s19], [sflag:$0x2], $0x80, s25, s20, $0xb8;
	[tilespmem:$0x1D000] =	vst v63  }
0x5c: {  	_ =	swait.ge [sflag:s17], $0x4000  }
0x5d: {  	[sflag:s17] =	ssyncset.done $0x0  }
0x5e: {  	s25 =	smov.u32 s6;
	[sflag:s17] =	ssyncadd.s32 $0xFFFFC000  }
.LBB2_7:
0x5f: {  	[tilespmem:s19], [sflag:$0x1] =	stream.indirect.gather [hbm4b:s5+s20], $0x80, s25, s20, $0xb8;
	[tilespmem:$0x1D000] =	vst v63  }
0x60: {  	_ =	swait.ge [sflag:s21], $0x4000  }
0x61: {  	[sflag:s21] =	ssyncset.done $0x0  }
0x62: {  	s31 =	simm.s32 $0x2800;
	[sflag:s21] =	ssyncadd.s32 $0xFFFFC000  }
0x63: {  	[spmem:s2] =	stream.indirect.scatter.add.f32 [tilespmem:s19], [sflag:$0x2], $0x80, s31, s20, $0xb8;
	[tilespmem:$0x1D000] =	vst v63  }
0x64: {  	_ =	swait.ge [sflag:s17], $0x4000  }
0x65: {  	s25 =	simm.s32 $0x200;
	s26 =	simm.s32 $0x400;
	[sflag:s17] =	ssyncset.done $0x0  }
.LBB2_8:
0x66: {  	s28 =	sshra.s32 s25, $0x2  }
0x67: {  	[sflag:s17] =	ssyncadd.s32 $0xFFFFC000;
	s25 =	smov.u32 s26;
	s29 =	sadd.s32 $0x200, s26  }
0x68: {  	[tilespmem:s19], [sflag:$0x1] =	stream.indirect.gather [hbm4b:s5+s20], $0x80, s28, s20, $0xb8;
	[tilespmem:$0x1D000] =	vst v63  }
0x69: {  	p1 =	sne.s32 s26, $0x9C00;
	_ =	swait.ge [sflag:s21], $0x4000  }
.Ltmp6:
0x6a: {  	[sflag:s21] =	ssyncset.done $0x0;
	(pc) =	sbr.rel @p1 .LBB2_8-.Ltmp6, $4  }
0x6b: {  	s26 =	sadd.s32 $0x2800, s28;
	[sflag:s21] =	ssyncadd.s32 $0xFFFFC000  }
0x6c: {  	[spmem:s2] =	stream.indirect.scatter.add.f32 [tilespmem:s19], [sflag:$0x2], $0x80, s26, s20, $0xb8;
	[tilespmem:$0x1D000] =	vst v63  }
0x6d: {  	_ =	swait.ge [sflag:s17], $0x4000  }
0x6e: {  	s26 =	smov.u32 s29;
	[sflag:s17] =	ssyncset.done $0x0  }
.Ltmp7:
0x6f: {  	_ = 	snop;
	(pc) =	sbr.rel .LBB2_9-.Ltmp7, $1  }
0x70: {  	_ =	sdelay $0x3  }
.LBB2_11:
0x71: {  	_ =	sfence.sel $0x180000  }
0x72: {  	[bflag:$0x0] =	sbarrier.arrive $0xFFFF  }
0x73: {  	p0 =	sne.s32 s1, $0x0;
	_ =	strace $0x90000050  }
0x74: {  	s0 =	sadd.s32 @!p0 $0x100000, s0;
	[bflag:$0x2] =	sbarrier.arrive $0xFFFF  }
0x75: {  	[sflag:s0] =	ssyncadd.tile.s32 @!p0 $0x1;
	_ =	shalt  }
.Lfunc_end2:
_tile_overlayer_lowered:
.L_overlay_start_2:
0x76: {  	(tag) =	ssettag $0x2  }
0x77: {  	s0 =	rddreg [dreg:$0x0];
	s2 =	stileid.u32  }
0x78: {  	s1 =	rddreg [dreg:$0x1];
	p0 =	sne.s32 s2, $0x0  }
0x79: {  	s3 =	rddreg [dreg:$0x2];
	[bflag:$0x3] =	sbarrier.arrive $0xFFFF;
	s2 =	simm.s32 @!p0 $0x1C02  }
0x7a: {  	[timem:s3], [sflag:s2] =	dma.local @!p0 [hbm:s0], s1  }
0x7b: {  	s0 =	simm.s32 @!p0 $0x2  }
0x7c: {  	_ =	swait.ge @!p0 [sflag:s0], s1  }
0x7d: {  	s1 =	ssub.s32 @!p0 $0x0, s1;
	[sflag:s0] =	ssyncset.done @!p0 $0x0  }
0x7e: {  	[sflag:s0] =	ssyncadd.s32 @!p0 s1  }
0x7f: {  	[bflag:$0x3] =	sbarrier.arrive $0xFFFF  }
0x80: {  	_ =	shalt  }

// kernel: kernel.25.cloned.1.call-start
scs
__scs_entry_jumppad:
0x0: {  	(pc) =	sbr.rel $0x88, $3  }
0x1: {  	(tag) =	ssettag $0x0;
	lr =	simm.s32 $0x1  }
0x2: {  	[smem:$0x3F91] =	sst lr;
	_ =	strace $0xD0000000  }
0x3: {  	_ = 	snop  }
0x4: {  	_ = 	snop  }
0x5: {  	_ = 	snop  }
0x6: {  	_ = 	snop  }
0x7: {  	_ = 	snop  }
__scs_overlays_trampoline_lowered:
0x8: {  	[smem:$0x3FA0] =	sst s0  }
0x9: {  	[smem:$0x3FA1] =	sst s1  }
0xa: {  	[smem:$0x3FA2] =	sst s2  }
0xb: {  	[smem:$0x3FA3] =	sst s3  }
0xc: {  	[smem:$0x3FA4] =	sst s4  }
0xd: {  	[smem:$0x3FA5] =	sst s5  }
0xe: {  	[smem:$0x3FA6] =	sst s6  }
0xf: {  	[smem:$0x3FA7] =	sst s7  }
0x10: {  	[smem:$0x3FA8] =	sst s8  }
0x11: {  	[smem:$0x3FA9] =	sst s9;
	s0 =	simm.s32 @!p0 $0x0  }
0x12: {  	s1 =	sld [smem:$0x3F8F];
	s0 =	simm.s32 @p0 $0x1  }
0x13: {  	[smem:$0x3FAA] =	sst s0;
	s0 =	simm.s32 @!p1 $0x0  }
0x14: {  	s2 =	sld [smem:$0x3F8E];
	s0 =	simm.s32 @p1 $0x1  }
0x15: {  	[smem:$0x3FAB] =	sst s0;
	s0 =	simm.s32 @!p2 $0x0  }
0x16: {  	s3 =	sld [smem:$0x3FDB];
	s0 =	simm.s32 @p2 $0x1  }
0x17: {  	s4 =	simm.s32 $0x1BF5;
	[smem:$0x3FAD] =	sst s0  }
0x18: {  	s0 =	sld [smem:$0x3F90];
	_ =	swait.ge [sflag:s4], $0x0  }
0x19: {  	s7 =	sld [smem:$0x3F91]  }
0x1a: {  	s8 =	sadd.s32 $0xFFFFE003, lr  }
0x1b: {  	s9 =	sadd.s32 $0xFFFFFEF7, lr;
	s5 =	simm.s32 $0xFFFFFFFF;
	p2 =	slt.u32 s8, $0xFFFFF086  }
0x1c: {  	p1 =	slt.u32 s9, $0xF7A;
	s5 =	simm.s32 @!p2 $0x0  }
0x1d: {  	s5 =	simm.s32 @p1 $0x1;
	p0 =	seq.s32 s7, s2  }
0x1e: {  	s7 =	smul.u32 @!p0 $0xF7A, s2;
	p2 =	seq.s32 @!p0 s5, $0x0  }
0x1f: {  	s9 =	smul.u32 $0xF7A, s1;
	s8 =	simm.s32 @!p0 $0x1BF5;
	p2 =	por !p2, p0  }
0x20: {  	[sflag:s8] =	ssyncset.s32 @!p0 $0xFFFFF086;
	s6 =	sadd.s32 @!p0 s3, s7;
	s7 =	simm.s32 @!p0 $0x108  }
0x21: {  	s3 =	sadd.s32 s3, s9;
	s6 =	sadd.s32 @!p0 $0x88, s6;
	s7 =	simm.s32 @p2 $0x1082  }
0x22: {  	[simem:s7], [sflag:s8] =	dma.local @!p0 [hbm:s6], $0xF7A  }
0x23: {  	s9 =	sor.u32 $0xD0000000, s2;
	s6 =	simm.s32 $0x108;
	_ =	swait.ge @!p0 [sflag:s8], $0x0  }
0x24: {  	s3 =	sadd.s32 $0x88, s3;
	s6 =	simm.s32 @!p1 $0x1082;
	[sflag:s4] =	ssyncset.s32 $0xFFFFF086  }
0x25: {  	[simem:s6], [sflag:s4] =	dma.local [hbm:s3], $0xF7A  }
0x26: {  	[smem:$0x3F91] =	sst s1;
	(tag) =	ssettag s2;
	_ =	strace s9  }
0x27: {  	s1 =	sld [smem:$0x3FA1]  }
0x28: {  	s2 =	sld [smem:$0x3FA2]  }
0x29: {  	s4 =	sld [smem:$0x3FA4]  }
0x2a: {  	p0 =	seq.s32 s5, $0x0;
	s5 =	sld [smem:$0x3FA5]  }
0x2b: {  	s6 =	sld [smem:$0x3FA6]  }
0x2c: {  	s7 =	sld [smem:$0x3FA7]  }
0x2d: {  	s3 =	simm.s32 $0x108;
	s8 =	sld [smem:$0x3FA8]  }
0x2e: {  	s3 =	simm.s32 @!p0 $0x1082;
	s9 =	sld [smem:$0x3FA9]  }
0x2f: {  	lr =	sadd.s32 s0, s3;
	s0 =	sld [smem:$0x3FA0]  }
0x30: {  	s3 =	sld [smem:$0x3FA3]  }
0x31: {  	[smem:$0x3FAC] =	sst s10  }
0x32: {  	s10 =	sld [smem:$0x3FAA];
	_ =	sdelay $0x3  }
0x33: {  	p0 =	seq.s32 s10, $0x1;
	s10 =	sld [smem:$0x3FAC];
	_ =	sdelay $0x3  }
0x34: {  	[smem:$0x3FAC] =	sst s10  }
0x35: {  	s10 =	sld [smem:$0x3FAB];
	_ =	sdelay $0x3  }
0x36: {  	p1 =	seq.s32 s10, $0x1;
	s10 =	sld [smem:$0x3FAC];
	_ =	sdelay $0x3  }
0x37: {  	[smem:$0x3FAC] =	sst s10  }
0x38: {  	s10 =	sld [smem:$0x3FAD]  }
0x39: {  	_ = 	snop;
	(pc) =	sbr.ind lr, $3  }
0x3a: {  	_ = 	snop  }
0x3b: {  	_ = 	snop  }
0x3c: {  	p2 =	seq.s32 s10, $0x1;
	s10 =	sld [smem:$0x3FAC]  }
0x3d: {  	_ =	shalt  }
0x3e: {  	_ =	shalt  }
0x3f: {  	_ =	shalt  }
0x40: {  	_ =	shalt  }
0x41: {  	_ =	shalt  }
0x42: {  	_ =	shalt  }
0x43: {  	_ =	shalt  }
0x44: {  	_ =	shalt  }
0x45: {  	_ =	shalt  }
0x46: {  	_ =	shalt  }
0x47: {  	_ =	shalt  }
0x48: {  	_ =	shalt  }
0x49: {  	_ =	shalt  }
0x4a: {  	_ =	shalt  }
0x4b: {  	_ =	shalt  }
0x4c: {  	_ =	shalt  }
0x4d: {  	_ =	shalt  }
0x4e: {  	_ =	shalt  }
0x4f: {  	_ =	shalt  }
0x50: {  	_ =	shalt  }
0x51: {  	_ =	shalt  }
0x52: {  	_ =	shalt  }
0x53: {  	_ =	shalt  }
0x54: {  	_ =	shalt  }
0x55: {  	_ =	shalt  }
0x56: {  	_ =	shalt  }
0x57: {  	_ =	shalt  }
0x58: {  	_ =	shalt  }
0x59: {  	_ =	shalt  }
0x5a: {  	_ =	shalt  }
0x5b: {  	_ =	shalt  }
0x5c: {  	_ =	shalt  }
0x5d: {  	_ =	shalt  }
0x5e: {  	_ =	shalt  }
0x5f: {  	_ =	shalt  }
0x60: {  	_ =	shalt  }
0x61: {  	_ =	shalt  }
0x62: {  	_ =	shalt  }
0x63: {  	_ =	shalt  }
0x64: {  	_ =	shalt  }
0x65: {  	_ =	shalt  }
0x66: {  	_ =	shalt  }
0x67: {  	_ =	shalt  }
0x68: {  	_ =	shalt  }
0x69: {  	_ =	shalt  }
0x6a: {  	_ =	shalt  }
0x6b: {  	_ =	shalt  }
0x6c: {  	_ =	shalt  }
0x6d: {  	_ =	shalt  }
0x6e: {  	_ =	shalt  }
0x6f: {  	_ =	shalt  }
0x70: {  	_ =	shalt  }
0x71: {  	_ =	shalt  }
0x72: {  	_ =	shalt  }
0x73: {  	_ =	shalt  }
0x74: {  	_ =	shalt  }
0x75: {  	_ =	shalt  }
0x76: {  	_ =	shalt  }
0x77: {  	_ =	shalt  }
0x78: {  	_ =	shalt  }
0x79: {  	_ =	shalt  }
0x7a: {  	_ =	shalt  }
0x7b: {  	_ =	shalt  }
0x7c: {  	_ =	shalt  }
0x7d: {  	_ =	shalt  }
0x7e: {  	_ =	shalt  }
0x7f: {  	_ =	shalt  }
0x80: {  	_ =	shalt  }
0x81: {  	_ =	shalt  }
0x82: {  	_ =	shalt  }
0x83: {  	_ =	shalt  }
0x84: {  	_ =	shalt  }
0x85: {  	_ =	shalt  }
0x86: {  	_ =	shalt  }
0x87: {  	_ =	shalt  }
.Lfunc_end0:
.L_simem_size_0:
called_computation.4_lowered:
.L_overlay_start_0:
0x88: {  	s2 =	sld [smem:$0x3FD9]  }
0x89: {  	s3 =	sld [smem:$0x3FFE];
	_ =	sdelay $0x1  }
0x8a: {  	s1 =	srdreg.scid  }
0x8b: {  	s0 =	sand.u32 $0x1, s1  }
0x8c: {  	s16 =	sshll.u32 s0, $0xA;
	s2 =	sadd.s32 s3, s2  }
0x8d: {  	s2 =	sadd.s32 s2, s16  }
0x8e: {  	[smem:$0x3FB8] =	sst s2  }
0x8f: {  	_ = 	snop  }
0x90: {  	(tm) =	ssettm $0x1  }
0x91: {  	s17 =	sld [smem:$0x3FFB];
	_ =	sdelay $0x3  }
0x92: {  	_ =	strace s17  }
0x93: {  	s2 =	sld [smem:$0x3FFC];
	_ =	sdelay $0x3  }
0x94: {  	_ =	strace s2  }
0x95: {  	s2 =	sld [smem:$0x3FFD];
	_ =	sdelay $0x3  }
0x96: {  	_ =	strace s2  }
0x97: {  	_ =	strace $0x8FFFFFFF  }
0x98: {  	s18 =	sld [smem:$0x3FDB];
	_ =	sdelay $0x1  }
0x99: {  	s19 =	simm.s32 $_scs_section_size  }
0x9a: {  	s4 =	simm.s32 $_size__tile_overlayer_lowered;
	s5 =	simm.s32 $_tile_overlayer_lowered  }
0x9b: {  	s22 =	simm.s32 $0x1BFF;
	s21 =	sshll.u32 s5, $0x1;
	s2 =	sadd.s32 s19, s18  }
0x9c: {  	s6 =	simm.s32 $0x0;
	s20 =	sshll.u32 s4, $0x1;
	s4 =	sadd.s32 s21, s2  }
0x9d: {  	[timem:s6], [sflag:s22] =	dma.local [hbm:s4], s20  }
0x9e: {  	_ =	swait.ge [sflag:s22], s20  }
0x9f: {  	s3 =	ssub.s32 $0x0, s20;
	[sflag:s22] =	ssyncset.done $0x0  }
0xa0: {  	[sflag:s22] =	ssyncadd.s32 s3;
	_ =	sdelay $0x1  }
0xa1: {  	s23 =	simm.s32 $0x1B8B  }
0xa2: {  	_ =	swait.ge [sflag:s23], $0x1  }
0xa3: {  	[sflag:s23] =	ssyncset.done $0x0  }
0xa4: {  	s25 =	simm.s32 $0x1B8E;
	s24 =	sld [smem:$0x3FFE];
	[sflag:s23] =	ssyncadd.s32 $0xFFFFFFFF  }
0xa5: {  	s26 =	simm.s32 $execute0_lowered;
	[smem:$0x3FD2] =	sst s25  }
0xa6: {  	s4 =	sshll.u32 s26, $0x1;
	_ =	strace $0x80000052;
	[dreg:$0x1] =	wrdreg $0xFFFFFFFF  }
0xa7: {  	s28 =	simm.s32 $_size_execute0_lowered;
	s2 =	sadd.s32 s2, s4;
	[dreg:$0x0] =	wrdreg $0x0  }
0xa8: {  	s4 =	sshll.u32 s28, $0x1;
	[dreg:$0x2] =	wrdreg s2  }
0xa9: {  	[dreg:$0x3] =	wrdreg s4  }
0xaa: {  	[dreg:$0x4] =	wrdreg $0xC0  }
0xab: {  	_ =	task [dreg:s6], $0x5FFFF  }
0xac: {  	[dreg:$0x1] =	wrdreg $0xFFFFFFFF  }
0xad: {  	[dreg:$0x0] =	wrdreg $0x60  }
0xae: {  	[dreg:$0x2] =	wrdreg s24  }
0xaf: {  	[dreg:$0x3] =	wrdreg $0x90000  }
0xb0: {  	[dreg:$0x4] =	wrdreg $0x9  }
0xb1: {  	_ =	task.clear_ibuf [dreg:s6], $0x5FFFF;
	_ =	strace $0x90000052  }
0xb2: {  	s29 =	simm.s32 $0x9;
	_ =	strace $0x80000054  }
0xb3: {  	_ =	swait.ge [sflag:s29], $0x1  }
0xb4: {  	[sflag:s29] =	ssyncadd.s32 $0xFFFFFFFF  }
0xb5: {  	_ =	strace $0x90000054  }
0xb6: {  	_ =	sfence  }
0xb7: {  	s30 =	sld [smem:$0x0];
	_ =	sdelay $0x2  }
0xb8: {  	s31 =	sshll.u32 s1, $0xD;
	s1 =	sshrl.u32 s1, $0x2  }
0xb9: {  	s3 =	sand.u32 $0x4000, s31;
	s1 =	sadd.s32 s1, s30  }
0xba: {  	s0 =	sor.u32 s3, s0;
	s1 =	sshll.u32 s1, $0x11  }
0xbb: {  	s0 =	sor.u32 s1, s0  }
0xbc: {  	s0 =	sadd.s32 $0x8F2B, s0  }
0xbd: {  	[sflag:s0] =	ssyncadd.remote.s32 $0x1  }
0xbe: {  	_ =	sfence.sel $0xFFFF  }
0xbf: {  	[dreg:$0x0] =	wrdreg $0xFFFFFFFF;
	(pc) =	sbr.abs _section_cstart, $3  }
0xc0: {  	[dreg:$0x1] =	wrdreg $0xFFFFFFFF  }
0xc1: {  	_ =	task.clear_ibuf [dreg:s6], $0x2FFFF;
	_ =	strace $0x9FFFFFFF  }
0xc2: {  	(tm) =	ssettm $0x7FFFFFFF  }
0xc3: {  	_ =	shalt  }
tec
execute0_lowered:
.L_overlay_start_1:
0x0: {  	(tag) =	ssettag $0x1  }
0x1: {  	s7 =	rddreg [dreg:$0x0]  }
0x2: {  	s2 =	rddreg [dreg:$0x1]  }
0x3: {  	s0 =	rddreg [dreg:$0x2];
	s3 =	simm.s32 $0x0  }
0x4: {  	s1 =	stileid.u32;
	s5 =	srdreg.scid;
	s17 =	simm.s32 $0x2  }
0x5: {  	s18 =	simm.s32 $0x2800;
	s20 =	simm.s32 $0x80;
	s21 =	simm.s32 $0x1  }
0x6: {  	s24 =	simm.s32 $0x0;
	[smem:$0x7FF] =	sst s3;
	s6 =	smul.u32 $0x500, s1  }
0x7: {  	s4 =	sadd.s32 $0x11000, s7;
	s19 =	sand.u32 $0x1, s5;
	s8 =	smul.u32 $0x50000, s1  }
0x8: {  	s5 =	sadd.s32 $0x86600, s7;
	s15 =	smul.u32 $0x2800, s1;
	s22 =	sshll.u32 s1, $0x6  }
0x9: {  	_ =	strace $0x80000053;
	s9 =	ssub.s32 $0x2, s19;
	p0 =	sne.s32 s19, $0x0  }
0xa: {  	s19 =	simm.s32 $0x5000;
	s22 =	sor.u32 $0x1C02, s22;
	s10 =	sadd.s32 s6, s7  }
.Ltmp0:
0xb: {  	s6 =	sadd.s32 $0xD7400, s7;
	s11 =	sshrl.u32 s9, $0x1;
	(pc) =	sbr.rel .LBB2_1-.Ltmp0, $4  }
0xc: {  	s8 =	sshrl.u32 s8, $0x2;
	s7 =	sadd.s32 $0xFF400, s7;
	s16 =	ssub.s32 s9, s11  }
0xd: {  	s8 =	sadd.s32 s8, s2;
	s9 =	sadd.s32 $0xC000, s10;
	s10 =	sadd.s32 $0x7000, s10  }
0xe: {  	s11 =	sadd.s32 $0x4000, s8;
	s12 =	sadd.s32 $0x8000, s8;
	s13 =	sadd.s32 $0xC000, s8  }
0xf: {  	v0 =	vimm.f32 $0.0e+00;
	s14 =	sadd.s32 $0x10000, s8;
	s16 =	smax.u32 s16, $0x1;
	s23 =	sshrl.u32 s8, $0x3  }
.LBB2_9:
0x10: {  	s25 =	sshra.s32 s25, $0x2;
	[sflag:s17] =	ssyncadd.s32 $0xFFFFC000  }
0x11: {  	[tilespmem:s19], [sflag:$0x1] =	stream.indirect.gather [hbm4b:s5+s20], $0x80, s25, s20, $0xb8;
	[tilespmem:$0x1D000] =	vst v63  }
0x12: {  	_ =	swait.ge [sflag:s21], $0x4000  }
0x13: {  	[sflag:s21] =	ssyncset.done $0x0  }
0x14: {  	s25 =	sadd.s32 $0x2800, s25;
	[sflag:s21] =	ssyncadd.s32 $0xFFFFC000  }
0x15: {  	[spmem:s2] =	stream.indirect.scatter.add.f32 [tilespmem:s19], [sflag:$0x2], $0x80, s25, s20, $0xb8;
	[tilespmem:$0x1D000] =	vst v63  }
0x16: {  	_ =	swait.ge [sflag:s17], $0x4000  }
0x17: {  	[sflag:s17] =	ssyncset.done $0x0  }
0x18: {  	s25 =	smov.u32 s7;
	[sflag:s17] =	ssyncadd.s32 $0xFFFFC000  }
.LBB2_10:
0x19: {  	s24 =	sadd.s32 $0x1, s24  }
0x1a: {  	p1 =	sne.s32 s24, s16  }
.Ltmp1:
0x1b: {  	s25 =	sadd.s32 s25, s15;
	[bflag:$0x0] =	sbarrier.arrive $0xFFFF;
	(pc) =	sbr.rel @!p1 .LBB2_11-.Ltmp1, $4  }
0x1c: {  	[hbm:s25], [sflag:s22] =	dma.local [spmem:s23], $0x2800  }
0x1d: {  	_ =	swait.ge [sflag:s17], $0x2800  }
0x1e: {  	[sflag:s17] =	ssyncset.done $0x0  }
0x1f: {  	[sflag:s17] =	ssyncadd.s32 $0xFFFFD800  }
.LBB2_1:
0x20: {  	[tilespmem:s3], [sflag:$0x2] =	stream.linear.gather [hbm4b:s9+s3], $0x2780, $0x38;
	[tilespmem:$0x1D000] =	vst v63  }
0x21: {  	_ =	swait.ge [sflag:s17], $0x2780  }
0x22: {  	[sflag:s17] =	ssyncset.done $0x0  }
0x23: {  	[sflag:s17] =	ssyncadd.s32 $0xFFFFD880  }
0x24: {  	[tilespmem:s18], [sflag:$0x2] =	stream.linear.gather [hbm4b:s10+s3], $0x2780, $0x38;
	[tilespmem:$0x1D000] =	vst v63  }
0x25: {  	s25 =	sand.u32 $0xFE00, s3;
	s26 =	sand.u32 $0x70, s3;
	_ =	swait.ge [sflag:s17], $0x2780  }
0x26: {  	s28 =	sshrl.u32 s25, $0x2;
	s25 =	simm.s32 $0x40;
	[sflag:s17] =	ssyncset.done $0x0  }
0x27: {  	s28 =	sor.u32 s26, s28;
	s26 =	simm.s32 $0x0;
	[sflag:s17] =	ssyncadd.s32 $0xFFFFD880  }
.LBB2_2:
0x28: {  	p1 =	sne.s32 s25, $0xFFC0  }
0x29: {  	[tilespmem:s28+$0x5000] =	vst v0;
	s26 =	sadd.s32 $0x10, s26;
	s28 =	smov.u32 s25;
	s25 =	sadd.s32 $0x40, s25  }
.Ltmp2:
0x2a: {  	(pc) =	sbr.rel @p1 .LBB2_2-.Ltmp2, $4  }
0x2b: {  	_ = 	snop  }
0x2c: {  	s28 =	sand.u32 $0xFE00, s28  }
0x2d: {  	s29 =	sand.u32 $0x70, s26;
	s28 =	sshrl.u32 s28, $0x2  }
0x2e: {  	s28 =	sor.u32 s29, s28  }
0x2f: {  	[tilespmem:s28+$0x5000] =	vst v0  }
0x30: {  	[spmem:s8] =	stream.linear.scatter [tilespmem:s19], [sflag:$0x2], $0x4000, $0x38;
	[tilespmem:$0x1D000] =	vst v63  }
0x31: {  	_ =	swait.ge [sflag:s17], $0x4000  }
0x32: {  	[sflag:s17] =	ssyncset.done $0x0  }
0x33: {  	[sflag:s17] =	ssyncadd.s32 $0xFFFFC000  }
0x34: {  	[spmem:s11] =	stream.linear.scatter [tilespmem:s19], [sflag:$0x2], $0x4000, $0x38;
	[tilespmem:$0x1D000] =	vst v63  }
0x35: {  	_ =	swait.ge [sflag:s17], $0x4000  }
0x36: {  	[sflag:s17] =	ssyncset.done $0x0  }
0x37: {  	[sflag:s17] =	ssyncadd.s32 $0xFFFFC000  }
0x38: {  	[spmem:s12] =	stream.linear.scatter [tilespmem:s19], [sflag:$0x2], $0x4000, $0x38;
	[tilespmem:$0x1D000] =	vst v63  }
0x39: {  	_ =	swait.ge [sflag:s17], $0x4000  }
0x3a: {  	[sflag:s17] =	ssyncset.done $0x0  }
0x3b: {  	[sflag:s17] =	ssyncadd.s32 $0xFFFFC000  }
0x3c: {  	[spmem:s13] =	stream.linear.scatter [tilespmem:s19], [sflag:$0x2], $0x4000, $0x38;
	[tilespmem:$0x1D000] =	vst v63  }
0x3d: {  	_ =	swait.ge [sflag:s17], $0x4000  }
0x3e: {  	[sflag:s17] =	ssyncset.done $0x0  }
0x3f: {  	[sflag:s17] =	ssyncadd.s32 $0xFFFFC000  }
0x40: {  	[spmem:s14] =	stream.linear.scatter [tilespmem:s19], [sflag:$0x2], $0x4000, $0x38;
	[tilespmem:$0x1D000] =	vst v63  }
.Ltmp3:
0x41: {  	_ =	swait.ge [sflag:s17], $0x4000;
	(pc) =	sbr.rel @p0 .LBB2_7-.Ltmp3, $4  }
0x42: {  	[sflag:s17] =	ssyncset.done $0x0  }
0x43: {  	[sflag:s17] =	ssyncadd.s32 $0xFFFFC000  }
0x44: {  	[bflag:$0x0] =	sbarrier.arrive $0xFFFF  }
0x45: {  	s25 =	simm.s32 $0x0  }
0x46: {  	[tilespmem:s19], [sflag:$0x1] =	stream.indirect.gather [hbm4b:s4+s20], $0x80, s25, s20, $0xb8;
	[tilespmem:$0x1D000] =	vst v63  }
0x47: {  	_ =	swait.ge [sflag:s21], $0x4000  }
0x48: {  	[sflag:s21] =	ssyncset.done $0x0  }
0x49: {  	s31 =	simm.s32 $0x2800;
	[sflag:s21] =	ssyncadd.s32 $0xFFFFC000  }
0x4a: {  	[spmem:s2] =	stream.indirect.scatter.add.f32 [tilespmem:s19], [sflag:$0x2], $0x80, s31, s20, $0xb8;
	[tilespmem:$0x1D000] =	vst v63  }
0x4b: {  	_ =	swait.ge [sflag:s17], $0x4000  }
0x4c: {  	s25 =	simm.s32 $0x200;
	s26 =	simm.s32 $0x400;
	[sflag:s17] =	ssyncset.done $0x0  }
.LBB2_5:
0x4d: {  	s28 =	sshra.s32 s25, $0x2  }
0x4e: {  	[sflag:s17] =	ssyncadd.s32 $0xFFFFC000;
	s25 =	smov.u32 s26;
	s29 =	sadd.s32 $0x200, s26  }
0x4f: {  	[tilespmem:s19], [sflag:$0x1] =	stream.indirect.gather [hbm4b:s4+s20], $0x80, s28, s20, $0xb8;
	[tilespmem:$0x1D000] =	vst v63  }
0x50: {  	p1 =	seq.s32 s26, $0x9C00;
	_ =	swait.ge [sflag:s21], $0x4000  }
.Ltmp4:
0x51: {  	[sflag:s21] =	ssyncset.done $0x0;
	(pc) =	sbr.rel @!p1 .LBB2_5-.Ltmp4, $4  }
0x52: {  	s26 =	sadd.s32 $0x2800, s28;
	[sflag:s21] =	ssyncadd.s32 $0xFFFFC000  }
0x53: {  	[spmem:s2] =	stream.indirect.scatter.add.f32 [tilespmem:s19], [sflag:$0x2], $0x80, s26, s20, $0xb8;
	[tilespmem:$0x1D000] =	vst v63  }
0x54: {  	_ =	swait.ge [sflag:s17], $0x4000  }
0x55: {  	s26 =	smov.u32 s29;
	[sflag:s17] =	ssyncset.done $0x0  }
0x56: {  	s25 =	sshra.s32 s25, $0x2;
	[sflag:s17] =	ssyncadd.s32 $0xFFFFC000  }
0x57: {  	[tilespmem:s19], [sflag:$0x1] =	stream.indirect.gather [hbm4b:s4+s20], $0x80, s25, s20, $0xb8;
	[tilespmem:$0x1D000] =	vst v63  }
0x58: {  	_ =	swait.ge [sflag:s21], $0x4000  }
0x59: {  	[sflag:s21] =	ssyncset.done $0x0  }
.Ltmp5:
0x5a: {  	s25 =	sadd.s32 $0x2800, s25;
	[sflag:s21] =	ssyncadd.s32 $0xFFFFC000;
	(pc) =	sbr.rel .LBB2_10-.Ltmp5, $4  }
0x5b: {  	[spmem:s2] =	stream.indirect.scatter.add.f32 [tilespmem:s19], [sflag:$0x2], $0x80, s25, s20, $0xb8;
	[tilespmem:$0x1D000] =	vst v63  }
0x5c: {  	_ =	swait.ge [sflag:s17], $0x4000  }
0x5d: {  	[sflag:s17] =	ssyncset.done $0x0  }
0x5e: {  	s25 =	smov.u32 s6;
	[sflag:s17] =	ssyncadd.s32 $0xFFFFC000  }
.LBB2_7:
0x5f: {  	[tilespmem:s19], [sflag:$0x1] =	stream.indirect.gather [hbm4b:s5+s20], $0x80, s25, s20, $0xb8;
	[tilespmem:$0x1D000] =	vst v63  }
0x60: {  	_ =	swait.ge [sflag:s21], $0x4000  }
0x61: {  	[sflag:s21] =	ssyncset.done $0x0  }
0x62: {  	s31 =	simm.s32 $0x2800;
	[sflag:s21] =	ssyncadd.s32 $0xFFFFC000  }
0x63: {  	[spmem:s2] =	stream.indirect.scatter.add.f32 [tilespmem:s19], [sflag:$0x2], $0x80, s31, s20, $0xb8;
	[tilespmem:$0x1D000] =	vst v63  }
0x64: {  	_ =	swait.ge [sflag:s17], $0x4000  }
0x65: {  	s25 =	simm.s32 $0x200;
	s26 =	simm.s32 $0x400;
	[sflag:s17] =	ssyncset.done $0x0  }
.LBB2_8:
0x66: {  	s28 =	sshra.s32 s25, $0x2  }
0x67: {  	[sflag:s17] =	ssyncadd.s32 $0xFFFFC000;
	s25 =	smov.u32 s26;
	s29 =	sadd.s32 $0x200, s26  }
0x68: {  	[tilespmem:s19], [sflag:$0x1] =	stream.indirect.gather [hbm4b:s5+s20], $0x80, s28, s20, $0xb8;
	[tilespmem:$0x1D000] =	vst v63  }
0x69: {  	p1 =	sne.s32 s26, $0x9C00;
	_ =	swait.ge [sflag:s21], $0x4000  }
.Ltmp6:
0x6a: {  	[sflag:s21] =	ssyncset.done $0x0;
	(pc) =	sbr.rel @p1 .LBB2_8-.Ltmp6, $4  }
0x6b: {  	s26 =	sadd.s32 $0x2800, s28;
	[sflag:s21] =	ssyncadd.s32 $0xFFFFC000  }
0x6c: {  	[spmem:s2] =	stream.indirect.scatter.add.f32 [tilespmem:s19], [sflag:$0x2], $0x80, s26, s20, $0xb8;
	[tilespmem:$0x1D000] =	vst v63  }
0x6d: {  	_ =	swait.ge [sflag:s17], $0x4000  }
0x6e: {  	s26 =	smov.u32 s29;
	[sflag:s17] =	ssyncset.done $0x0  }
.Ltmp7:
0x6f: {  	_ = 	snop;
	(pc) =	sbr.rel .LBB2_9-.Ltmp7, $1  }
0x70: {  	_ =	sdelay $0x3  }
.LBB2_11:
0x71: {  	_ =	sfence.sel $0x180000  }
0x72: {  	[bflag:$0x0] =	sbarrier.arrive $0xFFFF  }
0x73: {  	p0 =	sne.s32 s1, $0x0;
	_ =	strace $0x90000053  }
0x74: {  	s0 =	sadd.s32 @!p0 $0x100000, s0;
	[bflag:$0x2] =	sbarrier.arrive $0xFFFF  }
0x75: {  	[sflag:s0] =	ssyncadd.tile.s32 @!p0 $0x1;
	_ =	shalt  }
.Lfunc_end2:
_tile_overlayer_lowered:
.L_overlay_start_2:
0x76: {  	(tag) =	ssettag $0x2  }
0x77: {  	s0 =	rddreg [dreg:$0x0];
	s2 =	stileid.u32  }
0x78: {  	s1 =	rddreg [dreg:$0x1];
	p0 =	sne.s32 s2, $0x0  }
0x79: {  	s3 =	rddreg [dreg:$0x2];
	[bflag:$0x3] =	sbarrier.arrive $0xFFFF;
	s2 =	simm.s32 @!p0 $0x1C02  }
0x7a: {  	[timem:s3], [sflag:s2] =	dma.local @!p0 [hbm:s0], s1  }
0x7b: {  	s0 =	simm.s32 @!p0 $0x2  }
0x7c: {  	_ =	swait.ge @!p0 [sflag:s0], s1  }
0x7d: {  	s1 =	ssub.s32 @!p0 $0x0, s1;
	[sflag:s0] =	ssyncset.done @!p0 $0x0  }
0x7e: {  	[sflag:s0] =	ssyncadd.s32 @!p0 s1  }
0x7f: {  	[bflag:$0x3] =	sbarrier.arrive $0xFFFF  }
0x80: {  	_ =	shalt  }

</sc_bundles>
